<compile_context>
chip_gen: v7x
topology: tpu7x:2x2x1
jax: 0.10.2.dev20260603
libtpu: 0.0.44.dev20260713+nightly
codegen_flags: <defaults>
</compile_context>

<pallas_src>
import functools

import jax
import jax.numpy as jnp
from jax import lax
from jax.experimental import pallas as pl
from jax.experimental.pallas import tpu as pltpu
from jax.experimental.pallas import tpu_sc as plsc

N = 10000
E = 320000
IN_DIM = 128
D = 64
DH = D // 2
G = 64

NC = 2
NS = 16
NW = NC * NS
CHUNK = 128
HCH = 80
SCH = 160
EPP = SCH * CHUNK
E_PAD = EPP * NS
N_PAD = 10112
RPT = N_PAD // NS
NBUF = 10
HGRP = HCH // NBUF
SGRP = SCH // NBUF

_mesh = plsc.VectorSubcoreMesh(core_axis_name="c", subcore_axis_name="s")
_sc_params = pltpu.CompilerParams(use_tc_tiling_on_sc=False)


@functools.partial(
    pl.kernel,
    out_type=jax.ShapeDtypeStruct((NC * N_PAD, 16), jnp.float32),
    mesh=_mesh,
    scratch_types=[
        pltpu.VMEM((HCH, CHUNK), jnp.int32),
        pltpu.VMEM((CHUNK, 16), jnp.float32),
        pltpu.VMEM_SHARED((N_PAD, 16), jnp.float32),
    ] + [pltpu.SemaphoreType.DMA] * NBUF,
    compiler_params=_sc_params,
)
def _sc_hist(dst2_hbm, ones_hbm, zeros_hbm, out_hbm, dst2_v, ones_v, acc_sh,
             *ssems):
    c = lax.axis_index("c")
    s = lax.axis_index("s")
    tid = s * NC + c
    pltpu.sync_copy(dst2_hbm.at[pl.ds(tid * HCH, HCH)], dst2_v)
    pltpu.sync_copy(zeros_hbm.at[pl.ds(s * RPT, RPT)],
                    acc_sh.at[pl.ds(s * RPT, RPT)])
    pltpu.sync_copy(ones_hbm, ones_v)
    plsc.subcore_barrier()

    def group(g, carry):
        for b in range(NBUF):
            i = g * NBUF + b
            pltpu.async_copy(ones_v, acc_sh.at[dst2_v.at[i]], ssems[b],
                             add=True)
        for b in range(NBUF):
            pltpu.make_async_copy(ones_v, acc_sh.at[dst2_v.at[b]],
                                  ssems[b]).wait()
        return carry

    lax.fori_loop(0, HGRP, group, 0)
    plsc.subcore_barrier()
    pltpu.sync_copy(acc_sh.at[pl.ds(s * RPT, RPT)],
                    out_hbm.at[pl.ds(c * N_PAD + s * RPT, RPT)])


@functools.partial(
    pl.kernel,
    out_type=jax.ShapeDtypeStruct((NC * N_PAD, DH), jnp.float32),
    mesh=_mesh,
    scratch_types=[
        pltpu.VMEM((SCH, CHUNK), jnp.int32),
        pltpu.VMEM((SCH, CHUNK), jnp.int32),
        pltpu.VMEM((NBUF, CHUNK, DH), jnp.float32),
        pltpu.VMEM_SHARED((N_PAD, DH), jnp.float32),
        pltpu.VMEM_SHARED((N_PAD, DH), jnp.float32),
    ] + [pltpu.SemaphoreType.DMA] * (2 * NBUF),
    compiler_params=_sc_params,
)
def _sc_segsum(g2_hbm, src2_hbm, dst2_hbm, out_hbm,
               src2_v, dst2_v, rows_v, acc_sh, g_sh, *sems):
    gsems = sems[:NBUF]
    ssems = sems[NBUF:]
    c = lax.axis_index("c")
    s = lax.axis_index("s")
    pltpu.sync_copy(src2_hbm.at[pl.ds(s * SCH, SCH)], src2_v)
    pltpu.sync_copy(dst2_hbm.at[pl.ds(s * SCH, SCH)], dst2_v)
    pltpu.sync_copy(g2_hbm.at[pl.ds(c * N_PAD + s * RPT, RPT)],
                    acc_sh.at[pl.ds(s * RPT, RPT)])
    pltpu.sync_copy(g2_hbm.at[pl.ds(c * N_PAD + s * RPT, RPT)],
                    g_sh.at[pl.ds(s * RPT, RPT)])
    plsc.subcore_barrier()

    for b in range(NBUF):
        pltpu.async_copy(g_sh.at[src2_v.at[b]], rows_v.at[b], gsems[b])

    def group(g, carry):
        for b in range(NBUF):
            i = g * NBUF + b
            pltpu.make_async_copy(g_sh.at[src2_v.at[b]], rows_v.at[b],
                                  gsems[b]).wait()
            pltpu.async_copy(rows_v.at[b], acc_sh.at[dst2_v.at[i]], ssems[b],
                             add=True)
        for b in range(NBUF):
            pltpu.make_async_copy(rows_v.at[b], acc_sh.at[dst2_v.at[b]],
                                  ssems[b]).wait()

            @pl.when(g + 1 < SGRP)
            def _():
                j = (g + 1) * NBUF + b
                pltpu.async_copy(g_sh.at[src2_v.at[j]], rows_v.at[b],
                                 gsems[b])
        return carry

    lax.fori_loop(0, SGRP, group, 0)
    plsc.subcore_barrier()
    pltpu.sync_copy(acc_sh.at[pl.ds(s * RPT, RPT)],
                    out_hbm.at[pl.ds(c * N_PAD + s * RPT, RPT)])


def _tc_embed_body(x_ref, we_ref, w0_ref, degp_ref, g0_ref, dinv_ref):
    deg = degp_ref[0:N, 0:1] + degp_ref[N_PAD:N_PAD + N, 0:1] + 1.0
    dinv = lax.rsqrt(deg)
    dinv_ref[...] = dinv
    h = jnp.dot(x_ref[...], we_ref[...], preferred_element_type=jnp.float32)
    for k in range(NC):
        t = jnp.dot(h, w0_ref[:, k * DH:(k + 1) * DH],
                    preferred_element_type=jnp.float32)
        g0_ref[k * N_PAD:k * N_PAD + N] = dinv * t
        g0_ref[k * N_PAD + N:(k + 1) * N_PAD] = jnp.zeros(
            (N_PAD - N, DH), jnp.float32)


def _bn_half(s_ref, dinv, b, gam, bet, k):
    u = dinv * s_ref[k * N_PAD:k * N_PAD + N] + b[:, k * DH:(k + 1) * DH]
    mu = jnp.mean(u, axis=0, keepdims=True)
    var = jnp.mean((u - mu) ** 2, axis=0, keepdims=True)
    return ((u - mu) * lax.rsqrt(var + 1e-5) * gam[:, k * DH:(k + 1) * DH]
            + bet[:, k * DH:(k + 1) * DH])


def _tc_mid_body(s_ref, dinv_ref, b_ref, gam_ref, bet_ref,
                 w1_ref, g1_ref):
    dinv = dinv_ref[...]
    b = b_ref[...][None, :]
    gam = gam_ref[...][None, :]
    bet = bet_ref[...][None, :]
    hs = [jnp.maximum(_bn_half(s_ref, dinv, b, gam, bet, k), 0.0)
          for k in range(NC)]
    for k in range(NC):
        t = sum(jnp.dot(hs[j], w1_ref[j * DH:(j + 1) * DH, k * DH:(k + 1) * DH],
                        preferred_element_type=jnp.float32)
                for j in range(NC))
        g1_ref[k * N_PAD:k * N_PAD + N] = dinv * t
        g1_ref[k * N_PAD + N:(k + 1) * N_PAD] = jnp.zeros((N_PAD - N, DH), jnp.float32)


def _tc_final_body(s_ref, dinv_ref, b_ref, gam_ref, bet_ref,
                   batch_ref, h_ref, pool_ref):
    dinv = dinv_ref[...]
    b = b_ref[...][None, :]
    gam = gam_ref[...][None, :]
    bet = bet_ref[...][None, :]
    gids = lax.broadcasted_iota(jnp.int32, (G, N), 0)
    onehot = (gids == batch_ref[...]).astype(jnp.float32)
    for k in range(NC):
        h = _bn_half(s_ref, dinv, b, gam, bet, k)
        h_ref[:, k * DH:(k + 1) * DH] = h
        pool_ref[:, k * DH:(k + 1) * DH] = jnp.dot(
            onehot, h, preferred_element_type=jnp.float32)


def kernel(x, edge_index, batch, W_embed, W0, b0, gamma0, beta0,
           W1, b1, gamma1, beta1):
    src = edge_index[0]
    dst = edge_index[1]
    ppt = EPP - E // NS
    dummy_src = jnp.zeros((NS, ppt), jnp.int32)
    dummy_dst = jnp.broadcast_to(
        N + (jnp.arange(ppt, dtype=jnp.int32) % (N_PAD - N)), (NS, ppt))
    src2 = jnp.concatenate([src.reshape(NS, E // NS), dummy_src],
                           axis=1).reshape(NS * SCH, CHUNK)
    dst2 = jnp.concatenate([dst.reshape(NS, E // NS), dummy_dst],
                           axis=1).reshape(NS * SCH, CHUNK)
    ones16 = jnp.ones((CHUNK, 16), jnp.float32)
    zeros16 = jnp.zeros((N_PAD, 16), jnp.float32)

    degp = _sc_hist(dst2, ones16, zeros16)

    g0, dinv = pl.pallas_call(
        _tc_embed_body,
        out_shape=(jax.ShapeDtypeStruct((NC * N_PAD, DH), jnp.float32),
                   jax.ShapeDtypeStruct((N, 1), jnp.float32)),
    )(x, W_embed, W0, degp)

    s0 = _sc_segsum(g0, src2, dst2)

    g1 = pl.pallas_call(
        _tc_mid_body,
        out_shape=jax.ShapeDtypeStruct((NC * N_PAD, DH), jnp.float32),
    )(s0, dinv, b0, gamma0, beta0, W1)

    s1 = _sc_segsum(g1, src2, dst2)

    h, pool = pl.pallas_call(
        _tc_final_body,
        out_shape=(jax.ShapeDtypeStruct((N, D), jnp.float32),
                   jax.ShapeDtypeStruct((G, D), jnp.float32)),
    )(s1, dinv, b1, gamma1, beta1, batch.reshape(1, N))

    return (h, pool)

# --- scband reference (transcript-rebuilt; emitter-appended) ---
"""Pipeline reference for scband-gnn-53532472378064 (READ-ONLY COPY).

The authoritative reference and input builder live on the scoring server;
editing this copy changes nothing except your own understanding.
"""

import jax, jax.numpy as jnp
import numpy as np

N = 10000
E = 320000
IN_DIM = 128
D = 64
G = 64


def setup_inputs(seed: int = 0) -> dict:
    key = jax.random.key(seed)
    ks = jax.random.split(key, 12)
    x = jax.random.normal(ks[0], (N, IN_DIM), dtype=jnp.float32)
    edge_index = jax.random.randint(ks[1], (2, E), 0, N, dtype=jnp.int32)
    batch = jnp.sort(jax.random.randint(ks[2], (N,), 0, G, dtype=jnp.int32))
    W_embed = jax.random.normal(ks[3], (IN_DIM, D), dtype=jnp.float32) * 0.05
    W0 = jax.random.normal(ks[4], (D, D), dtype=jnp.float32) * 0.05
    b0 = jnp.zeros((D,), dtype=jnp.float32)
    gamma0 = jnp.ones((D,), dtype=jnp.float32)
    beta0 = jnp.zeros((D,), dtype=jnp.float32)
    W1 = jax.random.normal(ks[5], (D, D), dtype=jnp.float32) * 0.05
    b1 = jnp.zeros((D,), dtype=jnp.float32)
    gamma1 = jnp.ones((D,), dtype=jnp.float32)
    beta1 = jnp.zeros((D,), dtype=jnp.float32)
    return {"x": x, "edge_index": edge_index, "batch": batch, "W_embed": W_embed,
            "W0": W0, "b0": b0, "gamma0": gamma0, "beta0": beta0,
            "W1": W1, "b1": b1, "gamma1": gamma1, "beta1": beta1}


def _gcn_conv(h, src, dst, W, b):
    # GCNConv: D^{-1/2} (A + I) D^{-1/2} X W + b
    loop = jnp.arange(N, dtype=src.dtype)
    s = jnp.concatenate([src, loop])
    d = jnp.concatenate([dst, loop])
    deg = jax.ops.segment_sum(jnp.ones_like(s, dtype=h.dtype), d, num_segments=N)
    dinv = jax.lax.rsqrt(jnp.maximum(deg, 1e-12))
    hW = h @ W
    norm = (dinv[s] * dinv[d])[:, None]
    msg = hW[s] * norm
    out = jax.ops.segment_sum(msg, d, num_segments=N)
    return out + b


def _batchnorm(h, gamma, beta):
    # BatchNorm1d, training-mode statistics (biased variance)
    mu = jnp.mean(h, axis=0)
    var = jnp.var(h, axis=0)
    return (h - mu) * jax.lax.rsqrt(var + 1e-5) * gamma + beta


def reference(x, edge_index, batch, W_embed, W0, b0, gamma0, beta0, W1, b1, gamma1, beta1):
    src = edge_index[0]
    dst = edge_index[1]
    h = x @ W_embed  # node_embed: Linear(in_dim, embed_dim, bias=False)
    # layer 0
    h = _gcn_conv(h, src, dst, W0, b0)
    h = _batchnorm(h, gamma0, beta0)
    h = jax.nn.relu(h)  # relu only for i < num_layers - 1
    # layer 1
    h = _gcn_conv(h, src, dst, W1, b1)
    h = _batchnorm(h, gamma1, beta1)
    # dropout p=0.0 -> identity
    h_pool = jax.ops.segment_sum(h, batch, num_segments=G)  # global_add_pool
    return (h, h_pool)

if __name__ == "__main__":
    import jax
    _d = setup_inputs()
    print(jax.jit(kernel)(*tuple(_d.values())))

</pallas_src>

<mosaic_0001>
#map = affine_map<(d0, d1) -> (0, 0)>
module attributes {stable_mosaic.version = 14 : i64} {
  func.func @_sc_segsum(%arg0: i32, %arg1: i32, %arg2: memref<20224x32xf32, #tpu.memory_space<hbm>>, %arg3: memref<2560x128xi32, #tpu.memory_space<hbm>>, %arg4: memref<2560x128xi32, #tpu.memory_space<hbm>>, %arg5: memref<20224x32xf32, #tpu.memory_space<hbm>>, %arg6: memref<160x128xi32, #tpu.memory_space<vmem>>, %arg7: memref<160x128xi32, #tpu.memory_space<vmem>>, %arg8: memref<10x128x32xf32, #tpu.memory_space<vmem>>, %arg9: memref<10112x32xf32, #tpu.memory_space<vmem_shared>>, %arg10: memref<10112x32xf32, #tpu.memory_space<vmem_shared>>, %arg11: memref<!tpu.dma_semaphore, #tpu.memory_space<semaphore_mem>>, %arg12: memref<!tpu.dma_semaphore, #tpu.memory_space<semaphore_mem>>, %arg13: memref<!tpu.dma_semaphore, #tpu.memory_space<semaphore_mem>>, %arg14: memref<!tpu.dma_semaphore, #tpu.memory_space<semaphore_mem>>, %arg15: memref<!tpu.dma_semaphore, #tpu.memory_space<semaphore_mem>>, %arg16: memref<!tpu.dma_semaphore, #tpu.memory_space<semaphore_mem>>, %arg17: memref<!tpu.dma_semaphore, #tpu.memory_space<semaphore_mem>>, %arg18: memref<!tpu.dma_semaphore, #tpu.memory_space<semaphore_mem>>, %arg19: memref<!tpu.dma_semaphore, #tpu.memory_space<semaphore_mem>>, %arg20: memref<!tpu.dma_semaphore, #tpu.memory_space<semaphore_mem>>, %arg21: memref<!tpu.dma_semaphore, #tpu.memory_space<semaphore_mem>>, %arg22: memref<!tpu.dma_semaphore, #tpu.memory_space<semaphore_mem>>, %arg23: memref<!tpu.dma_semaphore, #tpu.memory_space<semaphore_mem>>, %arg24: memref<!tpu.dma_semaphore, #tpu.memory_space<semaphore_mem>>, %arg25: memref<!tpu.dma_semaphore, #tpu.memory_space<semaphore_mem>>, %arg26: memref<!tpu.dma_semaphore, #tpu.memory_space<semaphore_mem>>, %arg27: memref<!tpu.dma_semaphore, #tpu.memory_space<semaphore_mem>>, %arg28: memref<!tpu.dma_semaphore, #tpu.memory_space<semaphore_mem>>, %arg29: memref<!tpu.dma_semaphore, #tpu.memory_space<semaphore_mem>>, %arg30: memref<!tpu.dma_semaphore, #tpu.memory_space<semaphore_mem>>) attributes {dimension_semantics = [#tpu.dimension_semantics<core_parallel>, #tpu.dimension_semantics<subcore_parallel>], iteration_bounds = array<i64: 2, 16>, scalar_prefetch = 0 : i64, scratch_operands = 25 : i64, tpu.core_type = #tpu.core_type<sc_vector_subcore>, window_params = [{transform_indices = #map}, {transform_indices = #map}, {transform_indices = #map}, {transform_indices = #map}]} {
    %mul3A = arith.constant 160 : i32
    %mul3A_0 = arith.muli %arg1, %mul3A : i32
    "tpu.region"() ({
      %run_scoped3A = tpu.sem_alloc : memref<!tpu.dma_semaphore, #tpu.memory_space<semaphore_mem>>
      %dma_start3A_148 = arith.constant 0 : i32
      %dma_start3A_149 = tpu.memref_slice %arg3[%mul3A_0, %dma_start3A_148] : memref<2560x128xi32, #tpu.memory_space<hbm>> -> memref<160x128xi32, #tpu.memory_space<hbm>>
      %dma_start3A_150 = arith.constant 0 : i32
      %dma_start3A_151 = tpu.memref_slice %arg3[%mul3A_0, %dma_start3A_150] : memref<2560x128xi32, #tpu.memory_space<hbm>> -> memref<160x128xi32, #tpu.memory_space<hbm>>
      tpu.enqueue_dma source(%dma_start3A_151 : memref<160x128xi32, #tpu.memory_space<hbm>>) target(%arg6 : memref<160x128xi32, #tpu.memory_space<vmem>>) target_semaphore(%run_scoped3A : memref<!tpu.dma_semaphore, #tpu.memory_space<semaphore_mem>>)
      %dma_wait3A = arith.constant 0 : i32
      %dma_wait3A_152 = tpu.memref_slice %arg3[%mul3A_0, %dma_wait3A] : memref<2560x128xi32, #tpu.memory_space<hbm>> -> memref<160x128xi32, #tpu.memory_space<hbm>>
      %dma_wait3A_153 = arith.constant 0 : i32
      %dma_wait3A_154 = tpu.memref_slice %arg3[%mul3A_0, %dma_wait3A_153] : memref<2560x128xi32, #tpu.memory_space<hbm>> -> memref<160x128xi32, #tpu.memory_space<hbm>>
      tpu.wait_dma2 semaphore(%run_scoped3A : memref<!tpu.dma_semaphore, #tpu.memory_space<semaphore_mem>>) src(%dma_wait3A_154 : memref<160x128xi32, #tpu.memory_space<hbm>>) dst(%arg6 : memref<160x128xi32, #tpu.memory_space<vmem>>)
      tpu.yield
    }) : () -> ()
    %mul3A_1 = arith.constant 160 : i32
    %mul3A_2 = arith.muli %arg1, %mul3A_1 : i32
    "tpu.region"() ({
      %run_scoped3A = tpu.sem_alloc : memref<!tpu.dma_semaphore, #tpu.memory_space<semaphore_mem>>
      %dma_start3A_148 = arith.constant 0 : i32
      %dma_start3A_149 = tpu.memref_slice %arg4[%mul3A_2, %dma_start3A_148] : memref<2560x128xi32, #tpu.memory_space<hbm>> -> memref<160x128xi32, #tpu.memory_space<hbm>>
      %dma_start3A_150 = arith.constant 0 : i32
      %dma_start3A_151 = tpu.memref_slice %arg4[%mul3A_2, %dma_start3A_150] : memref<2560x128xi32, #tpu.memory_space<hbm>> -> memref<160x128xi32, #tpu.memory_space<hbm>>
      tpu.enqueue_dma source(%dma_start3A_151 : memref<160x128xi32, #tpu.memory_space<hbm>>) target(%arg7 : memref<160x128xi32, #tpu.memory_space<vmem>>) target_semaphore(%run_scoped3A : memref<!tpu.dma_semaphore, #tpu.memory_space<semaphore_mem>>)
      %dma_wait3A = arith.constant 0 : i32
      %dma_wait3A_152 = tpu.memref_slice %arg4[%mul3A_2, %dma_wait3A] : memref<2560x128xi32, #tpu.memory_space<hbm>> -> memref<160x128xi32, #tpu.memory_space<hbm>>
      %dma_wait3A_153 = arith.constant 0 : i32
      %dma_wait3A_154 = tpu.memref_slice %arg4[%mul3A_2, %dma_wait3A_153] : memref<2560x128xi32, #tpu.memory_space<hbm>> -> memref<160x128xi32, #tpu.memory_space<hbm>>
      tpu.wait_dma2 semaphore(%run_scoped3A : memref<!tpu.dma_semaphore, #tpu.memory_space<semaphore_mem>>) src(%dma_wait3A_154 : memref<160x128xi32, #tpu.memory_space<hbm>>) dst(%arg7 : memref<160x128xi32, #tpu.memory_space<vmem>>)
      tpu.yield
    }) : () -> ()
    %mul3A_3 = arith.constant 10112 : i32
    %mul3A_4 = arith.muli %arg0, %mul3A_3 : i32
    %mul3A_5 = arith.constant 632 : i32
    %mul3A_6 = arith.muli %arg1, %mul3A_5 : i32
    %add3A = arith.addi %mul3A_4, %mul3A_6 : i32
    %mul3A_7 = arith.constant 632 : i32
    %mul3A_8 = arith.muli %arg1, %mul3A_7 : i32
    "tpu.region"() ({
      %run_scoped3A = tpu.sem_alloc : memref<!tpu.dma_semaphore, #tpu.memory_space<semaphore_mem>>
      %dma_start3A_148 = arith.constant 0 : i32
      %dma_start3A_149 = tpu.memref_slice %arg9[%mul3A_8, %dma_start3A_148] : memref<10112x32xf32, #tpu.memory_space<vmem_shared>> -> memref<632x32xf32, #tpu.memory_space<vmem_shared>>
      %dma_start3A_150 = arith.constant 0 : i32
      %dma_start3A_151 = tpu.memref_slice %arg2[%add3A, %dma_start3A_150] : memref<20224x32xf32, #tpu.memory_space<hbm>> -> memref<632x32xf32, #tpu.memory_space<hbm>>
      tpu.enqueue_dma source(%dma_start3A_151 : memref<632x32xf32, #tpu.memory_space<hbm>>) target(%dma_start3A_149 : memref<632x32xf32, #tpu.memory_space<vmem_shared>>) target_semaphore(%run_scoped3A : memref<!tpu.dma_semaphore, #tpu.memory_space<semaphore_mem>>)
      %dma_wait3A = arith.constant 0 : i32
      %dma_wait3A_152 = tpu.memref_slice %arg9[%mul3A_8, %dma_wait3A] : memref<10112x32xf32, #tpu.memory_space<vmem_shared>> -> memref<632x32xf32, #tpu.memory_space<vmem_shared>>
      %dma_wait3A_153 = arith.constant 0 : i32
      %dma_wait3A_154 = tpu.memref_slice %arg2[%add3A, %dma_wait3A_153] : memref<20224x32xf32, #tpu.memory_space<hbm>> -> memref<632x32xf32, #tpu.memory_space<hbm>>
      tpu.wait_dma2 semaphore(%run_scoped3A : memref<!tpu.dma_semaphore, #tpu.memory_space<semaphore_mem>>) src(%dma_wait3A_154 : memref<632x32xf32, #tpu.memory_space<hbm>>) dst(%dma_wait3A_152 : memref<632x32xf32, #tpu.memory_space<vmem_shared>>)
      tpu.yield
    }) : () -> ()
    %mul3A_9 = arith.constant 10112 : i32
    %mul3A_10 = arith.muli %arg0, %mul3A_9 : i32
    %mul3A_11 = arith.constant 632 : i32
    %mul3A_12 = arith.muli %arg1, %mul3A_11 : i32
    %add3A_13 = arith.addi %mul3A_10, %mul3A_12 : i32
    %mul3A_14 = arith.constant 632 : i32
    %mul3A_15 = arith.muli %arg1, %mul3A_14 : i32
    "tpu.region"() ({
      %run_scoped3A = tpu.sem_alloc : memref<!tpu.dma_semaphore, #tpu.memory_space<semaphore_mem>>
      %dma_start3A_148 = arith.constant 0 : i32
      %dma_start3A_149 = tpu.memref_slice %arg10[%mul3A_15, %dma_start3A_148] : memref<10112x32xf32, #tpu.memory_space<vmem_shared>> -> memref<632x32xf32, #tpu.memory_space<vmem_shared>>
      %dma_start3A_150 = arith.constant 0 : i32
      %dma_start3A_151 = tpu.memref_slice %arg2[%add3A_13, %dma_start3A_150] : memref<20224x32xf32, #tpu.memory_space<hbm>> -> memref<632x32xf32, #tpu.memory_space<hbm>>
      tpu.enqueue_dma source(%dma_start3A_151 : memref<632x32xf32, #tpu.memory_space<hbm>>) target(%dma_start3A_149 : memref<632x32xf32, #tpu.memory_space<vmem_shared>>) target_semaphore(%run_scoped3A : memref<!tpu.dma_semaphore, #tpu.memory_space<semaphore_mem>>)
      %dma_wait3A = arith.constant 0 : i32
      %dma_wait3A_152 = tpu.memref_slice %arg10[%mul3A_15, %dma_wait3A] : memref<10112x32xf32, #tpu.memory_space<vmem_shared>> -> memref<632x32xf32, #tpu.memory_space<vmem_shared>>
      %dma_wait3A_153 = arith.constant 0 : i32
      %dma_wait3A_154 = tpu.memref_slice %arg2[%add3A_13, %dma_wait3A_153] : memref<20224x32xf32, #tpu.memory_space<hbm>> -> memref<632x32xf32, #tpu.memory_space<hbm>>
      tpu.wait_dma2 semaphore(%run_scoped3A : memref<!tpu.dma_semaphore, #tpu.memory_space<semaphore_mem>>) src(%dma_wait3A_154 : memref<632x32xf32, #tpu.memory_space<hbm>>) dst(%dma_wait3A_152 : memref<632x32xf32, #tpu.memory_space<vmem_shared>>)
      tpu.yield
    }) : () -> ()
    %barrier3A = arith.constant 0 : index
    tpu.barrier barrier_id(%barrier3A)
    %dma_start3A = arith.constant 0 : i32
    %dma_start3A_16 = arith.constant 0 : i32
    %dma_start3A_17 = arith.constant 0 : i32
    %dma_start3A_18 = arith.constant 0 : i32
    %dma_start3A_19 = tpu.memref_slice %arg8[%dma_start3A_16, %dma_start3A_17, %dma_start3A_18] : memref<10x128x32xf32, #tpu.memory_space<vmem>> -> memref<1x128x32xf32, #tpu.memory_space<vmem>>
    %dma_start3A_20 = tpu.memref_squeeze %dma_start3A_19 : memref<1x128x32xf32, #tpu.memory_space<vmem>> -> memref<128x32xf32, #tpu.memory_space<vmem>>
    %dma_start3A_21 = arith.constant 0 : i32
    %dma_start3A_22 = tpu.memref_slice %arg6[%dma_start3A, %dma_start3A_21] : memref<160x128xi32, #tpu.memory_space<vmem>> -> memref<1x128xi32, #tpu.memory_space<vmem>>
    %dma_start3A_23 = tpu.memref_squeeze %dma_start3A_22 : memref<1x128xi32, #tpu.memory_space<vmem>> -> memref<128xi32, #tpu.memory_space<vmem>>
    %dma_start3A_24 = arith.constant 0 : i32
    %dma_start3A_25 = arith.constant 0 : i32
    %dma_start3A_26 = tpu.memref_slice %arg10[%dma_start3A_24, %dma_start3A_25] : memref<10112x32xf32, #tpu.memory_space<vmem_shared>> -> memref<10112x32xf32, #tpu.memory_space<vmem_shared>>
    tpu.enqueue_indirect_dma source(%dma_start3A_26 : memref<10112x32xf32, #tpu.memory_space<vmem_shared>>) target(%dma_start3A_20 : memref<128x32xf32, #tpu.memory_space<vmem>>) offsets(%dma_start3A_23 : memref<128xi32, #tpu.memory_space<vmem>>) semaphore(%arg11 : memref<!tpu.dma_semaphore, #tpu.memory_space<semaphore_mem>>)
    %dma_start3A_27 = arith.constant 1 : i32
    %dma_start3A_28 = arith.constant 1 : i32
    %dma_start3A_29 = arith.constant 0 : i32
    %dma_start3A_30 = arith.constant 0 : i32
    %dma_start3A_31 = tpu.memref_slice %arg8[%dma_start3A_28, %dma_start3A_29, %dma_start3A_30] : memref<10x128x32xf32, #tpu.memory_space<vmem>> -> memref<1x128x32xf32, #tpu.memory_space<vmem>>
    %dma_start3A_32 = tpu.memref_squeeze %dma_start3A_31 : memref<1x128x32xf32, #tpu.memory_space<vmem>> -> memref<128x32xf32, #tpu.memory_space<vmem>>
    %dma_start3A_33 = arith.constant 0 : i32
    %dma_start3A_34 = tpu.memref_slice %arg6[%dma_start3A_27, %dma_start3A_33] : memref<160x128xi32, #tpu.memory_space<vmem>> -> memref<1x128xi32, #tpu.memory_space<vmem>>
    %dma_start3A_35 = tpu.memref_squeeze %dma_start3A_34 : memref<1x128xi32, #tpu.memory_space<vmem>> -> memref<128xi32, #tpu.memory_space<vmem>>
    %dma_start3A_36 = arith.constant 0 : i32
    %dma_start3A_37 = arith.constant 0 : i32
    %dma_start3A_38 = tpu.memref_slice %arg10[%dma_start3A_36, %dma_start3A_37] : memref<10112x32xf32, #tpu.memory_space<vmem_shared>> -> memref<10112x32xf32, #tpu.memory_space<vmem_shared>>
    tpu.enqueue_indirect_dma source(%dma_start3A_38 : memref<10112x32xf32, #tpu.memory_space<vmem_shared>>) target(%dma_start3A_32 : memref<128x32xf32, #tpu.memory_space<vmem>>) offsets(%dma_start3A_35 : memref<128xi32, #tpu.memory_space<vmem>>) semaphore(%arg12 : memref<!tpu.dma_semaphore, #tpu.memory_space<semaphore_mem>>)
    %dma_start3A_39 = arith.constant 2 : i32
    %dma_start3A_40 = arith.constant 2 : i32
    %dma_start3A_41 = arith.constant 0 : i32
    %dma_start3A_42 = arith.constant 0 : i32
    %dma_start3A_43 = tpu.memref_slice %arg8[%dma_start3A_40, %dma_start3A_41, %dma_start3A_42] : memref<10x128x32xf32, #tpu.memory_space<vmem>> -> memref<1x128x32xf32, #tpu.memory_space<vmem>>
    %dma_start3A_44 = tpu.memref_squeeze %dma_start3A_43 : memref<1x128x32xf32, #tpu.memory_space<vmem>> -> memref<128x32xf32, #tpu.memory_space<vmem>>
    %dma_start3A_45 = arith.constant 0 : i32
    %dma_start3A_46 = tpu.memref_slice %arg6[%dma_start3A_39, %dma_start3A_45] : memref<160x128xi32, #tpu.memory_space<vmem>> -> memref<1x128xi32, #tpu.memory_space<vmem>>
    %dma_start3A_47 = tpu.memref_squeeze %dma_start3A_46 : memref<1x128xi32, #tpu.memory_space<vmem>> -> memref<128xi32, #tpu.memory_space<vmem>>
    %dma_start3A_48 = arith.constant 0 : i32
    %dma_start3A_49 = arith.constant 0 : i32
    %dma_start3A_50 = tpu.memref_slice %arg10[%dma_start3A_48, %dma_start3A_49] : memref<10112x32xf32, #tpu.memory_space<vmem_shared>> -> memref<10112x32xf32, #tpu.memory_space<vmem_shared>>
    tpu.enqueue_indirect_dma source(%dma_start3A_50 : memref<10112x32xf32, #tpu.memory_space<vmem_shared>>) target(%dma_start3A_44 : memref<128x32xf32, #tpu.memory_space<vmem>>) offsets(%dma_start3A_47 : memref<128xi32, #tpu.memory_space<vmem>>) semaphore(%arg13 : memref<!tpu.dma_semaphore, #tpu.memory_space<semaphore_mem>>)
    %dma_start3A_51 = arith.constant 3 : i32
    %dma_start3A_52 = arith.constant 3 : i32
    %dma_start3A_53 = arith.constant 0 : i32
    %dma_start3A_54 = arith.constant 0 : i32
    %dma_start3A_55 = tpu.memref_slice %arg8[%dma_start3A_52, %dma_start3A_53, %dma_start3A_54] : memref<10x128x32xf32, #tpu.memory_space<vmem>> -> memref<1x128x32xf32, #tpu.memory_space<vmem>>
    %dma_start3A_56 = tpu.memref_squeeze %dma_start3A_55 : memref<1x128x32xf32, #tpu.memory_space<vmem>> -> memref<128x32xf32, #tpu.memory_space<vmem>>
    %dma_start3A_57 = arith.constant 0 : i32
    %dma_start3A_58 = tpu.memref_slice %arg6[%dma_start3A_51, %dma_start3A_57] : memref<160x128xi32, #tpu.memory_space<vmem>> -> memref<1x128xi32, #tpu.memory_space<vmem>>
    %dma_start3A_59 = tpu.memref_squeeze %dma_start3A_58 : memref<1x128xi32, #tpu.memory_space<vmem>> -> memref<128xi32, #tpu.memory_space<vmem>>
    %dma_start3A_60 = arith.constant 0 : i32
    %dma_start3A_61 = arith.constant 0 : i32
    %dma_start3A_62 = tpu.memref_slice %arg10[%dma_start3A_60, %dma_start3A_61] : memref<10112x32xf32, #tpu.memory_space<vmem_shared>> -> memref<10112x32xf32, #tpu.memory_space<vmem_shared>>
    tpu.enqueue_indirect_dma source(%dma_start3A_62 : memref<10112x32xf32, #tpu.memory_space<vmem_shared>>) target(%dma_start3A_56 : memref<128x32xf32, #tpu.memory_space<vmem>>) offsets(%dma_start3A_59 : memref<128xi32, #tpu.memory_space<vmem>>) semaphore(%arg14 : memref<!tpu.dma_semaphore, #tpu.memory_space<semaphore_mem>>)
    %dma_start3A_63 = arith.constant 4 : i32
    %dma_start3A_64 = arith.constant 4 : i32
    %dma_start3A_65 = arith.constant 0 : i32
    %dma_start3A_66 = arith.constant 0 : i32
    %dma_start3A_67 = tpu.memref_slice %arg8[%dma_start3A_64, %dma_start3A_65, %dma_start3A_66] : memref<10x128x32xf32, #tpu.memory_space<vmem>> -> memref<1x128x32xf32, #tpu.memory_space<vmem>>
    %dma_start3A_68 = tpu.memref_squeeze %dma_start3A_67 : memref<1x128x32xf32, #tpu.memory_space<vmem>> -> memref<128x32xf32, #tpu.memory_space<vmem>>
    %dma_start3A_69 = arith.constant 0 : i32
    %dma_start3A_70 = tpu.memref_slice %arg6[%dma_start3A_63, %dma_start3A_69] : memref<160x128xi32, #tpu.memory_space<vmem>> -> memref<1x128xi32, #tpu.memory_space<vmem>>
    %dma_start3A_71 = tpu.memref_squeeze %dma_start3A_70 : memref<1x128xi32, #tpu.memory_space<vmem>> -> memref<128xi32, #tpu.memory_space<vmem>>
    %dma_start3A_72 = arith.constant 0 : i32
    %dma_start3A_73 = arith.constant 0 : i32
    %dma_start3A_74 = tpu.memref_slice %arg10[%dma_start3A_72, %dma_start3A_73] : memref<10112x32xf32, #tpu.memory_space<vmem_shared>> -> memref<10112x32xf32, #tpu.memory_space<vmem_shared>>
    tpu.enqueue_indirect_dma source(%dma_start3A_74 : memref<10112x32xf32, #tpu.memory_space<vmem_shared>>) target(%dma_start3A_68 : memref<128x32xf32, #tpu.memory_space<vmem>>) offsets(%dma_start3A_71 : memref<128xi32, #tpu.memory_space<vmem>>) semaphore(%arg15 : memref<!tpu.dma_semaphore, #tpu.memory_space<semaphore_mem>>)
    %dma_start3A_75 = arith.constant 5 : i32
    %dma_start3A_76 = arith.constant 5 : i32
    %dma_start3A_77 = arith.constant 0 : i32
    %dma_start3A_78 = arith.constant 0 : i32
    %dma_start3A_79 = tpu.memref_slice %arg8[%dma_start3A_76, %dma_start3A_77, %dma_start3A_78] : memref<10x128x32xf32, #tpu.memory_space<vmem>> -> memref<1x128x32xf32, #tpu.memory_space<vmem>>
    %dma_start3A_80 = tpu.memref_squeeze %dma_start3A_79 : memref<1x128x32xf32, #tpu.memory_space<vmem>> -> memref<128x32xf32, #tpu.memory_space<vmem>>
    %dma_start3A_81 = arith.constant 0 : i32
    %dma_start3A_82 = tpu.memref_slice %arg6[%dma_start3A_75, %dma_start3A_81] : memref<160x128xi32, #tpu.memory_space<vmem>> -> memref<1x128xi32, #tpu.memory_space<vmem>>
    %dma_start3A_83 = tpu.memref_squeeze %dma_start3A_82 : memref<1x128xi32, #tpu.memory_space<vmem>> -> memref<128xi32, #tpu.memory_space<vmem>>
    %dma_start3A_84 = arith.constant 0 : i32
    %dma_start3A_85 = arith.constant 0 : i32
    %dma_start3A_86 = tpu.memref_slice %arg10[%dma_start3A_84, %dma_start3A_85] : memref<10112x32xf32, #tpu.memory_space<vmem_shared>> -> memref<10112x32xf32, #tpu.memory_space<vmem_shared>>
    tpu.enqueue_indirect_dma source(%dma_start3A_86 : memref<10112x32xf32, #tpu.memory_space<vmem_shared>>) target(%dma_start3A_80 : memref<128x32xf32, #tpu.memory_space<vmem>>) offsets(%dma_start3A_83 : memref<128xi32, #tpu.memory_space<vmem>>) semaphore(%arg16 : memref<!tpu.dma_semaphore, #tpu.memory_space<semaphore_mem>>)
    %dma_start3A_87 = arith.constant 6 : i32
    %dma_start3A_88 = arith.constant 6 : i32
    %dma_start3A_89 = arith.constant 0 : i32
    %dma_start3A_90 = arith.constant 0 : i32
    %dma_start3A_91 = tpu.memref_slice %arg8[%dma_start3A_88, %dma_start3A_89, %dma_start3A_90] : memref<10x128x32xf32, #tpu.memory_space<vmem>> -> memref<1x128x32xf32, #tpu.memory_space<vmem>>
    %dma_start3A_92 = tpu.memref_squeeze %dma_start3A_91 : memref<1x128x32xf32, #tpu.memory_space<vmem>> -> memref<128x32xf32, #tpu.memory_space<vmem>>
    %dma_start3A_93 = arith.constant 0 : i32
    %dma_start3A_94 = tpu.memref_slice %arg6[%dma_start3A_87, %dma_start3A_93] : memref<160x128xi32, #tpu.memory_space<vmem>> -> memref<1x128xi32, #tpu.memory_space<vmem>>
    %dma_start3A_95 = tpu.memref_squeeze %dma_start3A_94 : memref<1x128xi32, #tpu.memory_space<vmem>> -> memref<128xi32, #tpu.memory_space<vmem>>
    %dma_start3A_96 = arith.constant 0 : i32
    %dma_start3A_97 = arith.constant 0 : i32
    %dma_start3A_98 = tpu.memref_slice %arg10[%dma_start3A_96, %dma_start3A_97] : memref<10112x32xf32, #tpu.memory_space<vmem_shared>> -> memref<10112x32xf32, #tpu.memory_space<vmem_shared>>
    tpu.enqueue_indirect_dma source(%dma_start3A_98 : memref<10112x32xf32, #tpu.memory_space<vmem_shared>>) target(%dma_start3A_92 : memref<128x32xf32, #tpu.memory_space<vmem>>) offsets(%dma_start3A_95 : memref<128xi32, #tpu.memory_space<vmem>>) semaphore(%arg17 : memref<!tpu.dma_semaphore, #tpu.memory_space<semaphore_mem>>)
    %dma_start3A_99 = arith.constant 7 : i32
    %dma_start3A_100 = arith.constant 7 : i32
    %dma_start3A_101 = arith.constant 0 : i32
    %dma_start3A_102 = arith.constant 0 : i32
    %dma_start3A_103 = tpu.memref_slice %arg8[%dma_start3A_100, %dma_start3A_101, %dma_start3A_102] : memref<10x128x32xf32, #tpu.memory_space<vmem>> -> memref<1x128x32xf32, #tpu.memory_space<vmem>>
    %dma_start3A_104 = tpu.memref_squeeze %dma_start3A_103 : memref<1x128x32xf32, #tpu.memory_space<vmem>> -> memref<128x32xf32, #tpu.memory_space<vmem>>
    %dma_start3A_105 = arith.constant 0 : i32
    %dma_start3A_106 = tpu.memref_slice %arg6[%dma_start3A_99, %dma_start3A_105] : memref<160x128xi32, #tpu.memory_space<vmem>> -> memref<1x128xi32, #tpu.memory_space<vmem>>
    %dma_start3A_107 = tpu.memref_squeeze %dma_start3A_106 : memref<1x128xi32, #tpu.memory_space<vmem>> -> memref<128xi32, #tpu.memory_space<vmem>>
    %dma_start3A_108 = arith.constant 0 : i32
    %dma_start3A_109 = arith.constant 0 : i32
    %dma_start3A_110 = tpu.memref_slice %arg10[%dma_start3A_108, %dma_start3A_109] : memref<10112x32xf32, #tpu.memory_space<vmem_shared>> -> memref<10112x32xf32, #tpu.memory_space<vmem_shared>>
    tpu.enqueue_indirect_dma source(%dma_start3A_110 : memref<10112x32xf32, #tpu.memory_space<vmem_shared>>) target(%dma_start3A_104 : memref<128x32xf32, #tpu.memory_space<vmem>>) offsets(%dma_start3A_107 : memref<128xi32, #tpu.memory_space<vmem>>) semaphore(%arg18 : memref<!tpu.dma_semaphore, #tpu.memory_space<semaphore_mem>>)
    %dma_start3A_111 = arith.constant 8 : i32
    %dma_start3A_112 = arith.constant 8 : i32
    %dma_start3A_113 = arith.constant 0 : i32
    %dma_start3A_114 = arith.constant 0 : i32
    %dma_start3A_115 = tpu.memref_slice %arg8[%dma_start3A_112, %dma_start3A_113, %dma_start3A_114] : memref<10x128x32xf32, #tpu.memory_space<vmem>> -> memref<1x128x32xf32, #tpu.memory_space<vmem>>
    %dma_start3A_116 = tpu.memref_squeeze %dma_start3A_115 : memref<1x128x32xf32, #tpu.memory_space<vmem>> -> memref<128x32xf32, #tpu.memory_space<vmem>>
    %dma_start3A_117 = arith.constant 0 : i32
    %dma_start3A_118 = tpu.memref_slice %arg6[%dma_start3A_111, %dma_start3A_117] : memref<160x128xi32, #tpu.memory_space<vmem>> -> memref<1x128xi32, #tpu.memory_space<vmem>>
    %dma_start3A_119 = tpu.memref_squeeze %dma_start3A_118 : memref<1x128xi32, #tpu.memory_space<vmem>> -> memref<128xi32, #tpu.memory_space<vmem>>
    %dma_start3A_120 = arith.constant 0 : i32
    %dma_start3A_121 = arith.constant 0 : i32
    %dma_start3A_122 = tpu.memref_slice %arg10[%dma_start3A_120, %dma_start3A_121] : memref<10112x32xf32, #tpu.memory_space<vmem_shared>> -> memref<10112x32xf32, #tpu.memory_space<vmem_shared>>
    tpu.enqueue_indirect_dma source(%dma_start3A_122 : memref<10112x32xf32, #tpu.memory_space<vmem_shared>>) target(%dma_start3A_116 : memref<128x32xf32, #tpu.memory_space<vmem>>) offsets(%dma_start3A_119 : memref<128xi32, #tpu.memory_space<vmem>>) semaphore(%arg19 : memref<!tpu.dma_semaphore, #tpu.memory_space<semaphore_mem>>)
    %dma_start3A_123 = arith.constant 9 : i32
    %dma_start3A_124 = arith.constant 9 : i32
    %dma_start3A_125 = arith.constant 0 : i32
    %dma_start3A_126 = arith.constant 0 : i32
    %dma_start3A_127 = tpu.memref_slice %arg8[%dma_start3A_124, %dma_start3A_125, %dma_start3A_126] : memref<10x128x32xf32, #tpu.memory_space<vmem>> -> memref<1x128x32xf32, #tpu.memory_space<vmem>>
    %dma_start3A_128 = tpu.memref_squeeze %dma_start3A_127 : memref<1x128x32xf32, #tpu.memory_space<vmem>> -> memref<128x32xf32, #tpu.memory_space<vmem>>
    %dma_start3A_129 = arith.constant 0 : i32
    %dma_start3A_130 = tpu.memref_slice %arg6[%dma_start3A_123, %dma_start3A_129] : memref<160x128xi32, #tpu.memory_space<vmem>> -> memref<1x128xi32, #tpu.memory_space<vmem>>
    %dma_start3A_131 = tpu.memref_squeeze %dma_start3A_130 : memref<1x128xi32, #tpu.memory_space<vmem>> -> memref<128xi32, #tpu.memory_space<vmem>>
    %dma_start3A_132 = arith.constant 0 : i32
    %dma_start3A_133 = arith.constant 0 : i32
    %dma_start3A_134 = tpu.memref_slice %arg10[%dma_start3A_132, %dma_start3A_133] : memref<10112x32xf32, #tpu.memory_space<vmem_shared>> -> memref<10112x32xf32, #tpu.memory_space<vmem_shared>>
    tpu.enqueue_indirect_dma source(%dma_start3A_134 : memref<10112x32xf32, #tpu.memory_space<vmem_shared>>) target(%dma_start3A_128 : memref<128x32xf32, #tpu.memory_space<vmem>>) offsets(%dma_start3A_131 : memref<128xi32, #tpu.memory_space<vmem>>) semaphore(%arg20 : memref<!tpu.dma_semaphore, #tpu.memory_space<semaphore_mem>>)
    %scan3A = arith.constant 0 : i32
    %scan3A_135 = arith.constant 0 : i32
    %scan3A_136 = arith.constant 16 : i32
    %scan3A_137 = arith.addi %scan3A_135, %scan3A_136 : i32
    %scan3A_138 = arith.constant 1 : i32
    scf.for %scan3A_148 = %scan3A_135 to %scan3A_137 step %scan3A_138  : i32 {
      %mul3A_149 = arith.constant 10 : i32
      %mul3A_150 = arith.muli %scan3A_148, %mul3A_149 : i32
      %add3A_151 = arith.constant 0 : i32
      %add3A_152 = arith.addi %mul3A_150, %add3A_151 : i32
      %dma_wait3A = arith.constant 0 : i32
      %dma_wait3A_153 = arith.constant 0 : i32
      %dma_wait3A_154 = arith.constant 0 : i32
      %dma_wait3A_155 = arith.constant 0 : i32
      %dma_wait3A_156 = tpu.memref_slice %arg8[%dma_wait3A_153, %dma_wait3A_154, %dma_wait3A_155] : memref<10x128x32xf32, #tpu.memory_space<vmem>> -> memref<1x128x32xf32, #tpu.memory_space<vmem>>
      %dma_wait3A_157 = tpu.memref_squeeze %dma_wait3A_156 : memref<1x128x32xf32, #tpu.memory_space<vmem>> -> memref<128x32xf32, #tpu.memory_space<vmem>>
      %dma_wait3A_158 = arith.constant 0 : i32
      %dma_wait3A_159 = tpu.memref_slice %arg6[%dma_wait3A, %dma_wait3A_158] : memref<160x128xi32, #tpu.memory_space<vmem>> -> memref<1x128xi32, #tpu.memory_space<vmem>>
      %dma_wait3A_160 = tpu.memref_squeeze %dma_wait3A_159 : memref<1x128xi32, #tpu.memory_space<vmem>> -> memref<128xi32, #tpu.memory_space<vmem>>
      %dma_wait3A_161 = arith.constant 0 : i32
      %dma_wait3A_162 = arith.constant 0 : i32
      %dma_wait3A_163 = tpu.memref_slice %arg10[%dma_wait3A_161, %dma_wait3A_162] : memref<10112x32xf32, #tpu.memory_space<vmem_shared>> -> memref<10112x32xf32, #tpu.memory_space<vmem_shared>>
      tpu.wait_indirect_dma semaphore(%arg11 : memref<!tpu.dma_semaphore, #tpu.memory_space<semaphore_mem>>) src(%dma_wait3A_163 : memref<10112x32xf32, #tpu.memory_space<vmem_shared>>) dst(%dma_wait3A_157 : memref<128x32xf32, #tpu.memory_space<vmem>>)
      %dma_start3A_164 = arith.constant 0 : i32
      %dma_start3A_165 = arith.constant 0 : i32
      %dma_start3A_166 = arith.constant 0 : i32
      %dma_start3A_167 = tpu.memref_slice %arg8[%dma_start3A_164, %dma_start3A_165, %dma_start3A_166] : memref<10x128x32xf32, #tpu.memory_space<vmem>> -> memref<1x128x32xf32, #tpu.memory_space<vmem>>
      %dma_start3A_168 = tpu.memref_squeeze %dma_start3A_167 : memref<1x128x32xf32, #tpu.memory_space<vmem>> -> memref<128x32xf32, #tpu.memory_space<vmem>>
      %dma_start3A_169 = arith.constant 0 : i32
      %dma_start3A_170 = tpu.memref_slice %arg7[%add3A_152, %dma_start3A_169] : memref<160x128xi32, #tpu.memory_space<vmem>> -> memref<1x128xi32, #tpu.memory_space<vmem>>
      %dma_start3A_171 = tpu.memref_squeeze %dma_start3A_170 : memref<1x128xi32, #tpu.memory_space<vmem>> -> memref<128xi32, #tpu.memory_space<vmem>>
      %dma_start3A_172 = arith.constant 0 : i32
      %dma_start3A_173 = arith.constant 0 : i32
      %dma_start3A_174 = tpu.memref_slice %arg9[%dma_start3A_172, %dma_start3A_173] : memref<10112x32xf32, #tpu.memory_space<vmem_shared>> -> memref<10112x32xf32, #tpu.memory_space<vmem_shared>>
      tpu.enqueue_indirect_dma source(%dma_start3A_168 : memref<128x32xf32, #tpu.memory_space<vmem>>) target(%dma_start3A_174 : memref<10112x32xf32, #tpu.memory_space<vmem_shared>>) offsets(%dma_start3A_171 : memref<128xi32, #tpu.memory_space<vmem>>) semaphore(%arg21 : memref<!tpu.dma_semaphore, #tpu.memory_space<semaphore_mem>>) {add = true}
      %mul3A_175 = arith.constant 10 : i32
      %mul3A_176 = arith.muli %scan3A_148, %mul3A_175 : i32
      %add3A_177 = arith.constant 1 : i32
      %add3A_178 = arith.addi %mul3A_176, %add3A_177 : i32
      %dma_wait3A_179 = arith.constant 1 : i32
      %dma_wait3A_180 = arith.constant 1 : i32
      %dma_wait3A_181 = arith.constant 0 : i32
      %dma_wait3A_182 = arith.constant 0 : i32
      %dma_wait3A_183 = tpu.memref_slice %arg8[%dma_wait3A_180, %dma_wait3A_181, %dma_wait3A_182] : memref<10x128x32xf32, #tpu.memory_space<vmem>> -> memref<1x128x32xf32, #tpu.memory_space<vmem>>
      %dma_wait3A_184 = tpu.memref_squeeze %dma_wait3A_183 : memref<1x128x32xf32, #tpu.memory_space<vmem>> -> memref<128x32xf32, #tpu.memory_space<vmem>>
      %dma_wait3A_185 = arith.constant 0 : i32
      %dma_wait3A_186 = tpu.memref_slice %arg6[%dma_wait3A_179, %dma_wait3A_185] : memref<160x128xi32, #tpu.memory_space<vmem>> -> memref<1x128xi32, #tpu.memory_space<vmem>>
      %dma_wait3A_187 = tpu.memref_squeeze %dma_wait3A_186 : memref<1x128xi32, #tpu.memory_space<vmem>> -> memref<128xi32, #tpu.memory_space<vmem>>
      %dma_wait3A_188 = arith.constant 0 : i32
      %dma_wait3A_189 = arith.constant 0 : i32
      %dma_wait3A_190 = tpu.memref_slice %arg10[%dma_wait3A_188, %dma_wait3A_189] : memref<10112x32xf32, #tpu.memory_space<vmem_shared>> -> memref<10112x32xf32, #tpu.memory_space<vmem_shared>>
      tpu.wait_indirect_dma semaphore(%arg12 : memref<!tpu.dma_semaphore, #tpu.memory_space<semaphore_mem>>) src(%dma_wait3A_190 : memref<10112x32xf32, #tpu.memory_space<vmem_shared>>) dst(%dma_wait3A_184 : memref<128x32xf32, #tpu.memory_space<vmem>>)
      %dma_start3A_191 = arith.constant 1 : i32
      %dma_start3A_192 = arith.constant 0 : i32
      %dma_start3A_193 = arith.constant 0 : i32
      %dma_start3A_194 = tpu.memref_slice %arg8[%dma_start3A_191, %dma_start3A_192, %dma_start3A_193] : memref<10x128x32xf32, #tpu.memory_space<vmem>> -> memref<1x128x32xf32, #tpu.memory_space<vmem>>
      %dma_start3A_195 = tpu.memref_squeeze %dma_start3A_194 : memref<1x128x32xf32, #tpu.memory_space<vmem>> -> memref<128x32xf32, #tpu.memory_space<vmem>>
      %dma_start3A_196 = arith.constant 0 : i32
      %dma_start3A_197 = tpu.memref_slice %arg7[%add3A_178, %dma_start3A_196] : memref<160x128xi32, #tpu.memory_space<vmem>> -> memref<1x128xi32, #tpu.memory_space<vmem>>
      %dma_start3A_198 = tpu.memref_squeeze %dma_start3A_197 : memref<1x128xi32, #tpu.memory_space<vmem>> -> memref<128xi32, #tpu.memory_space<vmem>>
      %dma_start3A_199 = arith.constant 0 : i32
      %dma_start3A_200 = arith.constant 0 : i32
      %dma_start3A_201 = tpu.memref_slice %arg9[%dma_start3A_199, %dma_start3A_200] : memref<10112x32xf32, #tpu.memory_space<vmem_shared>> -> memref<10112x32xf32, #tpu.memory_space<vmem_shared>>
      tpu.enqueue_indirect_dma source(%dma_start3A_195 : memref<128x32xf32, #tpu.memory_space<vmem>>) target(%dma_start3A_201 : memref<10112x32xf32, #tpu.memory_space<vmem_shared>>) offsets(%dma_start3A_198 : memref<128xi32, #tpu.memory_space<vmem>>) semaphore(%arg22 : memref<!tpu.dma_semaphore, #tpu.memory_space<semaphore_mem>>) {add = true}
      %mul3A_202 = arith.constant 10 : i32
      %mul3A_203 = arith.muli %scan3A_148, %mul3A_202 : i32
      %add3A_204 = arith.constant 2 : i32
      %add3A_205 = arith.addi %mul3A_203, %add3A_204 : i32
      %dma_wait3A_206 = arith.constant 2 : i32
      %dma_wait3A_207 = arith.constant 2 : i32
      %dma_wait3A_208 = arith.constant 0 : i32
      %dma_wait3A_209 = arith.constant 0 : i32
      %dma_wait3A_210 = tpu.memref_slice %arg8[%dma_wait3A_207, %dma_wait3A_208, %dma_wait3A_209] : memref<10x128x32xf32, #tpu.memory_space<vmem>> -> memref<1x128x32xf32, #tpu.memory_space<vmem>>
      %dma_wait3A_211 = tpu.memref_squeeze %dma_wait3A_210 : memref<1x128x32xf32, #tpu.memory_space<vmem>> -> memref<128x32xf32, #tpu.memory_space<vmem>>
      %dma_wait3A_212 = arith.constant 0 : i32
      %dma_wait3A_213 = tpu.memref_slice %arg6[%dma_wait3A_206, %dma_wait3A_212] : memref<160x128xi32, #tpu.memory_space<vmem>> -> memref<1x128xi32, #tpu.memory_space<vmem>>
      %dma_wait3A_214 = tpu.memref_squeeze %dma_wait3A_213 : memref<1x128xi32, #tpu.memory_space<vmem>> -> memref<128xi32, #tpu.memory_space<vmem>>
      %dma_wait3A_215 = arith.constant 0 : i32
      %dma_wait3A_216 = arith.constant 0 : i32
      %dma_wait3A_217 = tpu.memref_slice %arg10[%dma_wait3A_215, %dma_wait3A_216] : memref<10112x32xf32, #tpu.memory_space<vmem_shared>> -> memref<10112x32xf32, #tpu.memory_space<vmem_shared>>
      tpu.wait_indirect_dma semaphore(%arg13 : memref<!tpu.dma_semaphore, #tpu.memory_space<semaphore_mem>>) src(%dma_wait3A_217 : memref<10112x32xf32, #tpu.memory_space<vmem_shared>>) dst(%dma_wait3A_211 : memref<128x32xf32, #tpu.memory_space<vmem>>)
      %dma_start3A_218 = arith.constant 2 : i32
      %dma_start3A_219 = arith.constant 0 : i32
      %dma_start3A_220 = arith.constant 0 : i32
      %dma_start3A_221 = tpu.memref_slice %arg8[%dma_start3A_218, %dma_start3A_219, %dma_start3A_220] : memref<10x128x32xf32, #tpu.memory_space<vmem>> -> memref<1x128x32xf32, #tpu.memory_space<vmem>>
      %dma_start3A_222 = tpu.memref_squeeze %dma_start3A_221 : memref<1x128x32xf32, #tpu.memory_space<vmem>> -> memref<128x32xf32, #tpu.memory_space<vmem>>
      %dma_start3A_223 = arith.constant 0 : i32
      %dma_start3A_224 = tpu.memref_slice %arg7[%add3A_205, %dma_start3A_223] : memref<160x128xi32, #tpu.memory_space<vmem>> -> memref<1x128xi32, #tpu.memory_space<vmem>>
      %dma_start3A_225 = tpu.memref_squeeze %dma_start3A_224 : memref<1x128xi32, #tpu.memory_space<vmem>> -> memref<128xi32, #tpu.memory_space<vmem>>
      %dma_start3A_226 = arith.constant 0 : i32
      %dma_start3A_227 = arith.constant 0 : i32
      %dma_start3A_228 = tpu.memref_slice %arg9[%dma_start3A_226, %dma_start3A_227] : memref<10112x32xf32, #tpu.memory_space<vmem_shared>> -> memref<10112x32xf32, #tpu.memory_space<vmem_shared>>
      tpu.enqueue_indirect_dma source(%dma_start3A_222 : memref<128x32xf32, #tpu.memory_space<vmem>>) target(%dma_start3A_228 : memref<10112x32xf32, #tpu.memory_space<vmem_shared>>) offsets(%dma_start3A_225 : memref<128xi32, #tpu.memory_space<vmem>>) semaphore(%arg23 : memref<!tpu.dma_semaphore, #tpu.memory_space<semaphore_mem>>) {add = true}
      %mul3A_229 = arith.constant 10 : i32
      %mul3A_230 = arith.muli %scan3A_148, %mul3A_229 : i32
      %add3A_231 = arith.constant 3 : i32
      %add3A_232 = arith.addi %mul3A_230, %add3A_231 : i32
      %dma_wait3A_233 = arith.constant 3 : i32
      %dma_wait3A_234 = arith.constant 3 : i32
      %dma_wait3A_235 = arith.constant 0 : i32
      %dma_wait3A_236 = arith.constant 0 : i32
      %dma_wait3A_237 = tpu.memref_slice %arg8[%dma_wait3A_234, %dma_wait3A_235, %dma_wait3A_236] : memref<10x128x32xf32, #tpu.memory_space<vmem>> -> memref<1x128x32xf32, #tpu.memory_space<vmem>>
      %dma_wait3A_238 = tpu.memref_squeeze %dma_wait3A_237 : memref<1x128x32xf32, #tpu.memory_space<vmem>> -> memref<128x32xf32, #tpu.memory_space<vmem>>
      %dma_wait3A_239 = arith.constant 0 : i32
      %dma_wait3A_240 = tpu.memref_slice %arg6[%dma_wait3A_233, %dma_wait3A_239] : memref<160x128xi32, #tpu.memory_space<vmem>> -> memref<1x128xi32, #tpu.memory_space<vmem>>
      %dma_wait3A_241 = tpu.memref_squeeze %dma_wait3A_240 : memref<1x128xi32, #tpu.memory_space<vmem>> -> memref<128xi32, #tpu.memory_space<vmem>>
      %dma_wait3A_242 = arith.constant 0 : i32
      %dma_wait3A_243 = arith.constant 0 : i32
      %dma_wait3A_244 = tpu.memref_slice %arg10[%dma_wait3A_242, %dma_wait3A_243] : memref<10112x32xf32, #tpu.memory_space<vmem_shared>> -> memref<10112x32xf32, #tpu.memory_space<vmem_shared>>
      tpu.wait_indirect_dma semaphore(%arg14 : memref<!tpu.dma_semaphore, #tpu.memory_space<semaphore_mem>>) src(%dma_wait3A_244 : memref<10112x32xf32, #tpu.memory_space<vmem_shared>>) dst(%dma_wait3A_238 : memref<128x32xf32, #tpu.memory_space<vmem>>)
      %dma_start3A_245 = arith.constant 3 : i32
      %dma_start3A_246 = arith.constant 0 : i32
      %dma_start3A_247 = arith.constant 0 : i32
      %dma_start3A_248 = tpu.memref_slice %arg8[%dma_start3A_245, %dma_start3A_246, %dma_start3A_247] : memref<10x128x32xf32, #tpu.memory_space<vmem>> -> memref<1x128x32xf32, #tpu.memory_space<vmem>>
      %dma_start3A_249 = tpu.memref_squeeze %dma_start3A_248 : memref<1x128x32xf32, #tpu.memory_space<vmem>> -> memref<128x32xf32, #tpu.memory_space<vmem>>
      %dma_start3A_250 = arith.constant 0 : i32
      %dma_start3A_251 = tpu.memref_slice %arg7[%add3A_232, %dma_start3A_250] : memref<160x128xi32, #tpu.memory_space<vmem>> -> memref<1x128xi32, #tpu.memory_space<vmem>>
      %dma_start3A_252 = tpu.memref_squeeze %dma_start3A_251 : memref<1x128xi32, #tpu.memory_space<vmem>> -> memref<128xi32, #tpu.memory_space<vmem>>
      %dma_start3A_253 = arith.constant 0 : i32
      %dma_start3A_254 = arith.constant 0 : i32
      %dma_start3A_255 = tpu.memref_slice %arg9[%dma_start3A_253, %dma_start3A_254] : memref<10112x32xf32, #tpu.memory_space<vmem_shared>> -> memref<10112x32xf32, #tpu.memory_space<vmem_shared>>
      tpu.enqueue_indirect_dma source(%dma_start3A_249 : memref<128x32xf32, #tpu.memory_space<vmem>>) target(%dma_start3A_255 : memref<10112x32xf32, #tpu.memory_space<vmem_shared>>) offsets(%dma_start3A_252 : memref<128xi32, #tpu.memory_space<vmem>>) semaphore(%arg24 : memref<!tpu.dma_semaphore, #tpu.memory_space<semaphore_mem>>) {add = true}
      %mul3A_256 = arith.constant 10 : i32
      %mul3A_257 = arith.muli %scan3A_148, %mul3A_256 : i32
      %add3A_258 = arith.constant 4 : i32
      %add3A_259 = arith.addi %mul3A_257, %add3A_258 : i32
      %dma_wait3A_260 = arith.constant 4 : i32
      %dma_wait3A_261 = arith.constant 4 : i32
      %dma_wait3A_262 = arith.constant 0 : i32
      %dma_wait3A_263 = arith.constant 0 : i32
      %dma_wait3A_264 = tpu.memref_slice %arg8[%dma_wait3A_261, %dma_wait3A_262, %dma_wait3A_263] : memref<10x128x32xf32, #tpu.memory_space<vmem>> -> memref<1x128x32xf32, #tpu.memory_space<vmem>>
      %dma_wait3A_265 = tpu.memref_squeeze %dma_wait3A_264 : memref<1x128x32xf32, #tpu.memory_space<vmem>> -> memref<128x32xf32, #tpu.memory_space<vmem>>
      %dma_wait3A_266 = arith.constant 0 : i32
      %dma_wait3A_267 = tpu.memref_slice %arg6[%dma_wait3A_260, %dma_wait3A_266] : memref<160x128xi32, #tpu.memory_space<vmem>> -> memref<1x128xi32, #tpu.memory_space<vmem>>
      %dma_wait3A_268 = tpu.memref_squeeze %dma_wait3A_267 : memref<1x128xi32, #tpu.memory_space<vmem>> -> memref<128xi32, #tpu.memory_space<vmem>>
      %dma_wait3A_269 = arith.constant 0 : i32
      %dma_wait3A_270 = arith.constant 0 : i32
      %dma_wait3A_271 = tpu.memref_slice %arg10[%dma_wait3A_269, %dma_wait3A_270] : memref<10112x32xf32, #tpu.memory_space<vmem_shared>> -> memref<10112x32xf32, #tpu.memory_space<vmem_shared>>
      tpu.wait_indirect_dma semaphore(%arg15 : memref<!tpu.dma_semaphore, #tpu.memory_space<semaphore_mem>>) src(%dma_wait3A_271 : memref<10112x32xf32, #tpu.memory_space<vmem_shared>>) dst(%dma_wait3A_265 : memref<128x32xf32, #tpu.memory_space<vmem>>)
      %dma_start3A_272 = arith.constant 4 : i32
      %dma_start3A_273 = arith.constant 0 : i32
      %dma_start3A_274 = arith.constant 0 : i32
      %dma_start3A_275 = tpu.memref_slice %arg8[%dma_start3A_272, %dma_start3A_273, %dma_start3A_274] : memref<10x128x32xf32, #tpu.memory_space<vmem>> -> memref<1x128x32xf32, #tpu.memory_space<vmem>>
      %dma_start3A_276 = tpu.memref_squeeze %dma_start3A_275 : memref<1x128x32xf32, #tpu.memory_space<vmem>> -> memref<128x32xf32, #tpu.memory_space<vmem>>
      %dma_start3A_277 = arith.constant 0 : i32
      %dma_start3A_278 = tpu.memref_slice %arg7[%add3A_259, %dma_start3A_277] : memref<160x128xi32, #tpu.memory_space<vmem>> -> memref<1x128xi32, #tpu.memory_space<vmem>>
      %dma_start3A_279 = tpu.memref_squeeze %dma_start3A_278 : memref<1x128xi32, #tpu.memory_space<vmem>> -> memref<128xi32, #tpu.memory_space<vmem>>
      %dma_start3A_280 = arith.constant 0 : i32
      %dma_start3A_281 = arith.constant 0 : i32
      %dma_start3A_282 = tpu.memref_slice %arg9[%dma_start3A_280, %dma_start3A_281] : memref<10112x32xf32, #tpu.memory_space<vmem_shared>> -> memref<10112x32xf32, #tpu.memory_space<vmem_shared>>
      tpu.enqueue_indirect_dma source(%dma_start3A_276 : memref<128x32xf32, #tpu.memory_space<vmem>>) target(%dma_start3A_282 : memref<10112x32xf32, #tpu.memory_space<vmem_shared>>) offsets(%dma_start3A_279 : memref<128xi32, #tpu.memory_space<vmem>>) semaphore(%arg25 : memref<!tpu.dma_semaphore, #tpu.memory_space<semaphore_mem>>) {add = true}
      %mul3A_283 = arith.constant 10 : i32
      %mul3A_284 = arith.muli %scan3A_148, %mul3A_283 : i32
      %add3A_285 = arith.constant 5 : i32
      %add3A_286 = arith.addi %mul3A_284, %add3A_285 : i32
      %dma_wait3A_287 = arith.constant 5 : i32
      %dma_wait3A_288 = arith.constant 5 : i32
      %dma_wait3A_289 = arith.constant 0 : i32
      %dma_wait3A_290 = arith.constant 0 : i32
      %dma_wait3A_291 = tpu.memref_slice %arg8[%dma_wait3A_288, %dma_wait3A_289, %dma_wait3A_290] : memref<10x128x32xf32, #tpu.memory_space<vmem>> -> memref<1x128x32xf32, #tpu.memory_space<vmem>>
      %dma_wait3A_292 = tpu.memref_squeeze %dma_wait3A_291 : memref<1x128x32xf32, #tpu.memory_space<vmem>> -> memref<128x32xf32, #tpu.memory_space<vmem>>
      %dma_wait3A_293 = arith.constant 0 : i32
      %dma_wait3A_294 = tpu.memref_slice %arg6[%dma_wait3A_287, %dma_wait3A_293] : memref<160x128xi32, #tpu.memory_space<vmem>> -> memref<1x128xi32, #tpu.memory_space<vmem>>
      %dma_wait3A_295 = tpu.memref_squeeze %dma_wait3A_294 : memref<1x128xi32, #tpu.memory_space<vmem>> -> memref<128xi32, #tpu.memory_space<vmem>>
      %dma_wait3A_296 = arith.constant 0 : i32
      %dma_wait3A_297 = arith.constant 0 : i32
      %dma_wait3A_298 = tpu.memref_slice %arg10[%dma_wait3A_296, %dma_wait3A_297] : memref<10112x32xf32, #tpu.memory_space<vmem_shared>> -> memref<10112x32xf32, #tpu.memory_space<vmem_shared>>
      tpu.wait_indirect_dma semaphore(%arg16 : memref<!tpu.dma_semaphore, #tpu.memory_space<semaphore_mem>>) src(%dma_wait3A_298 : memref<10112x32xf32, #tpu.memory_space<vmem_shared>>) dst(%dma_wait3A_292 : memref<128x32xf32, #tpu.memory_space<vmem>>)
      %dma_start3A_299 = arith.constant 5 : i32
      %dma_start3A_300 = arith.constant 0 : i32
      %dma_start3A_301 = arith.constant 0 : i32
      %dma_start3A_302 = tpu.memref_slice %arg8[%dma_start3A_299, %dma_start3A_300, %dma_start3A_301] : memref<10x128x32xf32, #tpu.memory_space<vmem>> -> memref<1x128x32xf32, #tpu.memory_space<vmem>>
      %dma_start3A_303 = tpu.memref_squeeze %dma_start3A_302 : memref<1x128x32xf32, #tpu.memory_space<vmem>> -> memref<128x32xf32, #tpu.memory_space<vmem>>
      %dma_start3A_304 = arith.constant 0 : i32
      %dma_start3A_305 = tpu.memref_slice %arg7[%add3A_286, %dma_start3A_304] : memref<160x128xi32, #tpu.memory_space<vmem>> -> memref<1x128xi32, #tpu.memory_space<vmem>>
      %dma_start3A_306 = tpu.memref_squeeze %dma_start3A_305 : memref<1x128xi32, #tpu.memory_space<vmem>> -> memref<128xi32, #tpu.memory_space<vmem>>
      %dma_start3A_307 = arith.constant 0 : i32
      %dma_start3A_308 = arith.constant 0 : i32
      %dma_start3A_309 = tpu.memref_slice %arg9[%dma_start3A_307, %dma_start3A_308] : memref<10112x32xf32, #tpu.memory_space<vmem_shared>> -> memref<10112x32xf32, #tpu.memory_space<vmem_shared>>
      tpu.enqueue_indirect_dma source(%dma_start3A_303 : memref<128x32xf32, #tpu.memory_space<vmem>>) target(%dma_start3A_309 : memref<10112x32xf32, #tpu.memory_space<vmem_shared>>) offsets(%dma_start3A_306 : memref<128xi32, #tpu.memory_space<vmem>>) semaphore(%arg26 : memref<!tpu.dma_semaphore, #tpu.memory_space<semaphore_mem>>) {add = true}
      %mul3A_310 = arith.constant 10 : i32
      %mul3A_311 = arith.muli %scan3A_148, %mul3A_310 : i32
      %add3A_312 = arith.constant 6 : i32
      %add3A_313 = arith.addi %mul3A_311, %add3A_312 : i32
      %dma_wait3A_314 = arith.constant 6 : i32
      %dma_wait3A_315 = arith.constant 6 : i32
      %dma_wait3A_316 = arith.constant 0 : i32
      %dma_wait3A_317 = arith.constant 0 : i32
      %dma_wait3A_318 = tpu.memref_slice %arg8[%dma_wait3A_315, %dma_wait3A_316, %dma_wait3A_317] : memref<10x128x32xf32, #tpu.memory_space<vmem>> -> memref<1x128x32xf32, #tpu.memory_space<vmem>>
      %dma_wait3A_319 = tpu.memref_squeeze %dma_wait3A_318 : memref<1x128x32xf32, #tpu.memory_space<vmem>> -> memref<128x32xf32, #tpu.memory_space<vmem>>
      %dma_wait3A_320 = arith.constant 0 : i32
      %dma_wait3A_321 = tpu.memref_slice %arg6[%dma_wait3A_314, %dma_wait3A_320] : memref<160x128xi32, #tpu.memory_space<vmem>> -> memref<1x128xi32, #tpu.memory_space<vmem>>
      %dma_wait3A_322 = tpu.memref_squeeze %dma_wait3A_321 : memref<1x128xi32, #tpu.memory_space<vmem>> -> memref<128xi32, #tpu.memory_space<vmem>>
      %dma_wait3A_323 = arith.constant 0 : i32
      %dma_wait3A_324 = arith.constant 0 : i32
      %dma_wait3A_325 = tpu.memref_slice %arg10[%dma_wait3A_323, %dma_wait3A_324] : memref<10112x32xf32, #tpu.memory_space<vmem_shared>> -> memref<10112x32xf32, #tpu.memory_space<vmem_shared>>
      tpu.wait_indirect_dma semaphore(%arg17 : memref<!tpu.dma_semaphore, #tpu.memory_space<semaphore_mem>>) src(%dma_wait3A_325 : memref<10112x32xf32, #tpu.memory_space<vmem_shared>>) dst(%dma_wait3A_319 : memref<128x32xf32, #tpu.memory_space<vmem>>)
      %dma_start3A_326 = arith.constant 6 : i32
      %dma_start3A_327 = arith.constant 0 : i32
      %dma_start3A_328 = arith.constant 0 : i32
      %dma_start3A_329 = tpu.memref_slice %arg8[%dma_start3A_326, %dma_start3A_327, %dma_start3A_328] : memref<10x128x32xf32, #tpu.memory_space<vmem>> -> memref<1x128x32xf32, #tpu.memory_space<vmem>>
      %dma_start3A_330 = tpu.memref_squeeze %dma_start3A_329 : memref<1x128x32xf32, #tpu.memory_space<vmem>> -> memref<128x32xf32, #tpu.memory_space<vmem>>
      %dma_start3A_331 = arith.constant 0 : i32
      %dma_start3A_332 = tpu.memref_slice %arg7[%add3A_313, %dma_start3A_331] : memref<160x128xi32, #tpu.memory_space<vmem>> -> memref<1x128xi32, #tpu.memory_space<vmem>>
      %dma_start3A_333 = tpu.memref_squeeze %dma_start3A_332 : memref<1x128xi32, #tpu.memory_space<vmem>> -> memref<128xi32, #tpu.memory_space<vmem>>
      %dma_start3A_334 = arith.constant 0 : i32
      %dma_start3A_335 = arith.constant 0 : i32
      %dma_start3A_336 = tpu.memref_slice %arg9[%dma_start3A_334, %dma_start3A_335] : memref<10112x32xf32, #tpu.memory_space<vmem_shared>> -> memref<10112x32xf32, #tpu.memory_space<vmem_shared>>
      tpu.enqueue_indirect_dma source(%dma_start3A_330 : memref<128x32xf32, #tpu.memory_space<vmem>>) target(%dma_start3A_336 : memref<10112x32xf32, #tpu.memory_space<vmem_shared>>) offsets(%dma_start3A_333 : memref<128xi32, #tpu.memory_space<vmem>>) semaphore(%arg27 : memref<!tpu.dma_semaphore, #tpu.memory_space<semaphore_mem>>) {add = true}
      %mul3A_337 = arith.constant 10 : i32
      %mul3A_338 = arith.muli %scan3A_148, %mul3A_337 : i32
      %add3A_339 = arith.constant 7 : i32
      %add3A_340 = arith.addi %mul3A_338, %add3A_339 : i32
      %dma_wait3A_341 = arith.constant 7 : i32
      %dma_wait3A_342 = arith.constant 7 : i32
      %dma_wait3A_343 = arith.constant 0 : i32
      %dma_wait3A_344 = arith.constant 0 : i32
      %dma_wait3A_345 = tpu.memref_slice %arg8[%dma_wait3A_342, %dma_wait3A_343, %dma_wait3A_344] : memref<10x128x32xf32, #tpu.memory_space<vmem>> -> memref<1x128x32xf32, #tpu.memory_space<vmem>>
      %dma_wait3A_346 = tpu.memref_squeeze %dma_wait3A_345 : memref<1x128x32xf32, #tpu.memory_space<vmem>> -> memref<128x32xf32, #tpu.memory_space<vmem>>
      %dma_wait3A_347 = arith.constant 0 : i32
      %dma_wait3A_348 = tpu.memref_slice %arg6[%dma_wait3A_341, %dma_wait3A_347] : memref<160x128xi32, #tpu.memory_space<vmem>> -> memref<1x128xi32, #tpu.memory_space<vmem>>
      %dma_wait3A_349 = tpu.memref_squeeze %dma_wait3A_348 : memref<1x128xi32, #tpu.memory_space<vmem>> -> memref<128xi32, #tpu.memory_space<vmem>>
      %dma_wait3A_350 = arith.constant 0 : i32
      %dma_wait3A_351 = arith.constant 0 : i32
      %dma_wait3A_352 = tpu.memref_slice %arg10[%dma_wait3A_350, %dma_wait3A_351] : memref<10112x32xf32, #tpu.memory_space<vmem_shared>> -> memref<10112x32xf32, #tpu.memory_space<vmem_shared>>
      tpu.wait_indirect_dma semaphore(%arg18 : memref<!tpu.dma_semaphore, #tpu.memory_space<semaphore_mem>>) src(%dma_wait3A_352 : memref<10112x32xf32, #tpu.memory_space<vmem_shared>>) dst(%dma_wait3A_346 : memref<128x32xf32, #tpu.memory_space<vmem>>)
      %dma_start3A_353 = arith.constant 7 : i32
      %dma_start3A_354 = arith.constant 0 : i32
      %dma_start3A_355 = arith.constant 0 : i32
      %dma_start3A_356 = tpu.memref_slice %arg8[%dma_start3A_353, %dma_start3A_354, %dma_start3A_355] : memref<10x128x32xf32, #tpu.memory_space<vmem>> -> memref<1x128x32xf32, #tpu.memory_space<vmem>>
      %dma_start3A_357 = tpu.memref_squeeze %dma_start3A_356 : memref<1x128x32xf32, #tpu.memory_space<vmem>> -> memref<128x32xf32, #tpu.memory_space<vmem>>
      %dma_start3A_358 = arith.constant 0 : i32
      %dma_start3A_359 = tpu.memref_slice %arg7[%add3A_340, %dma_start3A_358] : memref<160x128xi32, #tpu.memory_space<vmem>> -> memref<1x128xi32, #tpu.memory_space<vmem>>
      %dma_start3A_360 = tpu.memref_squeeze %dma_start3A_359 : memref<1x128xi32, #tpu.memory_space<vmem>> -> memref<128xi32, #tpu.memory_space<vmem>>
      %dma_start3A_361 = arith.constant 0 : i32
      %dma_start3A_362 = arith.constant 0 : i32
      %dma_start3A_363 = tpu.memref_slice %arg9[%dma_start3A_361, %dma_start3A_362] : memref<10112x32xf32, #tpu.memory_space<vmem_shared>> -> memref<10112x32xf32, #tpu.memory_space<vmem_shared>>
      tpu.enqueue_indirect_dma source(%dma_start3A_357 : memref<128x32xf32, #tpu.memory_space<vmem>>) target(%dma_start3A_363 : memref<10112x32xf32, #tpu.memory_space<vmem_shared>>) offsets(%dma_start3A_360 : memref<128xi32, #tpu.memory_space<vmem>>) semaphore(%arg28 : memref<!tpu.dma_semaphore, #tpu.memory_space<semaphore_mem>>) {add = true}
      %mul3A_364 = arith.constant 10 : i32
      %mul3A_365 = arith.muli %scan3A_148, %mul3A_364 : i32
      %add3A_366 = arith.constant 8 : i32
      %add3A_367 = arith.addi %mul3A_365, %add3A_366 : i32
      %dma_wait3A_368 = arith.constant 8 : i32
      %dma_wait3A_369 = arith.constant 8 : i32
      %dma_wait3A_370 = arith.constant 0 : i32
      %dma_wait3A_371 = arith.constant 0 : i32
      %dma_wait3A_372 = tpu.memref_slice %arg8[%dma_wait3A_369, %dma_wait3A_370, %dma_wait3A_371] : memref<10x128x32xf32, #tpu.memory_space<vmem>> -> memref<1x128x32xf32, #tpu.memory_space<vmem>>
      %dma_wait3A_373 = tpu.memref_squeeze %dma_wait3A_372 : memref<1x128x32xf32, #tpu.memory_space<vmem>> -> memref<128x32xf32, #tpu.memory_space<vmem>>
      %dma_wait3A_374 = arith.constant 0 : i32
      %dma_wait3A_375 = tpu.memref_slice %arg6[%dma_wait3A_368, %dma_wait3A_374] : memref<160x128xi32, #tpu.memory_space<vmem>> -> memref<1x128xi32, #tpu.memory_space<vmem>>
      %dma_wait3A_376 = tpu.memref_squeeze %dma_wait3A_375 : memref<1x128xi32, #tpu.memory_space<vmem>> -> memref<128xi32, #tpu.memory_space<vmem>>
      %dma_wait3A_377 = arith.constant 0 : i32
      %dma_wait3A_378 = arith.constant 0 : i32
      %dma_wait3A_379 = tpu.memref_slice %arg10[%dma_wait3A_377, %dma_wait3A_378] : memref<10112x32xf32, #tpu.memory_space<vmem_shared>> -> memref<10112x32xf32, #tpu.memory_space<vmem_shared>>
      tpu.wait_indirect_dma semaphore(%arg19 : memref<!tpu.dma_semaphore, #tpu.memory_space<semaphore_mem>>) src(%dma_wait3A_379 : memref<10112x32xf32, #tpu.memory_space<vmem_shared>>) dst(%dma_wait3A_373 : memref<128x32xf32, #tpu.memory_space<vmem>>)
      %dma_start3A_380 = arith.constant 8 : i32
      %dma_start3A_381 = arith.constant 0 : i32
      %dma_start3A_382 = arith.constant 0 : i32
      %dma_start3A_383 = tpu.memref_slice %arg8[%dma_start3A_380, %dma_start3A_381, %dma_start3A_382] : memref<10x128x32xf32, #tpu.memory_space<vmem>> -> memref<1x128x32xf32, #tpu.memory_space<vmem>>
      %dma_start3A_384 = tpu.memref_squeeze %dma_start3A_383 : memref<1x128x32xf32, #tpu.memory_space<vmem>> -> memref<128x32xf32, #tpu.memory_space<vmem>>
      %dma_start3A_385 = arith.constant 0 : i32
      %dma_start3A_386 = tpu.memref_slice %arg7[%add3A_367, %dma_start3A_385] : memref<160x128xi32, #tpu.memory_space<vmem>> -> memref<1x128xi32, #tpu.memory_space<vmem>>
      %dma_start3A_387 = tpu.memref_squeeze %dma_start3A_386 : memref<1x128xi32, #tpu.memory_space<vmem>> -> memref<128xi32, #tpu.memory_space<vmem>>
      %dma_start3A_388 = arith.constant 0 : i32
      %dma_start3A_389 = arith.constant 0 : i32
      %dma_start3A_390 = tpu.memref_slice %arg9[%dma_start3A_388, %dma_start3A_389] : memref<10112x32xf32, #tpu.memory_space<vmem_shared>> -> memref<10112x32xf32, #tpu.memory_space<vmem_shared>>
      tpu.enqueue_indirect_dma source(%dma_start3A_384 : memref<128x32xf32, #tpu.memory_space<vmem>>) target(%dma_start3A_390 : memref<10112x32xf32, #tpu.memory_space<vmem_shared>>) offsets(%dma_start3A_387 : memref<128xi32, #tpu.memory_space<vmem>>) semaphore(%arg29 : memref<!tpu.dma_semaphore, #tpu.memory_space<semaphore_mem>>) {add = true}
      %mul3A_391 = arith.constant 10 : i32
      %mul3A_392 = arith.muli %scan3A_148, %mul3A_391 : i32
      %add3A_393 = arith.constant 9 : i32
      %add3A_394 = arith.addi %mul3A_392, %add3A_393 : i32
      %dma_wait3A_395 = arith.constant 9 : i32
      %dma_wait3A_396 = arith.constant 9 : i32
      %dma_wait3A_397 = arith.constant 0 : i32
      %dma_wait3A_398 = arith.constant 0 : i32
      %dma_wait3A_399 = tpu.memref_slice %arg8[%dma_wait3A_396, %dma_wait3A_397, %dma_wait3A_398] : memref<10x128x32xf32, #tpu.memory_space<vmem>> -> memref<1x128x32xf32, #tpu.memory_space<vmem>>
      %dma_wait3A_400 = tpu.memref_squeeze %dma_wait3A_399 : memref<1x128x32xf32, #tpu.memory_space<vmem>> -> memref<128x32xf32, #tpu.memory_space<vmem>>
      %dma_wait3A_401 = arith.constant 0 : i32
      %dma_wait3A_402 = tpu.memref_slice %arg6[%dma_wait3A_395, %dma_wait3A_401] : memref<160x128xi32, #tpu.memory_space<vmem>> -> memref<1x128xi32, #tpu.memory_space<vmem>>
      %dma_wait3A_403 = tpu.memref_squeeze %dma_wait3A_402 : memref<1x128xi32, #tpu.memory_space<vmem>> -> memref<128xi32, #tpu.memory_space<vmem>>
      %dma_wait3A_404 = arith.constant 0 : i32
      %dma_wait3A_405 = arith.constant 0 : i32
      %dma_wait3A_406 = tpu.memref_slice %arg10[%dma_wait3A_404, %dma_wait3A_405] : memref<10112x32xf32, #tpu.memory_space<vmem_shared>> -> memref<10112x32xf32, #tpu.memory_space<vmem_shared>>
      tpu.wait_indirect_dma semaphore(%arg20 : memref<!tpu.dma_semaphore, #tpu.memory_space<semaphore_mem>>) src(%dma_wait3A_406 : memref<10112x32xf32, #tpu.memory_space<vmem_shared>>) dst(%dma_wait3A_400 : memref<128x32xf32, #tpu.memory_space<vmem>>)
      %dma_start3A_407 = arith.constant 9 : i32
      %dma_start3A_408 = arith.constant 0 : i32
      %dma_start3A_409 = arith.constant 0 : i32
      %dma_start3A_410 = tpu.memref_slice %arg8[%dma_start3A_407, %dma_start3A_408, %dma_start3A_409] : memref<10x128x32xf32, #tpu.memory_space<vmem>> -> memref<1x128x32xf32, #tpu.memory_space<vmem>>
      %dma_start3A_411 = tpu.memref_squeeze %dma_start3A_410 : memref<1x128x32xf32, #tpu.memory_space<vmem>> -> memref<128x32xf32, #tpu.memory_space<vmem>>
      %dma_start3A_412 = arith.constant 0 : i32
      %dma_start3A_413 = tpu.memref_slice %arg7[%add3A_394, %dma_start3A_412] : memref<160x128xi32, #tpu.memory_space<vmem>> -> memref<1x128xi32, #tpu.memory_space<vmem>>
      %dma_start3A_414 = tpu.memref_squeeze %dma_start3A_413 : memref<1x128xi32, #tpu.memory_space<vmem>> -> memref<128xi32, #tpu.memory_space<vmem>>
      %dma_start3A_415 = arith.constant 0 : i32
      %dma_start3A_416 = arith.constant 0 : i32
      %dma_start3A_417 = tpu.memref_slice %arg9[%dma_start3A_415, %dma_start3A_416] : memref<10112x32xf32, #tpu.memory_space<vmem_shared>> -> memref<10112x32xf32, #tpu.memory_space<vmem_shared>>
      tpu.enqueue_indirect_dma source(%dma_start3A_411 : memref<128x32xf32, #tpu.memory_space<vmem>>) target(%dma_start3A_417 : memref<10112x32xf32, #tpu.memory_space<vmem_shared>>) offsets(%dma_start3A_414 : memref<128xi32, #tpu.memory_space<vmem>>) semaphore(%arg30 : memref<!tpu.dma_semaphore, #tpu.memory_space<semaphore_mem>>) {add = true}
      %dma_wait3A_418 = arith.constant 0 : i32
      %dma_wait3A_419 = arith.constant 0 : i32
      %dma_wait3A_420 = arith.constant 0 : i32
      %dma_wait3A_421 = arith.constant 0 : i32
      %dma_wait3A_422 = tpu.memref_slice %arg8[%dma_wait3A_418, %dma_wait3A_420, %dma_wait3A_421] : memref<10x128x32xf32, #tpu.memory_space<vmem>> -> memref<1x128x32xf32, #tpu.memory_space<vmem>>
      %dma_wait3A_423 = tpu.memref_squeeze %dma_wait3A_422 : memref<1x128x32xf32, #tpu.memory_space<vmem>> -> memref<128x32xf32, #tpu.memory_space<vmem>>
      %dma_wait3A_424 = arith.constant 0 : i32
      %dma_wait3A_425 = tpu.memref_slice %arg7[%dma_wait3A_419, %dma_wait3A_424] : memref<160x128xi32, #tpu.memory_space<vmem>> -> memref<1x128xi32, #tpu.memory_space<vmem>>
      %dma_wait3A_426 = tpu.memref_squeeze %dma_wait3A_425 : memref<1x128xi32, #tpu.memory_space<vmem>> -> memref<128xi32, #tpu.memory_space<vmem>>
      %dma_wait3A_427 = arith.constant 0 : i32
      %dma_wait3A_428 = arith.constant 0 : i32
      %dma_wait3A_429 = tpu.memref_slice %arg9[%dma_wait3A_427, %dma_wait3A_428] : memref<10112x32xf32, #tpu.memory_space<vmem_shared>> -> memref<10112x32xf32, #tpu.memory_space<vmem_shared>>
      tpu.wait_indirect_dma semaphore(%arg21 : memref<!tpu.dma_semaphore, #tpu.memory_space<semaphore_mem>>) src(%dma_wait3A_423 : memref<128x32xf32, #tpu.memory_space<vmem>>) dst(%dma_wait3A_429 : memref<10112x32xf32, #tpu.memory_space<vmem_shared>>)
      %add3A_430 = arith.constant 1 : i32
      %add3A_431 = arith.addi %scan3A_148, %add3A_430 : i32
      %lt3A = arith.constant 16 : i32
      %lt3A_432 = arith.cmpi slt, %add3A_431, %lt3A : i32
      %convert_element_type3A = arith.extui %lt3A_432 : i1 to i32
      %cond3A = arith.constant 0 : i32
      %cond3A_433 = arith.cmpi ne, %convert_element_type3A, %cond3A : i32
      scf.if %cond3A_433 {
        %add3A_605 = arith.constant 1 : i32
        %add3A_606 = arith.addi %scan3A_148, %add3A_605 : i32
        %mul3A_607 = arith.constant 10 : i32
        %mul3A_608 = arith.muli %add3A_606, %mul3A_607 : i32
        %add3A_609 = arith.constant 0 : i32
        %add3A_610 = arith.addi %mul3A_608, %add3A_609 : i32
        %dma_start3A_611 = arith.constant 0 : i32
        %dma_start3A_612 = arith.constant 0 : i32
        %dma_start3A_613 = arith.constant 0 : i32
        %dma_start3A_614 = tpu.memref_slice %arg8[%dma_start3A_611, %dma_start3A_612, %dma_start3A_613] : memref<10x128x32xf32, #tpu.memory_space<vmem>> -> memref<1x128x32xf32, #tpu.memory_space<vmem>>
        %dma_start3A_615 = tpu.memref_squeeze %dma_start3A_614 : memref<1x128x32xf32, #tpu.memory_space<vmem>> -> memref<128x32xf32, #tpu.memory_space<vmem>>
        %dma_start3A_616 = arith.constant 0 : i32
        %dma_start3A_617 = tpu.memref_slice %arg6[%add3A_610, %dma_start3A_616] : memref<160x128xi32, #tpu.memory_space<vmem>> -> memref<1x128xi32, #tpu.memory_space<vmem>>
        %dma_start3A_618 = tpu.memref_squeeze %dma_start3A_617 : memref<1x128xi32, #tpu.memory_space<vmem>> -> memref<128xi32, #tpu.memory_space<vmem>>
        %dma_start3A_619 = arith.constant 0 : i32
        %dma_start3A_620 = arith.constant 0 : i32
        %dma_start3A_621 = tpu.memref_slice %arg10[%dma_start3A_619, %dma_start3A_620] : memref<10112x32xf32, #tpu.memory_space<vmem_shared>> -> memref<10112x32xf32, #tpu.memory_space<vmem_shared>>
        tpu.enqueue_indirect_dma source(%dma_start3A_621 : memref<10112x32xf32, #tpu.memory_space<vmem_shared>>) target(%dma_start3A_615 : memref<128x32xf32, #tpu.memory_space<vmem>>) offsets(%dma_start3A_618 : memref<128xi32, #tpu.memory_space<vmem>>) semaphore(%arg11 : memref<!tpu.dma_semaphore, #tpu.memory_space<semaphore_mem>>)
      } else {
      }
      %dma_wait3A_434 = arith.constant 1 : i32
      %dma_wait3A_435 = arith.constant 1 : i32
      %dma_wait3A_436 = arith.constant 0 : i32
      %dma_wait3A_437 = arith.constant 0 : i32
      %dma_wait3A_438 = tpu.memref_slice %arg8[%dma_wait3A_434, %dma_wait3A_436, %dma_wait3A_437] : memref<10x128x32xf32, #tpu.memory_space<vmem>> -> memref<1x128x32xf32, #tpu.memory_space<vmem>>
      %dma_wait3A_439 = tpu.memref_squeeze %dma_wait3A_438 : memref<1x128x32xf32, #tpu.memory_space<vmem>> -> memref<128x32xf32, #tpu.memory_space<vmem>>
      %dma_wait3A_440 = arith.constant 0 : i32
      %dma_wait3A_441 = tpu.memref_slice %arg7[%dma_wait3A_435, %dma_wait3A_440] : memref<160x128xi32, #tpu.memory_space<vmem>> -> memref<1x128xi32, #tpu.memory_space<vmem>>
      %dma_wait3A_442 = tpu.memref_squeeze %dma_wait3A_441 : memref<1x128xi32, #tpu.memory_space<vmem>> -> memref<128xi32, #tpu.memory_space<vmem>>
      %dma_wait3A_443 = arith.constant 0 : i32
      %dma_wait3A_444 = arith.constant 0 : i32
      %dma_wait3A_445 = tpu.memref_slice %arg9[%dma_wait3A_443, %dma_wait3A_444] : memref<10112x32xf32, #tpu.memory_space<vmem_shared>> -> memref<10112x32xf32, #tpu.memory_space<vmem_shared>>
      tpu.wait_indirect_dma semaphore(%arg22 : memref<!tpu.dma_semaphore, #tpu.memory_space<semaphore_mem>>) src(%dma_wait3A_439 : memref<128x32xf32, #tpu.memory_space<vmem>>) dst(%dma_wait3A_445 : memref<10112x32xf32, #tpu.memory_space<vmem_shared>>)
      %add3A_446 = arith.constant 1 : i32
      %add3A_447 = arith.addi %scan3A_148, %add3A_446 : i32
      %lt3A_448 = arith.constant 16 : i32
      %lt3A_449 = arith.cmpi slt, %add3A_447, %lt3A_448 : i32
      %convert_element_type3A_450 = arith.extui %lt3A_449 : i1 to i32
      %cond3A_451 = arith.constant 0 : i32
      %cond3A_452 = arith.cmpi ne, %convert_element_type3A_450, %cond3A_451 : i32
      scf.if %cond3A_452 {
        %add3A_605 = arith.constant 1 : i32
        %add3A_606 = arith.addi %scan3A_148, %add3A_605 : i32
        %mul3A_607 = arith.constant 10 : i32
        %mul3A_608 = arith.muli %add3A_606, %mul3A_607 : i32
        %add3A_609 = arith.constant 1 : i32
        %add3A_610 = arith.addi %mul3A_608, %add3A_609 : i32
        %dma_start3A_611 = arith.constant 1 : i32
        %dma_start3A_612 = arith.constant 0 : i32
        %dma_start3A_613 = arith.constant 0 : i32
        %dma_start3A_614 = tpu.memref_slice %arg8[%dma_start3A_611, %dma_start3A_612, %dma_start3A_613] : memref<10x128x32xf32, #tpu.memory_space<vmem>> -> memref<1x128x32xf32, #tpu.memory_space<vmem>>
        %dma_start3A_615 = tpu.memref_squeeze %dma_start3A_614 : memref<1x128x32xf32, #tpu.memory_space<vmem>> -> memref<128x32xf32, #tpu.memory_space<vmem>>
        %dma_start3A_616 = arith.constant 0 : i32
        %dma_start3A_617 = tpu.memref_slice %arg6[%add3A_610, %dma_start3A_616] : memref<160x128xi32, #tpu.memory_space<vmem>> -> memref<1x128xi32, #tpu.memory_space<vmem>>
        %dma_start3A_618 = tpu.memref_squeeze %dma_start3A_617 : memref<1x128xi32, #tpu.memory_space<vmem>> -> memref<128xi32, #tpu.memory_space<vmem>>
        %dma_start3A_619 = arith.constant 0 : i32
        %dma_start3A_620 = arith.constant 0 : i32
        %dma_start3A_621 = tpu.memref_slice %arg10[%dma_start3A_619, %dma_start3A_620] : memref<10112x32xf32, #tpu.memory_space<vmem_shared>> -> memref<10112x32xf32, #tpu.memory_space<vmem_shared>>
        tpu.enqueue_indirect_dma source(%dma_start3A_621 : memref<10112x32xf32, #tpu.memory_space<vmem_shared>>) target(%dma_start3A_615 : memref<128x32xf32, #tpu.memory_space<vmem>>) offsets(%dma_start3A_618 : memref<128xi32, #tpu.memory_space<vmem>>) semaphore(%arg12 : memref<!tpu.dma_semaphore, #tpu.memory_space<semaphore_mem>>)
      } else {
      }
      %dma_wait3A_453 = arith.constant 2 : i32
      %dma_wait3A_454 = arith.constant 2 : i32
      %dma_wait3A_455 = arith.constant 0 : i32
      %dma_wait3A_456 = arith.constant 0 : i32
      %dma_wait3A_457 = tpu.memref_slice %arg8[%dma_wait3A_453, %dma_wait3A_455, %dma_wait3A_456] : memref<10x128x32xf32, #tpu.memory_space<vmem>> -> memref<1x128x32xf32, #tpu.memory_space<vmem>>
      %dma_wait3A_458 = tpu.memref_squeeze %dma_wait3A_457 : memref<1x128x32xf32, #tpu.memory_space<vmem>> -> memref<128x32xf32, #tpu.memory_space<vmem>>
      %dma_wait3A_459 = arith.constant 0 : i32
      %dma_wait3A_460 = tpu.memref_slice %arg7[%dma_wait3A_454, %dma_wait3A_459] : memref<160x128xi32, #tpu.memory_space<vmem>> -> memref<1x128xi32, #tpu.memory_space<vmem>>
      %dma_wait3A_461 = tpu.memref_squeeze %dma_wait3A_460 : memref<1x128xi32, #tpu.memory_space<vmem>> -> memref<128xi32, #tpu.memory_space<vmem>>
      %dma_wait3A_462 = arith.constant 0 : i32
      %dma_wait3A_463 = arith.constant 0 : i32
      %dma_wait3A_464 = tpu.memref_slice %arg9[%dma_wait3A_462, %dma_wait3A_463] : memref<10112x32xf32, #tpu.memory_space<vmem_shared>> -> memref<10112x32xf32, #tpu.memory_space<vmem_shared>>
      tpu.wait_indirect_dma semaphore(%arg23 : memref<!tpu.dma_semaphore, #tpu.memory_space<semaphore_mem>>) src(%dma_wait3A_458 : memref<128x32xf32, #tpu.memory_space<vmem>>) dst(%dma_wait3A_464 : memref<10112x32xf32, #tpu.memory_space<vmem_shared>>)
      %add3A_465 = arith.constant 1 : i32
      %add3A_466 = arith.addi %scan3A_148, %add3A_465 : i32
      %lt3A_467 = arith.constant 16 : i32
      %lt3A_468 = arith.cmpi slt, %add3A_466, %lt3A_467 : i32
      %convert_element_type3A_469 = arith.extui %lt3A_468 : i1 to i32
      %cond3A_470 = arith.constant 0 : i32
      %cond3A_471 = arith.cmpi ne, %convert_element_type3A_469, %cond3A_470 : i32
      scf.if %cond3A_471 {
        %add3A_605 = arith.constant 1 : i32
        %add3A_606 = arith.addi %scan3A_148, %add3A_605 : i32
        %mul3A_607 = arith.constant 10 : i32
        %mul3A_608 = arith.muli %add3A_606, %mul3A_607 : i32
        %add3A_609 = arith.constant 2 : i32
        %add3A_610 = arith.addi %mul3A_608, %add3A_609 : i32
        %dma_start3A_611 = arith.constant 2 : i32
        %dma_start3A_612 = arith.constant 0 : i32
        %dma_start3A_613 = arith.constant 0 : i32
        %dma_start3A_614 = tpu.memref_slice %arg8[%dma_start3A_611, %dma_start3A_612, %dma_start3A_613] : memref<10x128x32xf32, #tpu.memory_space<vmem>> -> memref<1x128x32xf32, #tpu.memory_space<vmem>>
        %dma_start3A_615 = tpu.memref_squeeze %dma_start3A_614 : memref<1x128x32xf32, #tpu.memory_space<vmem>> -> memref<128x32xf32, #tpu.memory_space<vmem>>
        %dma_start3A_616 = arith.constant 0 : i32
        %dma_start3A_617 = tpu.memref_slice %arg6[%add3A_610, %dma_start3A_616] : memref<160x128xi32, #tpu.memory_space<vmem>> -> memref<1x128xi32, #tpu.memory_space<vmem>>
        %dma_start3A_618 = tpu.memref_squeeze %dma_start3A_617 : memref<1x128xi32, #tpu.memory_space<vmem>> -> memref<128xi32, #tpu.memory_space<vmem>>
        %dma_start3A_619 = arith.constant 0 : i32
        %dma_start3A_620 = arith.constant 0 : i32
        %dma_start3A_621 = tpu.memref_slice %arg10[%dma_start3A_619, %dma_start3A_620] : memref<10112x32xf32, #tpu.memory_space<vmem_shared>> -> memref<10112x32xf32, #tpu.memory_space<vmem_shared>>
        tpu.enqueue_indirect_dma source(%dma_start3A_621 : memref<10112x32xf32, #tpu.memory_space<vmem_shared>>) target(%dma_start3A_615 : memref<128x32xf32, #tpu.memory_space<vmem>>) offsets(%dma_start3A_618 : memref<128xi32, #tpu.memory_space<vmem>>) semaphore(%arg13 : memref<!tpu.dma_semaphore, #tpu.memory_space<semaphore_mem>>)
      } else {
      }
      %dma_wait3A_472 = arith.constant 3 : i32
      %dma_wait3A_473 = arith.constant 3 : i32
      %dma_wait3A_474 = arith.constant 0 : i32
      %dma_wait3A_475 = arith.constant 0 : i32
      %dma_wait3A_476 = tpu.memref_slice %arg8[%dma_wait3A_472, %dma_wait3A_474, %dma_wait3A_475] : memref<10x128x32xf32, #tpu.memory_space<vmem>> -> memref<1x128x32xf32, #tpu.memory_space<vmem>>
      %dma_wait3A_477 = tpu.memref_squeeze %dma_wait3A_476 : memref<1x128x32xf32, #tpu.memory_space<vmem>> -> memref<128x32xf32, #tpu.memory_space<vmem>>
      %dma_wait3A_478 = arith.constant 0 : i32
      %dma_wait3A_479 = tpu.memref_slice %arg7[%dma_wait3A_473, %dma_wait3A_478] : memref<160x128xi32, #tpu.memory_space<vmem>> -> memref<1x128xi32, #tpu.memory_space<vmem>>
      %dma_wait3A_480 = tpu.memref_squeeze %dma_wait3A_479 : memref<1x128xi32, #tpu.memory_space<vmem>> -> memref<128xi32, #tpu.memory_space<vmem>>
      %dma_wait3A_481 = arith.constant 0 : i32
      %dma_wait3A_482 = arith.constant 0 : i32
      %dma_wait3A_483 = tpu.memref_slice %arg9[%dma_wait3A_481, %dma_wait3A_482] : memref<10112x32xf32, #tpu.memory_space<vmem_shared>> -> memref<10112x32xf32, #tpu.memory_space<vmem_shared>>
      tpu.wait_indirect_dma semaphore(%arg24 : memref<!tpu.dma_semaphore, #tpu.memory_space<semaphore_mem>>) src(%dma_wait3A_477 : memref<128x32xf32, #tpu.memory_space<vmem>>) dst(%dma_wait3A_483 : memref<10112x32xf32, #tpu.memory_space<vmem_shared>>)
      %add3A_484 = arith.constant 1 : i32
      %add3A_485 = arith.addi %scan3A_148, %add3A_484 : i32
      %lt3A_486 = arith.constant 16 : i32
      %lt3A_487 = arith.cmpi slt, %add3A_485, %lt3A_486 : i32
      %convert_element_type3A_488 = arith.extui %lt3A_487 : i1 to i32
      %cond3A_489 = arith.constant 0 : i32
      %cond3A_490 = arith.cmpi ne, %convert_element_type3A_488, %cond3A_489 : i32
      scf.if %cond3A_490 {
        %add3A_605 = arith.constant 1 : i32
        %add3A_606 = arith.addi %scan3A_148, %add3A_605 : i32
        %mul3A_607 = arith.constant 10 : i32
        %mul3A_608 = arith.muli %add3A_606, %mul3A_607 : i32
        %add3A_609 = arith.constant 3 : i32
        %add3A_610 = arith.addi %mul3A_608, %add3A_609 : i32
        %dma_start3A_611 = arith.constant 3 : i32
        %dma_start3A_612 = arith.constant 0 : i32
        %dma_start3A_613 = arith.constant 0 : i32
        %dma_start3A_614 = tpu.memref_slice %arg8[%dma_start3A_611, %dma_start3A_612, %dma_start3A_613] : memref<10x128x32xf32, #tpu.memory_space<vmem>> -> memref<1x128x32xf32, #tpu.memory_space<vmem>>
        %dma_start3A_615 = tpu.memref_squeeze %dma_start3A_614 : memref<1x128x32xf32, #tpu.memory_space<vmem>> -> memref<128x32xf32, #tpu.memory_space<vmem>>
        %dma_start3A_616 = arith.constant 0 : i32
        %dma_start3A_617 = tpu.memref_slice %arg6[%add3A_610, %dma_start3A_616] : memref<160x128xi32, #tpu.memory_space<vmem>> -> memref<1x128xi32, #tpu.memory_space<vmem>>
        %dma_start3A_618 = tpu.memref_squeeze %dma_start3A_617 : memref<1x128xi32, #tpu.memory_space<vmem>> -> memref<128xi32, #tpu.memory_space<vmem>>
        %dma_start3A_619 = arith.constant 0 : i32
        %dma_start3A_620 = arith.constant 0 : i32
        %dma_start3A_621 = tpu.memref_slice %arg10[%dma_start3A_619, %dma_start3A_620] : memref<10112x32xf32, #tpu.memory_space<vmem_shared>> -> memref<10112x32xf32, #tpu.memory_space<vmem_shared>>
        tpu.enqueue_indirect_dma source(%dma_start3A_621 : memref<10112x32xf32, #tpu.memory_space<vmem_shared>>) target(%dma_start3A_615 : memref<128x32xf32, #tpu.memory_space<vmem>>) offsets(%dma_start3A_618 : memref<128xi32, #tpu.memory_space<vmem>>) semaphore(%arg14 : memref<!tpu.dma_semaphore, #tpu.memory_space<semaphore_mem>>)
      } else {
      }
      %dma_wait3A_491 = arith.constant 4 : i32
      %dma_wait3A_492 = arith.constant 4 : i32
      %dma_wait3A_493 = arith.constant 0 : i32
      %dma_wait3A_494 = arith.constant 0 : i32
      %dma_wait3A_495 = tpu.memref_slice %arg8[%dma_wait3A_491, %dma_wait3A_493, %dma_wait3A_494] : memref<10x128x32xf32, #tpu.memory_space<vmem>> -> memref<1x128x32xf32, #tpu.memory_space<vmem>>
      %dma_wait3A_496 = tpu.memref_squeeze %dma_wait3A_495 : memref<1x128x32xf32, #tpu.memory_space<vmem>> -> memref<128x32xf32, #tpu.memory_space<vmem>>
      %dma_wait3A_497 = arith.constant 0 : i32
      %dma_wait3A_498 = tpu.memref_slice %arg7[%dma_wait3A_492, %dma_wait3A_497] : memref<160x128xi32, #tpu.memory_space<vmem>> -> memref<1x128xi32, #tpu.memory_space<vmem>>
      %dma_wait3A_499 = tpu.memref_squeeze %dma_wait3A_498 : memref<1x128xi32, #tpu.memory_space<vmem>> -> memref<128xi32, #tpu.memory_space<vmem>>
      %dma_wait3A_500 = arith.constant 0 : i32
      %dma_wait3A_501 = arith.constant 0 : i32
      %dma_wait3A_502 = tpu.memref_slice %arg9[%dma_wait3A_500, %dma_wait3A_501] : memref<10112x32xf32, #tpu.memory_space<vmem_shared>> -> memref<10112x32xf32, #tpu.memory_space<vmem_shared>>
      tpu.wait_indirect_dma semaphore(%arg25 : memref<!tpu.dma_semaphore, #tpu.memory_space<semaphore_mem>>) src(%dma_wait3A_496 : memref<128x32xf32, #tpu.memory_space<vmem>>) dst(%dma_wait3A_502 : memref<10112x32xf32, #tpu.memory_space<vmem_shared>>)
      %add3A_503 = arith.constant 1 : i32
      %add3A_504 = arith.addi %scan3A_148, %add3A_503 : i32
      %lt3A_505 = arith.constant 16 : i32
      %lt3A_506 = arith.cmpi slt, %add3A_504, %lt3A_505 : i32
      %convert_element_type3A_507 = arith.extui %lt3A_506 : i1 to i32
      %cond3A_508 = arith.constant 0 : i32
      %cond3A_509 = arith.cmpi ne, %convert_element_type3A_507, %cond3A_508 : i32
      scf.if %cond3A_509 {
        %add3A_605 = arith.constant 1 : i32
        %add3A_606 = arith.addi %scan3A_148, %add3A_605 : i32
        %mul3A_607 = arith.constant 10 : i32
        %mul3A_608 = arith.muli %add3A_606, %mul3A_607 : i32
        %add3A_609 = arith.constant 4 : i32
        %add3A_610 = arith.addi %mul3A_608, %add3A_609 : i32
        %dma_start3A_611 = arith.constant 4 : i32
        %dma_start3A_612 = arith.constant 0 : i32
        %dma_start3A_613 = arith.constant 0 : i32
        %dma_start3A_614 = tpu.memref_slice %arg8[%dma_start3A_611, %dma_start3A_612, %dma_start3A_613] : memref<10x128x32xf32, #tpu.memory_space<vmem>> -> memref<1x128x32xf32, #tpu.memory_space<vmem>>
        %dma_start3A_615 = tpu.memref_squeeze %dma_start3A_614 : memref<1x128x32xf32, #tpu.memory_space<vmem>> -> memref<128x32xf32, #tpu.memory_space<vmem>>
        %dma_start3A_616 = arith.constant 0 : i32
        %dma_start3A_617 = tpu.memref_slice %arg6[%add3A_610, %dma_start3A_616] : memref<160x128xi32, #tpu.memory_space<vmem>> -> memref<1x128xi32, #tpu.memory_space<vmem>>
        %dma_start3A_618 = tpu.memref_squeeze %dma_start3A_617 : memref<1x128xi32, #tpu.memory_space<vmem>> -> memref<128xi32, #tpu.memory_space<vmem>>
        %dma_start3A_619 = arith.constant 0 : i32
        %dma_start3A_620 = arith.constant 0 : i32
        %dma_start3A_621 = tpu.memref_slice %arg10[%dma_start3A_619, %dma_start3A_620] : memref<10112x32xf32, #tpu.memory_space<vmem_shared>> -> memref<10112x32xf32, #tpu.memory_space<vmem_shared>>
        tpu.enqueue_indirect_dma source(%dma_start3A_621 : memref<10112x32xf32, #tpu.memory_space<vmem_shared>>) target(%dma_start3A_615 : memref<128x32xf32, #tpu.memory_space<vmem>>) offsets(%dma_start3A_618 : memref<128xi32, #tpu.memory_space<vmem>>) semaphore(%arg15 : memref<!tpu.dma_semaphore, #tpu.memory_space<semaphore_mem>>)
      } else {
      }
      %dma_wait3A_510 = arith.constant 5 : i32
      %dma_wait3A_511 = arith.constant 5 : i32
      %dma_wait3A_512 = arith.constant 0 : i32
      %dma_wait3A_513 = arith.constant 0 : i32
      %dma_wait3A_514 = tpu.memref_slice %arg8[%dma_wait3A_510, %dma_wait3A_512, %dma_wait3A_513] : memref<10x128x32xf32, #tpu.memory_space<vmem>> -> memref<1x128x32xf32, #tpu.memory_space<vmem>>
      %dma_wait3A_515 = tpu.memref_squeeze %dma_wait3A_514 : memref<1x128x32xf32, #tpu.memory_space<vmem>> -> memref<128x32xf32, #tpu.memory_space<vmem>>
      %dma_wait3A_516 = arith.constant 0 : i32
      %dma_wait3A_517 = tpu.memref_slice %arg7[%dma_wait3A_511, %dma_wait3A_516] : memref<160x128xi32, #tpu.memory_space<vmem>> -> memref<1x128xi32, #tpu.memory_space<vmem>>
      %dma_wait3A_518 = tpu.memref_squeeze %dma_wait3A_517 : memref<1x128xi32, #tpu.memory_space<vmem>> -> memref<128xi32, #tpu.memory_space<vmem>>
      %dma_wait3A_519 = arith.constant 0 : i32
      %dma_wait3A_520 = arith.constant 0 : i32
      %dma_wait3A_521 = tpu.memref_slice %arg9[%dma_wait3A_519, %dma_wait3A_520] : memref<10112x32xf32, #tpu.memory_space<vmem_shared>> -> memref<10112x32xf32, #tpu.memory_space<vmem_shared>>
      tpu.wait_indirect_dma semaphore(%arg26 : memref<!tpu.dma_semaphore, #tpu.memory_space<semaphore_mem>>) src(%dma_wait3A_515 : memref<128x32xf32, #tpu.memory_space<vmem>>) dst(%dma_wait3A_521 : memref<10112x32xf32, #tpu.memory_space<vmem_shared>>)
      %add3A_522 = arith.constant 1 : i32
      %add3A_523 = arith.addi %scan3A_148, %add3A_522 : i32
      %lt3A_524 = arith.constant 16 : i32
      %lt3A_525 = arith.cmpi slt, %add3A_523, %lt3A_524 : i32
      %convert_element_type3A_526 = arith.extui %lt3A_525 : i1 to i32
      %cond3A_527 = arith.constant 0 : i32
      %cond3A_528 = arith.cmpi ne, %convert_element_type3A_526, %cond3A_527 : i32
      scf.if %cond3A_528 {
        %add3A_605 = arith.constant 1 : i32
        %add3A_606 = arith.addi %scan3A_148, %add3A_605 : i32
        %mul3A_607 = arith.constant 10 : i32
        %mul3A_608 = arith.muli %add3A_606, %mul3A_607 : i32
        %add3A_609 = arith.constant 5 : i32
        %add3A_610 = arith.addi %mul3A_608, %add3A_609 : i32
        %dma_start3A_611 = arith.constant 5 : i32
        %dma_start3A_612 = arith.constant 0 : i32
        %dma_start3A_613 = arith.constant 0 : i32
        %dma_start3A_614 = tpu.memref_slice %arg8[%dma_start3A_611, %dma_start3A_612, %dma_start3A_613] : memref<10x128x32xf32, #tpu.memory_space<vmem>> -> memref<1x128x32xf32, #tpu.memory_space<vmem>>
        %dma_start3A_615 = tpu.memref_squeeze %dma_start3A_614 : memref<1x128x32xf32, #tpu.memory_space<vmem>> -> memref<128x32xf32, #tpu.memory_space<vmem>>
        %dma_start3A_616 = arith.constant 0 : i32
        %dma_start3A_617 = tpu.memref_slice %arg6[%add3A_610, %dma_start3A_616] : memref<160x128xi32, #tpu.memory_space<vmem>> -> memref<1x128xi32, #tpu.memory_space<vmem>>
        %dma_start3A_618 = tpu.memref_squeeze %dma_start3A_617 : memref<1x128xi32, #tpu.memory_space<vmem>> -> memref<128xi32, #tpu.memory_space<vmem>>
        %dma_start3A_619 = arith.constant 0 : i32
        %dma_start3A_620 = arith.constant 0 : i32
        %dma_start3A_621 = tpu.memref_slice %arg10[%dma_start3A_619, %dma_start3A_620] : memref<10112x32xf32, #tpu.memory_space<vmem_shared>> -> memref<10112x32xf32, #tpu.memory_space<vmem_shared>>
        tpu.enqueue_indirect_dma source(%dma_start3A_621 : memref<10112x32xf32, #tpu.memory_space<vmem_shared>>) target(%dma_start3A_615 : memref<128x32xf32, #tpu.memory_space<vmem>>) offsets(%dma_start3A_618 : memref<128xi32, #tpu.memory_space<vmem>>) semaphore(%arg16 : memref<!tpu.dma_semaphore, #tpu.memory_space<semaphore_mem>>)
      } else {
      }
      %dma_wait3A_529 = arith.constant 6 : i32
      %dma_wait3A_530 = arith.constant 6 : i32
      %dma_wait3A_531 = arith.constant 0 : i32
      %dma_wait3A_532 = arith.constant 0 : i32
      %dma_wait3A_533 = tpu.memref_slice %arg8[%dma_wait3A_529, %dma_wait3A_531, %dma_wait3A_532] : memref<10x128x32xf32, #tpu.memory_space<vmem>> -> memref<1x128x32xf32, #tpu.memory_space<vmem>>
      %dma_wait3A_534 = tpu.memref_squeeze %dma_wait3A_533 : memref<1x128x32xf32, #tpu.memory_space<vmem>> -> memref<128x32xf32, #tpu.memory_space<vmem>>
      %dma_wait3A_535 = arith.constant 0 : i32
      %dma_wait3A_536 = tpu.memref_slice %arg7[%dma_wait3A_530, %dma_wait3A_535] : memref<160x128xi32, #tpu.memory_space<vmem>> -> memref<1x128xi32, #tpu.memory_space<vmem>>
      %dma_wait3A_537 = tpu.memref_squeeze %dma_wait3A_536 : memref<1x128xi32, #tpu.memory_space<vmem>> -> memref<128xi32, #tpu.memory_space<vmem>>
      %dma_wait3A_538 = arith.constant 0 : i32
      %dma_wait3A_539 = arith.constant 0 : i32
      %dma_wait3A_540 = tpu.memref_slice %arg9[%dma_wait3A_538, %dma_wait3A_539] : memref<10112x32xf32, #tpu.memory_space<vmem_shared>> -> memref<10112x32xf32, #tpu.memory_space<vmem_shared>>
      tpu.wait_indirect_dma semaphore(%arg27 : memref<!tpu.dma_semaphore, #tpu.memory_space<semaphore_mem>>) src(%dma_wait3A_534 : memref<128x32xf32, #tpu.memory_space<vmem>>) dst(%dma_wait3A_540 : memref<10112x32xf32, #tpu.memory_space<vmem_shared>>)
      %add3A_541 = arith.constant 1 : i32
      %add3A_542 = arith.addi %scan3A_148, %add3A_541 : i32
      %lt3A_543 = arith.constant 16 : i32
      %lt3A_544 = arith.cmpi slt, %add3A_542, %lt3A_543 : i32
      %convert_element_type3A_545 = arith.extui %lt3A_544 : i1 to i32
      %cond3A_546 = arith.constant 0 : i32
      %cond3A_547 = arith.cmpi ne, %convert_element_type3A_545, %cond3A_546 : i32
      scf.if %cond3A_547 {
        %add3A_605 = arith.constant 1 : i32
        %add3A_606 = arith.addi %scan3A_148, %add3A_605 : i32
        %mul3A_607 = arith.constant 10 : i32
        %mul3A_608 = arith.muli %add3A_606, %mul3A_607 : i32
        %add3A_609 = arith.constant 6 : i32
        %add3A_610 = arith.addi %mul3A_608, %add3A_609 : i32
        %dma_start3A_611 = arith.constant 6 : i32
        %dma_start3A_612 = arith.constant 0 : i32
        %dma_start3A_613 = arith.constant 0 : i32
        %dma_start3A_614 = tpu.memref_slice %arg8[%dma_start3A_611, %dma_start3A_612, %dma_start3A_613] : memref<10x128x32xf32, #tpu.memory_space<vmem>> -> memref<1x128x32xf32, #tpu.memory_space<vmem>>
        %dma_start3A_615 = tpu.memref_squeeze %dma_start3A_614 : memref<1x128x32xf32, #tpu.memory_space<vmem>> -> memref<128x32xf32, #tpu.memory_space<vmem>>
        %dma_start3A_616 = arith.constant 0 : i32
        %dma_start3A_617 = tpu.memref_slice %arg6[%add3A_610, %dma_start3A_616] : memref<160x128xi32, #tpu.memory_space<vmem>> -> memref<1x128xi32, #tpu.memory_space<vmem>>
        %dma_start3A_618 = tpu.memref_squeeze %dma_start3A_617 : memref<1x128xi32, #tpu.memory_space<vmem>> -> memref<128xi32, #tpu.memory_space<vmem>>
        %dma_start3A_619 = arith.constant 0 : i32
        %dma_start3A_620 = arith.constant 0 : i32
        %dma_start3A_621 = tpu.memref_slice %arg10[%dma_start3A_619, %dma_start3A_620] : memref<10112x32xf32, #tpu.memory_space<vmem_shared>> -> memref<10112x32xf32, #tpu.memory_space<vmem_shared>>
        tpu.enqueue_indirect_dma source(%dma_start3A_621 : memref<10112x32xf32, #tpu.memory_space<vmem_shared>>) target(%dma_start3A_615 : memref<128x32xf32, #tpu.memory_space<vmem>>) offsets(%dma_start3A_618 : memref<128xi32, #tpu.memory_space<vmem>>) semaphore(%arg17 : memref<!tpu.dma_semaphore, #tpu.memory_space<semaphore_mem>>)
      } else {
      }
      %dma_wait3A_548 = arith.constant 7 : i32
      %dma_wait3A_549 = arith.constant 7 : i32
      %dma_wait3A_550 = arith.constant 0 : i32
      %dma_wait3A_551 = arith.constant 0 : i32
      %dma_wait3A_552 = tpu.memref_slice %arg8[%dma_wait3A_548, %dma_wait3A_550, %dma_wait3A_551] : memref<10x128x32xf32, #tpu.memory_space<vmem>> -> memref<1x128x32xf32, #tpu.memory_space<vmem>>
      %dma_wait3A_553 = tpu.memref_squeeze %dma_wait3A_552 : memref<1x128x32xf32, #tpu.memory_space<vmem>> -> memref<128x32xf32, #tpu.memory_space<vmem>>
      %dma_wait3A_554 = arith.constant 0 : i32
      %dma_wait3A_555 = tpu.memref_slice %arg7[%dma_wait3A_549, %dma_wait3A_554] : memref<160x128xi32, #tpu.memory_space<vmem>> -> memref<1x128xi32, #tpu.memory_space<vmem>>
      %dma_wait3A_556 = tpu.memref_squeeze %dma_wait3A_555 : memref<1x128xi32, #tpu.memory_space<vmem>> -> memref<128xi32, #tpu.memory_space<vmem>>
      %dma_wait3A_557 = arith.constant 0 : i32
      %dma_wait3A_558 = arith.constant 0 : i32
      %dma_wait3A_559 = tpu.memref_slice %arg9[%dma_wait3A_557, %dma_wait3A_558] : memref<10112x32xf32, #tpu.memory_space<vmem_shared>> -> memref<10112x32xf32, #tpu.memory_space<vmem_shared>>
      tpu.wait_indirect_dma semaphore(%arg28 : memref<!tpu.dma_semaphore, #tpu.memory_space<semaphore_mem>>) src(%dma_wait3A_553 : memref<128x32xf32, #tpu.memory_space<vmem>>) dst(%dma_wait3A_559 : memref<10112x32xf32, #tpu.memory_space<vmem_shared>>)
      %add3A_560 = arith.constant 1 : i32
      %add3A_561 = arith.addi %scan3A_148, %add3A_560 : i32
      %lt3A_562 = arith.constant 16 : i32
      %lt3A_563 = arith.cmpi slt, %add3A_561, %lt3A_562 : i32
      %convert_element_type3A_564 = arith.extui %lt3A_563 : i1 to i32
      %cond3A_565 = arith.constant 0 : i32
      %cond3A_566 = arith.cmpi ne, %convert_element_type3A_564, %cond3A_565 : i32
      scf.if %cond3A_566 {
        %add3A_605 = arith.constant 1 : i32
        %add3A_606 = arith.addi %scan3A_148, %add3A_605 : i32
        %mul3A_607 = arith.constant 10 : i32
        %mul3A_608 = arith.muli %add3A_606, %mul3A_607 : i32
        %add3A_609 = arith.constant 7 : i32
        %add3A_610 = arith.addi %mul3A_608, %add3A_609 : i32
        %dma_start3A_611 = arith.constant 7 : i32
        %dma_start3A_612 = arith.constant 0 : i32
        %dma_start3A_613 = arith.constant 0 : i32
        %dma_start3A_614 = tpu.memref_slice %arg8[%dma_start3A_611, %dma_start3A_612, %dma_start3A_613] : memref<10x128x32xf32, #tpu.memory_space<vmem>> -> memref<1x128x32xf32, #tpu.memory_space<vmem>>
        %dma_start3A_615 = tpu.memref_squeeze %dma_start3A_614 : memref<1x128x32xf32, #tpu.memory_space<vmem>> -> memref<128x32xf32, #tpu.memory_space<vmem>>
        %dma_start3A_616 = arith.constant 0 : i32
        %dma_start3A_617 = tpu.memref_slice %arg6[%add3A_610, %dma_start3A_616] : memref<160x128xi32, #tpu.memory_space<vmem>> -> memref<1x128xi32, #tpu.memory_space<vmem>>
        %dma_start3A_618 = tpu.memref_squeeze %dma_start3A_617 : memref<1x128xi32, #tpu.memory_space<vmem>> -> memref<128xi32, #tpu.memory_space<vmem>>
        %dma_start3A_619 = arith.constant 0 : i32
        %dma_start3A_620 = arith.constant 0 : i32
        %dma_start3A_621 = tpu.memref_slice %arg10[%dma_start3A_619, %dma_start3A_620] : memref<10112x32xf32, #tpu.memory_space<vmem_shared>> -> memref<10112x32xf32, #tpu.memory_space<vmem_shared>>
        tpu.enqueue_indirect_dma source(%dma_start3A_621 : memref<10112x32xf32, #tpu.memory_space<vmem_shared>>) target(%dma_start3A_615 : memref<128x32xf32, #tpu.memory_space<vmem>>) offsets(%dma_start3A_618 : memref<128xi32, #tpu.memory_space<vmem>>) semaphore(%arg18 : memref<!tpu.dma_semaphore, #tpu.memory_space<semaphore_mem>>)
      } else {
      }
      %dma_wait3A_567 = arith.constant 8 : i32
      %dma_wait3A_568 = arith.constant 8 : i32
      %dma_wait3A_569 = arith.constant 0 : i32
      %dma_wait3A_570 = arith.constant 0 : i32
      %dma_wait3A_571 = tpu.memref_slice %arg8[%dma_wait3A_567, %dma_wait3A_569, %dma_wait3A_570] : memref<10x128x32xf32, #tpu.memory_space<vmem>> -> memref<1x128x32xf32, #tpu.memory_space<vmem>>
      %dma_wait3A_572 = tpu.memref_squeeze %dma_wait3A_571 : memref<1x128x32xf32, #tpu.memory_space<vmem>> -> memref<128x32xf32, #tpu.memory_space<vmem>>
      %dma_wait3A_573 = arith.constant 0 : i32
      %dma_wait3A_574 = tpu.memref_slice %arg7[%dma_wait3A_568, %dma_wait3A_573] : memref<160x128xi32, #tpu.memory_space<vmem>> -> memref<1x128xi32, #tpu.memory_space<vmem>>
      %dma_wait3A_575 = tpu.memref_squeeze %dma_wait3A_574 : memref<1x128xi32, #tpu.memory_space<vmem>> -> memref<128xi32, #tpu.memory_space<vmem>>
      %dma_wait3A_576 = arith.constant 0 : i32
      %dma_wait3A_577 = arith.constant 0 : i32
      %dma_wait3A_578 = tpu.memref_slice %arg9[%dma_wait3A_576, %dma_wait3A_577] : memref<10112x32xf32, #tpu.memory_space<vmem_shared>> -> memref<10112x32xf32, #tpu.memory_space<vmem_shared>>
      tpu.wait_indirect_dma semaphore(%arg29 : memref<!tpu.dma_semaphore, #tpu.memory_space<semaphore_mem>>) src(%dma_wait3A_572 : memref<128x32xf32, #tpu.memory_space<vmem>>) dst(%dma_wait3A_578 : memref<10112x32xf32, #tpu.memory_space<vmem_shared>>)
      %add3A_579 = arith.constant 1 : i32
      %add3A_580 = arith.addi %scan3A_148, %add3A_579 : i32
      %lt3A_581 = arith.constant 16 : i32
      %lt3A_582 = arith.cmpi slt, %add3A_580, %lt3A_581 : i32
      %convert_element_type3A_583 = arith.extui %lt3A_582 : i1 to i32
      %cond3A_584 = arith.constant 0 : i32
      %cond3A_585 = arith.cmpi ne, %convert_element_type3A_583, %cond3A_584 : i32
      scf.if %cond3A_585 {
        %add3A_605 = arith.constant 1 : i32
        %add3A_606 = arith.addi %scan3A_148, %add3A_605 : i32
        %mul3A_607 = arith.constant 10 : i32
        %mul3A_608 = arith.muli %add3A_606, %mul3A_607 : i32
        %add3A_609 = arith.constant 8 : i32
        %add3A_610 = arith.addi %mul3A_608, %add3A_609 : i32
        %dma_start3A_611 = arith.constant 8 : i32
        %dma_start3A_612 = arith.constant 0 : i32
        %dma_start3A_613 = arith.constant 0 : i32
        %dma_start3A_614 = tpu.memref_slice %arg8[%dma_start3A_611, %dma_start3A_612, %dma_start3A_613] : memref<10x128x32xf32, #tpu.memory_space<vmem>> -> memref<1x128x32xf32, #tpu.memory_space<vmem>>
        %dma_start3A_615 = tpu.memref_squeeze %dma_start3A_614 : memref<1x128x32xf32, #tpu.memory_space<vmem>> -> memref<128x32xf32, #tpu.memory_space<vmem>>
        %dma_start3A_616 = arith.constant 0 : i32
        %dma_start3A_617 = tpu.memref_slice %arg6[%add3A_610, %dma_start3A_616] : memref<160x128xi32, #tpu.memory_space<vmem>> -> memref<1x128xi32, #tpu.memory_space<vmem>>
        %dma_start3A_618 = tpu.memref_squeeze %dma_start3A_617 : memref<1x128xi32, #tpu.memory_space<vmem>> -> memref<128xi32, #tpu.memory_space<vmem>>
        %dma_start3A_619 = arith.constant 0 : i32
        %dma_start3A_620 = arith.constant 0 : i32
        %dma_start3A_621 = tpu.memref_slice %arg10[%dma_start3A_619, %dma_start3A_620] : memref<10112x32xf32, #tpu.memory_space<vmem_shared>> -> memref<10112x32xf32, #tpu.memory_space<vmem_shared>>
        tpu.enqueue_indirect_dma source(%dma_start3A_621 : memref<10112x32xf32, #tpu.memory_space<vmem_shared>>) target(%dma_start3A_615 : memref<128x32xf32, #tpu.memory_space<vmem>>) offsets(%dma_start3A_618 : memref<128xi32, #tpu.memory_space<vmem>>) semaphore(%arg19 : memref<!tpu.dma_semaphore, #tpu.memory_space<semaphore_mem>>)
      } else {
      }
      %dma_wait3A_586 = arith.constant 9 : i32
      %dma_wait3A_587 = arith.constant 9 : i32
      %dma_wait3A_588 = arith.constant 0 : i32
      %dma_wait3A_589 = arith.constant 0 : i32
      %dma_wait3A_590 = tpu.memref_slice %arg8[%dma_wait3A_586, %dma_wait3A_588, %dma_wait3A_589] : memref<10x128x32xf32, #tpu.memory_space<vmem>> -> memref<1x128x32xf32, #tpu.memory_space<vmem>>
      %dma_wait3A_591 = tpu.memref_squeeze %dma_wait3A_590 : memref<1x128x32xf32, #tpu.memory_space<vmem>> -> memref<128x32xf32, #tpu.memory_space<vmem>>
      %dma_wait3A_592 = arith.constant 0 : i32
      %dma_wait3A_593 = tpu.memref_slice %arg7[%dma_wait3A_587, %dma_wait3A_592] : memref<160x128xi32, #tpu.memory_space<vmem>> -> memref<1x128xi32, #tpu.memory_space<vmem>>
      %dma_wait3A_594 = tpu.memref_squeeze %dma_wait3A_593 : memref<1x128xi32, #tpu.memory_space<vmem>> -> memref<128xi32, #tpu.memory_space<vmem>>
      %dma_wait3A_595 = arith.constant 0 : i32
      %dma_wait3A_596 = arith.constant 0 : i32
      %dma_wait3A_597 = tpu.memref_slice %arg9[%dma_wait3A_595, %dma_wait3A_596] : memref<10112x32xf32, #tpu.memory_space<vmem_shared>> -> memref<10112x32xf32, #tpu.memory_space<vmem_shared>>
      tpu.wait_indirect_dma semaphore(%arg30 : memref<!tpu.dma_semaphore, #tpu.memory_space<semaphore_mem>>) src(%dma_wait3A_591 : memref<128x32xf32, #tpu.memory_space<vmem>>) dst(%dma_wait3A_597 : memref<10112x32xf32, #tpu.memory_space<vmem_shared>>)
      %add3A_598 = arith.constant 1 : i32
      %add3A_599 = arith.addi %scan3A_148, %add3A_598 : i32
      %lt3A_600 = arith.constant 16 : i32
      %lt3A_601 = arith.cmpi slt, %add3A_599, %lt3A_600 : i32
      %convert_element_type3A_602 = arith.extui %lt3A_601 : i1 to i32
      %cond3A_603 = arith.constant 0 : i32
      %cond3A_604 = arith.cmpi ne, %convert_element_type3A_602, %cond3A_603 : i32
      scf.if %cond3A_604 {
        %add3A_605 = arith.constant 1 : i32
        %add3A_606 = arith.addi %scan3A_148, %add3A_605 : i32
        %mul3A_607 = arith.constant 10 : i32
        %mul3A_608 = arith.muli %add3A_606, %mul3A_607 : i32
        %add3A_609 = arith.constant 9 : i32
        %add3A_610 = arith.addi %mul3A_608, %add3A_609 : i32
        %dma_start3A_611 = arith.constant 9 : i32
        %dma_start3A_612 = arith.constant 0 : i32
        %dma_start3A_613 = arith.constant 0 : i32
        %dma_start3A_614 = tpu.memref_slice %arg8[%dma_start3A_611, %dma_start3A_612, %dma_start3A_613] : memref<10x128x32xf32, #tpu.memory_space<vmem>> -> memref<1x128x32xf32, #tpu.memory_space<vmem>>
        %dma_start3A_615 = tpu.memref_squeeze %dma_start3A_614 : memref<1x128x32xf32, #tpu.memory_space<vmem>> -> memref<128x32xf32, #tpu.memory_space<vmem>>
        %dma_start3A_616 = arith.constant 0 : i32
        %dma_start3A_617 = tpu.memref_slice %arg6[%add3A_610, %dma_start3A_616] : memref<160x128xi32, #tpu.memory_space<vmem>> -> memref<1x128xi32, #tpu.memory_space<vmem>>
        %dma_start3A_618 = tpu.memref_squeeze %dma_start3A_617 : memref<1x128xi32, #tpu.memory_space<vmem>> -> memref<128xi32, #tpu.memory_space<vmem>>
        %dma_start3A_619 = arith.constant 0 : i32
        %dma_start3A_620 = arith.constant 0 : i32
        %dma_start3A_621 = tpu.memref_slice %arg10[%dma_start3A_619, %dma_start3A_620] : memref<10112x32xf32, #tpu.memory_space<vmem_shared>> -> memref<10112x32xf32, #tpu.memory_space<vmem_shared>>
        tpu.enqueue_indirect_dma source(%dma_start3A_621 : memref<10112x32xf32, #tpu.memory_space<vmem_shared>>) target(%dma_start3A_615 : memref<128x32xf32, #tpu.memory_space<vmem>>) offsets(%dma_start3A_618 : memref<128xi32, #tpu.memory_space<vmem>>) semaphore(%arg20 : memref<!tpu.dma_semaphore, #tpu.memory_space<semaphore_mem>>)
      } else {
      }
    }
    %scan3A_139 = arith.constant 16 : i32
    %barrier3A_140 = arith.constant 0 : index
    tpu.barrier barrier_id(%barrier3A_140)
    %mul3A_141 = arith.constant 632 : i32
    %mul3A_142 = arith.muli %arg1, %mul3A_141 : i32
    %mul3A_143 = arith.constant 10112 : i32
    %mul3A_144 = arith.muli %arg0, %mul3A_143 : i32
    %mul3A_145 = arith.constant 632 : i32
    %mul3A_146 = arith.muli %arg1, %mul3A_145 : i32
    %add3A_147 = arith.addi %mul3A_144, %mul3A_146 : i32
    "tpu.region"() ({
      %run_scoped3A = tpu.sem_alloc : memref<!tpu.dma_semaphore, #tpu.memory_space<semaphore_mem>>
      %dma_start3A_148 = arith.constant 0 : i32
      %dma_start3A_149 = tpu.memref_slice %arg5[%add3A_147, %dma_start3A_148] : memref<20224x32xf32, #tpu.memory_space<hbm>> -> memref<632x32xf32, #tpu.memory_space<hbm>>
      %dma_start3A_150 = arith.constant 0 : i32
      %dma_start3A_151 = tpu.memref_slice %arg9[%mul3A_142, %dma_start3A_150] : memref<10112x32xf32, #tpu.memory_space<vmem_shared>> -> memref<632x32xf32, #tpu.memory_space<vmem_shared>>
      tpu.enqueue_dma source(%dma_start3A_151 : memref<632x32xf32, #tpu.memory_space<vmem_shared>>) target(%dma_start3A_149 : memref<632x32xf32, #tpu.memory_space<hbm>>) target_semaphore(%run_scoped3A : memref<!tpu.dma_semaphore, #tpu.memory_space<semaphore_mem>>)
      %dma_wait3A = arith.constant 0 : i32
      %dma_wait3A_152 = tpu.memref_slice %arg5[%add3A_147, %dma_wait3A] : memref<20224x32xf32, #tpu.memory_space<hbm>> -> memref<632x32xf32, #tpu.memory_space<hbm>>
      %dma_wait3A_153 = arith.constant 0 : i32
      %dma_wait3A_154 = tpu.memref_slice %arg9[%mul3A_142, %dma_wait3A_153] : memref<10112x32xf32, #tpu.memory_space<vmem_shared>> -> memref<632x32xf32, #tpu.memory_space<vmem_shared>>
      tpu.wait_dma2 semaphore(%run_scoped3A : memref<!tpu.dma_semaphore, #tpu.memory_space<semaphore_mem>>) src(%dma_wait3A_154 : memref<632x32xf32, #tpu.memory_space<vmem_shared>>) dst(%dma_wait3A_152 : memref<632x32xf32, #tpu.memory_space<hbm>>)
      tpu.yield
    }) : () -> ()
    return
  }
}

#map = affine_map<(d0, d1) -> (0, 0)>
module attributes {stable_mosaic.version = 14 : i64} {
  func.func @_sc_hist(%arg0: i32, %arg1: i32, %arg2: memref<2560x128xi32, #tpu.memory_space<hbm>>, %arg3: memref<128x16xf32, #tpu.memory_space<hbm>>, %arg4: memref<10112x16xf32, #tpu.memory_space<hbm>>, %arg5: memref<20224x16xf32, #tpu.memory_space<hbm>>, %arg6: memref<80x128xi32, #tpu.memory_space<vmem>>, %arg7: memref<128x16xf32, #tpu.memory_space<vmem>>, %arg8: memref<10112x16xf32, #tpu.memory_space<vmem_shared>>, %arg9: memref<!tpu.dma_semaphore, #tpu.memory_space<semaphore_mem>>, %arg10: memref<!tpu.dma_semaphore, #tpu.memory_space<semaphore_mem>>, %arg11: memref<!tpu.dma_semaphore, #tpu.memory_space<semaphore_mem>>, %arg12: memref<!tpu.dma_semaphore, #tpu.memory_space<semaphore_mem>>, %arg13: memref<!tpu.dma_semaphore, #tpu.memory_space<semaphore_mem>>, %arg14: memref<!tpu.dma_semaphore, #tpu.memory_space<semaphore_mem>>, %arg15: memref<!tpu.dma_semaphore, #tpu.memory_space<semaphore_mem>>, %arg16: memref<!tpu.dma_semaphore, #tpu.memory_space<semaphore_mem>>, %arg17: memref<!tpu.dma_semaphore, #tpu.memory_space<semaphore_mem>>, %arg18: memref<!tpu.dma_semaphore, #tpu.memory_space<semaphore_mem>>) attributes {dimension_semantics = [#tpu.dimension_semantics<core_parallel>, #tpu.dimension_semantics<subcore_parallel>], iteration_bounds = array<i64: 2, 16>, scalar_prefetch = 0 : i64, scratch_operands = 13 : i64, tpu.core_type = #tpu.core_type<sc_vector_subcore>, window_params = [{transform_indices = #map}, {transform_indices = #map}, {transform_indices = #map}, {transform_indices = #map}]} {
    %mul3A = arith.constant 2 : i32
    %mul3A_0 = arith.muli %arg1, %mul3A : i32
    %add3A = arith.addi %mul3A_0, %arg0 : i32
    %mul3A_1 = arith.constant 80 : i32
    %mul3A_2 = arith.muli %add3A, %mul3A_1 : i32
    "tpu.region"() ({
      %run_scoped3A = tpu.sem_alloc : memref<!tpu.dma_semaphore, #tpu.memory_space<semaphore_mem>>
      %dma_start3A = arith.constant 0 : i32
      %dma_start3A_20 = tpu.memref_slice %arg2[%mul3A_2, %dma_start3A] : memref<2560x128xi32, #tpu.memory_space<hbm>> -> memref<80x128xi32, #tpu.memory_space<hbm>>
      %dma_start3A_21 = arith.constant 0 : i32
      %dma_start3A_22 = tpu.memref_slice %arg2[%mul3A_2, %dma_start3A_21] : memref<2560x128xi32, #tpu.memory_space<hbm>> -> memref<80x128xi32, #tpu.memory_space<hbm>>
      tpu.enqueue_dma source(%dma_start3A_22 : memref<80x128xi32, #tpu.memory_space<hbm>>) target(%arg6 : memref<80x128xi32, #tpu.memory_space<vmem>>) target_semaphore(%run_scoped3A : memref<!tpu.dma_semaphore, #tpu.memory_space<semaphore_mem>>)
      %dma_wait3A = arith.constant 0 : i32
      %dma_wait3A_23 = tpu.memref_slice %arg2[%mul3A_2, %dma_wait3A] : memref<2560x128xi32, #tpu.memory_space<hbm>> -> memref<80x128xi32, #tpu.memory_space<hbm>>
      %dma_wait3A_24 = arith.constant 0 : i32
      %dma_wait3A_25 = tpu.memref_slice %arg2[%mul3A_2, %dma_wait3A_24] : memref<2560x128xi32, #tpu.memory_space<hbm>> -> memref<80x128xi32, #tpu.memory_space<hbm>>
      tpu.wait_dma2 semaphore(%run_scoped3A : memref<!tpu.dma_semaphore, #tpu.memory_space<semaphore_mem>>) src(%dma_wait3A_25 : memref<80x128xi32, #tpu.memory_space<hbm>>) dst(%arg6 : memref<80x128xi32, #tpu.memory_space<vmem>>)
      tpu.yield
    }) : () -> ()
    %mul3A_3 = arith.constant 632 : i32
    %mul3A_4 = arith.muli %arg1, %mul3A_3 : i32
    %mul3A_5 = arith.constant 632 : i32
    %mul3A_6 = arith.muli %arg1, %mul3A_5 : i32
    "tpu.region"() ({
      %run_scoped3A = tpu.sem_alloc : memref<!tpu.dma_semaphore, #tpu.memory_space<semaphore_mem>>
      %dma_start3A = arith.constant 0 : i32
      %dma_start3A_20 = tpu.memref_slice %arg8[%mul3A_6, %dma_start3A] : memref<10112x16xf32, #tpu.memory_space<vmem_shared>> -> memref<632x16xf32, #tpu.memory_space<vmem_shared>>
      %dma_start3A_21 = arith.constant 0 : i32
      %dma_start3A_22 = tpu.memref_slice %arg4[%mul3A_4, %dma_start3A_21] : memref<10112x16xf32, #tpu.memory_space<hbm>> -> memref<632x16xf32, #tpu.memory_space<hbm>>
      tpu.enqueue_dma source(%dma_start3A_22 : memref<632x16xf32, #tpu.memory_space<hbm>>) target(%dma_start3A_20 : memref<632x16xf32, #tpu.memory_space<vmem_shared>>) target_semaphore(%run_scoped3A : memref<!tpu.dma_semaphore, #tpu.memory_space<semaphore_mem>>)
      %dma_wait3A = arith.constant 0 : i32
      %dma_wait3A_23 = tpu.memref_slice %arg8[%mul3A_6, %dma_wait3A] : memref<10112x16xf32, #tpu.memory_space<vmem_shared>> -> memref<632x16xf32, #tpu.memory_space<vmem_shared>>
      %dma_wait3A_24 = arith.constant 0 : i32
      %dma_wait3A_25 = tpu.memref_slice %arg4[%mul3A_4, %dma_wait3A_24] : memref<10112x16xf32, #tpu.memory_space<hbm>> -> memref<632x16xf32, #tpu.memory_space<hbm>>
      tpu.wait_dma2 semaphore(%run_scoped3A : memref<!tpu.dma_semaphore, #tpu.memory_space<semaphore_mem>>) src(%dma_wait3A_25 : memref<632x16xf32, #tpu.memory_space<hbm>>) dst(%dma_wait3A_23 : memref<632x16xf32, #tpu.memory_space<vmem_shared>>)
      tpu.yield
    }) : () -> ()
    "tpu.region"() ({
      %run_scoped3A = tpu.sem_alloc : memref<!tpu.dma_semaphore, #tpu.memory_space<semaphore_mem>>
      tpu.enqueue_dma source(%arg3 : memref<128x16xf32, #tpu.memory_space<hbm>>) target(%arg7 : memref<128x16xf32, #tpu.memory_space<vmem>>) target_semaphore(%run_scoped3A : memref<!tpu.dma_semaphore, #tpu.memory_space<semaphore_mem>>)
      tpu.wait_dma2 semaphore(%run_scoped3A : memref<!tpu.dma_semaphore, #tpu.memory_space<semaphore_mem>>) src(%arg3 : memref<128x16xf32, #tpu.memory_space<hbm>>) dst(%arg7 : memref<128x16xf32, #tpu.memory_space<vmem>>)
      tpu.yield
    }) : () -> ()
    %barrier3A = arith.constant 0 : index
    tpu.barrier barrier_id(%barrier3A)
    %scan3A = arith.constant 0 : i32
    %scan3A_7 = arith.constant 0 : i32
    %scan3A_8 = arith.constant 8 : i32
    %scan3A_9 = arith.addi %scan3A_7, %scan3A_8 : i32
    %scan3A_10 = arith.constant 1 : i32
    scf.for %scan3A_20 = %scan3A_7 to %scan3A_9 step %scan3A_10  : i32 {
      %mul3A_21 = arith.constant 10 : i32
      %mul3A_22 = arith.muli %scan3A_20, %mul3A_21 : i32
      %add3A_23 = arith.constant 0 : i32
      %add3A_24 = arith.addi %mul3A_22, %add3A_23 : i32
      %dma_start3A = arith.constant 0 : i32
      %dma_start3A_25 = tpu.memref_slice %arg6[%add3A_24, %dma_start3A] : memref<80x128xi32, #tpu.memory_space<vmem>> -> memref<1x128xi32, #tpu.memory_space<vmem>>
      %dma_start3A_26 = tpu.memref_squeeze %dma_start3A_25 : memref<1x128xi32, #tpu.memory_space<vmem>> -> memref<128xi32, #tpu.memory_space<vmem>>
      %dma_start3A_27 = arith.constant 0 : i32
      %dma_start3A_28 = arith.constant 0 : i32
      %dma_start3A_29 = tpu.memref_slice %arg8[%dma_start3A_27, %dma_start3A_28] : memref<10112x16xf32, #tpu.memory_space<vmem_shared>> -> memref<10112x16xf32, #tpu.memory_space<vmem_shared>>
      tpu.enqueue_indirect_dma source(%arg7 : memref<128x16xf32, #tpu.memory_space<vmem>>) target(%dma_start3A_29 : memref<10112x16xf32, #tpu.memory_space<vmem_shared>>) offsets(%dma_start3A_26 : memref<128xi32, #tpu.memory_space<vmem>>) semaphore(%arg9 : memref<!tpu.dma_semaphore, #tpu.memory_space<semaphore_mem>>) {add = true}
      %mul3A_30 = arith.constant 10 : i32
      %mul3A_31 = arith.muli %scan3A_20, %mul3A_30 : i32
      %add3A_32 = arith.constant 1 : i32
      %add3A_33 = arith.addi %mul3A_31, %add3A_32 : i32
      %dma_start3A_34 = arith.constant 0 : i32
      %dma_start3A_35 = tpu.memref_slice %arg6[%add3A_33, %dma_start3A_34] : memref<80x128xi32, #tpu.memory_space<vmem>> -> memref<1x128xi32, #tpu.memory_space<vmem>>
      %dma_start3A_36 = tpu.memref_squeeze %dma_start3A_35 : memref<1x128xi32, #tpu.memory_space<vmem>> -> memref<128xi32, #tpu.memory_space<vmem>>
      %dma_start3A_37 = arith.constant 0 : i32
      %dma_start3A_38 = arith.constant 0 : i32
      %dma_start3A_39 = tpu.memref_slice %arg8[%dma_start3A_37, %dma_start3A_38] : memref<10112x16xf32, #tpu.memory_space<vmem_shared>> -> memref<10112x16xf32, #tpu.memory_space<vmem_shared>>
      tpu.enqueue_indirect_dma source(%arg7 : memref<128x16xf32, #tpu.memory_space<vmem>>) target(%dma_start3A_39 : memref<10112x16xf32, #tpu.memory_space<vmem_shared>>) offsets(%dma_start3A_36 : memref<128xi32, #tpu.memory_space<vmem>>) semaphore(%arg10 : memref<!tpu.dma_semaphore, #tpu.memory_space<semaphore_mem>>) {add = true}
      %mul3A_40 = arith.constant 10 : i32
      %mul3A_41 = arith.muli %scan3A_20, %mul3A_40 : i32
      %add3A_42 = arith.constant 2 : i32
      %add3A_43 = arith.addi %mul3A_41, %add3A_42 : i32
      %dma_start3A_44 = arith.constant 0 : i32
      %dma_start3A_45 = tpu.memref_slice %arg6[%add3A_43, %dma_start3A_44] : memref<80x128xi32, #tpu.memory_space<vmem>> -> memref<1x128xi32, #tpu.memory_space<vmem>>
      %dma_start3A_46 = tpu.memref_squeeze %dma_start3A_45 : memref<1x128xi32, #tpu.memory_space<vmem>> -> memref<128xi32, #tpu.memory_space<vmem>>
      %dma_start3A_47 = arith.constant 0 : i32
      %dma_start3A_48 = arith.constant 0 : i32
      %dma_start3A_49 = tpu.memref_slice %arg8[%dma_start3A_47, %dma_start3A_48] : memref<10112x16xf32, #tpu.memory_space<vmem_shared>> -> memref<10112x16xf32, #tpu.memory_space<vmem_shared>>
      tpu.enqueue_indirect_dma source(%arg7 : memref<128x16xf32, #tpu.memory_space<vmem>>) target(%dma_start3A_49 : memref<10112x16xf32, #tpu.memory_space<vmem_shared>>) offsets(%dma_start3A_46 : memref<128xi32, #tpu.memory_space<vmem>>) semaphore(%arg11 : memref<!tpu.dma_semaphore, #tpu.memory_space<semaphore_mem>>) {add = true}
      %mul3A_50 = arith.constant 10 : i32
      %mul3A_51 = arith.muli %scan3A_20, %mul3A_50 : i32
      %add3A_52 = arith.constant 3 : i32
      %add3A_53 = arith.addi %mul3A_51, %add3A_52 : i32
      %dma_start3A_54 = arith.constant 0 : i32
      %dma_start3A_55 = tpu.memref_slice %arg6[%add3A_53, %dma_start3A_54] : memref<80x128xi32, #tpu.memory_space<vmem>> -> memref<1x128xi32, #tpu.memory_space<vmem>>
      %dma_start3A_56 = tpu.memref_squeeze %dma_start3A_55 : memref<1x128xi32, #tpu.memory_space<vmem>> -> memref<128xi32, #tpu.memory_space<vmem>>
      %dma_start3A_57 = arith.constant 0 : i32
      %dma_start3A_58 = arith.constant 0 : i32
      %dma_start3A_59 = tpu.memref_slice %arg8[%dma_start3A_57, %dma_start3A_58] : memref<10112x16xf32, #tpu.memory_space<vmem_shared>> -> memref<10112x16xf32, #tpu.memory_space<vmem_shared>>
      tpu.enqueue_indirect_dma source(%arg7 : memref<128x16xf32, #tpu.memory_space<vmem>>) target(%dma_start3A_59 : memref<10112x16xf32, #tpu.memory_space<vmem_shared>>) offsets(%dma_start3A_56 : memref<128xi32, #tpu.memory_space<vmem>>) semaphore(%arg12 : memref<!tpu.dma_semaphore, #tpu.memory_space<semaphore_mem>>) {add = true}
      %mul3A_60 = arith.constant 10 : i32
      %mul3A_61 = arith.muli %scan3A_20, %mul3A_60 : i32
      %add3A_62 = arith.constant 4 : i32
      %add3A_63 = arith.addi %mul3A_61, %add3A_62 : i32
      %dma_start3A_64 = arith.constant 0 : i32
      %dma_start3A_65 = tpu.memref_slice %arg6[%add3A_63, %dma_start3A_64] : memref<80x128xi32, #tpu.memory_space<vmem>> -> memref<1x128xi32, #tpu.memory_space<vmem>>
      %dma_start3A_66 = tpu.memref_squeeze %dma_start3A_65 : memref<1x128xi32, #tpu.memory_space<vmem>> -> memref<128xi32, #tpu.memory_space<vmem>>
      %dma_start3A_67 = arith.constant 0 : i32
      %dma_start3A_68 = arith.constant 0 : i32
      %dma_start3A_69 = tpu.memref_slice %arg8[%dma_start3A_67, %dma_start3A_68] : memref<10112x16xf32, #tpu.memory_space<vmem_shared>> -> memref<10112x16xf32, #tpu.memory_space<vmem_shared>>
      tpu.enqueue_indirect_dma source(%arg7 : memref<128x16xf32, #tpu.memory_space<vmem>>) target(%dma_start3A_69 : memref<10112x16xf32, #tpu.memory_space<vmem_shared>>) offsets(%dma_start3A_66 : memref<128xi32, #tpu.memory_space<vmem>>) semaphore(%arg13 : memref<!tpu.dma_semaphore, #tpu.memory_space<semaphore_mem>>) {add = true}
      %mul3A_70 = arith.constant 10 : i32
      %mul3A_71 = arith.muli %scan3A_20, %mul3A_70 : i32
      %add3A_72 = arith.constant 5 : i32
      %add3A_73 = arith.addi %mul3A_71, %add3A_72 : i32
      %dma_start3A_74 = arith.constant 0 : i32
      %dma_start3A_75 = tpu.memref_slice %arg6[%add3A_73, %dma_start3A_74] : memref<80x128xi32, #tpu.memory_space<vmem>> -> memref<1x128xi32, #tpu.memory_space<vmem>>
      %dma_start3A_76 = tpu.memref_squeeze %dma_start3A_75 : memref<1x128xi32, #tpu.memory_space<vmem>> -> memref<128xi32, #tpu.memory_space<vmem>>
      %dma_start3A_77 = arith.constant 0 : i32
      %dma_start3A_78 = arith.constant 0 : i32
      %dma_start3A_79 = tpu.memref_slice %arg8[%dma_start3A_77, %dma_start3A_78] : memref<10112x16xf32, #tpu.memory_space<vmem_shared>> -> memref<10112x16xf32, #tpu.memory_space<vmem_shared>>
      tpu.enqueue_indirect_dma source(%arg7 : memref<128x16xf32, #tpu.memory_space<vmem>>) target(%dma_start3A_79 : memref<10112x16xf32, #tpu.memory_space<vmem_shared>>) offsets(%dma_start3A_76 : memref<128xi32, #tpu.memory_space<vmem>>) semaphore(%arg14 : memref<!tpu.dma_semaphore, #tpu.memory_space<semaphore_mem>>) {add = true}
      %mul3A_80 = arith.constant 10 : i32
      %mul3A_81 = arith.muli %scan3A_20, %mul3A_80 : i32
      %add3A_82 = arith.constant 6 : i32
      %add3A_83 = arith.addi %mul3A_81, %add3A_82 : i32
      %dma_start3A_84 = arith.constant 0 : i32
      %dma_start3A_85 = tpu.memref_slice %arg6[%add3A_83, %dma_start3A_84] : memref<80x128xi32, #tpu.memory_space<vmem>> -> memref<1x128xi32, #tpu.memory_space<vmem>>
      %dma_start3A_86 = tpu.memref_squeeze %dma_start3A_85 : memref<1x128xi32, #tpu.memory_space<vmem>> -> memref<128xi32, #tpu.memory_space<vmem>>
      %dma_start3A_87 = arith.constant 0 : i32
      %dma_start3A_88 = arith.constant 0 : i32
      %dma_start3A_89 = tpu.memref_slice %arg8[%dma_start3A_87, %dma_start3A_88] : memref<10112x16xf32, #tpu.memory_space<vmem_shared>> -> memref<10112x16xf32, #tpu.memory_space<vmem_shared>>
      tpu.enqueue_indirect_dma source(%arg7 : memref<128x16xf32, #tpu.memory_space<vmem>>) target(%dma_start3A_89 : memref<10112x16xf32, #tpu.memory_space<vmem_shared>>) offsets(%dma_start3A_86 : memref<128xi32, #tpu.memory_space<vmem>>) semaphore(%arg15 : memref<!tpu.dma_semaphore, #tpu.memory_space<semaphore_mem>>) {add = true}
      %mul3A_90 = arith.constant 10 : i32
      %mul3A_91 = arith.muli %scan3A_20, %mul3A_90 : i32
      %add3A_92 = arith.constant 7 : i32
      %add3A_93 = arith.addi %mul3A_91, %add3A_92 : i32
      %dma_start3A_94 = arith.constant 0 : i32
      %dma_start3A_95 = tpu.memref_slice %arg6[%add3A_93, %dma_start3A_94] : memref<80x128xi32, #tpu.memory_space<vmem>> -> memref<1x128xi32, #tpu.memory_space<vmem>>
      %dma_start3A_96 = tpu.memref_squeeze %dma_start3A_95 : memref<1x128xi32, #tpu.memory_space<vmem>> -> memref<128xi32, #tpu.memory_space<vmem>>
      %dma_start3A_97 = arith.constant 0 : i32
      %dma_start3A_98 = arith.constant 0 : i32
      %dma_start3A_99 = tpu.memref_slice %arg8[%dma_start3A_97, %dma_start3A_98] : memref<10112x16xf32, #tpu.memory_space<vmem_shared>> -> memref<10112x16xf32, #tpu.memory_space<vmem_shared>>
      tpu.enqueue_indirect_dma source(%arg7 : memref<128x16xf32, #tpu.memory_space<vmem>>) target(%dma_start3A_99 : memref<10112x16xf32, #tpu.memory_space<vmem_shared>>) offsets(%dma_start3A_96 : memref<128xi32, #tpu.memory_space<vmem>>) semaphore(%arg16 : memref<!tpu.dma_semaphore, #tpu.memory_space<semaphore_mem>>) {add = true}
      %mul3A_100 = arith.constant 10 : i32
      %mul3A_101 = arith.muli %scan3A_20, %mul3A_100 : i32
      %add3A_102 = arith.constant 8 : i32
      %add3A_103 = arith.addi %mul3A_101, %add3A_102 : i32
      %dma_start3A_104 = arith.constant 0 : i32
      %dma_start3A_105 = tpu.memref_slice %arg6[%add3A_103, %dma_start3A_104] : memref<80x128xi32, #tpu.memory_space<vmem>> -> memref<1x128xi32, #tpu.memory_space<vmem>>
      %dma_start3A_106 = tpu.memref_squeeze %dma_start3A_105 : memref<1x128xi32, #tpu.memory_space<vmem>> -> memref<128xi32, #tpu.memory_space<vmem>>
      %dma_start3A_107 = arith.constant 0 : i32
      %dma_start3A_108 = arith.constant 0 : i32
      %dma_start3A_109 = tpu.memref_slice %arg8[%dma_start3A_107, %dma_start3A_108] : memref<10112x16xf32, #tpu.memory_space<vmem_shared>> -> memref<10112x16xf32, #tpu.memory_space<vmem_shared>>
      tpu.enqueue_indirect_dma source(%arg7 : memref<128x16xf32, #tpu.memory_space<vmem>>) target(%dma_start3A_109 : memref<10112x16xf32, #tpu.memory_space<vmem_shared>>) offsets(%dma_start3A_106 : memref<128xi32, #tpu.memory_space<vmem>>) semaphore(%arg17 : memref<!tpu.dma_semaphore, #tpu.memory_space<semaphore_mem>>) {add = true}
      %mul3A_110 = arith.constant 10 : i32
      %mul3A_111 = arith.muli %scan3A_20, %mul3A_110 : i32
      %add3A_112 = arith.constant 9 : i32
      %add3A_113 = arith.addi %mul3A_111, %add3A_112 : i32
      %dma_start3A_114 = arith.constant 0 : i32
      %dma_start3A_115 = tpu.memref_slice %arg6[%add3A_113, %dma_start3A_114] : memref<80x128xi32, #tpu.memory_space<vmem>> -> memref<1x128xi32, #tpu.memory_space<vmem>>
      %dma_start3A_116 = tpu.memref_squeeze %dma_start3A_115 : memref<1x128xi32, #tpu.memory_space<vmem>> -> memref<128xi32, #tpu.memory_space<vmem>>
      %dma_start3A_117 = arith.constant 0 : i32
      %dma_start3A_118 = arith.constant 0 : i32
      %dma_start3A_119 = tpu.memref_slice %arg8[%dma_start3A_117, %dma_start3A_118] : memref<10112x16xf32, #tpu.memory_space<vmem_shared>> -> memref<10112x16xf32, #tpu.memory_space<vmem_shared>>
      tpu.enqueue_indirect_dma source(%arg7 : memref<128x16xf32, #tpu.memory_space<vmem>>) target(%dma_start3A_119 : memref<10112x16xf32, #tpu.memory_space<vmem_shared>>) offsets(%dma_start3A_116 : memref<128xi32, #tpu.memory_space<vmem>>) semaphore(%arg18 : memref<!tpu.dma_semaphore, #tpu.memory_space<semaphore_mem>>) {add = true}
      %dma_wait3A = arith.constant 0 : i32
      %dma_wait3A_120 = arith.constant 0 : i32
      %dma_wait3A_121 = tpu.memref_slice %arg6[%dma_wait3A, %dma_wait3A_120] : memref<80x128xi32, #tpu.memory_space<vmem>> -> memref<1x128xi32, #tpu.memory_space<vmem>>
      %dma_wait3A_122 = tpu.memref_squeeze %dma_wait3A_121 : memref<1x128xi32, #tpu.memory_space<vmem>> -> memref<128xi32, #tpu.memory_space<vmem>>
      %dma_wait3A_123 = arith.constant 0 : i32
      %dma_wait3A_124 = arith.constant 0 : i32
      %dma_wait3A_125 = tpu.memref_slice %arg8[%dma_wait3A_123, %dma_wait3A_124] : memref<10112x16xf32, #tpu.memory_space<vmem_shared>> -> memref<10112x16xf32, #tpu.memory_space<vmem_shared>>
      tpu.wait_indirect_dma semaphore(%arg9 : memref<!tpu.dma_semaphore, #tpu.memory_space<semaphore_mem>>) src(%arg7 : memref<128x16xf32, #tpu.memory_space<vmem>>) dst(%dma_wait3A_125 : memref<10112x16xf32, #tpu.memory_space<vmem_shared>>)
      %dma_wait3A_126 = arith.constant 1 : i32
      %dma_wait3A_127 = arith.constant 0 : i32
      %dma_wait3A_128 = tpu.memref_slice %arg6[%dma_wait3A_126, %dma_wait3A_127] : memref<80x128xi32, #tpu.memory_space<vmem>> -> memref<1x128xi32, #tpu.memory_space<vmem>>
      %dma_wait3A_129 = tpu.memref_squeeze %dma_wait3A_128 : memref<1x128xi32, #tpu.memory_space<vmem>> -> memref<128xi32, #tpu.memory_space<vmem>>
      %dma_wait3A_130 = arith.constant 0 : i32
      %dma_wait3A_131 = arith.constant 0 : i32
      %dma_wait3A_132 = tpu.memref_slice %arg8[%dma_wait3A_130, %dma_wait3A_131] : memref<10112x16xf32, #tpu.memory_space<vmem_shared>> -> memref<10112x16xf32, #tpu.memory_space<vmem_shared>>
      tpu.wait_indirect_dma semaphore(%arg10 : memref<!tpu.dma_semaphore, #tpu.memory_space<semaphore_mem>>) src(%arg7 : memref<128x16xf32, #tpu.memory_space<vmem>>) dst(%dma_wait3A_132 : memref<10112x16xf32, #tpu.memory_space<vmem_shared>>)
      %dma_wait3A_133 = arith.constant 2 : i32
      %dma_wait3A_134 = arith.constant 0 : i32
      %dma_wait3A_135 = tpu.memref_slice %arg6[%dma_wait3A_133, %dma_wait3A_134] : memref<80x128xi32, #tpu.memory_space<vmem>> -> memref<1x128xi32, #tpu.memory_space<vmem>>
      %dma_wait3A_136 = tpu.memref_squeeze %dma_wait3A_135 : memref<1x128xi32, #tpu.memory_space<vmem>> -> memref<128xi32, #tpu.memory_space<vmem>>
      %dma_wait3A_137 = arith.constant 0 : i32
      %dma_wait3A_138 = arith.constant 0 : i32
      %dma_wait3A_139 = tpu.memref_slice %arg8[%dma_wait3A_137, %dma_wait3A_138] : memref<10112x16xf32, #tpu.memory_space<vmem_shared>> -> memref<10112x16xf32, #tpu.memory_space<vmem_shared>>
      tpu.wait_indirect_dma semaphore(%arg11 : memref<!tpu.dma_semaphore, #tpu.memory_space<semaphore_mem>>) src(%arg7 : memref<128x16xf32, #tpu.memory_space<vmem>>) dst(%dma_wait3A_139 : memref<10112x16xf32, #tpu.memory_space<vmem_shared>>)
      %dma_wait3A_140 = arith.constant 3 : i32
      %dma_wait3A_141 = arith.constant 0 : i32
      %dma_wait3A_142 = tpu.memref_slice %arg6[%dma_wait3A_140, %dma_wait3A_141] : memref<80x128xi32, #tpu.memory_space<vmem>> -> memref<1x128xi32, #tpu.memory_space<vmem>>
      %dma_wait3A_143 = tpu.memref_squeeze %dma_wait3A_142 : memref<1x128xi32, #tpu.memory_space<vmem>> -> memref<128xi32, #tpu.memory_space<vmem>>
      %dma_wait3A_144 = arith.constant 0 : i32
      %dma_wait3A_145 = arith.constant 0 : i32
      %dma_wait3A_146 = tpu.memref_slice %arg8[%dma_wait3A_144, %dma_wait3A_145] : memref<10112x16xf32, #tpu.memory_space<vmem_shared>> -> memref<10112x16xf32, #tpu.memory_space<vmem_shared>>
      tpu.wait_indirect_dma semaphore(%arg12 : memref<!tpu.dma_semaphore, #tpu.memory_space<semaphore_mem>>) src(%arg7 : memref<128x16xf32, #tpu.memory_space<vmem>>) dst(%dma_wait3A_146 : memref<10112x16xf32, #tpu.memory_space<vmem_shared>>)
      %dma_wait3A_147 = arith.constant 4 : i32
      %dma_wait3A_148 = arith.constant 0 : i32
      %dma_wait3A_149 = tpu.memref_slice %arg6[%dma_wait3A_147, %dma_wait3A_148] : memref<80x128xi32, #tpu.memory_space<vmem>> -> memref<1x128xi32, #tpu.memory_space<vmem>>
      %dma_wait3A_150 = tpu.memref_squeeze %dma_wait3A_149 : memref<1x128xi32, #tpu.memory_space<vmem>> -> memref<128xi32, #tpu.memory_space<vmem>>
      %dma_wait3A_151 = arith.constant 0 : i32
      %dma_wait3A_152 = arith.constant 0 : i32
      %dma_wait3A_153 = tpu.memref_slice %arg8[%dma_wait3A_151, %dma_wait3A_152] : memref<10112x16xf32, #tpu.memory_space<vmem_shared>> -> memref<10112x16xf32, #tpu.memory_space<vmem_shared>>
      tpu.wait_indirect_dma semaphore(%arg13 : memref<!tpu.dma_semaphore, #tpu.memory_space<semaphore_mem>>) src(%arg7 : memref<128x16xf32, #tpu.memory_space<vmem>>) dst(%dma_wait3A_153 : memref<10112x16xf32, #tpu.memory_space<vmem_shared>>)
      %dma_wait3A_154 = arith.constant 5 : i32
      %dma_wait3A_155 = arith.constant 0 : i32
      %dma_wait3A_156 = tpu.memref_slice %arg6[%dma_wait3A_154, %dma_wait3A_155] : memref<80x128xi32, #tpu.memory_space<vmem>> -> memref<1x128xi32, #tpu.memory_space<vmem>>
      %dma_wait3A_157 = tpu.memref_squeeze %dma_wait3A_156 : memref<1x128xi32, #tpu.memory_space<vmem>> -> memref<128xi32, #tpu.memory_space<vmem>>
      %dma_wait3A_158 = arith.constant 0 : i32
      %dma_wait3A_159 = arith.constant 0 : i32
      %dma_wait3A_160 = tpu.memref_slice %arg8[%dma_wait3A_158, %dma_wait3A_159] : memref<10112x16xf32, #tpu.memory_space<vmem_shared>> -> memref<10112x16xf32, #tpu.memory_space<vmem_shared>>
      tpu.wait_indirect_dma semaphore(%arg14 : memref<!tpu.dma_semaphore, #tpu.memory_space<semaphore_mem>>) src(%arg7 : memref<128x16xf32, #tpu.memory_space<vmem>>) dst(%dma_wait3A_160 : memref<10112x16xf32, #tpu.memory_space<vmem_shared>>)
      %dma_wait3A_161 = arith.constant 6 : i32
      %dma_wait3A_162 = arith.constant 0 : i32
      %dma_wait3A_163 = tpu.memref_slice %arg6[%dma_wait3A_161, %dma_wait3A_162] : memref<80x128xi32, #tpu.memory_space<vmem>> -> memref<1x128xi32, #tpu.memory_space<vmem>>
      %dma_wait3A_164 = tpu.memref_squeeze %dma_wait3A_163 : memref<1x128xi32, #tpu.memory_space<vmem>> -> memref<128xi32, #tpu.memory_space<vmem>>
      %dma_wait3A_165 = arith.constant 0 : i32
      %dma_wait3A_166 = arith.constant 0 : i32
      %dma_wait3A_167 = tpu.memref_slice %arg8[%dma_wait3A_165, %dma_wait3A_166] : memref<10112x16xf32, #tpu.memory_space<vmem_shared>> -> memref<10112x16xf32, #tpu.memory_space<vmem_shared>>
      tpu.wait_indirect_dma semaphore(%arg15 : memref<!tpu.dma_semaphore, #tpu.memory_space<semaphore_mem>>) src(%arg7 : memref<128x16xf32, #tpu.memory_space<vmem>>) dst(%dma_wait3A_167 : memref<10112x16xf32, #tpu.memory_space<vmem_shared>>)
      %dma_wait3A_168 = arith.constant 7 : i32
      %dma_wait3A_169 = arith.constant 0 : i32
      %dma_wait3A_170 = tpu.memref_slice %arg6[%dma_wait3A_168, %dma_wait3A_169] : memref<80x128xi32, #tpu.memory_space<vmem>> -> memref<1x128xi32, #tpu.memory_space<vmem>>
      %dma_wait3A_171 = tpu.memref_squeeze %dma_wait3A_170 : memref<1x128xi32, #tpu.memory_space<vmem>> -> memref<128xi32, #tpu.memory_space<vmem>>
      %dma_wait3A_172 = arith.constant 0 : i32
      %dma_wait3A_173 = arith.constant 0 : i32
      %dma_wait3A_174 = tpu.memref_slice %arg8[%dma_wait3A_172, %dma_wait3A_173] : memref<10112x16xf32, #tpu.memory_space<vmem_shared>> -> memref<10112x16xf32, #tpu.memory_space<vmem_shared>>
      tpu.wait_indirect_dma semaphore(%arg16 : memref<!tpu.dma_semaphore, #tpu.memory_space<semaphore_mem>>) src(%arg7 : memref<128x16xf32, #tpu.memory_space<vmem>>) dst(%dma_wait3A_174 : memref<10112x16xf32, #tpu.memory_space<vmem_shared>>)
      %dma_wait3A_175 = arith.constant 8 : i32
      %dma_wait3A_176 = arith.constant 0 : i32
      %dma_wait3A_177 = tpu.memref_slice %arg6[%dma_wait3A_175, %dma_wait3A_176] : memref<80x128xi32, #tpu.memory_space<vmem>> -> memref<1x128xi32, #tpu.memory_space<vmem>>
      %dma_wait3A_178 = tpu.memref_squeeze %dma_wait3A_177 : memref<1x128xi32, #tpu.memory_space<vmem>> -> memref<128xi32, #tpu.memory_space<vmem>>
      %dma_wait3A_179 = arith.constant 0 : i32
      %dma_wait3A_180 = arith.constant 0 : i32
      %dma_wait3A_181 = tpu.memref_slice %arg8[%dma_wait3A_179, %dma_wait3A_180] : memref<10112x16xf32, #tpu.memory_space<vmem_shared>> -> memref<10112x16xf32, #tpu.memory_space<vmem_shared>>
      tpu.wait_indirect_dma semaphore(%arg17 : memref<!tpu.dma_semaphore, #tpu.memory_space<semaphore_mem>>) src(%arg7 : memref<128x16xf32, #tpu.memory_space<vmem>>) dst(%dma_wait3A_181 : memref<10112x16xf32, #tpu.memory_space<vmem_shared>>)
      %dma_wait3A_182 = arith.constant 9 : i32
      %dma_wait3A_183 = arith.constant 0 : i32
      %dma_wait3A_184 = tpu.memref_slice %arg6[%dma_wait3A_182, %dma_wait3A_183] : memref<80x128xi32, #tpu.memory_space<vmem>> -> memref<1x128xi32, #tpu.memory_space<vmem>>
      %dma_wait3A_185 = tpu.memref_squeeze %dma_wait3A_184 : memref<1x128xi32, #tpu.memory_space<vmem>> -> memref<128xi32, #tpu.memory_space<vmem>>
      %dma_wait3A_186 = arith.constant 0 : i32
      %dma_wait3A_187 = arith.constant 0 : i32
      %dma_wait3A_188 = tpu.memref_slice %arg8[%dma_wait3A_186, %dma_wait3A_187] : memref<10112x16xf32, #tpu.memory_space<vmem_shared>> -> memref<10112x16xf32, #tpu.memory_space<vmem_shared>>
      tpu.wait_indirect_dma semaphore(%arg18 : memref<!tpu.dma_semaphore, #tpu.memory_space<semaphore_mem>>) src(%arg7 : memref<128x16xf32, #tpu.memory_space<vmem>>) dst(%dma_wait3A_188 : memref<10112x16xf32, #tpu.memory_space<vmem_shared>>)
    }
    %scan3A_11 = arith.constant 8 : i32
    %barrier3A_12 = arith.constant 0 : index
    tpu.barrier barrier_id(%barrier3A_12)
    %mul3A_13 = arith.constant 632 : i32
    %mul3A_14 = arith.muli %arg1, %mul3A_13 : i32
    %mul3A_15 = arith.constant 10112 : i32
    %mul3A_16 = arith.muli %arg0, %mul3A_15 : i32
    %mul3A_17 = arith.constant 632 : i32
    %mul3A_18 = arith.muli %arg1, %mul3A_17 : i32
    %add3A_19 = arith.addi %mul3A_16, %mul3A_18 : i32
    "tpu.region"() ({
      %run_scoped3A = tpu.sem_alloc : memref<!tpu.dma_semaphore, #tpu.memory_space<semaphore_mem>>
      %dma_start3A = arith.constant 0 : i32
      %dma_start3A_20 = tpu.memref_slice %arg5[%add3A_19, %dma_start3A] : memref<20224x16xf32, #tpu.memory_space<hbm>> -> memref<632x16xf32, #tpu.memory_space<hbm>>
      %dma_start3A_21 = arith.constant 0 : i32
      %dma_start3A_22 = tpu.memref_slice %arg8[%mul3A_14, %dma_start3A_21] : memref<10112x16xf32, #tpu.memory_space<vmem_shared>> -> memref<632x16xf32, #tpu.memory_space<vmem_shared>>
      tpu.enqueue_dma source(%dma_start3A_22 : memref<632x16xf32, #tpu.memory_space<vmem_shared>>) target(%dma_start3A_20 : memref<632x16xf32, #tpu.memory_space<hbm>>) target_semaphore(%run_scoped3A : memref<!tpu.dma_semaphore, #tpu.memory_space<semaphore_mem>>)
      %dma_wait3A = arith.constant 0 : i32
      %dma_wait3A_23 = tpu.memref_slice %arg5[%add3A_19, %dma_wait3A] : memref<20224x16xf32, #tpu.memory_space<hbm>> -> memref<632x16xf32, #tpu.memory_space<hbm>>
      %dma_wait3A_24 = arith.constant 0 : i32
      %dma_wait3A_25 = tpu.memref_slice %arg8[%mul3A_14, %dma_wait3A_24] : memref<10112x16xf32, #tpu.memory_space<vmem_shared>> -> memref<632x16xf32, #tpu.memory_space<vmem_shared>>
      tpu.wait_dma2 semaphore(%run_scoped3A : memref<!tpu.dma_semaphore, #tpu.memory_space<semaphore_mem>>) src(%dma_wait3A_25 : memref<632x16xf32, #tpu.memory_space<vmem_shared>>) dst(%dma_wait3A_23 : memref<632x16xf32, #tpu.memory_space<hbm>>)
      tpu.yield
    }) : () -> ()
    return
  }
}

#map = affine_map<(d0, d1) -> (0, 0)>
module attributes {stable_mosaic.version = 14 : i64} {
  func.func @_sc_segsum(%arg0: i32, %arg1: i32, %arg2: memref<20224x32xf32, #tpu.memory_space<hbm>>, %arg3: memref<2560x128xi32, #tpu.memory_space<hbm>>, %arg4: memref<2560x128xi32, #tpu.memory_space<hbm>>, %arg5: memref<20224x32xf32, #tpu.memory_space<hbm>>, %arg6: memref<160x128xi32, #tpu.memory_space<vmem>>, %arg7: memref<160x128xi32, #tpu.memory_space<vmem>>, %arg8: memref<10x128x32xf32, #tpu.memory_space<vmem>>, %arg9: memref<10112x32xf32, #tpu.memory_space<vmem_shared>>, %arg10: memref<10112x32xf32, #tpu.memory_space<vmem_shared>>, %arg11: memref<!tpu.dma_semaphore, #tpu.memory_space<semaphore_mem>>, %arg12: memref<!tpu.dma_semaphore, #tpu.memory_space<semaphore_mem>>, %arg13: memref<!tpu.dma_semaphore, #tpu.memory_space<semaphore_mem>>, %arg14: memref<!tpu.dma_semaphore, #tpu.memory_space<semaphore_mem>>, %arg15: memref<!tpu.dma_semaphore, #tpu.memory_space<semaphore_mem>>, %arg16: memref<!tpu.dma_semaphore, #tpu.memory_space<semaphore_mem>>, %arg17: memref<!tpu.dma_semaphore, #tpu.memory_space<semaphore_mem>>, %arg18: memref<!tpu.dma_semaphore, #tpu.memory_space<semaphore_mem>>, %arg19: memref<!tpu.dma_semaphore, #tpu.memory_space<semaphore_mem>>, %arg20: memref<!tpu.dma_semaphore, #tpu.memory_space<semaphore_mem>>, %arg21: memref<!tpu.dma_semaphore, #tpu.memory_space<semaphore_mem>>, %arg22: memref<!tpu.dma_semaphore, #tpu.memory_space<semaphore_mem>>, %arg23: memref<!tpu.dma_semaphore, #tpu.memory_space<semaphore_mem>>, %arg24: memref<!tpu.dma_semaphore, #tpu.memory_space<semaphore_mem>>, %arg25: memref<!tpu.dma_semaphore, #tpu.memory_space<semaphore_mem>>, %arg26: memref<!tpu.dma_semaphore, #tpu.memory_space<semaphore_mem>>, %arg27: memref<!tpu.dma_semaphore, #tpu.memory_space<semaphore_mem>>, %arg28: memref<!tpu.dma_semaphore, #tpu.memory_space<semaphore_mem>>, %arg29: memref<!tpu.dma_semaphore, #tpu.memory_space<semaphore_mem>>, %arg30: memref<!tpu.dma_semaphore, #tpu.memory_space<semaphore_mem>>) attributes {dimension_semantics = [#tpu.dimension_semantics<core_parallel>, #tpu.dimension_semantics<subcore_parallel>], iteration_bounds = array<i64: 2, 16>, scalar_prefetch = 0 : i64, scratch_operands = 25 : i64, tpu.core_type = #tpu.core_type<sc_vector_subcore>, window_params = [{transform_indices = #map}, {transform_indices = #map}, {transform_indices = #map}, {transform_indices = #map}]} {
    %mul3A = arith.constant 160 : i32
    %mul3A_0 = arith.muli %arg1, %mul3A : i32
    "tpu.region"() ({
      %run_scoped3A = tpu.sem_alloc : memref<!tpu.dma_semaphore, #tpu.memory_space<semaphore_mem>>
      %dma_start3A_148 = arith.constant 0 : i32
      %dma_start3A_149 = tpu.memref_slice %arg3[%mul3A_0, %dma_start3A_148] : memref<2560x128xi32, #tpu.memory_space<hbm>> -> memref<160x128xi32, #tpu.memory_space<hbm>>
      %dma_start3A_150 = arith.constant 0 : i32
      %dma_start3A_151 = tpu.memref_slice %arg3[%mul3A_0, %dma_start3A_150] : memref<2560x128xi32, #tpu.memory_space<hbm>> -> memref<160x128xi32, #tpu.memory_space<hbm>>
      tpu.enqueue_dma source(%dma_start3A_151 : memref<160x128xi32, #tpu.memory_space<hbm>>) target(%arg6 : memref<160x128xi32, #tpu.memory_space<vmem>>) target_semaphore(%run_scoped3A : memref<!tpu.dma_semaphore, #tpu.memory_space<semaphore_mem>>)
      %dma_wait3A = arith.constant 0 : i32
      %dma_wait3A_152 = tpu.memref_slice %arg3[%mul3A_0, %dma_wait3A] : memref<2560x128xi32, #tpu.memory_space<hbm>> -> memref<160x128xi32, #tpu.memory_space<hbm>>
      %dma_wait3A_153 = arith.constant 0 : i32
      %dma_wait3A_154 = tpu.memref_slice %arg3[%mul3A_0, %dma_wait3A_153] : memref<2560x128xi32, #tpu.memory_space<hbm>> -> memref<160x128xi32, #tpu.memory_space<hbm>>
      tpu.wait_dma2 semaphore(%run_scoped3A : memref<!tpu.dma_semaphore, #tpu.memory_space<semaphore_mem>>) src(%dma_wait3A_154 : memref<160x128xi32, #tpu.memory_space<hbm>>) dst(%arg6 : memref<160x128xi32, #tpu.memory_space<vmem>>)
      tpu.yield
    }) : () -> ()
    %mul3A_1 = arith.constant 160 : i32
    %mul3A_2 = arith.muli %arg1, %mul3A_1 : i32
    "tpu.region"() ({
      %run_scoped3A = tpu.sem_alloc : memref<!tpu.dma_semaphore, #tpu.memory_space<semaphore_mem>>
      %dma_start3A_148 = arith.constant 0 : i32
      %dma_start3A_149 = tpu.memref_slice %arg4[%mul3A_2, %dma_start3A_148] : memref<2560x128xi32, #tpu.memory_space<hbm>> -> memref<160x128xi32, #tpu.memory_space<hbm>>
      %dma_start3A_150 = arith.constant 0 : i32
      %dma_start3A_151 = tpu.memref_slice %arg4[%mul3A_2, %dma_start3A_150] : memref<2560x128xi32, #tpu.memory_space<hbm>> -> memref<160x128xi32, #tpu.memory_space<hbm>>
      tpu.enqueue_dma source(%dma_start3A_151 : memref<160x128xi32, #tpu.memory_space<hbm>>) target(%arg7 : memref<160x128xi32, #tpu.memory_space<vmem>>) target_semaphore(%run_scoped3A : memref<!tpu.dma_semaphore, #tpu.memory_space<semaphore_mem>>)
      %dma_wait3A = arith.constant 0 : i32
      %dma_wait3A_152 = tpu.memref_slice %arg4[%mul3A_2, %dma_wait3A] : memref<2560x128xi32, #tpu.memory_space<hbm>> -> memref<160x128xi32, #tpu.memory_space<hbm>>
      %dma_wait3A_153 = arith.constant 0 : i32
      %dma_wait3A_154 = tpu.memref_slice %arg4[%mul3A_2, %dma_wait3A_153] : memref<2560x128xi32, #tpu.memory_space<hbm>> -> memref<160x128xi32, #tpu.memory_space<hbm>>
      tpu.wait_dma2 semaphore(%run_scoped3A : memref<!tpu.dma_semaphore, #tpu.memory_space<semaphore_mem>>) src(%dma_wait3A_154 : memref<160x128xi32, #tpu.memory_space<hbm>>) dst(%arg7 : memref<160x128xi32, #tpu.memory_space<vmem>>)
      tpu.yield
    }) : () -> ()
    %mul3A_3 = arith.constant 10112 : i32
    %mul3A_4 = arith.muli %arg0, %mul3A_3 : i32
    %mul3A_5 = arith.constant 632 : i32
    %mul3A_6 = arith.muli %arg1, %mul3A_5 : i32
    %add3A = arith.addi %mul3A_4, %mul3A_6 : i32
    %mul3A_7 = arith.constant 632 : i32
    %mul3A_8 = arith.muli %arg1, %mul3A_7 : i32
    "tpu.region"() ({
      %run_scoped3A = tpu.sem_alloc : memref<!tpu.dma_semaphore, #tpu.memory_space<semaphore_mem>>
      %dma_start3A_148 = arith.constant 0 : i32
      %dma_start3A_149 = tpu.memref_slice %arg9[%mul3A_8, %dma_start3A_148] : memref<10112x32xf32, #tpu.memory_space<vmem_shared>> -> memref<632x32xf32, #tpu.memory_space<vmem_shared>>
      %dma_start3A_150 = arith.constant 0 : i32
      %dma_start3A_151 = tpu.memref_slice %arg2[%add3A, %dma_start3A_150] : memref<20224x32xf32, #tpu.memory_space<hbm>> -> memref<632x32xf32, #tpu.memory_space<hbm>>
      tpu.enqueue_dma source(%dma_start3A_151 : memref<632x32xf32, #tpu.memory_space<hbm>>) target(%dma_start3A_149 : memref<632x32xf32, #tpu.memory_space<vmem_shared>>) target_semaphore(%run_scoped3A : memref<!tpu.dma_semaphore, #tpu.memory_space<semaphore_mem>>)
      %dma_wait3A = arith.constant 0 : i32
      %dma_wait3A_152 = tpu.memref_slice %arg9[%mul3A_8, %dma_wait3A] : memref<10112x32xf32, #tpu.memory_space<vmem_shared>> -> memref<632x32xf32, #tpu.memory_space<vmem_shared>>
      %dma_wait3A_153 = arith.constant 0 : i32
      %dma_wait3A_154 = tpu.memref_slice %arg2[%add3A, %dma_wait3A_153] : memref<20224x32xf32, #tpu.memory_space<hbm>> -> memref<632x32xf32, #tpu.memory_space<hbm>>
      tpu.wait_dma2 semaphore(%run_scoped3A : memref<!tpu.dma_semaphore, #tpu.memory_space<semaphore_mem>>) src(%dma_wait3A_154 : memref<632x32xf32, #tpu.memory_space<hbm>>) dst(%dma_wait3A_152 : memref<632x32xf32, #tpu.memory_space<vmem_shared>>)
      tpu.yield
    }) : () -> ()
    %mul3A_9 = arith.constant 10112 : i32
    %mul3A_10 = arith.muli %arg0, %mul3A_9 : i32
    %mul3A_11 = arith.constant 632 : i32
    %mul3A_12 = arith.muli %arg1, %mul3A_11 : i32
    %add3A_13 = arith.addi %mul3A_10, %mul3A_12 : i32
    %mul3A_14 = arith.constant 632 : i32
    %mul3A_15 = arith.muli %arg1, %mul3A_14 : i32
    "tpu.region"() ({
      %run_scoped3A = tpu.sem_alloc : memref<!tpu.dma_semaphore, #tpu.memory_space<semaphore_mem>>
      %dma_start3A_148 = arith.constant 0 : i32
      %dma_start3A_149 = tpu.memref_slice %arg10[%mul3A_15, %dma_start3A_148] : memref<10112x32xf32, #tpu.memory_space<vmem_shared>> -> memref<632x32xf32, #tpu.memory_space<vmem_shared>>
      %dma_start3A_150 = arith.constant 0 : i32
      %dma_start3A_151 = tpu.memref_slice %arg2[%add3A_13, %dma_start3A_150] : memref<20224x32xf32, #tpu.memory_space<hbm>> -> memref<632x32xf32, #tpu.memory_space<hbm>>
      tpu.enqueue_dma source(%dma_start3A_151 : memref<632x32xf32, #tpu.memory_space<hbm>>) target(%dma_start3A_149 : memref<632x32xf32, #tpu.memory_space<vmem_shared>>) target_semaphore(%run_scoped3A : memref<!tpu.dma_semaphore, #tpu.memory_space<semaphore_mem>>)
      %dma_wait3A = arith.constant 0 : i32
      %dma_wait3A_152 = tpu.memref_slice %arg10[%mul3A_15, %dma_wait3A] : memref<10112x32xf32, #tpu.memory_space<vmem_shared>> -> memref<632x32xf32, #tpu.memory_space<vmem_shared>>
      %dma_wait3A_153 = arith.constant 0 : i32
      %dma_wait3A_154 = tpu.memref_slice %arg2[%add3A_13, %dma_wait3A_153] : memref<20224x32xf32, #tpu.memory_space<hbm>> -> memref<632x32xf32, #tpu.memory_space<hbm>>
      tpu.wait_dma2 semaphore(%run_scoped3A : memref<!tpu.dma_semaphore, #tpu.memory_space<semaphore_mem>>) src(%dma_wait3A_154 : memref<632x32xf32, #tpu.memory_space<hbm>>) dst(%dma_wait3A_152 : memref<632x32xf32, #tpu.memory_space<vmem_shared>>)
      tpu.yield
    }) : () -> ()
    %barrier3A = arith.constant 0 : index
    tpu.barrier barrier_id(%barrier3A)
    %dma_start3A = arith.constant 0 : i32
    %dma_start3A_16 = arith.constant 0 : i32
    %dma_start3A_17 = arith.constant 0 : i32
    %dma_start3A_18 = arith.constant 0 : i32
    %dma_start3A_19 = tpu.memref_slice %arg8[%dma_start3A_16, %dma_start3A_17, %dma_start3A_18] : memref<10x128x32xf32, #tpu.memory_space<vmem>> -> memref<1x128x32xf32, #tpu.memory_space<vmem>>
    %dma_start3A_20 = tpu.memref_squeeze %dma_start3A_19 : memref<1x128x32xf32, #tpu.memory_space<vmem>> -> memref<128x32xf32, #tpu.memory_space<vmem>>
    %dma_start3A_21 = arith.constant 0 : i32
    %dma_start3A_22 = tpu.memref_slice %arg6[%dma_start3A, %dma_start3A_21] : memref<160x128xi32, #tpu.memory_space<vmem>> -> memref<1x128xi32, #tpu.memory_space<vmem>>
    %dma_start3A_23 = tpu.memref_squeeze %dma_start3A_22 : memref<1x128xi32, #tpu.memory_space<vmem>> -> memref<128xi32, #tpu.memory_space<vmem>>
    %dma_start3A_24 = arith.constant 0 : i32
    %dma_start3A_25 = arith.constant 0 : i32
    %dma_start3A_26 = tpu.memref_slice %arg10[%dma_start3A_24, %dma_start3A_25] : memref<10112x32xf32, #tpu.memory_space<vmem_shared>> -> memref<10112x32xf32, #tpu.memory_space<vmem_shared>>
    tpu.enqueue_indirect_dma source(%dma_start3A_26 : memref<10112x32xf32, #tpu.memory_space<vmem_shared>>) target(%dma_start3A_20 : memref<128x32xf32, #tpu.memory_space<vmem>>) offsets(%dma_start3A_23 : memref<128xi32, #tpu.memory_space<vmem>>) semaphore(%arg11 : memref<!tpu.dma_semaphore, #tpu.memory_space<semaphore_mem>>)
    %dma_start3A_27 = arith.constant 1 : i32
    %dma_start3A_28 = arith.constant 1 : i32
    %dma_start3A_29 = arith.constant 0 : i32
    %dma_start3A_30 = arith.constant 0 : i32
    %dma_start3A_31 = tpu.memref_slice %arg8[%dma_start3A_28, %dma_start3A_29, %dma_start3A_30] : memref<10x128x32xf32, #tpu.memory_space<vmem>> -> memref<1x128x32xf32, #tpu.memory_space<vmem>>
    %dma_start3A_32 = tpu.memref_squeeze %dma_start3A_31 : memref<1x128x32xf32, #tpu.memory_space<vmem>> -> memref<128x32xf32, #tpu.memory_space<vmem>>
    %dma_start3A_33 = arith.constant 0 : i32
    %dma_start3A_34 = tpu.memref_slice %arg6[%dma_start3A_27, %dma_start3A_33] : memref<160x128xi32, #tpu.memory_space<vmem>> -> memref<1x128xi32, #tpu.memory_space<vmem>>
    %dma_start3A_35 = tpu.memref_squeeze %dma_start3A_34 : memref<1x128xi32, #tpu.memory_space<vmem>> -> memref<128xi32, #tpu.memory_space<vmem>>
    %dma_start3A_36 = arith.constant 0 : i32
    %dma_start3A_37 = arith.constant 0 : i32
    %dma_start3A_38 = tpu.memref_slice %arg10[%dma_start3A_36, %dma_start3A_37] : memref<10112x32xf32, #tpu.memory_space<vmem_shared>> -> memref<10112x32xf32, #tpu.memory_space<vmem_shared>>
    tpu.enqueue_indirect_dma source(%dma_start3A_38 : memref<10112x32xf32, #tpu.memory_space<vmem_shared>>) target(%dma_start3A_32 : memref<128x32xf32, #tpu.memory_space<vmem>>) offsets(%dma_start3A_35 : memref<128xi32, #tpu.memory_space<vmem>>) semaphore(%arg12 : memref<!tpu.dma_semaphore, #tpu.memory_space<semaphore_mem>>)
    %dma_start3A_39 = arith.constant 2 : i32
    %dma_start3A_40 = arith.constant 2 : i32
    %dma_start3A_41 = arith.constant 0 : i32
    %dma_start3A_42 = arith.constant 0 : i32
    %dma_start3A_43 = tpu.memref_slice %arg8[%dma_start3A_40, %dma_start3A_41, %dma_start3A_42] : memref<10x128x32xf32, #tpu.memory_space<vmem>> -> memref<1x128x32xf32, #tpu.memory_space<vmem>>
    %dma_start3A_44 = tpu.memref_squeeze %dma_start3A_43 : memref<1x128x32xf32, #tpu.memory_space<vmem>> -> memref<128x32xf32, #tpu.memory_space<vmem>>
    %dma_start3A_45 = arith.constant 0 : i32
    %dma_start3A_46 = tpu.memref_slice %arg6[%dma_start3A_39, %dma_start3A_45] : memref<160x128xi32, #tpu.memory_space<vmem>> -> memref<1x128xi32, #tpu.memory_space<vmem>>
    %dma_start3A_47 = tpu.memref_squeeze %dma_start3A_46 : memref<1x128xi32, #tpu.memory_space<vmem>> -> memref<128xi32, #tpu.memory_space<vmem>>
    %dma_start3A_48 = arith.constant 0 : i32
    %dma_start3A_49 = arith.constant 0 : i32
    %dma_start3A_50 = tpu.memref_slice %arg10[%dma_start3A_48, %dma_start3A_49] : memref<10112x32xf32, #tpu.memory_space<vmem_shared>> -> memref<10112x32xf32, #tpu.memory_space<vmem_shared>>
    tpu.enqueue_indirect_dma source(%dma_start3A_50 : memref<10112x32xf32, #tpu.memory_space<vmem_shared>>) target(%dma_start3A_44 : memref<128x32xf32, #tpu.memory_space<vmem>>) offsets(%dma_start3A_47 : memref<128xi32, #tpu.memory_space<vmem>>) semaphore(%arg13 : memref<!tpu.dma_semaphore, #tpu.memory_space<semaphore_mem>>)
    %dma_start3A_51 = arith.constant 3 : i32
    %dma_start3A_52 = arith.constant 3 : i32
    %dma_start3A_53 = arith.constant 0 : i32
    %dma_start3A_54 = arith.constant 0 : i32
    %dma_start3A_55 = tpu.memref_slice %arg8[%dma_start3A_52, %dma_start3A_53, %dma_start3A_54] : memref<10x128x32xf32, #tpu.memory_space<vmem>> -> memref<1x128x32xf32, #tpu.memory_space<vmem>>
    %dma_start3A_56 = tpu.memref_squeeze %dma_start3A_55 : memref<1x128x32xf32, #tpu.memory_space<vmem>> -> memref<128x32xf32, #tpu.memory_space<vmem>>
    %dma_start3A_57 = arith.constant 0 : i32
    %dma_start3A_58 = tpu.memref_slice %arg6[%dma_start3A_51, %dma_start3A_57] : memref<160x128xi32, #tpu.memory_space<vmem>> -> memref<1x128xi32, #tpu.memory_space<vmem>>
    %dma_start3A_59 = tpu.memref_squeeze %dma_start3A_58 : memref<1x128xi32, #tpu.memory_space<vmem>> -> memref<128xi32, #tpu.memory_space<vmem>>
    %dma_start3A_60 = arith.constant 0 : i32
    %dma_start3A_61 = arith.constant 0 : i32
    %dma_start3A_62 = tpu.memref_slice %arg10[%dma_start3A_60, %dma_start3A_61] : memref<10112x32xf32, #tpu.memory_space<vmem_shared>> -> memref<10112x32xf32, #tpu.memory_space<vmem_shared>>
    tpu.enqueue_indirect_dma source(%dma_start3A_62 : memref<10112x32xf32, #tpu.memory_space<vmem_shared>>) target(%dma_start3A_56 : memref<128x32xf32, #tpu.memory_space<vmem>>) offsets(%dma_start3A_59 : memref<128xi32, #tpu.memory_space<vmem>>) semaphore(%arg14 : memref<!tpu.dma_semaphore, #tpu.memory_space<semaphore_mem>>)
    %dma_start3A_63 = arith.constant 4 : i32
    %dma_start3A_64 = arith.constant 4 : i32
    %dma_start3A_65 = arith.constant 0 : i32
    %dma_start3A_66 = arith.constant 0 : i32
    %dma_start3A_67 = tpu.memref_slice %arg8[%dma_start3A_64, %dma_start3A_65, %dma_start3A_66] : memref<10x128x32xf32, #tpu.memory_space<vmem>> -> memref<1x128x32xf32, #tpu.memory_space<vmem>>
    %dma_start3A_68 = tpu.memref_squeeze %dma_start3A_67 : memref<1x128x32xf32, #tpu.memory_space<vmem>> -> memref<128x32xf32, #tpu.memory_space<vmem>>
    %dma_start3A_69 = arith.constant 0 : i32
    %dma_start3A_70 = tpu.memref_slice %arg6[%dma_start3A_63, %dma_start3A_69] : memref<160x128xi32, #tpu.memory_space<vmem>> -> memref<1x128xi32, #tpu.memory_space<vmem>>
    %dma_start3A_71 = tpu.memref_squeeze %dma_start3A_70 : memref<1x128xi32, #tpu.memory_space<vmem>> -> memref<128xi32, #tpu.memory_space<vmem>>
    %dma_start3A_72 = arith.constant 0 : i32
    %dma_start3A_73 = arith.constant 0 : i32
    %dma_start3A_74 = tpu.memref_slice %arg10[%dma_start3A_72, %dma_start3A_73] : memref<10112x32xf32, #tpu.memory_space<vmem_shared>> -> memref<10112x32xf32, #tpu.memory_space<vmem_shared>>
    tpu.enqueue_indirect_dma source(%dma_start3A_74 : memref<10112x32xf32, #tpu.memory_space<vmem_shared>>) target(%dma_start3A_68 : memref<128x32xf32, #tpu.memory_space<vmem>>) offsets(%dma_start3A_71 : memref<128xi32, #tpu.memory_space<vmem>>) semaphore(%arg15 : memref<!tpu.dma_semaphore, #tpu.memory_space<semaphore_mem>>)
    %dma_start3A_75 = arith.constant 5 : i32
    %dma_start3A_76 = arith.constant 5 : i32
    %dma_start3A_77 = arith.constant 0 : i32
    %dma_start3A_78 = arith.constant 0 : i32
    %dma_start3A_79 = tpu.memref_slice %arg8[%dma_start3A_76, %dma_start3A_77, %dma_start3A_78] : memref<10x128x32xf32, #tpu.memory_space<vmem>> -> memref<1x128x32xf32, #tpu.memory_space<vmem>>
    %dma_start3A_80 = tpu.memref_squeeze %dma_start3A_79 : memref<1x128x32xf32, #tpu.memory_space<vmem>> -> memref<128x32xf32, #tpu.memory_space<vmem>>
    %dma_start3A_81 = arith.constant 0 : i32
    %dma_start3A_82 = tpu.memref_slice %arg6[%dma_start3A_75, %dma_start3A_81] : memref<160x128xi32, #tpu.memory_space<vmem>> -> memref<1x128xi32, #tpu.memory_space<vmem>>
    %dma_start3A_83 = tpu.memref_squeeze %dma_start3A_82 : memref<1x128xi32, #tpu.memory_space<vmem>> -> memref<128xi32, #tpu.memory_space<vmem>>
    %dma_start3A_84 = arith.constant 0 : i32
    %dma_start3A_85 = arith.constant 0 : i32
    %dma_start3A_86 = tpu.memref_slice %arg10[%dma_start3A_84, %dma_start3A_85] : memref<10112x32xf32, #tpu.memory_space<vmem_shared>> -> memref<10112x32xf32, #tpu.memory_space<vmem_shared>>
    tpu.enqueue_indirect_dma source(%dma_start3A_86 : memref<10112x32xf32, #tpu.memory_space<vmem_shared>>) target(%dma_start3A_80 : memref<128x32xf32, #tpu.memory_space<vmem>>) offsets(%dma_start3A_83 : memref<128xi32, #tpu.memory_space<vmem>>) semaphore(%arg16 : memref<!tpu.dma_semaphore, #tpu.memory_space<semaphore_mem>>)
    %dma_start3A_87 = arith.constant 6 : i32
    %dma_start3A_88 = arith.constant 6 : i32
    %dma_start3A_89 = arith.constant 0 : i32
    %dma_start3A_90 = arith.constant 0 : i32
    %dma_start3A_91 = tpu.memref_slice %arg8[%dma_start3A_88, %dma_start3A_89, %dma_start3A_90] : memref<10x128x32xf32, #tpu.memory_space<vmem>> -> memref<1x128x32xf32, #tpu.memory_space<vmem>>
    %dma_start3A_92 = tpu.memref_squeeze %dma_start3A_91 : memref<1x128x32xf32, #tpu.memory_space<vmem>> -> memref<128x32xf32, #tpu.memory_space<vmem>>
    %dma_start3A_93 = arith.constant 0 : i32
    %dma_start3A_94 = tpu.memref_slice %arg6[%dma_start3A_87, %dma_start3A_93] : memref<160x128xi32, #tpu.memory_space<vmem>> -> memref<1x128xi32, #tpu.memory_space<vmem>>
    %dma_start3A_95 = tpu.memref_squeeze %dma_start3A_94 : memref<1x128xi32, #tpu.memory_space<vmem>> -> memref<128xi32, #tpu.memory_space<vmem>>
    %dma_start3A_96 = arith.constant 0 : i32
    %dma_start3A_97 = arith.constant 0 : i32
    %dma_start3A_98 = tpu.memref_slice %arg10[%dma_start3A_96, %dma_start3A_97] : memref<10112x32xf32, #tpu.memory_space<vmem_shared>> -> memref<10112x32xf32, #tpu.memory_space<vmem_shared>>
    tpu.enqueue_indirect_dma source(%dma_start3A_98 : memref<10112x32xf32, #tpu.memory_space<vmem_shared>>) target(%dma_start3A_92 : memref<128x32xf32, #tpu.memory_space<vmem>>) offsets(%dma_start3A_95 : memref<128xi32, #tpu.memory_space<vmem>>) semaphore(%arg17 : memref<!tpu.dma_semaphore, #tpu.memory_space<semaphore_mem>>)
    %dma_start3A_99 = arith.constant 7 : i32
    %dma_start3A_100 = arith.constant 7 : i32
    %dma_start3A_101 = arith.constant 0 : i32
    %dma_start3A_102 = arith.constant 0 : i32
    %dma_start3A_103 = tpu.memref_slice %arg8[%dma_start3A_100, %dma_start3A_101, %dma_start3A_102] : memref<10x128x32xf32, #tpu.memory_space<vmem>> -> memref<1x128x32xf32, #tpu.memory_space<vmem>>
    %dma_start3A_104 = tpu.memref_squeeze %dma_start3A_103 : memref<1x128x32xf32, #tpu.memory_space<vmem>> -> memref<128x32xf32, #tpu.memory_space<vmem>>
    %dma_start3A_105 = arith.constant 0 : i32
    %dma_start3A_106 = tpu.memref_slice %arg6[%dma_start3A_99, %dma_start3A_105] : memref<160x128xi32, #tpu.memory_space<vmem>> -> memref<1x128xi32, #tpu.memory_space<vmem>>
    %dma_start3A_107 = tpu.memref_squeeze %dma_start3A_106 : memref<1x128xi32, #tpu.memory_space<vmem>> -> memref<128xi32, #tpu.memory_space<vmem>>
    %dma_start3A_108 = arith.constant 0 : i32
    %dma_start3A_109 = arith.constant 0 : i32
    %dma_start3A_110 = tpu.memref_slice %arg10[%dma_start3A_108, %dma_start3A_109] : memref<10112x32xf32, #tpu.memory_space<vmem_shared>> -> memref<10112x32xf32, #tpu.memory_space<vmem_shared>>
    tpu.enqueue_indirect_dma source(%dma_start3A_110 : memref<10112x32xf32, #tpu.memory_space<vmem_shared>>) target(%dma_start3A_104 : memref<128x32xf32, #tpu.memory_space<vmem>>) offsets(%dma_start3A_107 : memref<128xi32, #tpu.memory_space<vmem>>) semaphore(%arg18 : memref<!tpu.dma_semaphore, #tpu.memory_space<semaphore_mem>>)
    %dma_start3A_111 = arith.constant 8 : i32
    %dma_start3A_112 = arith.constant 8 : i32
    %dma_start3A_113 = arith.constant 0 : i32
    %dma_start3A_114 = arith.constant 0 : i32
    %dma_start3A_115 = tpu.memref_slice %arg8[%dma_start3A_112, %dma_start3A_113, %dma_start3A_114] : memref<10x128x32xf32, #tpu.memory_space<vmem>> -> memref<1x128x32xf32, #tpu.memory_space<vmem>>
    %dma_start3A_116 = tpu.memref_squeeze %dma_start3A_115 : memref<1x128x32xf32, #tpu.memory_space<vmem>> -> memref<128x32xf32, #tpu.memory_space<vmem>>
    %dma_start3A_117 = arith.constant 0 : i32
    %dma_start3A_118 = tpu.memref_slice %arg6[%dma_start3A_111, %dma_start3A_117] : memref<160x128xi32, #tpu.memory_space<vmem>> -> memref<1x128xi32, #tpu.memory_space<vmem>>
    %dma_start3A_119 = tpu.memref_squeeze %dma_start3A_118 : memref<1x128xi32, #tpu.memory_space<vmem>> -> memref<128xi32, #tpu.memory_space<vmem>>
    %dma_start3A_120 = arith.constant 0 : i32
    %dma_start3A_121 = arith.constant 0 : i32
    %dma_start3A_122 = tpu.memref_slice %arg10[%dma_start3A_120, %dma_start3A_121] : memref<10112x32xf32, #tpu.memory_space<vmem_shared>> -> memref<10112x32xf32, #tpu.memory_space<vmem_shared>>
    tpu.enqueue_indirect_dma source(%dma_start3A_122 : memref<10112x32xf32, #tpu.memory_space<vmem_shared>>) target(%dma_start3A_116 : memref<128x32xf32, #tpu.memory_space<vmem>>) offsets(%dma_start3A_119 : memref<128xi32, #tpu.memory_space<vmem>>) semaphore(%arg19 : memref<!tpu.dma_semaphore, #tpu.memory_space<semaphore_mem>>)
    %dma_start3A_123 = arith.constant 9 : i32
    %dma_start3A_124 = arith.constant 9 : i32
    %dma_start3A_125 = arith.constant 0 : i32
    %dma_start3A_126 = arith.constant 0 : i32
    %dma_start3A_127 = tpu.memref_slice %arg8[%dma_start3A_124, %dma_start3A_125, %dma_start3A_126] : memref<10x128x32xf32, #tpu.memory_space<vmem>> -> memref<1x128x32xf32, #tpu.memory_space<vmem>>
    %dma_start3A_128 = tpu.memref_squeeze %dma_start3A_127 : memref<1x128x32xf32, #tpu.memory_space<vmem>> -> memref<128x32xf32, #tpu.memory_space<vmem>>
    %dma_start3A_129 = arith.constant 0 : i32
    %dma_start3A_130 = tpu.memref_slice %arg6[%dma_start3A_123, %dma_start3A_129] : memref<160x128xi32, #tpu.memory_space<vmem>> -> memref<1x128xi32, #tpu.memory_space<vmem>>
    %dma_start3A_131 = tpu.memref_squeeze %dma_start3A_130 : memref<1x128xi32, #tpu.memory_space<vmem>> -> memref<128xi32, #tpu.memory_space<vmem>>
    %dma_start3A_132 = arith.constant 0 : i32
    %dma_start3A_133 = arith.constant 0 : i32
    %dma_start3A_134 = tpu.memref_slice %arg10[%dma_start3A_132, %dma_start3A_133] : memref<10112x32xf32, #tpu.memory_space<vmem_shared>> -> memref<10112x32xf32, #tpu.memory_space<vmem_shared>>
    tpu.enqueue_indirect_dma source(%dma_start3A_134 : memref<10112x32xf32, #tpu.memory_space<vmem_shared>>) target(%dma_start3A_128 : memref<128x32xf32, #tpu.memory_space<vmem>>) offsets(%dma_start3A_131 : memref<128xi32, #tpu.memory_space<vmem>>) semaphore(%arg20 : memref<!tpu.dma_semaphore, #tpu.memory_space<semaphore_mem>>)
    %scan3A = arith.constant 0 : i32
    %scan3A_135 = arith.constant 0 : i32
    %scan3A_136 = arith.constant 16 : i32
    %scan3A_137 = arith.addi %scan3A_135, %scan3A_136 : i32
    %scan3A_138 = arith.constant 1 : i32
    scf.for %scan3A_148 = %scan3A_135 to %scan3A_137 step %scan3A_138  : i32 {
      %mul3A_149 = arith.constant 10 : i32
      %mul3A_150 = arith.muli %scan3A_148, %mul3A_149 : i32
      %add3A_151 = arith.constant 0 : i32
      %add3A_152 = arith.addi %mul3A_150, %add3A_151 : i32
      %dma_wait3A = arith.constant 0 : i32
      %dma_wait3A_153 = arith.constant 0 : i32
      %dma_wait3A_154 = arith.constant 0 : i32
      %dma_wait3A_155 = arith.constant 0 : i32
      %dma_wait3A_156 = tpu.memref_slice %arg8[%dma_wait3A_153, %dma_wait3A_154, %dma_wait3A_155] : memref<10x128x32xf32, #tpu.memory_space<vmem>> -> memref<1x128x32xf32, #tpu.memory_space<vmem>>
      %dma_wait3A_157 = tpu.memref_squeeze %dma_wait3A_156 : memref<1x128x32xf32, #tpu.memory_space<vmem>> -> memref<128x32xf32, #tpu.memory_space<vmem>>
      %dma_wait3A_158 = arith.constant 0 : i32
      %dma_wait3A_159 = tpu.memref_slice %arg6[%dma_wait3A, %dma_wait3A_158] : memref<160x128xi32, #tpu.memory_space<vmem>> -> memref<1x128xi32, #tpu.memory_space<vmem>>
      %dma_wait3A_160 = tpu.memref_squeeze %dma_wait3A_159 : memref<1x128xi32, #tpu.memory_space<vmem>> -> memref<128xi32, #tpu.memory_space<vmem>>
      %dma_wait3A_161 = arith.constant 0 : i32
      %dma_wait3A_162 = arith.constant 0 : i32
      %dma_wait3A_163 = tpu.memref_slice %arg10[%dma_wait3A_161, %dma_wait3A_162] : memref<10112x32xf32, #tpu.memory_space<vmem_shared>> -> memref<10112x32xf32, #tpu.memory_space<vmem_shared>>
      tpu.wait_indirect_dma semaphore(%arg11 : memref<!tpu.dma_semaphore, #tpu.memory_space<semaphore_mem>>) src(%dma_wait3A_163 : memref<10112x32xf32, #tpu.memory_space<vmem_shared>>) dst(%dma_wait3A_157 : memref<128x32xf32, #tpu.memory_space<vmem>>)
      %dma_start3A_164 = arith.constant 0 : i32
      %dma_start3A_165 = arith.constant 0 : i32
      %dma_start3A_166 = arith.constant 0 : i32
      %dma_start3A_167 = tpu.memref_slice %arg8[%dma_start3A_164, %dma_start3A_165, %dma_start3A_166] : memref<10x128x32xf32, #tpu.memory_space<vmem>> -> memref<1x128x32xf32, #tpu.memory_space<vmem>>
      %dma_start3A_168 = tpu.memref_squeeze %dma_start3A_167 : memref<1x128x32xf32, #tpu.memory_space<vmem>> -> memref<128x32xf32, #tpu.memory_space<vmem>>
      %dma_start3A_169 = arith.constant 0 : i32
      %dma_start3A_170 = tpu.memref_slice %arg7[%add3A_152, %dma_start3A_169] : memref<160x128xi32, #tpu.memory_space<vmem>> -> memref<1x128xi32, #tpu.memory_space<vmem>>
      %dma_start3A_171 = tpu.memref_squeeze %dma_start3A_170 : memref<1x128xi32, #tpu.memory_space<vmem>> -> memref<128xi32, #tpu.memory_space<vmem>>
      %dma_start3A_172 = arith.constant 0 : i32
      %dma_start3A_173 = arith.constant 0 : i32
      %dma_start3A_174 = tpu.memref_slice %arg9[%dma_start3A_172, %dma_start3A_173] : memref<10112x32xf32, #tpu.memory_space<vmem_shared>> -> memref<10112x32xf32, #tpu.memory_space<vmem_shared>>
      tpu.enqueue_indirect_dma source(%dma_start3A_168 : memref<128x32xf32, #tpu.memory_space<vmem>>) target(%dma_start3A_174 : memref<10112x32xf32, #tpu.memory_space<vmem_shared>>) offsets(%dma_start3A_171 : memref<128xi32, #tpu.memory_space<vmem>>) semaphore(%arg21 : memref<!tpu.dma_semaphore, #tpu.memory_space<semaphore_mem>>) {add = true}
      %mul3A_175 = arith.constant 10 : i32
      %mul3A_176 = arith.muli %scan3A_148, %mul3A_175 : i32
      %add3A_177 = arith.constant 1 : i32
      %add3A_178 = arith.addi %mul3A_176, %add3A_177 : i32
      %dma_wait3A_179 = arith.constant 1 : i32
      %dma_wait3A_180 = arith.constant 1 : i32
      %dma_wait3A_181 = arith.constant 0 : i32
      %dma_wait3A_182 = arith.constant 0 : i32
      %dma_wait3A_183 = tpu.memref_slice %arg8[%dma_wait3A_180, %dma_wait3A_181, %dma_wait3A_182] : memref<10x128x32xf32, #tpu.memory_space<vmem>> -> memref<1x128x32xf32, #tpu.memory_space<vmem>>
      %dma_wait3A_184 = tpu.memref_squeeze %dma_wait3A_183 : memref<1x128x32xf32, #tpu.memory_space<vmem>> -> memref<128x32xf32, #tpu.memory_space<vmem>>
      %dma_wait3A_185 = arith.constant 0 : i32
      %dma_wait3A_186 = tpu.memref_slice %arg6[%dma_wait3A_179, %dma_wait3A_185] : memref<160x128xi32, #tpu.memory_space<vmem>> -> memref<1x128xi32, #tpu.memory_space<vmem>>
      %dma_wait3A_187 = tpu.memref_squeeze %dma_wait3A_186 : memref<1x128xi32, #tpu.memory_space<vmem>> -> memref<128xi32, #tpu.memory_space<vmem>>
      %dma_wait3A_188 = arith.constant 0 : i32
      %dma_wait3A_189 = arith.constant 0 : i32
      %dma_wait3A_190 = tpu.memref_slice %arg10[%dma_wait3A_188, %dma_wait3A_189] : memref<10112x32xf32, #tpu.memory_space<vmem_shared>> -> memref<10112x32xf32, #tpu.memory_space<vmem_shared>>
      tpu.wait_indirect_dma semaphore(%arg12 : memref<!tpu.dma_semaphore, #tpu.memory_space<semaphore_mem>>) src(%dma_wait3A_190 : memref<10112x32xf32, #tpu.memory_space<vmem_shared>>) dst(%dma_wait3A_184 : memref<128x32xf32, #tpu.memory_space<vmem>>)
      %dma_start3A_191 = arith.constant 1 : i32
      %dma_start3A_192 = arith.constant 0 : i32
      %dma_start3A_193 = arith.constant 0 : i32
      %dma_start3A_194 = tpu.memref_slice %arg8[%dma_start3A_191, %dma_start3A_192, %dma_start3A_193] : memref<10x128x32xf32, #tpu.memory_space<vmem>> -> memref<1x128x32xf32, #tpu.memory_space<vmem>>
      %dma_start3A_195 = tpu.memref_squeeze %dma_start3A_194 : memref<1x128x32xf32, #tpu.memory_space<vmem>> -> memref<128x32xf32, #tpu.memory_space<vmem>>
      %dma_start3A_196 = arith.constant 0 : i32
      %dma_start3A_197 = tpu.memref_slice %arg7[%add3A_178, %dma_start3A_196] : memref<160x128xi32, #tpu.memory_space<vmem>> -> memref<1x128xi32, #tpu.memory_space<vmem>>
      %dma_start3A_198 = tpu.memref_squeeze %dma_start3A_197 : memref<1x128xi32, #tpu.memory_space<vmem>> -> memref<128xi32, #tpu.memory_space<vmem>>
      %dma_start3A_199 = arith.constant 0 : i32
      %dma_start3A_200 = arith.constant 0 : i32
      %dma_start3A_201 = tpu.memref_slice %arg9[%dma_start3A_199, %dma_start3A_200] : memref<10112x32xf32, #tpu.memory_space<vmem_shared>> -> memref<10112x32xf32, #tpu.memory_space<vmem_shared>>
      tpu.enqueue_indirect_dma source(%dma_start3A_195 : memref<128x32xf32, #tpu.memory_space<vmem>>) target(%dma_start3A_201 : memref<10112x32xf32, #tpu.memory_space<vmem_shared>>) offsets(%dma_start3A_198 : memref<128xi32, #tpu.memory_space<vmem>>) semaphore(%arg22 : memref<!tpu.dma_semaphore, #tpu.memory_space<semaphore_mem>>) {add = true}
      %mul3A_202 = arith.constant 10 : i32
      %mul3A_203 = arith.muli %scan3A_148, %mul3A_202 : i32
      %add3A_204 = arith.constant 2 : i32
      %add3A_205 = arith.addi %mul3A_203, %add3A_204 : i32
      %dma_wait3A_206 = arith.constant 2 : i32
      %dma_wait3A_207 = arith.constant 2 : i32
      %dma_wait3A_208 = arith.constant 0 : i32
      %dma_wait3A_209 = arith.constant 0 : i32
      %dma_wait3A_210 = tpu.memref_slice %arg8[%dma_wait3A_207, %dma_wait3A_208, %dma_wait3A_209] : memref<10x128x32xf32, #tpu.memory_space<vmem>> -> memref<1x128x32xf32, #tpu.memory_space<vmem>>
      %dma_wait3A_211 = tpu.memref_squeeze %dma_wait3A_210 : memref<1x128x32xf32, #tpu.memory_space<vmem>> -> memref<128x32xf32, #tpu.memory_space<vmem>>
      %dma_wait3A_212 = arith.constant 0 : i32
      %dma_wait3A_213 = tpu.memref_slice %arg6[%dma_wait3A_206, %dma_wait3A_212] : memref<160x128xi32, #tpu.memory_space<vmem>> -> memref<1x128xi32, #tpu.memory_space<vmem>>
      %dma_wait3A_214 = tpu.memref_squeeze %dma_wait3A_213 : memref<1x128xi32, #tpu.memory_space<vmem>> -> memref<128xi32, #tpu.memory_space<vmem>>
      %dma_wait3A_215 = arith.constant 0 : i32
      %dma_wait3A_216 = arith.constant 0 : i32
      %dma_wait3A_217 = tpu.memref_slice %arg10[%dma_wait3A_215, %dma_wait3A_216] : memref<10112x32xf32, #tpu.memory_space<vmem_shared>> -> memref<10112x32xf32, #tpu.memory_space<vmem_shared>>
      tpu.wait_indirect_dma semaphore(%arg13 : memref<!tpu.dma_semaphore, #tpu.memory_space<semaphore_mem>>) src(%dma_wait3A_217 : memref<10112x32xf32, #tpu.memory_space<vmem_shared>>) dst(%dma_wait3A_211 : memref<128x32xf32, #tpu.memory_space<vmem>>)
      %dma_start3A_218 = arith.constant 2 : i32
      %dma_start3A_219 = arith.constant 0 : i32
      %dma_start3A_220 = arith.constant 0 : i32
      %dma_start3A_221 = tpu.memref_slice %arg8[%dma_start3A_218, %dma_start3A_219, %dma_start3A_220] : memref<10x128x32xf32, #tpu.memory_space<vmem>> -> memref<1x128x32xf32, #tpu.memory_space<vmem>>
      %dma_start3A_222 = tpu.memref_squeeze %dma_start3A_221 : memref<1x128x32xf32, #tpu.memory_space<vmem>> -> memref<128x32xf32, #tpu.memory_space<vmem>>
      %dma_start3A_223 = arith.constant 0 : i32
      %dma_start3A_224 = tpu.memref_slice %arg7[%add3A_205, %dma_start3A_223] : memref<160x128xi32, #tpu.memory_space<vmem>> -> memref<1x128xi32, #tpu.memory_space<vmem>>
      %dma_start3A_225 = tpu.memref_squeeze %dma_start3A_224 : memref<1x128xi32, #tpu.memory_space<vmem>> -> memref<128xi32, #tpu.memory_space<vmem>>
      %dma_start3A_226 = arith.constant 0 : i32
      %dma_start3A_227 = arith.constant 0 : i32
      %dma_start3A_228 = tpu.memref_slice %arg9[%dma_start3A_226, %dma_start3A_227] : memref<10112x32xf32, #tpu.memory_space<vmem_shared>> -> memref<10112x32xf32, #tpu.memory_space<vmem_shared>>
      tpu.enqueue_indirect_dma source(%dma_start3A_222 : memref<128x32xf32, #tpu.memory_space<vmem>>) target(%dma_start3A_228 : memref<10112x32xf32, #tpu.memory_space<vmem_shared>>) offsets(%dma_start3A_225 : memref<128xi32, #tpu.memory_space<vmem>>) semaphore(%arg23 : memref<!tpu.dma_semaphore, #tpu.memory_space<semaphore_mem>>) {add = true}
      %mul3A_229 = arith.constant 10 : i32
      %mul3A_230 = arith.muli %scan3A_148, %mul3A_229 : i32
      %add3A_231 = arith.constant 3 : i32
      %add3A_232 = arith.addi %mul3A_230, %add3A_231 : i32
      %dma_wait3A_233 = arith.constant 3 : i32
      %dma_wait3A_234 = arith.constant 3 : i32
      %dma_wait3A_235 = arith.constant 0 : i32
      %dma_wait3A_236 = arith.constant 0 : i32
      %dma_wait3A_237 = tpu.memref_slice %arg8[%dma_wait3A_234, %dma_wait3A_235, %dma_wait3A_236] : memref<10x128x32xf32, #tpu.memory_space<vmem>> -> memref<1x128x32xf32, #tpu.memory_space<vmem>>
      %dma_wait3A_238 = tpu.memref_squeeze %dma_wait3A_237 : memref<1x128x32xf32, #tpu.memory_space<vmem>> -> memref<128x32xf32, #tpu.memory_space<vmem>>
      %dma_wait3A_239 = arith.constant 0 : i32
      %dma_wait3A_240 = tpu.memref_slice %arg6[%dma_wait3A_233, %dma_wait3A_239] : memref<160x128xi32, #tpu.memory_space<vmem>> -> memref<1x128xi32, #tpu.memory_space<vmem>>
      %dma_wait3A_241 = tpu.memref_squeeze %dma_wait3A_240 : memref<1x128xi32, #tpu.memory_space<vmem>> -> memref<128xi32, #tpu.memory_space<vmem>>
      %dma_wait3A_242 = arith.constant 0 : i32
      %dma_wait3A_243 = arith.constant 0 : i32
      %dma_wait3A_244 = tpu.memref_slice %arg10[%dma_wait3A_242, %dma_wait3A_243] : memref<10112x32xf32, #tpu.memory_space<vmem_shared>> -> memref<10112x32xf32, #tpu.memory_space<vmem_shared>>
      tpu.wait_indirect_dma semaphore(%arg14 : memref<!tpu.dma_semaphore, #tpu.memory_space<semaphore_mem>>) src(%dma_wait3A_244 : memref<10112x32xf32, #tpu.memory_space<vmem_shared>>) dst(%dma_wait3A_238 : memref<128x32xf32, #tpu.memory_space<vmem>>)
      %dma_start3A_245 = arith.constant 3 : i32
      %dma_start3A_246 = arith.constant 0 : i32
      %dma_start3A_247 = arith.constant 0 : i32
      %dma_start3A_248 = tpu.memref_slice %arg8[%dma_start3A_245, %dma_start3A_246, %dma_start3A_247] : memref<10x128x32xf32, #tpu.memory_space<vmem>> -> memref<1x128x32xf32, #tpu.memory_space<vmem>>
      %dma_start3A_249 = tpu.memref_squeeze %dma_start3A_248 : memref<1x128x32xf32, #tpu.memory_space<vmem>> -> memref<128x32xf32, #tpu.memory_space<vmem>>
      %dma_start3A_250 = arith.constant 0 : i32
      %dma_start3A_251 = tpu.memref_slice %arg7[%add3A_232, %dma_start3A_250] : memref<160x128xi32, #tpu.memory_space<vmem>> -> memref<1x128xi32, #tpu.memory_space<vmem>>
      %dma_start3A_252 = tpu.memref_squeeze %dma_start3A_251 : memref<1x128xi32, #tpu.memory_space<vmem>> -> memref<128xi32, #tpu.memory_space<vmem>>
      %dma_start3A_253 = arith.constant 0 : i32
      %dma_start3A_254 = arith.constant 0 : i32
      %dma_start3A_255 = tpu.memref_slice %arg9[%dma_start3A_253, %dma_start3A_254] : memref<10112x32xf32, #tpu.memory_space<vmem_shared>> -> memref<10112x32xf32, #tpu.memory_space<vmem_shared>>
      tpu.enqueue_indirect_dma source(%dma_start3A_249 : memref<128x32xf32, #tpu.memory_space<vmem>>) target(%dma_start3A_255 : memref<10112x32xf32, #tpu.memory_space<vmem_shared>>) offsets(%dma_start3A_252 : memref<128xi32, #tpu.memory_space<vmem>>) semaphore(%arg24 : memref<!tpu.dma_semaphore, #tpu.memory_space<semaphore_mem>>) {add = true}
      %mul3A_256 = arith.constant 10 : i32
      %mul3A_257 = arith.muli %scan3A_148, %mul3A_256 : i32
      %add3A_258 = arith.constant 4 : i32
      %add3A_259 = arith.addi %mul3A_257, %add3A_258 : i32
      %dma_wait3A_260 = arith.constant 4 : i32
      %dma_wait3A_261 = arith.constant 4 : i32
      %dma_wait3A_262 = arith.constant 0 : i32
      %dma_wait3A_263 = arith.constant 0 : i32
      %dma_wait3A_264 = tpu.memref_slice %arg8[%dma_wait3A_261, %dma_wait3A_262, %dma_wait3A_263] : memref<10x128x32xf32, #tpu.memory_space<vmem>> -> memref<1x128x32xf32, #tpu.memory_space<vmem>>
      %dma_wait3A_265 = tpu.memref_squeeze %dma_wait3A_264 : memref<1x128x32xf32, #tpu.memory_space<vmem>> -> memref<128x32xf32, #tpu.memory_space<vmem>>
      %dma_wait3A_266 = arith.constant 0 : i32
      %dma_wait3A_267 = tpu.memref_slice %arg6[%dma_wait3A_260, %dma_wait3A_266] : memref<160x128xi32, #tpu.memory_space<vmem>> -> memref<1x128xi32, #tpu.memory_space<vmem>>
      %dma_wait3A_268 = tpu.memref_squeeze %dma_wait3A_267 : memref<1x128xi32, #tpu.memory_space<vmem>> -> memref<128xi32, #tpu.memory_space<vmem>>
      %dma_wait3A_269 = arith.constant 0 : i32
      %dma_wait3A_270 = arith.constant 0 : i32
      %dma_wait3A_271 = tpu.memref_slice %arg10[%dma_wait3A_269, %dma_wait3A_270] : memref<10112x32xf32, #tpu.memory_space<vmem_shared>> -> memref<10112x32xf32, #tpu.memory_space<vmem_shared>>
      tpu.wait_indirect_dma semaphore(%arg15 : memref<!tpu.dma_semaphore, #tpu.memory_space<semaphore_mem>>) src(%dma_wait3A_271 : memref<10112x32xf32, #tpu.memory_space<vmem_shared>>) dst(%dma_wait3A_265 : memref<128x32xf32, #tpu.memory_space<vmem>>)
      %dma_start3A_272 = arith.constant 4 : i32
      %dma_start3A_273 = arith.constant 0 : i32
      %dma_start3A_274 = arith.constant 0 : i32
      %dma_start3A_275 = tpu.memref_slice %arg8[%dma_start3A_272, %dma_start3A_273, %dma_start3A_274] : memref<10x128x32xf32, #tpu.memory_space<vmem>> -> memref<1x128x32xf32, #tpu.memory_space<vmem>>
      %dma_start3A_276 = tpu.memref_squeeze %dma_start3A_275 : memref<1x128x32xf32, #tpu.memory_space<vmem>> -> memref<128x32xf32, #tpu.memory_space<vmem>>
      %dma_start3A_277 = arith.constant 0 : i32
      %dma_start3A_278 = tpu.memref_slice %arg7[%add3A_259, %dma_start3A_277] : memref<160x128xi32, #tpu.memory_space<vmem>> -> memref<1x128xi32, #tpu.memory_space<vmem>>
      %dma_start3A_279 = tpu.memref_squeeze %dma_start3A_278 : memref<1x128xi32, #tpu.memory_space<vmem>> -> memref<128xi32, #tpu.memory_space<vmem>>
      %dma_start3A_280 = arith.constant 0 : i32
      %dma_start3A_281 = arith.constant 0 : i32
      %dma_start3A_282 = tpu.memref_slice %arg9[%dma_start3A_280, %dma_start3A_281] : memref<10112x32xf32, #tpu.memory_space<vmem_shared>> -> memref<10112x32xf32, #tpu.memory_space<vmem_shared>>
      tpu.enqueue_indirect_dma source(%dma_start3A_276 : memref<128x32xf32, #tpu.memory_space<vmem>>) target(%dma_start3A_282 : memref<10112x32xf32, #tpu.memory_space<vmem_shared>>) offsets(%dma_start3A_279 : memref<128xi32, #tpu.memory_space<vmem>>) semaphore(%arg25 : memref<!tpu.dma_semaphore, #tpu.memory_space<semaphore_mem>>) {add = true}
      %mul3A_283 = arith.constant 10 : i32
      %mul3A_284 = arith.muli %scan3A_148, %mul3A_283 : i32
      %add3A_285 = arith.constant 5 : i32
      %add3A_286 = arith.addi %mul3A_284, %add3A_285 : i32
      %dma_wait3A_287 = arith.constant 5 : i32
      %dma_wait3A_288 = arith.constant 5 : i32
      %dma_wait3A_289 = arith.constant 0 : i32
      %dma_wait3A_290 = arith.constant 0 : i32
      %dma_wait3A_291 = tpu.memref_slice %arg8[%dma_wait3A_288, %dma_wait3A_289, %dma_wait3A_290] : memref<10x128x32xf32, #tpu.memory_space<vmem>> -> memref<1x128x32xf32, #tpu.memory_space<vmem>>
      %dma_wait3A_292 = tpu.memref_squeeze %dma_wait3A_291 : memref<1x128x32xf32, #tpu.memory_space<vmem>> -> memref<128x32xf32, #tpu.memory_space<vmem>>
      %dma_wait3A_293 = arith.constant 0 : i32
      %dma_wait3A_294 = tpu.memref_slice %arg6[%dma_wait3A_287, %dma_wait3A_293] : memref<160x128xi32, #tpu.memory_space<vmem>> -> memref<1x128xi32, #tpu.memory_space<vmem>>
      %dma_wait3A_295 = tpu.memref_squeeze %dma_wait3A_294 : memref<1x128xi32, #tpu.memory_space<vmem>> -> memref<128xi32, #tpu.memory_space<vmem>>
      %dma_wait3A_296 = arith.constant 0 : i32
      %dma_wait3A_297 = arith.constant 0 : i32
      %dma_wait3A_298 = tpu.memref_slice %arg10[%dma_wait3A_296, %dma_wait3A_297] : memref<10112x32xf32, #tpu.memory_space<vmem_shared>> -> memref<10112x32xf32, #tpu.memory_space<vmem_shared>>
      tpu.wait_indirect_dma semaphore(%arg16 : memref<!tpu.dma_semaphore, #tpu.memory_space<semaphore_mem>>) src(%dma_wait3A_298 : memref<10112x32xf32, #tpu.memory_space<vmem_shared>>) dst(%dma_wait3A_292 : memref<128x32xf32, #tpu.memory_space<vmem>>)
      %dma_start3A_299 = arith.constant 5 : i32
      %dma_start3A_300 = arith.constant 0 : i32
      %dma_start3A_301 = arith.constant 0 : i32
      %dma_start3A_302 = tpu.memref_slice %arg8[%dma_start3A_299, %dma_start3A_300, %dma_start3A_301] : memref<10x128x32xf32, #tpu.memory_space<vmem>> -> memref<1x128x32xf32, #tpu.memory_space<vmem>>
      %dma_start3A_303 = tpu.memref_squeeze %dma_start3A_302 : memref<1x128x32xf32, #tpu.memory_space<vmem>> -> memref<128x32xf32, #tpu.memory_space<vmem>>
      %dma_start3A_304 = arith.constant 0 : i32
      %dma_start3A_305 = tpu.memref_slice %arg7[%add3A_286, %dma_start3A_304] : memref<160x128xi32, #tpu.memory_space<vmem>> -> memref<1x128xi32, #tpu.memory_space<vmem>>
      %dma_start3A_306 = tpu.memref_squeeze %dma_start3A_305 : memref<1x128xi32, #tpu.memory_space<vmem>> -> memref<128xi32, #tpu.memory_space<vmem>>
      %dma_start3A_307 = arith.constant 0 : i32
      %dma_start3A_308 = arith.constant 0 : i32
      %dma_start3A_309 = tpu.memref_slice %arg9[%dma_start3A_307, %dma_start3A_308] : memref<10112x32xf32, #tpu.memory_space<vmem_shared>> -> memref<10112x32xf32, #tpu.memory_space<vmem_shared>>
      tpu.enqueue_indirect_dma source(%dma_start3A_303 : memref<128x32xf32, #tpu.memory_space<vmem>>) target(%dma_start3A_309 : memref<10112x32xf32, #tpu.memory_space<vmem_shared>>) offsets(%dma_start3A_306 : memref<128xi32, #tpu.memory_space<vmem>>) semaphore(%arg26 : memref<!tpu.dma_semaphore, #tpu.memory_space<semaphore_mem>>) {add = true}
      %mul3A_310 = arith.constant 10 : i32
      %mul3A_311 = arith.muli %scan3A_148, %mul3A_310 : i32
      %add3A_312 = arith.constant 6 : i32
      %add3A_313 = arith.addi %mul3A_311, %add3A_312 : i32
      %dma_wait3A_314 = arith.constant 6 : i32
      %dma_wait3A_315 = arith.constant 6 : i32
      %dma_wait3A_316 = arith.constant 0 : i32
      %dma_wait3A_317 = arith.constant 0 : i32
      %dma_wait3A_318 = tpu.memref_slice %arg8[%dma_wait3A_315, %dma_wait3A_316, %dma_wait3A_317] : memref<10x128x32xf32, #tpu.memory_space<vmem>> -> memref<1x128x32xf32, #tpu.memory_space<vmem>>
      %dma_wait3A_319 = tpu.memref_squeeze %dma_wait3A_318 : memref<1x128x32xf32, #tpu.memory_space<vmem>> -> memref<128x32xf32, #tpu.memory_space<vmem>>
      %dma_wait3A_320 = arith.constant 0 : i32
      %dma_wait3A_321 = tpu.memref_slice %arg6[%dma_wait3A_314, %dma_wait3A_320] : memref<160x128xi32, #tpu.memory_space<vmem>> -> memref<1x128xi32, #tpu.memory_space<vmem>>
      %dma_wait3A_322 = tpu.memref_squeeze %dma_wait3A_321 : memref<1x128xi32, #tpu.memory_space<vmem>> -> memref<128xi32, #tpu.memory_space<vmem>>
      %dma_wait3A_323 = arith.constant 0 : i32
      %dma_wait3A_324 = arith.constant 0 : i32
      %dma_wait3A_325 = tpu.memref_slice %arg10[%dma_wait3A_323, %dma_wait3A_324] : memref<10112x32xf32, #tpu.memory_space<vmem_shared>> -> memref<10112x32xf32, #tpu.memory_space<vmem_shared>>
      tpu.wait_indirect_dma semaphore(%arg17 : memref<!tpu.dma_semaphore, #tpu.memory_space<semaphore_mem>>) src(%dma_wait3A_325 : memref<10112x32xf32, #tpu.memory_space<vmem_shared>>) dst(%dma_wait3A_319 : memref<128x32xf32, #tpu.memory_space<vmem>>)
      %dma_start3A_326 = arith.constant 6 : i32
      %dma_start3A_327 = arith.constant 0 : i32
      %dma_start3A_328 = arith.constant 0 : i32
      %dma_start3A_329 = tpu.memref_slice %arg8[%dma_start3A_326, %dma_start3A_327, %dma_start3A_328] : memref<10x128x32xf32, #tpu.memory_space<vmem>> -> memref<1x128x32xf32, #tpu.memory_space<vmem>>
      %dma_start3A_330 = tpu.memref_squeeze %dma_start3A_329 : memref<1x128x32xf32, #tpu.memory_space<vmem>> -> memref<128x32xf32, #tpu.memory_space<vmem>>
      %dma_start3A_331 = arith.constant 0 : i32
      %dma_start3A_332 = tpu.memref_slice %arg7[%add3A_313, %dma_start3A_331] : memref<160x128xi32, #tpu.memory_space<vmem>> -> memref<1x128xi32, #tpu.memory_space<vmem>>
      %dma_start3A_333 = tpu.memref_squeeze %dma_start3A_332 : memref<1x128xi32, #tpu.memory_space<vmem>> -> memref<128xi32, #tpu.memory_space<vmem>>
      %dma_start3A_334 = arith.constant 0 : i32
      %dma_start3A_335 = arith.constant 0 : i32
      %dma_start3A_336 = tpu.memref_slice %arg9[%dma_start3A_334, %dma_start3A_335] : memref<10112x32xf32, #tpu.memory_space<vmem_shared>> -> memref<10112x32xf32, #tpu.memory_space<vmem_shared>>
      tpu.enqueue_indirect_dma source(%dma_start3A_330 : memref<128x32xf32, #tpu.memory_space<vmem>>) target(%dma_start3A_336 : memref<10112x32xf32, #tpu.memory_space<vmem_shared>>) offsets(%dma_start3A_333 : memref<128xi32, #tpu.memory_space<vmem>>) semaphore(%arg27 : memref<!tpu.dma_semaphore, #tpu.memory_space<semaphore_mem>>) {add = true}
      %mul3A_337 = arith.constant 10 : i32
      %mul3A_338 = arith.muli %scan3A_148, %mul3A_337 : i32
      %add3A_339 = arith.constant 7 : i32
      %add3A_340 = arith.addi %mul3A_338, %add3A_339 : i32
      %dma_wait3A_341 = arith.constant 7 : i32
      %dma_wait3A_342 = arith.constant 7 : i32
      %dma_wait3A_343 = arith.constant 0 : i32
      %dma_wait3A_344 = arith.constant 0 : i32
      %dma_wait3A_345 = tpu.memref_slice %arg8[%dma_wait3A_342, %dma_wait3A_343, %dma_wait3A_344] : memref<10x128x32xf32, #tpu.memory_space<vmem>> -> memref<1x128x32xf32, #tpu.memory_space<vmem>>
      %dma_wait3A_346 = tpu.memref_squeeze %dma_wait3A_345 : memref<1x128x32xf32, #tpu.memory_space<vmem>> -> memref<128x32xf32, #tpu.memory_space<vmem>>
      %dma_wait3A_347 = arith.constant 0 : i32
      %dma_wait3A_348 = tpu.memref_slice %arg6[%dma_wait3A_341, %dma_wait3A_347] : memref<160x128xi32, #tpu.memory_space<vmem>> -> memref<1x128xi32, #tpu.memory_space<vmem>>
      %dma_wait3A_349 = tpu.memref_squeeze %dma_wait3A_348 : memref<1x128xi32, #tpu.memory_space<vmem>> -> memref<128xi32, #tpu.memory_space<vmem>>
      %dma_wait3A_350 = arith.constant 0 : i32
      %dma_wait3A_351 = arith.constant 0 : i32
      %dma_wait3A_352 = tpu.memref_slice %arg10[%dma_wait3A_350, %dma_wait3A_351] : memref<10112x32xf32, #tpu.memory_space<vmem_shared>> -> memref<10112x32xf32, #tpu.memory_space<vmem_shared>>
      tpu.wait_indirect_dma semaphore(%arg18 : memref<!tpu.dma_semaphore, #tpu.memory_space<semaphore_mem>>) src(%dma_wait3A_352 : memref<10112x32xf32, #tpu.memory_space<vmem_shared>>) dst(%dma_wait3A_346 : memref<128x32xf32, #tpu.memory_space<vmem>>)
      %dma_start3A_353 = arith.constant 7 : i32
      %dma_start3A_354 = arith.constant 0 : i32
      %dma_start3A_355 = arith.constant 0 : i32
      %dma_start3A_356 = tpu.memref_slice %arg8[%dma_start3A_353, %dma_start3A_354, %dma_start3A_355] : memref<10x128x32xf32, #tpu.memory_space<vmem>> -> memref<1x128x32xf32, #tpu.memory_space<vmem>>
      %dma_start3A_357 = tpu.memref_squeeze %dma_start3A_356 : memref<1x128x32xf32, #tpu.memory_space<vmem>> -> memref<128x32xf32, #tpu.memory_space<vmem>>
      %dma_start3A_358 = arith.constant 0 : i32
      %dma_start3A_359 = tpu.memref_slice %arg7[%add3A_340, %dma_start3A_358] : memref<160x128xi32, #tpu.memory_space<vmem>> -> memref<1x128xi32, #tpu.memory_space<vmem>>
      %dma_start3A_360 = tpu.memref_squeeze %dma_start3A_359 : memref<1x128xi32, #tpu.memory_space<vmem>> -> memref<128xi32, #tpu.memory_space<vmem>>
      %dma_start3A_361 = arith.constant 0 : i32
      %dma_start3A_362 = arith.constant 0 : i32
      %dma_start3A_363 = tpu.memref_slice %arg9[%dma_start3A_361, %dma_start3A_362] : memref<10112x32xf32, #tpu.memory_space<vmem_shared>> -> memref<10112x32xf32, #tpu.memory_space<vmem_shared>>
      tpu.enqueue_indirect_dma source(%dma_start3A_357 : memref<128x32xf32, #tpu.memory_space<vmem>>) target(%dma_start3A_363 : memref<10112x32xf32, #tpu.memory_space<vmem_shared>>) offsets(%dma_start3A_360 : memref<128xi32, #tpu.memory_space<vmem>>) semaphore(%arg28 : memref<!tpu.dma_semaphore, #tpu.memory_space<semaphore_mem>>) {add = true}
      %mul3A_364 = arith.constant 10 : i32
      %mul3A_365 = arith.muli %scan3A_148, %mul3A_364 : i32
      %add3A_366 = arith.constant 8 : i32
      %add3A_367 = arith.addi %mul3A_365, %add3A_366 : i32
      %dma_wait3A_368 = arith.constant 8 : i32
      %dma_wait3A_369 = arith.constant 8 : i32
      %dma_wait3A_370 = arith.constant 0 : i32
      %dma_wait3A_371 = arith.constant 0 : i32
      %dma_wait3A_372 = tpu.memref_slice %arg8[%dma_wait3A_369, %dma_wait3A_370, %dma_wait3A_371] : memref<10x128x32xf32, #tpu.memory_space<vmem>> -> memref<1x128x32xf32, #tpu.memory_space<vmem>>
      %dma_wait3A_373 = tpu.memref_squeeze %dma_wait3A_372 : memref<1x128x32xf32, #tpu.memory_space<vmem>> -> memref<128x32xf32, #tpu.memory_space<vmem>>
      %dma_wait3A_374 = arith.constant 0 : i32
      %dma_wait3A_375 = tpu.memref_slice %arg6[%dma_wait3A_368, %dma_wait3A_374] : memref<160x128xi32, #tpu.memory_space<vmem>> -> memref<1x128xi32, #tpu.memory_space<vmem>>
      %dma_wait3A_376 = tpu.memref_squeeze %dma_wait3A_375 : memref<1x128xi32, #tpu.memory_space<vmem>> -> memref<128xi32, #tpu.memory_space<vmem>>
      %dma_wait3A_377 = arith.constant 0 : i32
      %dma_wait3A_378 = arith.constant 0 : i32
      %dma_wait3A_379 = tpu.memref_slice %arg10[%dma_wait3A_377, %dma_wait3A_378] : memref<10112x32xf32, #tpu.memory_space<vmem_shared>> -> memref<10112x32xf32, #tpu.memory_space<vmem_shared>>
      tpu.wait_indirect_dma semaphore(%arg19 : memref<!tpu.dma_semaphore, #tpu.memory_space<semaphore_mem>>) src(%dma_wait3A_379 : memref<10112x32xf32, #tpu.memory_space<vmem_shared>>) dst(%dma_wait3A_373 : memref<128x32xf32, #tpu.memory_space<vmem>>)
      %dma_start3A_380 = arith.constant 8 : i32
      %dma_start3A_381 = arith.constant 0 : i32
      %dma_start3A_382 = arith.constant 0 : i32
      %dma_start3A_383 = tpu.memref_slice %arg8[%dma_start3A_380, %dma_start3A_381, %dma_start3A_382] : memref<10x128x32xf32, #tpu.memory_space<vmem>> -> memref<1x128x32xf32, #tpu.memory_space<vmem>>
      %dma_start3A_384 = tpu.memref_squeeze %dma_start3A_383 : memref<1x128x32xf32, #tpu.memory_space<vmem>> -> memref<128x32xf32, #tpu.memory_space<vmem>>
      %dma_start3A_385 = arith.constant 0 : i32
      %dma_start3A_386 = tpu.memref_slice %arg7[%add3A_367, %dma_start3A_385] : memref<160x128xi32, #tpu.memory_space<vmem>> -> memref<1x128xi32, #tpu.memory_space<vmem>>
      %dma_start3A_387 = tpu.memref_squeeze %dma_start3A_386 : memref<1x128xi32, #tpu.memory_space<vmem>> -> memref<128xi32, #tpu.memory_space<vmem>>
      %dma_start3A_388 = arith.constant 0 : i32
      %dma_start3A_389 = arith.constant 0 : i32
      %dma_start3A_390 = tpu.memref_slice %arg9[%dma_start3A_388, %dma_start3A_389] : memref<10112x32xf32, #tpu.memory_space<vmem_shared>> -> memref<10112x32xf32, #tpu.memory_space<vmem_shared>>
      tpu.enqueue_indirect_dma source(%dma_start3A_384 : memref<128x32xf32, #tpu.memory_space<vmem>>) target(%dma_start3A_390 : memref<10112x32xf32, #tpu.memory_space<vmem_shared>>) offsets(%dma_start3A_387 : memref<128xi32, #tpu.memory_space<vmem>>) semaphore(%arg29 : memref<!tpu.dma_semaphore, #tpu.memory_space<semaphore_mem>>) {add = true}
      %mul3A_391 = arith.constant 10 : i32
      %mul3A_392 = arith.muli %scan3A_148, %mul3A_391 : i32
      %add3A_393 = arith.constant 9 : i32
      %add3A_394 = arith.addi %mul3A_392, %add3A_393 : i32
      %dma_wait3A_395 = arith.constant 9 : i32
      %dma_wait3A_396 = arith.constant 9 : i32
      %dma_wait3A_397 = arith.constant 0 : i32
      %dma_wait3A_398 = arith.constant 0 : i32
      %dma_wait3A_399 = tpu.memref_slice %arg8[%dma_wait3A_396, %dma_wait3A_397, %dma_wait3A_398] : memref<10x128x32xf32, #tpu.memory_space<vmem>> -> memref<1x128x32xf32, #tpu.memory_space<vmem>>
      %dma_wait3A_400 = tpu.memref_squeeze %dma_wait3A_399 : memref<1x128x32xf32, #tpu.memory_space<vmem>> -> memref<128x32xf32, #tpu.memory_space<vmem>>
      %dma_wait3A_401 = arith.constant 0 : i32
      %dma_wait3A_402 = tpu.memref_slice %arg6[%dma_wait3A_395, %dma_wait3A_401] : memref<160x128xi32, #tpu.memory_space<vmem>> -> memref<1x128xi32, #tpu.memory_space<vmem>>
      %dma_wait3A_403 = tpu.memref_squeeze %dma_wait3A_402 : memref<1x128xi32, #tpu.memory_space<vmem>> -> memref<128xi32, #tpu.memory_space<vmem>>
      %dma_wait3A_404 = arith.constant 0 : i32
      %dma_wait3A_405 = arith.constant 0 : i32
      %dma_wait3A_406 = tpu.memref_slice %arg10[%dma_wait3A_404, %dma_wait3A_405] : memref<10112x32xf32, #tpu.memory_space<vmem_shared>> -> memref<10112x32xf32, #tpu.memory_space<vmem_shared>>
      tpu.wait_indirect_dma semaphore(%arg20 : memref<!tpu.dma_semaphore, #tpu.memory_space<semaphore_mem>>) src(%dma_wait3A_406 : memref<10112x32xf32, #tpu.memory_space<vmem_shared>>) dst(%dma_wait3A_400 : memref<128x32xf32, #tpu.memory_space<vmem>>)
      %dma_start3A_407 = arith.constant 9 : i32
      %dma_start3A_408 = arith.constant 0 : i32
      %dma_start3A_409 = arith.constant 0 : i32
      %dma_start3A_410 = tpu.memref_slice %arg8[%dma_start3A_407, %dma_start3A_408, %dma_start3A_409] : memref<10x128x32xf32, #tpu.memory_space<vmem>> -> memref<1x128x32xf32, #tpu.memory_space<vmem>>
      %dma_start3A_411 = tpu.memref_squeeze %dma_start3A_410 : memref<1x128x32xf32, #tpu.memory_space<vmem>> -> memref<128x32xf32, #tpu.memory_space<vmem>>
      %dma_start3A_412 = arith.constant 0 : i32
      %dma_start3A_413 = tpu.memref_slice %arg7[%add3A_394, %dma_start3A_412] : memref<160x128xi32, #tpu.memory_space<vmem>> -> memref<1x128xi32, #tpu.memory_space<vmem>>
      %dma_start3A_414 = tpu.memref_squeeze %dma_start3A_413 : memref<1x128xi32, #tpu.memory_space<vmem>> -> memref<128xi32, #tpu.memory_space<vmem>>
      %dma_start3A_415 = arith.constant 0 : i32
      %dma_start3A_416 = arith.constant 0 : i32
      %dma_start3A_417 = tpu.memref_slice %arg9[%dma_start3A_415, %dma_start3A_416] : memref<10112x32xf32, #tpu.memory_space<vmem_shared>> -> memref<10112x32xf32, #tpu.memory_space<vmem_shared>>
      tpu.enqueue_indirect_dma source(%dma_start3A_411 : memref<128x32xf32, #tpu.memory_space<vmem>>) target(%dma_start3A_417 : memref<10112x32xf32, #tpu.memory_space<vmem_shared>>) offsets(%dma_start3A_414 : memref<128xi32, #tpu.memory_space<vmem>>) semaphore(%arg30 : memref<!tpu.dma_semaphore, #tpu.memory_space<semaphore_mem>>) {add = true}
      %dma_wait3A_418 = arith.constant 0 : i32
      %dma_wait3A_419 = arith.constant 0 : i32
      %dma_wait3A_420 = arith.constant 0 : i32
      %dma_wait3A_421 = arith.constant 0 : i32
      %dma_wait3A_422 = tpu.memref_slice %arg8[%dma_wait3A_418, %dma_wait3A_420, %dma_wait3A_421] : memref<10x128x32xf32, #tpu.memory_space<vmem>> -> memref<1x128x32xf32, #tpu.memory_space<vmem>>
      %dma_wait3A_423 = tpu.memref_squeeze %dma_wait3A_422 : memref<1x128x32xf32, #tpu.memory_space<vmem>> -> memref<128x32xf32, #tpu.memory_space<vmem>>
      %dma_wait3A_424 = arith.constant 0 : i32
      %dma_wait3A_425 = tpu.memref_slice %arg7[%dma_wait3A_419, %dma_wait3A_424] : memref<160x128xi32, #tpu.memory_space<vmem>> -> memref<1x128xi32, #tpu.memory_space<vmem>>
      %dma_wait3A_426 = tpu.memref_squeeze %dma_wait3A_425 : memref<1x128xi32, #tpu.memory_space<vmem>> -> memref<128xi32, #tpu.memory_space<vmem>>
      %dma_wait3A_427 = arith.constant 0 : i32
      %dma_wait3A_428 = arith.constant 0 : i32
      %dma_wait3A_429 = tpu.memref_slice %arg9[%dma_wait3A_427, %dma_wait3A_428] : memref<10112x32xf32, #tpu.memory_space<vmem_shared>> -> memref<10112x32xf32, #tpu.memory_space<vmem_shared>>
      tpu.wait_indirect_dma semaphore(%arg21 : memref<!tpu.dma_semaphore, #tpu.memory_space<semaphore_mem>>) src(%dma_wait3A_423 : memref<128x32xf32, #tpu.memory_space<vmem>>) dst(%dma_wait3A_429 : memref<10112x32xf32, #tpu.memory_space<vmem_shared>>)
      %add3A_430 = arith.constant 1 : i32
      %add3A_431 = arith.addi %scan3A_148, %add3A_430 : i32
      %lt3A = arith.constant 16 : i32
      %lt3A_432 = arith.cmpi slt, %add3A_431, %lt3A : i32
      %convert_element_type3A = arith.extui %lt3A_432 : i1 to i32
      %cond3A = arith.constant 0 : i32
      %cond3A_433 = arith.cmpi ne, %convert_element_type3A, %cond3A : i32
      scf.if %cond3A_433 {
        %add3A_605 = arith.constant 1 : i32
        %add3A_606 = arith.addi %scan3A_148, %add3A_605 : i32
        %mul3A_607 = arith.constant 10 : i32
        %mul3A_608 = arith.muli %add3A_606, %mul3A_607 : i32
        %add3A_609 = arith.constant 0 : i32
        %add3A_610 = arith.addi %mul3A_608, %add3A_609 : i32
        %dma_start3A_611 = arith.constant 0 : i32
        %dma_start3A_612 = arith.constant 0 : i32
        %dma_start3A_613 = arith.constant 0 : i32
        %dma_start3A_614 = tpu.memref_slice %arg8[%dma_start3A_611, %dma_start3A_612, %dma_start3A_613] : memref<10x128x32xf32, #tpu.memory_space<vmem>> -> memref<1x128x32xf32, #tpu.memory_space<vmem>>
        %dma_start3A_615 = tpu.memref_squeeze %dma_start3A_614 : memref<1x128x32xf32, #tpu.memory_space<vmem>> -> memref<128x32xf32, #tpu.memory_space<vmem>>
        %dma_start3A_616 = arith.constant 0 : i32
        %dma_start3A_617 = tpu.memref_slice %arg6[%add3A_610, %dma_start3A_616] : memref<160x128xi32, #tpu.memory_space<vmem>> -> memref<1x128xi32, #tpu.memory_space<vmem>>
        %dma_start3A_618 = tpu.memref_squeeze %dma_start3A_617 : memref<1x128xi32, #tpu.memory_space<vmem>> -> memref<128xi32, #tpu.memory_space<vmem>>
        %dma_start3A_619 = arith.constant 0 : i32
        %dma_start3A_620 = arith.constant 0 : i32
        %dma_start3A_621 = tpu.memref_slice %arg10[%dma_start3A_619, %dma_start3A_620] : memref<10112x32xf32, #tpu.memory_space<vmem_shared>> -> memref<10112x32xf32, #tpu.memory_space<vmem_shared>>
        tpu.enqueue_indirect_dma source(%dma_start3A_621 : memref<10112x32xf32, #tpu.memory_space<vmem_shared>>) target(%dma_start3A_615 : memref<128x32xf32, #tpu.memory_space<vmem>>) offsets(%dma_start3A_618 : memref<128xi32, #tpu.memory_space<vmem>>) semaphore(%arg11 : memref<!tpu.dma_semaphore, #tpu.memory_space<semaphore_mem>>)
      } else {
      }
      %dma_wait3A_434 = arith.constant 1 : i32
      %dma_wait3A_435 = arith.constant 1 : i32
      %dma_wait3A_436 = arith.constant 0 : i32
      %dma_wait3A_437 = arith.constant 0 : i32
      %dma_wait3A_438 = tpu.memref_slice %arg8[%dma_wait3A_434, %dma_wait3A_436, %dma_wait3A_437] : memref<10x128x32xf32, #tpu.memory_space<vmem>> -> memref<1x128x32xf32, #tpu.memory_space<vmem>>
      %dma_wait3A_439 = tpu.memref_squeeze %dma_wait3A_438 : memref<1x128x32xf32, #tpu.memory_space<vmem>> -> memref<128x32xf32, #tpu.memory_space<vmem>>
      %dma_wait3A_440 = arith.constant 0 : i32
      %dma_wait3A_441 = tpu.memref_slice %arg7[%dma_wait3A_435, %dma_wait3A_440] : memref<160x128xi32, #tpu.memory_space<vmem>> -> memref<1x128xi32, #tpu.memory_space<vmem>>
      %dma_wait3A_442 = tpu.memref_squeeze %dma_wait3A_441 : memref<1x128xi32, #tpu.memory_space<vmem>> -> memref<128xi32, #tpu.memory_space<vmem>>
      %dma_wait3A_443 = arith.constant 0 : i32
      %dma_wait3A_444 = arith.constant 0 : i32
      %dma_wait3A_445 = tpu.memref_slice %arg9[%dma_wait3A_443, %dma_wait3A_444] : memref<10112x32xf32, #tpu.memory_space<vmem_shared>> -> memref<10112x32xf32, #tpu.memory_space<vmem_shared>>
      tpu.wait_indirect_dma semaphore(%arg22 : memref<!tpu.dma_semaphore, #tpu.memory_space<semaphore_mem>>) src(%dma_wait3A_439 : memref<128x32xf32, #tpu.memory_space<vmem>>) dst(%dma_wait3A_445 : memref<10112x32xf32, #tpu.memory_space<vmem_shared>>)
      %add3A_446 = arith.constant 1 : i32
      %add3A_447 = arith.addi %scan3A_148, %add3A_446 : i32
      %lt3A_448 = arith.constant 16 : i32
      %lt3A_449 = arith.cmpi slt, %add3A_447, %lt3A_448 : i32
      %convert_element_type3A_450 = arith.extui %lt3A_449 : i1 to i32
      %cond3A_451 = arith.constant 0 : i32
      %cond3A_452 = arith.cmpi ne, %convert_element_type3A_450, %cond3A_451 : i32
      scf.if %cond3A_452 {
        %add3A_605 = arith.constant 1 : i32
        %add3A_606 = arith.addi %scan3A_148, %add3A_605 : i32
        %mul3A_607 = arith.constant 10 : i32
        %mul3A_608 = arith.muli %add3A_606, %mul3A_607 : i32
        %add3A_609 = arith.constant 1 : i32
        %add3A_610 = arith.addi %mul3A_608, %add3A_609 : i32
        %dma_start3A_611 = arith.constant 1 : i32
        %dma_start3A_612 = arith.constant 0 : i32
        %dma_start3A_613 = arith.constant 0 : i32
        %dma_start3A_614 = tpu.memref_slice %arg8[%dma_start3A_611, %dma_start3A_612, %dma_start3A_613] : memref<10x128x32xf32, #tpu.memory_space<vmem>> -> memref<1x128x32xf32, #tpu.memory_space<vmem>>
        %dma_start3A_615 = tpu.memref_squeeze %dma_start3A_614 : memref<1x128x32xf32, #tpu.memory_space<vmem>> -> memref<128x32xf32, #tpu.memory_space<vmem>>
        %dma_start3A_616 = arith.constant 0 : i32
        %dma_start3A_617 = tpu.memref_slice %arg6[%add3A_610, %dma_start3A_616] : memref<160x128xi32, #tpu.memory_space<vmem>> -> memref<1x128xi32, #tpu.memory_space<vmem>>
        %dma_start3A_618 = tpu.memref_squeeze %dma_start3A_617 : memref<1x128xi32, #tpu.memory_space<vmem>> -> memref<128xi32, #tpu.memory_space<vmem>>
        %dma_start3A_619 = arith.constant 0 : i32
        %dma_start3A_620 = arith.constant 0 : i32
        %dma_start3A_621 = tpu.memref_slice %arg10[%dma_start3A_619, %dma_start3A_620] : memref<10112x32xf32, #tpu.memory_space<vmem_shared>> -> memref<10112x32xf32, #tpu.memory_space<vmem_shared>>
        tpu.enqueue_indirect_dma source(%dma_start3A_621 : memref<10112x32xf32, #tpu.memory_space<vmem_shared>>) target(%dma_start3A_615 : memref<128x32xf32, #tpu.memory_space<vmem>>) offsets(%dma_start3A_618 : memref<128xi32, #tpu.memory_space<vmem>>) semaphore(%arg12 : memref<!tpu.dma_semaphore, #tpu.memory_space<semaphore_mem>>)
      } else {
      }
      %dma_wait3A_453 = arith.constant 2 : i32
      %dma_wait3A_454 = arith.constant 2 : i32
      %dma_wait3A_455 = arith.constant 0 : i32
      %dma_wait3A_456 = arith.constant 0 : i32
      %dma_wait3A_457 = tpu.memref_slice %arg8[%dma_wait3A_453, %dma_wait3A_455, %dma_wait3A_456] : memref<10x128x32xf32, #tpu.memory_space<vmem>> -> memref<1x128x32xf32, #tpu.memory_space<vmem>>
      %dma_wait3A_458 = tpu.memref_squeeze %dma_wait3A_457 : memref<1x128x32xf32, #tpu.memory_space<vmem>> -> memref<128x32xf32, #tpu.memory_space<vmem>>
      %dma_wait3A_459 = arith.constant 0 : i32
      %dma_wait3A_460 = tpu.memref_slice %arg7[%dma_wait3A_454, %dma_wait3A_459] : memref<160x128xi32, #tpu.memory_space<vmem>> -> memref<1x128xi32, #tpu.memory_space<vmem>>
      %dma_wait3A_461 = tpu.memref_squeeze %dma_wait3A_460 : memref<1x128xi32, #tpu.memory_space<vmem>> -> memref<128xi32, #tpu.memory_space<vmem>>
      %dma_wait3A_462 = arith.constant 0 : i32
      %dma_wait3A_463 = arith.constant 0 : i32
      %dma_wait3A_464 = tpu.memref_slice %arg9[%dma_wait3A_462, %dma_wait3A_463] : memref<10112x32xf32, #tpu.memory_space<vmem_shared>> -> memref<10112x32xf32, #tpu.memory_space<vmem_shared>>
      tpu.wait_indirect_dma semaphore(%arg23 : memref<!tpu.dma_semaphore, #tpu.memory_space<semaphore_mem>>) src(%dma_wait3A_458 : memref<128x32xf32, #tpu.memory_space<vmem>>) dst(%dma_wait3A_464 : memref<10112x32xf32, #tpu.memory_space<vmem_shared>>)
      %add3A_465 = arith.constant 1 : i32
      %add3A_466 = arith.addi %scan3A_148, %add3A_465 : i32
      %lt3A_467 = arith.constant 16 : i32
      %lt3A_468 = arith.cmpi slt, %add3A_466, %lt3A_467 : i32
      %convert_element_type3A_469 = arith.extui %lt3A_468 : i1 to i32
      %cond3A_470 = arith.constant 0 : i32
      %cond3A_471 = arith.cmpi ne, %convert_element_type3A_469, %cond3A_470 : i32
      scf.if %cond3A_471 {
        %add3A_605 = arith.constant 1 : i32
        %add3A_606 = arith.addi %scan3A_148, %add3A_605 : i32
        %mul3A_607 = arith.constant 10 : i32
        %mul3A_608 = arith.muli %add3A_606, %mul3A_607 : i32
        %add3A_609 = arith.constant 2 : i32
        %add3A_610 = arith.addi %mul3A_608, %add3A_609 : i32
        %dma_start3A_611 = arith.constant 2 : i32
        %dma_start3A_612 = arith.constant 0 : i32
        %dma_start3A_613 = arith.constant 0 : i32
        %dma_start3A_614 = tpu.memref_slice %arg8[%dma_start3A_611, %dma_start3A_612, %dma_start3A_613] : memref<10x128x32xf32, #tpu.memory_space<vmem>> -> memref<1x128x32xf32, #tpu.memory_space<vmem>>
        %dma_start3A_615 = tpu.memref_squeeze %dma_start3A_614 : memref<1x128x32xf32, #tpu.memory_space<vmem>> -> memref<128x32xf32, #tpu.memory_space<vmem>>
        %dma_start3A_616 = arith.constant 0 : i32
        %dma_start3A_617 = tpu.memref_slice %arg6[%add3A_610, %dma_start3A_616] : memref<160x128xi32, #tpu.memory_space<vmem>> -> memref<1x128xi32, #tpu.memory_space<vmem>>
        %dma_start3A_618 = tpu.memref_squeeze %dma_start3A_617 : memref<1x128xi32, #tpu.memory_space<vmem>> -> memref<128xi32, #tpu.memory_space<vmem>>
        %dma_start3A_619 = arith.constant 0 : i32
        %dma_start3A_620 = arith.constant 0 : i32
        %dma_start3A_621 = tpu.memref_slice %arg10[%dma_start3A_619, %dma_start3A_620] : memref<10112x32xf32, #tpu.memory_space<vmem_shared>> -> memref<10112x32xf32, #tpu.memory_space<vmem_shared>>
        tpu.enqueue_indirect_dma source(%dma_start3A_621 : memref<10112x32xf32, #tpu.memory_space<vmem_shared>>) target(%dma_start3A_615 : memref<128x32xf32, #tpu.memory_space<vmem>>) offsets(%dma_start3A_618 : memref<128xi32, #tpu.memory_space<vmem>>) semaphore(%arg13 : memref<!tpu.dma_semaphore, #tpu.memory_space<semaphore_mem>>)
      } else {
      }
      %dma_wait3A_472 = arith.constant 3 : i32
      %dma_wait3A_473 = arith.constant 3 : i32
      %dma_wait3A_474 = arith.constant 0 : i32
      %dma_wait3A_475 = arith.constant 0 : i32
      %dma_wait3A_476 = tpu.memref_slice %arg8[%dma_wait3A_472, %dma_wait3A_474, %dma_wait3A_475] : memref<10x128x32xf32, #tpu.memory_space<vmem>> -> memref<1x128x32xf32, #tpu.memory_space<vmem>>
      %dma_wait3A_477 = tpu.memref_squeeze %dma_wait3A_476 : memref<1x128x32xf32, #tpu.memory_space<vmem>> -> memref<128x32xf32, #tpu.memory_space<vmem>>
      %dma_wait3A_478 = arith.constant 0 : i32
      %dma_wait3A_479 = tpu.memref_slice %arg7[%dma_wait3A_473, %dma_wait3A_478] : memref<160x128xi32, #tpu.memory_space<vmem>> -> memref<1x128xi32, #tpu.memory_space<vmem>>
      %dma_wait3A_480 = tpu.memref_squeeze %dma_wait3A_479 : memref<1x128xi32, #tpu.memory_space<vmem>> -> memref<128xi32, #tpu.memory_space<vmem>>
      %dma_wait3A_481 = arith.constant 0 : i32
      %dma_wait3A_482 = arith.constant 0 : i32
      %dma_wait3A_483 = tpu.memref_slice %arg9[%dma_wait3A_481, %dma_wait3A_482] : memref<10112x32xf32, #tpu.memory_space<vmem_shared>> -> memref<10112x32xf32, #tpu.memory_space<vmem_shared>>
      tpu.wait_indirect_dma semaphore(%arg24 : memref<!tpu.dma_semaphore, #tpu.memory_space<semaphore_mem>>) src(%dma_wait3A_477 : memref<128x32xf32, #tpu.memory_space<vmem>>) dst(%dma_wait3A_483 : memref<10112x32xf32, #tpu.memory_space<vmem_shared>>)
      %add3A_484 = arith.constant 1 : i32
      %add3A_485 = arith.addi %scan3A_148, %add3A_484 : i32
      %lt3A_486 = arith.constant 16 : i32
      %lt3A_487 = arith.cmpi slt, %add3A_485, %lt3A_486 : i32
      %convert_element_type3A_488 = arith.extui %lt3A_487 : i1 to i32
      %cond3A_489 = arith.constant 0 : i32
      %cond3A_490 = arith.cmpi ne, %convert_element_type3A_488, %cond3A_489 : i32
      scf.if %cond3A_490 {
        %add3A_605 = arith.constant 1 : i32
        %add3A_606 = arith.addi %scan3A_148, %add3A_605 : i32
        %mul3A_607 = arith.constant 10 : i32
        %mul3A_608 = arith.muli %add3A_606, %mul3A_607 : i32
        %add3A_609 = arith.constant 3 : i32
        %add3A_610 = arith.addi %mul3A_608, %add3A_609 : i32
        %dma_start3A_611 = arith.constant 3 : i32
        %dma_start3A_612 = arith.constant 0 : i32
        %dma_start3A_613 = arith.constant 0 : i32
        %dma_start3A_614 = tpu.memref_slice %arg8[%dma_start3A_611, %dma_start3A_612, %dma_start3A_613] : memref<10x128x32xf32, #tpu.memory_space<vmem>> -> memref<1x128x32xf32, #tpu.memory_space<vmem>>
        %dma_start3A_615 = tpu.memref_squeeze %dma_start3A_614 : memref<1x128x32xf32, #tpu.memory_space<vmem>> -> memref<128x32xf32, #tpu.memory_space<vmem>>
        %dma_start3A_616 = arith.constant 0 : i32
        %dma_start3A_617 = tpu.memref_slice %arg6[%add3A_610, %dma_start3A_616] : memref<160x128xi32, #tpu.memory_space<vmem>> -> memref<1x128xi32, #tpu.memory_space<vmem>>
        %dma_start3A_618 = tpu.memref_squeeze %dma_start3A_617 : memref<1x128xi32, #tpu.memory_space<vmem>> -> memref<128xi32, #tpu.memory_space<vmem>>
        %dma_start3A_619 = arith.constant 0 : i32
        %dma_start3A_620 = arith.constant 0 : i32
        %dma_start3A_621 = tpu.memref_slice %arg10[%dma_start3A_619, %dma_start3A_620] : memref<10112x32xf32, #tpu.memory_space<vmem_shared>> -> memref<10112x32xf32, #tpu.memory_space<vmem_shared>>
        tpu.enqueue_indirect_dma source(%dma_start3A_621 : memref<10112x32xf32, #tpu.memory_space<vmem_shared>>) target(%dma_start3A_615 : memref<128x32xf32, #tpu.memory_space<vmem>>) offsets(%dma_start3A_618 : memref<128xi32, #tpu.memory_space<vmem>>) semaphore(%arg14 : memref<!tpu.dma_semaphore, #tpu.memory_space<semaphore_mem>>)
      } else {
      }
      %dma_wait3A_491 = arith.constant 4 : i32
      %dma_wait3A_492 = arith.constant 4 : i32
      %dma_wait3A_493 = arith.constant 0 : i32
      %dma_wait3A_494 = arith.constant 0 : i32
      %dma_wait3A_495 = tpu.memref_slice %arg8[%dma_wait3A_491, %dma_wait3A_493, %dma_wait3A_494] : memref<10x128x32xf32, #tpu.memory_space<vmem>> -> memref<1x128x32xf32, #tpu.memory_space<vmem>>
      %dma_wait3A_496 = tpu.memref_squeeze %dma_wait3A_495 : memref<1x128x32xf32, #tpu.memory_space<vmem>> -> memref<128x32xf32, #tpu.memory_space<vmem>>
      %dma_wait3A_497 = arith.constant 0 : i32
      %dma_wait3A_498 = tpu.memref_slice %arg7[%dma_wait3A_492, %dma_wait3A_497] : memref<160x128xi32, #tpu.memory_space<vmem>> -> memref<1x128xi32, #tpu.memory_space<vmem>>
      %dma_wait3A_499 = tpu.memref_squeeze %dma_wait3A_498 : memref<1x128xi32, #tpu.memory_space<vmem>> -> memref<128xi32, #tpu.memory_space<vmem>>
      %dma_wait3A_500 = arith.constant 0 : i32
      %dma_wait3A_501 = arith.constant 0 : i32
      %dma_wait3A_502 = tpu.memref_slice %arg9[%dma_wait3A_500, %dma_wait3A_501] : memref<10112x32xf32, #tpu.memory_space<vmem_shared>> -> memref<10112x32xf32, #tpu.memory_space<vmem_shared>>
      tpu.wait_indirect_dma semaphore(%arg25 : memref<!tpu.dma_semaphore, #tpu.memory_space<semaphore_mem>>) src(%dma_wait3A_496 : memref<128x32xf32, #tpu.memory_space<vmem>>) dst(%dma_wait3A_502 : memref<10112x32xf32, #tpu.memory_space<vmem_shared>>)
      %add3A_503 = arith.constant 1 : i32
      %add3A_504 = arith.addi %scan3A_148, %add3A_503 : i32
      %lt3A_505 = arith.constant 16 : i32
      %lt3A_506 = arith.cmpi slt, %add3A_504, %lt3A_505 : i32
      %convert_element_type3A_507 = arith.extui %lt3A_506 : i1 to i32
      %cond3A_508 = arith.constant 0 : i32
      %cond3A_509 = arith.cmpi ne, %convert_element_type3A_507, %cond3A_508 : i32
      scf.if %cond3A_509 {
        %add3A_605 = arith.constant 1 : i32
        %add3A_606 = arith.addi %scan3A_148, %add3A_605 : i32
        %mul3A_607 = arith.constant 10 : i32
        %mul3A_608 = arith.muli %add3A_606, %mul3A_607 : i32
        %add3A_609 = arith.constant 4 : i32
        %add3A_610 = arith.addi %mul3A_608, %add3A_609 : i32
        %dma_start3A_611 = arith.constant 4 : i32
        %dma_start3A_612 = arith.constant 0 : i32
        %dma_start3A_613 = arith.constant 0 : i32
        %dma_start3A_614 = tpu.memref_slice %arg8[%dma_start3A_611, %dma_start3A_612, %dma_start3A_613] : memref<10x128x32xf32, #tpu.memory_space<vmem>> -> memref<1x128x32xf32, #tpu.memory_space<vmem>>
        %dma_start3A_615 = tpu.memref_squeeze %dma_start3A_614 : memref<1x128x32xf32, #tpu.memory_space<vmem>> -> memref<128x32xf32, #tpu.memory_space<vmem>>
        %dma_start3A_616 = arith.constant 0 : i32
        %dma_start3A_617 = tpu.memref_slice %arg6[%add3A_610, %dma_start3A_616] : memref<160x128xi32, #tpu.memory_space<vmem>> -> memref<1x128xi32, #tpu.memory_space<vmem>>
        %dma_start3A_618 = tpu.memref_squeeze %dma_start3A_617 : memref<1x128xi32, #tpu.memory_space<vmem>> -> memref<128xi32, #tpu.memory_space<vmem>>
        %dma_start3A_619 = arith.constant 0 : i32
        %dma_start3A_620 = arith.constant 0 : i32
        %dma_start3A_621 = tpu.memref_slice %arg10[%dma_start3A_619, %dma_start3A_620] : memref<10112x32xf32, #tpu.memory_space<vmem_shared>> -> memref<10112x32xf32, #tpu.memory_space<vmem_shared>>
        tpu.enqueue_indirect_dma source(%dma_start3A_621 : memref<10112x32xf32, #tpu.memory_space<vmem_shared>>) target(%dma_start3A_615 : memref<128x32xf32, #tpu.memory_space<vmem>>) offsets(%dma_start3A_618 : memref<128xi32, #tpu.memory_space<vmem>>) semaphore(%arg15 : memref<!tpu.dma_semaphore, #tpu.memory_space<semaphore_mem>>)
      } else {
      }
      %dma_wait3A_510 = arith.constant 5 : i32
      %dma_wait3A_511 = arith.constant 5 : i32
      %dma_wait3A_512 = arith.constant 0 : i32
      %dma_wait3A_513 = arith.constant 0 : i32
      %dma_wait3A_514 = tpu.memref_slice %arg8[%dma_wait3A_510, %dma_wait3A_512, %dma_wait3A_513] : memref<10x128x32xf32, #tpu.memory_space<vmem>> -> memref<1x128x32xf32, #tpu.memory_space<vmem>>
      %dma_wait3A_515 = tpu.memref_squeeze %dma_wait3A_514 : memref<1x128x32xf32, #tpu.memory_space<vmem>> -> memref<128x32xf32, #tpu.memory_space<vmem>>
      %dma_wait3A_516 = arith.constant 0 : i32
      %dma_wait3A_517 = tpu.memref_slice %arg7[%dma_wait3A_511, %dma_wait3A_516] : memref<160x128xi32, #tpu.memory_space<vmem>> -> memref<1x128xi32, #tpu.memory_space<vmem>>
      %dma_wait3A_518 = tpu.memref_squeeze %dma_wait3A_517 : memref<1x128xi32, #tpu.memory_space<vmem>> -> memref<128xi32, #tpu.memory_space<vmem>>
      %dma_wait3A_519 = arith.constant 0 : i32
      %dma_wait3A_520 = arith.constant 0 : i32
      %dma_wait3A_521 = tpu.memref_slice %arg9[%dma_wait3A_519, %dma_wait3A_520] : memref<10112x32xf32, #tpu.memory_space<vmem_shared>> -> memref<10112x32xf32, #tpu.memory_space<vmem_shared>>
      tpu.wait_indirect_dma semaphore(%arg26 : memref<!tpu.dma_semaphore, #tpu.memory_space<semaphore_mem>>) src(%dma_wait3A_515 : memref<128x32xf32, #tpu.memory_space<vmem>>) dst(%dma_wait3A_521 : memref<10112x32xf32, #tpu.memory_space<vmem_shared>>)
      %add3A_522 = arith.constant 1 : i32
      %add3A_523 = arith.addi %scan3A_148, %add3A_522 : i32
      %lt3A_524 = arith.constant 16 : i32
      %lt3A_525 = arith.cmpi slt, %add3A_523, %lt3A_524 : i32
      %convert_element_type3A_526 = arith.extui %lt3A_525 : i1 to i32
      %cond3A_527 = arith.constant 0 : i32
      %cond3A_528 = arith.cmpi ne, %convert_element_type3A_526, %cond3A_527 : i32
      scf.if %cond3A_528 {
        %add3A_605 = arith.constant 1 : i32
        %add3A_606 = arith.addi %scan3A_148, %add3A_605 : i32
        %mul3A_607 = arith.constant 10 : i32
        %mul3A_608 = arith.muli %add3A_606, %mul3A_607 : i32
        %add3A_609 = arith.constant 5 : i32
        %add3A_610 = arith.addi %mul3A_608, %add3A_609 : i32
        %dma_start3A_611 = arith.constant 5 : i32
        %dma_start3A_612 = arith.constant 0 : i32
        %dma_start3A_613 = arith.constant 0 : i32
        %dma_start3A_614 = tpu.memref_slice %arg8[%dma_start3A_611, %dma_start3A_612, %dma_start3A_613] : memref<10x128x32xf32, #tpu.memory_space<vmem>> -> memref<1x128x32xf32, #tpu.memory_space<vmem>>
        %dma_start3A_615 = tpu.memref_squeeze %dma_start3A_614 : memref<1x128x32xf32, #tpu.memory_space<vmem>> -> memref<128x32xf32, #tpu.memory_space<vmem>>
        %dma_start3A_616 = arith.constant 0 : i32
        %dma_start3A_617 = tpu.memref_slice %arg6[%add3A_610, %dma_start3A_616] : memref<160x128xi32, #tpu.memory_space<vmem>> -> memref<1x128xi32, #tpu.memory_space<vmem>>
        %dma_start3A_618 = tpu.memref_squeeze %dma_start3A_617 : memref<1x128xi32, #tpu.memory_space<vmem>> -> memref<128xi32, #tpu.memory_space<vmem>>
        %dma_start3A_619 = arith.constant 0 : i32
        %dma_start3A_620 = arith.constant 0 : i32
        %dma_start3A_621 = tpu.memref_slice %arg10[%dma_start3A_619, %dma_start3A_620] : memref<10112x32xf32, #tpu.memory_space<vmem_shared>> -> memref<10112x32xf32, #tpu.memory_space<vmem_shared>>
        tpu.enqueue_indirect_dma source(%dma_start3A_621 : memref<10112x32xf32, #tpu.memory_space<vmem_shared>>) target(%dma_start3A_615 : memref<128x32xf32, #tpu.memory_space<vmem>>) offsets(%dma_start3A_618 : memref<128xi32, #tpu.memory_space<vmem>>) semaphore(%arg16 : memref<!tpu.dma_semaphore, #tpu.memory_space<semaphore_mem>>)
      } else {
      }
      %dma_wait3A_529 = arith.constant 6 : i32
      %dma_wait3A_530 = arith.constant 6 : i32
      %dma_wait3A_531 = arith.constant 0 : i32
      %dma_wait3A_532 = arith.constant 0 : i32
      %dma_wait3A_533 = tpu.memref_slice %arg8[%dma_wait3A_529, %dma_wait3A_531, %dma_wait3A_532] : memref<10x128x32xf32, #tpu.memory_space<vmem>> -> memref<1x128x32xf32, #tpu.memory_space<vmem>>
      %dma_wait3A_534 = tpu.memref_squeeze %dma_wait3A_533 : memref<1x128x32xf32, #tpu.memory_space<vmem>> -> memref<128x32xf32, #tpu.memory_space<vmem>>
      %dma_wait3A_535 = arith.constant 0 : i32
      %dma_wait3A_536 = tpu.memref_slice %arg7[%dma_wait3A_530, %dma_wait3A_535] : memref<160x128xi32, #tpu.memory_space<vmem>> -> memref<1x128xi32, #tpu.memory_space<vmem>>
      %dma_wait3A_537 = tpu.memref_squeeze %dma_wait3A_536 : memref<1x128xi32, #tpu.memory_space<vmem>> -> memref<128xi32, #tpu.memory_space<vmem>>
      %dma_wait3A_538 = arith.constant 0 : i32
      %dma_wait3A_539 = arith.constant 0 : i32
      %dma_wait3A_540 = tpu.memref_slice %arg9[%dma_wait3A_538, %dma_wait3A_539] : memref<10112x32xf32, #tpu.memory_space<vmem_shared>> -> memref<10112x32xf32, #tpu.memory_space<vmem_shared>>
      tpu.wait_indirect_dma semaphore(%arg27 : memref<!tpu.dma_semaphore, #tpu.memory_space<semaphore_mem>>) src(%dma_wait3A_534 : memref<128x32xf32, #tpu.memory_space<vmem>>) dst(%dma_wait3A_540 : memref<10112x32xf32, #tpu.memory_space<vmem_shared>>)
      %add3A_541 = arith.constant 1 : i32
      %add3A_542 = arith.addi %scan3A_148, %add3A_541 : i32
      %lt3A_543 = arith.constant 16 : i32
      %lt3A_544 = arith.cmpi slt, %add3A_542, %lt3A_543 : i32
      %convert_element_type3A_545 = arith.extui %lt3A_544 : i1 to i32
      %cond3A_546 = arith.constant 0 : i32
      %cond3A_547 = arith.cmpi ne, %convert_element_type3A_545, %cond3A_546 : i32
      scf.if %cond3A_547 {
        %add3A_605 = arith.constant 1 : i32
        %add3A_606 = arith.addi %scan3A_148, %add3A_605 : i32
        %mul3A_607 = arith.constant 10 : i32
        %mul3A_608 = arith.muli %add3A_606, %mul3A_607 : i32
        %add3A_609 = arith.constant 6 : i32
        %add3A_610 = arith.addi %mul3A_608, %add3A_609 : i32
        %dma_start3A_611 = arith.constant 6 : i32
        %dma_start3A_612 = arith.constant 0 : i32
        %dma_start3A_613 = arith.constant 0 : i32
        %dma_start3A_614 = tpu.memref_slice %arg8[%dma_start3A_611, %dma_start3A_612, %dma_start3A_613] : memref<10x128x32xf32, #tpu.memory_space<vmem>> -> memref<1x128x32xf32, #tpu.memory_space<vmem>>
        %dma_start3A_615 = tpu.memref_squeeze %dma_start3A_614 : memref<1x128x32xf32, #tpu.memory_space<vmem>> -> memref<128x32xf32, #tpu.memory_space<vmem>>
        %dma_start3A_616 = arith.constant 0 : i32
        %dma_start3A_617 = tpu.memref_slice %arg6[%add3A_610, %dma_start3A_616] : memref<160x128xi32, #tpu.memory_space<vmem>> -> memref<1x128xi32, #tpu.memory_space<vmem>>
        %dma_start3A_618 = tpu.memref_squeeze %dma_start3A_617 : memref<1x128xi32, #tpu.memory_space<vmem>> -> memref<128xi32, #tpu.memory_space<vmem>>
        %dma_start3A_619 = arith.constant 0 : i32
        %dma_start3A_620 = arith.constant 0 : i32
        %dma_start3A_621 = tpu.memref_slice %arg10[%dma_start3A_619, %dma_start3A_620] : memref<10112x32xf32, #tpu.memory_space<vmem_shared>> -> memref<10112x32xf32, #tpu.memory_space<vmem_shared>>
        tpu.enqueue_indirect_dma source(%dma_start3A_621 : memref<10112x32xf32, #tpu.memory_space<vmem_shared>>) target(%dma_start3A_615 : memref<128x32xf32, #tpu.memory_space<vmem>>) offsets(%dma_start3A_618 : memref<128xi32, #tpu.memory_space<vmem>>) semaphore(%arg17 : memref<!tpu.dma_semaphore, #tpu.memory_space<semaphore_mem>>)
      } else {
      }
      %dma_wait3A_548 = arith.constant 7 : i32
      %dma_wait3A_549 = arith.constant 7 : i32
      %dma_wait3A_550 = arith.constant 0 : i32
      %dma_wait3A_551 = arith.constant 0 : i32
      %dma_wait3A_552 = tpu.memref_slice %arg8[%dma_wait3A_548, %dma_wait3A_550, %dma_wait3A_551] : memref<10x128x32xf32, #tpu.memory_space<vmem>> -> memref<1x128x32xf32, #tpu.memory_space<vmem>>
      %dma_wait3A_553 = tpu.memref_squeeze %dma_wait3A_552 : memref<1x128x32xf32, #tpu.memory_space<vmem>> -> memref<128x32xf32, #tpu.memory_space<vmem>>
      %dma_wait3A_554 = arith.constant 0 : i32
      %dma_wait3A_555 = tpu.memref_slice %arg7[%dma_wait3A_549, %dma_wait3A_554] : memref<160x128xi32, #tpu.memory_space<vmem>> -> memref<1x128xi32, #tpu.memory_space<vmem>>
      %dma_wait3A_556 = tpu.memref_squeeze %dma_wait3A_555 : memref<1x128xi32, #tpu.memory_space<vmem>> -> memref<128xi32, #tpu.memory_space<vmem>>
      %dma_wait3A_557 = arith.constant 0 : i32
      %dma_wait3A_558 = arith.constant 0 : i32
      %dma_wait3A_559 = tpu.memref_slice %arg9[%dma_wait3A_557, %dma_wait3A_558] : memref<10112x32xf32, #tpu.memory_space<vmem_shared>> -> memref<10112x32xf32, #tpu.memory_space<vmem_shared>>
      tpu.wait_indirect_dma semaphore(%arg28 : memref<!tpu.dma_semaphore, #tpu.memory_space<semaphore_mem>>) src(%dma_wait3A_553 : memref<128x32xf32, #tpu.memory_space<vmem>>) dst(%dma_wait3A_559 : memref<10112x32xf32, #tpu.memory_space<vmem_shared>>)
      %add3A_560 = arith.constant 1 : i32
      %add3A_561 = arith.addi %scan3A_148, %add3A_560 : i32
      %lt3A_562 = arith.constant 16 : i32
      %lt3A_563 = arith.cmpi slt, %add3A_561, %lt3A_562 : i32
      %convert_element_type3A_564 = arith.extui %lt3A_563 : i1 to i32
      %cond3A_565 = arith.constant 0 : i32
      %cond3A_566 = arith.cmpi ne, %convert_element_type3A_564, %cond3A_565 : i32
      scf.if %cond3A_566 {
        %add3A_605 = arith.constant 1 : i32
        %add3A_606 = arith.addi %scan3A_148, %add3A_605 : i32
        %mul3A_607 = arith.constant 10 : i32
        %mul3A_608 = arith.muli %add3A_606, %mul3A_607 : i32
        %add3A_609 = arith.constant 7 : i32
        %add3A_610 = arith.addi %mul3A_608, %add3A_609 : i32
        %dma_start3A_611 = arith.constant 7 : i32
        %dma_start3A_612 = arith.constant 0 : i32
        %dma_start3A_613 = arith.constant 0 : i32
        %dma_start3A_614 = tpu.memref_slice %arg8[%dma_start3A_611, %dma_start3A_612, %dma_start3A_613] : memref<10x128x32xf32, #tpu.memory_space<vmem>> -> memref<1x128x32xf32, #tpu.memory_space<vmem>>
        %dma_start3A_615 = tpu.memref_squeeze %dma_start3A_614 : memref<1x128x32xf32, #tpu.memory_space<vmem>> -> memref<128x32xf32, #tpu.memory_space<vmem>>
        %dma_start3A_616 = arith.constant 0 : i32
        %dma_start3A_617 = tpu.memref_slice %arg6[%add3A_610, %dma_start3A_616] : memref<160x128xi32, #tpu.memory_space<vmem>> -> memref<1x128xi32, #tpu.memory_space<vmem>>
        %dma_start3A_618 = tpu.memref_squeeze %dma_start3A_617 : memref<1x128xi32, #tpu.memory_space<vmem>> -> memref<128xi32, #tpu.memory_space<vmem>>
        %dma_start3A_619 = arith.constant 0 : i32
        %dma_start3A_620 = arith.constant 0 : i32
        %dma_start3A_621 = tpu.memref_slice %arg10[%dma_start3A_619, %dma_start3A_620] : memref<10112x32xf32, #tpu.memory_space<vmem_shared>> -> memref<10112x32xf32, #tpu.memory_space<vmem_shared>>
        tpu.enqueue_indirect_dma source(%dma_start3A_621 : memref<10112x32xf32, #tpu.memory_space<vmem_shared>>) target(%dma_start3A_615 : memref<128x32xf32, #tpu.memory_space<vmem>>) offsets(%dma_start3A_618 : memref<128xi32, #tpu.memory_space<vmem>>) semaphore(%arg18 : memref<!tpu.dma_semaphore, #tpu.memory_space<semaphore_mem>>)
      } else {
      }
      %dma_wait3A_567 = arith.constant 8 : i32
      %dma_wait3A_568 = arith.constant 8 : i32
      %dma_wait3A_569 = arith.constant 0 : i32
      %dma_wait3A_570 = arith.constant 0 : i32
      %dma_wait3A_571 = tpu.memref_slice %arg8[%dma_wait3A_567, %dma_wait3A_569, %dma_wait3A_570] : memref<10x128x32xf32, #tpu.memory_space<vmem>> -> memref<1x128x32xf32, #tpu.memory_space<vmem>>
      %dma_wait3A_572 = tpu.memref_squeeze %dma_wait3A_571 : memref<1x128x32xf32, #tpu.memory_space<vmem>> -> memref<128x32xf32, #tpu.memory_space<vmem>>
      %dma_wait3A_573 = arith.constant 0 : i32
      %dma_wait3A_574 = tpu.memref_slice %arg7[%dma_wait3A_568, %dma_wait3A_573] : memref<160x128xi32, #tpu.memory_space<vmem>> -> memref<1x128xi32, #tpu.memory_space<vmem>>
      %dma_wait3A_575 = tpu.memref_squeeze %dma_wait3A_574 : memref<1x128xi32, #tpu.memory_space<vmem>> -> memref<128xi32, #tpu.memory_space<vmem>>
      %dma_wait3A_576 = arith.constant 0 : i32
      %dma_wait3A_577 = arith.constant 0 : i32
      %dma_wait3A_578 = tpu.memref_slice %arg9[%dma_wait3A_576, %dma_wait3A_577] : memref<10112x32xf32, #tpu.memory_space<vmem_shared>> -> memref<10112x32xf32, #tpu.memory_space<vmem_shared>>
      tpu.wait_indirect_dma semaphore(%arg29 : memref<!tpu.dma_semaphore, #tpu.memory_space<semaphore_mem>>) src(%dma_wait3A_572 : memref<128x32xf32, #tpu.memory_space<vmem>>) dst(%dma_wait3A_578 : memref<10112x32xf32, #tpu.memory_space<vmem_shared>>)
      %add3A_579 = arith.constant 1 : i32
      %add3A_580 = arith.addi %scan3A_148, %add3A_579 : i32
      %lt3A_581 = arith.constant 16 : i32
      %lt3A_582 = arith.cmpi slt, %add3A_580, %lt3A_581 : i32
      %convert_element_type3A_583 = arith.extui %lt3A_582 : i1 to i32
      %cond3A_584 = arith.constant 0 : i32
      %cond3A_585 = arith.cmpi ne, %convert_element_type3A_583, %cond3A_584 : i32
      scf.if %cond3A_585 {
        %add3A_605 = arith.constant 1 : i32
        %add3A_606 = arith.addi %scan3A_148, %add3A_605 : i32
        %mul3A_607 = arith.constant 10 : i32
        %mul3A_608 = arith.muli %add3A_606, %mul3A_607 : i32
        %add3A_609 = arith.constant 8 : i32
        %add3A_610 = arith.addi %mul3A_608, %add3A_609 : i32
        %dma_start3A_611 = arith.constant 8 : i32
        %dma_start3A_612 = arith.constant 0 : i32
        %dma_start3A_613 = arith.constant 0 : i32
        %dma_start3A_614 = tpu.memref_slice %arg8[%dma_start3A_611, %dma_start3A_612, %dma_start3A_613] : memref<10x128x32xf32, #tpu.memory_space<vmem>> -> memref<1x128x32xf32, #tpu.memory_space<vmem>>
        %dma_start3A_615 = tpu.memref_squeeze %dma_start3A_614 : memref<1x128x32xf32, #tpu.memory_space<vmem>> -> memref<128x32xf32, #tpu.memory_space<vmem>>
        %dma_start3A_616 = arith.constant 0 : i32
        %dma_start3A_617 = tpu.memref_slice %arg6[%add3A_610, %dma_start3A_616] : memref<160x128xi32, #tpu.memory_space<vmem>> -> memref<1x128xi32, #tpu.memory_space<vmem>>
        %dma_start3A_618 = tpu.memref_squeeze %dma_start3A_617 : memref<1x128xi32, #tpu.memory_space<vmem>> -> memref<128xi32, #tpu.memory_space<vmem>>
        %dma_start3A_619 = arith.constant 0 : i32
        %dma_start3A_620 = arith.constant 0 : i32
        %dma_start3A_621 = tpu.memref_slice %arg10[%dma_start3A_619, %dma_start3A_620] : memref<10112x32xf32, #tpu.memory_space<vmem_shared>> -> memref<10112x32xf32, #tpu.memory_space<vmem_shared>>
        tpu.enqueue_indirect_dma source(%dma_start3A_621 : memref<10112x32xf32, #tpu.memory_space<vmem_shared>>) target(%dma_start3A_615 : memref<128x32xf32, #tpu.memory_space<vmem>>) offsets(%dma_start3A_618 : memref<128xi32, #tpu.memory_space<vmem>>) semaphore(%arg19 : memref<!tpu.dma_semaphore, #tpu.memory_space<semaphore_mem>>)
      } else {
      }
      %dma_wait3A_586 = arith.constant 9 : i32
      %dma_wait3A_587 = arith.constant 9 : i32
      %dma_wait3A_588 = arith.constant 0 : i32
      %dma_wait3A_589 = arith.constant 0 : i32
      %dma_wait3A_590 = tpu.memref_slice %arg8[%dma_wait3A_586, %dma_wait3A_588, %dma_wait3A_589] : memref<10x128x32xf32, #tpu.memory_space<vmem>> -> memref<1x128x32xf32, #tpu.memory_space<vmem>>
      %dma_wait3A_591 = tpu.memref_squeeze %dma_wait3A_590 : memref<1x128x32xf32, #tpu.memory_space<vmem>> -> memref<128x32xf32, #tpu.memory_space<vmem>>
      %dma_wait3A_592 = arith.constant 0 : i32
      %dma_wait3A_593 = tpu.memref_slice %arg7[%dma_wait3A_587, %dma_wait3A_592] : memref<160x128xi32, #tpu.memory_space<vmem>> -> memref<1x128xi32, #tpu.memory_space<vmem>>
      %dma_wait3A_594 = tpu.memref_squeeze %dma_wait3A_593 : memref<1x128xi32, #tpu.memory_space<vmem>> -> memref<128xi32, #tpu.memory_space<vmem>>
      %dma_wait3A_595 = arith.constant 0 : i32
      %dma_wait3A_596 = arith.constant 0 : i32
      %dma_wait3A_597 = tpu.memref_slice %arg9[%dma_wait3A_595, %dma_wait3A_596] : memref<10112x32xf32, #tpu.memory_space<vmem_shared>> -> memref<10112x32xf32, #tpu.memory_space<vmem_shared>>
      tpu.wait_indirect_dma semaphore(%arg30 : memref<!tpu.dma_semaphore, #tpu.memory_space<semaphore_mem>>) src(%dma_wait3A_591 : memref<128x32xf32, #tpu.memory_space<vmem>>) dst(%dma_wait3A_597 : memref<10112x32xf32, #tpu.memory_space<vmem_shared>>)
      %add3A_598 = arith.constant 1 : i32
      %add3A_599 = arith.addi %scan3A_148, %add3A_598 : i32
      %lt3A_600 = arith.constant 16 : i32
      %lt3A_601 = arith.cmpi slt, %add3A_599, %lt3A_600 : i32
      %convert_element_type3A_602 = arith.extui %lt3A_601 : i1 to i32
      %cond3A_603 = arith.constant 0 : i32
      %cond3A_604 = arith.cmpi ne, %convert_element_type3A_602, %cond3A_603 : i32
      scf.if %cond3A_604 {
        %add3A_605 = arith.constant 1 : i32
        %add3A_606 = arith.addi %scan3A_148, %add3A_605 : i32
        %mul3A_607 = arith.constant 10 : i32
        %mul3A_608 = arith.muli %add3A_606, %mul3A_607 : i32
        %add3A_609 = arith.constant 9 : i32
        %add3A_610 = arith.addi %mul3A_608, %add3A_609 : i32
        %dma_start3A_611 = arith.constant 9 : i32
        %dma_start3A_612 = arith.constant 0 : i32
        %dma_start3A_613 = arith.constant 0 : i32
        %dma_start3A_614 = tpu.memref_slice %arg8[%dma_start3A_611, %dma_start3A_612, %dma_start3A_613] : memref<10x128x32xf32, #tpu.memory_space<vmem>> -> memref<1x128x32xf32, #tpu.memory_space<vmem>>
        %dma_start3A_615 = tpu.memref_squeeze %dma_start3A_614 : memref<1x128x32xf32, #tpu.memory_space<vmem>> -> memref<128x32xf32, #tpu.memory_space<vmem>>
        %dma_start3A_616 = arith.constant 0 : i32
        %dma_start3A_617 = tpu.memref_slice %arg6[%add3A_610, %dma_start3A_616] : memref<160x128xi32, #tpu.memory_space<vmem>> -> memref<1x128xi32, #tpu.memory_space<vmem>>
        %dma_start3A_618 = tpu.memref_squeeze %dma_start3A_617 : memref<1x128xi32, #tpu.memory_space<vmem>> -> memref<128xi32, #tpu.memory_space<vmem>>
        %dma_start3A_619 = arith.constant 0 : i32
        %dma_start3A_620 = arith.constant 0 : i32
        %dma_start3A_621 = tpu.memref_slice %arg10[%dma_start3A_619, %dma_start3A_620] : memref<10112x32xf32, #tpu.memory_space<vmem_shared>> -> memref<10112x32xf32, #tpu.memory_space<vmem_shared>>
        tpu.enqueue_indirect_dma source(%dma_start3A_621 : memref<10112x32xf32, #tpu.memory_space<vmem_shared>>) target(%dma_start3A_615 : memref<128x32xf32, #tpu.memory_space<vmem>>) offsets(%dma_start3A_618 : memref<128xi32, #tpu.memory_space<vmem>>) semaphore(%arg20 : memref<!tpu.dma_semaphore, #tpu.memory_space<semaphore_mem>>)
      } else {
      }
    }
    %scan3A_139 = arith.constant 16 : i32
    %barrier3A_140 = arith.constant 0 : index
    tpu.barrier barrier_id(%barrier3A_140)
    %mul3A_141 = arith.constant 632 : i32
    %mul3A_142 = arith.muli %arg1, %mul3A_141 : i32
    %mul3A_143 = arith.constant 10112 : i32
    %mul3A_144 = arith.muli %arg0, %mul3A_143 : i32
    %mul3A_145 = arith.constant 632 : i32
    %mul3A_146 = arith.muli %arg1, %mul3A_145 : i32
    %add3A_147 = arith.addi %mul3A_144, %mul3A_146 : i32
    "tpu.region"() ({
      %run_scoped3A = tpu.sem_alloc : memref<!tpu.dma_semaphore, #tpu.memory_space<semaphore_mem>>
      %dma_start3A_148 = arith.constant 0 : i32
      %dma_start3A_149 = tpu.memref_slice %arg5[%add3A_147, %dma_start3A_148] : memref<20224x32xf32, #tpu.memory_space<hbm>> -> memref<632x32xf32, #tpu.memory_space<hbm>>
      %dma_start3A_150 = arith.constant 0 : i32
      %dma_start3A_151 = tpu.memref_slice %arg9[%mul3A_142, %dma_start3A_150] : memref<10112x32xf32, #tpu.memory_space<vmem_shared>> -> memref<632x32xf32, #tpu.memory_space<vmem_shared>>
      tpu.enqueue_dma source(%dma_start3A_151 : memref<632x32xf32, #tpu.memory_space<vmem_shared>>) target(%dma_start3A_149 : memref<632x32xf32, #tpu.memory_space<hbm>>) target_semaphore(%run_scoped3A : memref<!tpu.dma_semaphore, #tpu.memory_space<semaphore_mem>>)
      %dma_wait3A = arith.constant 0 : i32
      %dma_wait3A_152 = tpu.memref_slice %arg5[%add3A_147, %dma_wait3A] : memref<20224x32xf32, #tpu.memory_space<hbm>> -> memref<632x32xf32, #tpu.memory_space<hbm>>
      %dma_wait3A_153 = arith.constant 0 : i32
      %dma_wait3A_154 = tpu.memref_slice %arg9[%mul3A_142, %dma_wait3A_153] : memref<10112x32xf32, #tpu.memory_space<vmem_shared>> -> memref<632x32xf32, #tpu.memory_space<vmem_shared>>
      tpu.wait_dma2 semaphore(%run_scoped3A : memref<!tpu.dma_semaphore, #tpu.memory_space<semaphore_mem>>) src(%dma_wait3A_154 : memref<632x32xf32, #tpu.memory_space<vmem_shared>>) dst(%dma_wait3A_152 : memref<632x32xf32, #tpu.memory_space<hbm>>)
      tpu.yield
    }) : () -> ()
    return
  }
}

module attributes {stable_mosaic.version = 14 : i64} {
  func.func @_tc_embed_body(%arg0: memref<10000x128xf32, #tpu.memory_space<vmem>>, %arg1: memref<128x64xf32, #tpu.memory_space<vmem>>, %arg2: memref<64x64xf32, #tpu.memory_space<vmem>>, %arg3: memref<20224x16xf32, #tpu.memory_space<vmem>>, %arg4: memref<20224x32xf32, #tpu.memory_space<vmem>>, %arg5: memref<10000x1xf32, #tpu.memory_space<vmem>>) attributes {dimension_semantics = [], scalar_prefetch = 0 : i64, scratch_operands = 0 : i64, tpu.core_type = #tpu.core_type<tc>} {
    %get3A = arith.constant 0 : index
    %get3A_0 = arith.constant 0 : index
    %get3A_1 = vector.load %arg3[%get3A, %get3A_0] : memref<20224x16xf32, #tpu.memory_space<vmem>>, vector<10000x1xf32>
    %get3A_2 = arith.constant 10112 : index
    %get3A_3 = arith.constant 0 : index
    %get3A_4 = vector.load %arg3[%get3A_2, %get3A_3] : memref<20224x16xf32, #tpu.memory_space<vmem>>, vector<10000x1xf32>
    %add3A = arith.addf %get3A_1, %get3A_4 : vector<10000x1xf32>
    %add3A_5 = arith.constant 1.000000e+00 : f32
    %add3A_6 = vector.broadcast %add3A_5 : f32 to vector<10000x1xf32>
    %add3A_7 = arith.addf %add3A, %add3A_6 : vector<10000x1xf32>
    %rsqrt3A = math.rsqrt %add3A_7 : vector<10000x1xf32>
    %swap3A = arith.constant 0 : index
    %swap3A_8 = arith.constant 0 : index
    %swap3A_9 = vector.load %arg5[%swap3A, %swap3A_8] : memref<10000x1xf32, #tpu.memory_space<vmem>>, vector<10000x1xf32>
    tpu.vector_store %arg5[%swap3A, %swap3A_8], %rsqrt3A {strides = array<i32>} : memref<10000x1xf32, #tpu.memory_space<vmem>>, vector<10000x1xf32>,
    %get3A_10 = arith.constant 0 : index
    %get3A_11 = arith.constant 0 : index
    %get3A_12 = vector.load %arg0[%get3A_10, %get3A_11] : memref<10000x128xf32, #tpu.memory_space<vmem>>, vector<10000x128xf32>
    %get3A_13 = arith.constant 0 : index
    %get3A_14 = arith.constant 0 : index
    %get3A_15 = vector.load %arg1[%get3A_13, %get3A_14] : memref<128x64xf32, #tpu.memory_space<vmem>>, vector<128x64xf32>
    %dot_general3A = arith.constant dense<0.000000e+00> : vector<10000x64xf32>
    %dot_general3A_16 = tpu.matmul %get3A_12, %get3A_15, %dot_general3A {dimension_numbers = #tpu.dot_dimension_numbers<[1], [0], [0], [1], [0, 0, 1, 1], [], []>, transpose_lhs_hint = false} : vector<10000x128xf32>, vector<128x64xf32>, vector<10000x64xf32> -> vector<10000x64xf32>
    %get3A_17 = arith.constant 0 : index
    %get3A_18 = arith.constant 0 : index
    %get3A_19 = vector.load %arg2[%get3A_17, %get3A_18] : memref<64x64xf32, #tpu.memory_space<vmem>>, vector<64x32xf32>
    %dot_general3A_20 = arith.constant dense<0.000000e+00> : vector<10000x32xf32>
    %dot_general3A_21 = tpu.matmul %dot_general3A_16, %get3A_19, %dot_general3A_20 {dimension_numbers = #tpu.dot_dimension_numbers<[1], [0], [0], [1], [0, 0, 1, 1], [], []>, transpose_lhs_hint = false} : vector<10000x64xf32>, vector<64x32xf32>, vector<10000x32xf32> -> vector<10000x32xf32>
    %mul3A = vector.broadcast %rsqrt3A : vector<10000x1xf32> to vector<10000x32xf32>
    %mul3A_22 = arith.mulf %mul3A, %dot_general3A_21 : vector<10000x32xf32>
    %swap3A_23 = arith.constant 0 : index
    %swap3A_24 = arith.constant 0 : index
    %swap3A_25 = vector.load %arg4[%swap3A_23, %swap3A_24] : memref<20224x32xf32, #tpu.memory_space<vmem>>, vector<10000x32xf32>
    tpu.vector_store %arg4[%swap3A_23, %swap3A_24], %mul3A_22 {strides = array<i32>} : memref<20224x32xf32, #tpu.memory_space<vmem>>, vector<10000x32xf32>,
    %broadcast_in_dim3A = arith.constant 0.000000e+00 : f32
    %broadcast_in_dim3A_26 = vector.broadcast %broadcast_in_dim3A : f32 to vector<112x32xf32>
    %swap3A_27 = arith.constant 10000 : index
    %swap3A_28 = arith.constant 0 : index
    %swap3A_29 = vector.load %arg4[%swap3A_27, %swap3A_28] : memref<20224x32xf32, #tpu.memory_space<vmem>>, vector<112x32xf32>
    tpu.vector_store %arg4[%swap3A_27, %swap3A_28], %broadcast_in_dim3A_26 {strides = array<i32>} : memref<20224x32xf32, #tpu.memory_space<vmem>>, vector<112x32xf32>,
    %get3A_30 = arith.constant 0 : index
    %get3A_31 = arith.constant 32 : index
    %get3A_32 = vector.load %arg2[%get3A_30, %get3A_31] : memref<64x64xf32, #tpu.memory_space<vmem>>, vector<64x32xf32>
    %dot_general3A_33 = arith.constant dense<0.000000e+00> : vector<10000x32xf32>
    %dot_general3A_34 = tpu.matmul %dot_general3A_16, %get3A_32, %dot_general3A_33 {dimension_numbers = #tpu.dot_dimension_numbers<[1], [0], [0], [1], [0, 0, 1, 1], [], []>, transpose_lhs_hint = false} : vector<10000x64xf32>, vector<64x32xf32>, vector<10000x32xf32> -> vector<10000x32xf32>
    %mul3A_35 = vector.broadcast %rsqrt3A : vector<10000x1xf32> to vector<10000x32xf32>
    %mul3A_36 = arith.mulf %mul3A_35, %dot_general3A_34 : vector<10000x32xf32>
    %swap3A_37 = arith.constant 10112 : index
    %swap3A_38 = arith.constant 0 : index
    %swap3A_39 = vector.load %arg4[%swap3A_37, %swap3A_38] : memref<20224x32xf32, #tpu.memory_space<vmem>>, vector<10000x32xf32>
    tpu.vector_store %arg4[%swap3A_37, %swap3A_38], %mul3A_36 {strides = array<i32>} : memref<20224x32xf32, #tpu.memory_space<vmem>>, vector<10000x32xf32>,
    %broadcast_in_dim3A_40 = arith.constant 0.000000e+00 : f32
    %broadcast_in_dim3A_41 = vector.broadcast %broadcast_in_dim3A_40 : f32 to vector<112x32xf32>
    %swap3A_42 = arith.constant 20112 : index
    %swap3A_43 = arith.constant 0 : index
    %swap3A_44 = vector.load %arg4[%swap3A_42, %swap3A_43] : memref<20224x32xf32, #tpu.memory_space<vmem>>, vector<112x32xf32>
    tpu.vector_store %arg4[%swap3A_42, %swap3A_43], %broadcast_in_dim3A_41 {strides = array<i32>} : memref<20224x32xf32, #tpu.memory_space<vmem>>, vector<112x32xf32>,
    return
  }
}

module attributes {stable_mosaic.version = 14 : i64} {
  func.func @_tc_mid_body(%arg0: memref<20224x32xf32, #tpu.memory_space<vmem>>, %arg1: memref<10000x1xf32, #tpu.memory_space<vmem>>, %arg2: memref<64xf32, #tpu.memory_space<vmem>>, %arg3: memref<64xf32, #tpu.memory_space<vmem>>, %arg4: memref<64xf32, #tpu.memory_space<vmem>>, %arg5: memref<64x64xf32, #tpu.memory_space<vmem>>, %arg6: memref<20224x32xf32, #tpu.memory_space<vmem>>) attributes {dimension_semantics = [], scalar_prefetch = 0 : i64, scratch_operands = 0 : i64, tpu.core_type = #tpu.core_type<tc>} {
    %get3A = arith.constant 0 : index
    %get3A_0 = arith.constant 0 : index
    %get3A_1 = vector.load %arg1[%get3A, %get3A_0] : memref<10000x1xf32, #tpu.memory_space<vmem>>, vector<10000x1xf32>
    %get3A_2 = arith.constant 0 : index
    %get3A_3 = vector.load %arg2[%get3A_2] : memref<64xf32, #tpu.memory_space<vmem>>, vector<64xf32>
    %broadcast_in_dim3A = vector.shape_cast %get3A_3 : vector<64xf32> to vector<1x64xf32>
    %get3A_4 = arith.constant 0 : index
    %get3A_5 = vector.load %arg3[%get3A_4] : memref<64xf32, #tpu.memory_space<vmem>>, vector<64xf32>
    %broadcast_in_dim3A_6 = vector.shape_cast %get3A_5 : vector<64xf32> to vector<1x64xf32>
    %get3A_7 = arith.constant 0 : index
    %get3A_8 = vector.load %arg4[%get3A_7] : memref<64xf32, #tpu.memory_space<vmem>>, vector<64xf32>
    %broadcast_in_dim3A_9 = vector.shape_cast %get3A_8 : vector<64xf32> to vector<1x64xf32>
    %get3A_10 = arith.constant 0 : index
    %get3A_11 = arith.constant 0 : index
    %get3A_12 = vector.load %arg0[%get3A_10, %get3A_11] : memref<20224x32xf32, #tpu.memory_space<vmem>>, vector<10000x32xf32>
    %mul3A = vector.broadcast %get3A_1 : vector<10000x1xf32> to vector<10000x32xf32>
    %mul3A_13 = arith.mulf %mul3A, %get3A_12 : vector<10000x32xf32>
    %slice3A = vector.extract_strided_slice %broadcast_in_dim3A {offsets = [0, 0], sizes = [1, 32], strides = [1, 1]} : vector<1x64xf32> to vector<1x32xf32>
    %add3A = vector.broadcast %slice3A : vector<1x32xf32> to vector<10000x32xf32>
    %add3A_14 = arith.addf %mul3A_13, %add3A : vector<10000x32xf32>
    %reduce_sum3A = arith.constant dense<0.000000e+00> : vector<32xf32>
    %reduce_sum3A_15 = vector.multi_reduction <add>, %add3A_14, %reduce_sum3A [0] : vector<10000x32xf32> to vector<32xf32>
    %broadcast_in_dim3A_16 = vector.shape_cast %reduce_sum3A_15 : vector<32xf32> to vector<1x32xf32>
    %div3A = arith.constant 1.000000e+04 : f32
    %div3A_17 = vector.broadcast %div3A : f32 to vector<1x32xf32>
    %div3A_18 = arith.divf %broadcast_in_dim3A_16, %div3A_17 : vector<1x32xf32>
    %sub3A = vector.broadcast %div3A_18 : vector<1x32xf32> to vector<10000x32xf32>
    %sub3A_19 = arith.subf %add3A_14, %sub3A : vector<10000x32xf32>
    %integer_pow3A = arith.mulf %sub3A_19, %sub3A_19 : vector<10000x32xf32>
    %reduce_sum3A_20 = arith.constant dense<0.000000e+00> : vector<32xf32>
    %reduce_sum3A_21 = vector.multi_reduction <add>, %integer_pow3A, %reduce_sum3A_20 [0] : vector<10000x32xf32> to vector<32xf32>
    %broadcast_in_dim3A_22 = vector.shape_cast %reduce_sum3A_21 : vector<32xf32> to vector<1x32xf32>
    %div3A_23 = arith.constant 1.000000e+04 : f32
    %div3A_24 = vector.broadcast %div3A_23 : f32 to vector<1x32xf32>
    %div3A_25 = arith.divf %broadcast_in_dim3A_22, %div3A_24 : vector<1x32xf32>
    %sub3A_26 = vector.broadcast %div3A_18 : vector<1x32xf32> to vector<10000x32xf32>
    %sub3A_27 = arith.subf %add3A_14, %sub3A_26 : vector<10000x32xf32>
    %add3A_28 = arith.constant 9.99999974E-6 : f32
    %add3A_29 = vector.broadcast %add3A_28 : f32 to vector<1x32xf32>
    %add3A_30 = arith.addf %div3A_25, %add3A_29 : vector<1x32xf32>
    %rsqrt3A = math.rsqrt %add3A_30 : vector<1x32xf32>
    %mul3A_31 = vector.broadcast %rsqrt3A : vector<1x32xf32> to vector<10000x32xf32>
    %mul3A_32 = arith.mulf %sub3A_27, %mul3A_31 : vector<10000x32xf32>
    %slice3A_33 = vector.extract_strided_slice %broadcast_in_dim3A_6 {offsets = [0, 0], sizes = [1, 32], strides = [1, 1]} : vector<1x64xf32> to vector<1x32xf32>
    %mul3A_34 = vector.broadcast %slice3A_33 : vector<1x32xf32> to vector<10000x32xf32>
    %mul3A_35 = arith.mulf %mul3A_32, %mul3A_34 : vector<10000x32xf32>
    %slice3A_36 = vector.extract_strided_slice %broadcast_in_dim3A_9 {offsets = [0, 0], sizes = [1, 32], strides = [1, 1]} : vector<1x64xf32> to vector<1x32xf32>
    %add3A_37 = vector.broadcast %slice3A_36 : vector<1x32xf32> to vector<10000x32xf32>
    %add3A_38 = arith.addf %mul3A_35, %add3A_37 : vector<10000x32xf32>
    %max3A = arith.constant 0.000000e+00 : f32
    %max3A_39 = vector.broadcast %max3A : f32 to vector<10000x32xf32>
    %max3A_40 = arith.maximumf %add3A_38, %max3A_39 : vector<10000x32xf32>
    %get3A_41 = arith.constant 10112 : index
    %get3A_42 = arith.constant 0 : index
    %get3A_43 = vector.load %arg0[%get3A_41, %get3A_42] : memref<20224x32xf32, #tpu.memory_space<vmem>>, vector<10000x32xf32>
    %mul3A_44 = vector.broadcast %get3A_1 : vector<10000x1xf32> to vector<10000x32xf32>
    %mul3A_45 = arith.mulf %mul3A_44, %get3A_43 : vector<10000x32xf32>
    %slice3A_46 = vector.extract_strided_slice %broadcast_in_dim3A {offsets = [0, 32], sizes = [1, 32], strides = [1, 1]} : vector<1x64xf32> to vector<1x32xf32>
    %add3A_47 = vector.broadcast %slice3A_46 : vector<1x32xf32> to vector<10000x32xf32>
    %add3A_48 = arith.addf %mul3A_45, %add3A_47 : vector<10000x32xf32>
    %reduce_sum3A_49 = arith.constant dense<0.000000e+00> : vector<32xf32>
    %reduce_sum3A_50 = vector.multi_reduction <add>, %add3A_48, %reduce_sum3A_49 [0] : vector<10000x32xf32> to vector<32xf32>
    %broadcast_in_dim3A_51 = vector.shape_cast %reduce_sum3A_50 : vector<32xf32> to vector<1x32xf32>
    %div3A_52 = arith.constant 1.000000e+04 : f32
    %div3A_53 = vector.broadcast %div3A_52 : f32 to vector<1x32xf32>
    %div3A_54 = arith.divf %broadcast_in_dim3A_51, %div3A_53 : vector<1x32xf32>
    %sub3A_55 = vector.broadcast %div3A_54 : vector<1x32xf32> to vector<10000x32xf32>
    %sub3A_56 = arith.subf %add3A_48, %sub3A_55 : vector<10000x32xf32>
    %integer_pow3A_57 = arith.mulf %sub3A_56, %sub3A_56 : vector<10000x32xf32>
    %reduce_sum3A_58 = arith.constant dense<0.000000e+00> : vector<32xf32>
    %reduce_sum3A_59 = vector.multi_reduction <add>, %integer_pow3A_57, %reduce_sum3A_58 [0] : vector<10000x32xf32> to vector<32xf32>
    %broadcast_in_dim3A_60 = vector.shape_cast %reduce_sum3A_59 : vector<32xf32> to vector<1x32xf32>
    %div3A_61 = arith.constant 1.000000e+04 : f32
    %div3A_62 = vector.broadcast %div3A_61 : f32 to vector<1x32xf32>
    %div3A_63 = arith.divf %broadcast_in_dim3A_60, %div3A_62 : vector<1x32xf32>
    %sub3A_64 = vector.broadcast %div3A_54 : vector<1x32xf32> to vector<10000x32xf32>
    %sub3A_65 = arith.subf %add3A_48, %sub3A_64 : vector<10000x32xf32>
    %add3A_66 = arith.constant 9.99999974E-6 : f32
    %add3A_67 = vector.broadcast %add3A_66 : f32 to vector<1x32xf32>
    %add3A_68 = arith.addf %div3A_63, %add3A_67 : vector<1x32xf32>
    %rsqrt3A_69 = math.rsqrt %add3A_68 : vector<1x32xf32>
    %mul3A_70 = vector.broadcast %rsqrt3A_69 : vector<1x32xf32> to vector<10000x32xf32>
    %mul3A_71 = arith.mulf %sub3A_65, %mul3A_70 : vector<10000x32xf32>
    %slice3A_72 = vector.extract_strided_slice %broadcast_in_dim3A_6 {offsets = [0, 32], sizes = [1, 32], strides = [1, 1]} : vector<1x64xf32> to vector<1x32xf32>
    %mul3A_73 = vector.broadcast %slice3A_72 : vector<1x32xf32> to vector<10000x32xf32>
    %mul3A_74 = arith.mulf %mul3A_71, %mul3A_73 : vector<10000x32xf32>
    %slice3A_75 = vector.extract_strided_slice %broadcast_in_dim3A_9 {offsets = [0, 32], sizes = [1, 32], strides = [1, 1]} : vector<1x64xf32> to vector<1x32xf32>
    %add3A_76 = vector.broadcast %slice3A_75 : vector<1x32xf32> to vector<10000x32xf32>
    %add3A_77 = arith.addf %mul3A_74, %add3A_76 : vector<10000x32xf32>
    %max3A_78 = arith.constant 0.000000e+00 : f32
    %max3A_79 = vector.broadcast %max3A_78 : f32 to vector<10000x32xf32>
    %max3A_80 = arith.maximumf %add3A_77, %max3A_79 : vector<10000x32xf32>
    %get3A_81 = arith.constant 0 : index
    %get3A_82 = arith.constant 0 : index
    %get3A_83 = vector.load %arg5[%get3A_81, %get3A_82] : memref<64x64xf32, #tpu.memory_space<vmem>>, vector<32x32xf32>
    %dot_general3A = arith.constant dense<0.000000e+00> : vector<10000x32xf32>
    %dot_general3A_84 = tpu.matmul %max3A_40, %get3A_83, %dot_general3A {dimension_numbers = #tpu.dot_dimension_numbers<[1], [0], [0], [1], [0, 0, 1, 1], [], []>, transpose_lhs_hint = false} : vector<10000x32xf32>, vector<32x32xf32>, vector<10000x32xf32> -> vector<10000x32xf32>
    %add3A_85 = arith.constant 0.000000e+00 : f32
    %add3A_86 = vector.broadcast %add3A_85 : f32 to vector<10000x32xf32>
    %add3A_87 = arith.addf %add3A_86, %dot_general3A_84 : vector<10000x32xf32>
    %get3A_88 = arith.constant 32 : index
    %get3A_89 = arith.constant 0 : index
    %get3A_90 = vector.load %arg5[%get3A_88, %get3A_89] : memref<64x64xf32, #tpu.memory_space<vmem>>, vector<32x32xf32>
    %dot_general3A_91 = arith.constant dense<0.000000e+00> : vector<10000x32xf32>
    %dot_general3A_92 = tpu.matmul %max3A_80, %get3A_90, %dot_general3A_91 {dimension_numbers = #tpu.dot_dimension_numbers<[1], [0], [0], [1], [0, 0, 1, 1], [], []>, transpose_lhs_hint = false} : vector<10000x32xf32>, vector<32x32xf32>, vector<10000x32xf32> -> vector<10000x32xf32>
    %add3A_93 = arith.addf %add3A_87, %dot_general3A_92 : vector<10000x32xf32>
    %mul3A_94 = vector.broadcast %get3A_1 : vector<10000x1xf32> to vector<10000x32xf32>
    %mul3A_95 = arith.mulf %mul3A_94, %add3A_93 : vector<10000x32xf32>
    %swap3A = arith.constant 0 : index
    %swap3A_96 = arith.constant 0 : index
    %swap3A_97 = vector.load %arg6[%swap3A, %swap3A_96] : memref<20224x32xf32, #tpu.memory_space<vmem>>, vector<10000x32xf32>
    tpu.vector_store %arg6[%swap3A, %swap3A_96], %mul3A_95 {strides = array<i32>} : memref<20224x32xf32, #tpu.memory_space<vmem>>, vector<10000x32xf32>,
    %broadcast_in_dim3A_98 = arith.constant 0.000000e+00 : f32
    %broadcast_in_dim3A_99 = vector.broadcast %broadcast_in_dim3A_98 : f32 to vector<112x32xf32>
    %swap3A_100 = arith.constant 10000 : index
    %swap3A_101 = arith.constant 0 : index
    %swap3A_102 = vector.load %arg6[%swap3A_100, %swap3A_101] : memref<20224x32xf32, #tpu.memory_space<vmem>>, vector<112x32xf32>
    tpu.vector_store %arg6[%swap3A_100, %swap3A_101], %broadcast_in_dim3A_99 {strides = array<i32>} : memref<20224x32xf32, #tpu.memory_space<vmem>>, vector<112x32xf32>,
    %get3A_103 = arith.constant 0 : index
    %get3A_104 = arith.constant 32 : index
    %get3A_105 = vector.load %arg5[%get3A_103, %get3A_104] : memref<64x64xf32, #tpu.memory_space<vmem>>, vector<32x32xf32>
    %dot_general3A_106 = arith.constant dense<0.000000e+00> : vector<10000x32xf32>
    %dot_general3A_107 = tpu.matmul %max3A_40, %get3A_105, %dot_general3A_106 {dimension_numbers = #tpu.dot_dimension_numbers<[1], [0], [0], [1], [0, 0, 1, 1], [], []>, transpose_lhs_hint = false} : vector<10000x32xf32>, vector<32x32xf32>, vector<10000x32xf32> -> vector<10000x32xf32>
    %add3A_108 = arith.constant 0.000000e+00 : f32
    %add3A_109 = vector.broadcast %add3A_108 : f32 to vector<10000x32xf32>
    %add3A_110 = arith.addf %add3A_109, %dot_general3A_107 : vector<10000x32xf32>
    %get3A_111 = arith.constant 32 : index
    %get3A_112 = arith.constant 32 : index
    %get3A_113 = vector.load %arg5[%get3A_111, %get3A_112] : memref<64x64xf32, #tpu.memory_space<vmem>>, vector<32x32xf32>
    %dot_general3A_114 = arith.constant dense<0.000000e+00> : vector<10000x32xf32>
    %dot_general3A_115 = tpu.matmul %max3A_80, %get3A_113, %dot_general3A_114 {dimension_numbers = #tpu.dot_dimension_numbers<[1], [0], [0], [1], [0, 0, 1, 1], [], []>, transpose_lhs_hint = false} : vector<10000x32xf32>, vector<32x32xf32>, vector<10000x32xf32> -> vector<10000x32xf32>
    %add3A_116 = arith.addf %add3A_110, %dot_general3A_115 : vector<10000x32xf32>
    %mul3A_117 = vector.broadcast %get3A_1 : vector<10000x1xf32> to vector<10000x32xf32>
    %mul3A_118 = arith.mulf %mul3A_117, %add3A_116 : vector<10000x32xf32>
    %swap3A_119 = arith.constant 10112 : index
    %swap3A_120 = arith.constant 0 : index
    %swap3A_121 = vector.load %arg6[%swap3A_119, %swap3A_120] : memref<20224x32xf32, #tpu.memory_space<vmem>>, vector<10000x32xf32>
    tpu.vector_store %arg6[%swap3A_119, %swap3A_120], %mul3A_118 {strides = array<i32>} : memref<20224x32xf32, #tpu.memory_space<vmem>>, vector<10000x32xf32>,
    %broadcast_in_dim3A_122 = arith.constant 0.000000e+00 : f32
    %broadcast_in_dim3A_123 = vector.broadcast %broadcast_in_dim3A_122 : f32 to vector<112x32xf32>
    %swap3A_124 = arith.constant 20112 : index
    %swap3A_125 = arith.constant 0 : index
    %swap3A_126 = vector.load %arg6[%swap3A_124, %swap3A_125] : memref<20224x32xf32, #tpu.memory_space<vmem>>, vector<112x32xf32>
    tpu.vector_store %arg6[%swap3A_124, %swap3A_125], %broadcast_in_dim3A_123 {strides = array<i32>} : memref<20224x32xf32, #tpu.memory_space<vmem>>, vector<112x32xf32>,
    return
  }
}

module attributes {stable_mosaic.version = 14 : i64} {
  func.func @_tc_final_body(%arg0: memref<20224x32xf32, #tpu.memory_space<vmem>>, %arg1: memref<10000x1xf32, #tpu.memory_space<vmem>>, %arg2: memref<64xf32, #tpu.memory_space<vmem>>, %arg3: memref<64xf32, #tpu.memory_space<vmem>>, %arg4: memref<64xf32, #tpu.memory_space<vmem>>, %arg5: memref<1x10000xi32, #tpu.memory_space<vmem>>, %arg6: memref<10000x64xf32, #tpu.memory_space<vmem>>, %arg7: memref<64x64xf32, #tpu.memory_space<vmem>>) attributes {dimension_semantics = [], scalar_prefetch = 0 : i64, scratch_operands = 0 : i64, tpu.core_type = #tpu.core_type<tc>} {
    %get3A = arith.constant 0 : index
    %get3A_0 = arith.constant 0 : index
    %get3A_1 = vector.load %arg1[%get3A, %get3A_0] : memref<10000x1xf32, #tpu.memory_space<vmem>>, vector<10000x1xf32>
    %get3A_2 = arith.constant 0 : index
    %get3A_3 = vector.load %arg2[%get3A_2] : memref<64xf32, #tpu.memory_space<vmem>>, vector<64xf32>
    %broadcast_in_dim3A = vector.shape_cast %get3A_3 : vector<64xf32> to vector<1x64xf32>
    %get3A_4 = arith.constant 0 : index
    %get3A_5 = vector.load %arg3[%get3A_4] : memref<64xf32, #tpu.memory_space<vmem>>, vector<64xf32>
    %broadcast_in_dim3A_6 = vector.shape_cast %get3A_5 : vector<64xf32> to vector<1x64xf32>
    %get3A_7 = arith.constant 0 : index
    %get3A_8 = vector.load %arg4[%get3A_7] : memref<64xf32, #tpu.memory_space<vmem>>, vector<64xf32>
    %broadcast_in_dim3A_9 = vector.shape_cast %get3A_8 : vector<64xf32> to vector<1x64xf32>
    %iota3A = tpu.iota {dimensions = array<i32: 0>} : vector<64x10000xi32>
    %get3A_10 = arith.constant 0 : index
    %get3A_11 = arith.constant 0 : index
    %get3A_12 = vector.load %arg5[%get3A_10, %get3A_11] : memref<1x10000xi32, #tpu.memory_space<vmem>>, vector<1x10000xi32>
    %eq3A = vector.broadcast %get3A_12 : vector<1x10000xi32> to vector<64x10000xi32>
    %eq3A_13 = arith.cmpi eq, %iota3A, %eq3A : vector<64x10000xi32>
    %convert_element_type3A = arith.extui %eq3A_13 : vector<64x10000xi1> to vector<64x10000xi32>
    %convert_element_type3A_14 = arith.sitofp %convert_element_type3A : vector<64x10000xi32> to vector<64x10000xf32>
    %get3A_15 = arith.constant 0 : index
    %get3A_16 = arith.constant 0 : index
    %get3A_17 = vector.load %arg0[%get3A_15, %get3A_16] : memref<20224x32xf32, #tpu.memory_space<vmem>>, vector<10000x32xf32>
    %mul3A = vector.broadcast %get3A_1 : vector<10000x1xf32> to vector<10000x32xf32>
    %mul3A_18 = arith.mulf %mul3A, %get3A_17 : vector<10000x32xf32>
    %slice3A = vector.extract_strided_slice %broadcast_in_dim3A {offsets = [0, 0], sizes = [1, 32], strides = [1, 1]} : vector<1x64xf32> to vector<1x32xf32>
    %add3A = vector.broadcast %slice3A : vector<1x32xf32> to vector<10000x32xf32>
    %add3A_19 = arith.addf %mul3A_18, %add3A : vector<10000x32xf32>
    %reduce_sum3A = arith.constant dense<0.000000e+00> : vector<32xf32>
    %reduce_sum3A_20 = vector.multi_reduction <add>, %add3A_19, %reduce_sum3A [0] : vector<10000x32xf32> to vector<32xf32>
    %broadcast_in_dim3A_21 = vector.shape_cast %reduce_sum3A_20 : vector<32xf32> to vector<1x32xf32>
    %div3A = arith.constant 1.000000e+04 : f32
    %div3A_22 = vector.broadcast %div3A : f32 to vector<1x32xf32>
    %div3A_23 = arith.divf %broadcast_in_dim3A_21, %div3A_22 : vector<1x32xf32>
    %sub3A = vector.broadcast %div3A_23 : vector<1x32xf32> to vector<10000x32xf32>
    %sub3A_24 = arith.subf %add3A_19, %sub3A : vector<10000x32xf32>
    %integer_pow3A = arith.mulf %sub3A_24, %sub3A_24 : vector<10000x32xf32>
    %reduce_sum3A_25 = arith.constant dense<0.000000e+00> : vector<32xf32>
    %reduce_sum3A_26 = vector.multi_reduction <add>, %integer_pow3A, %reduce_sum3A_25 [0] : vector<10000x32xf32> to vector<32xf32>
    %broadcast_in_dim3A_27 = vector.shape_cast %reduce_sum3A_26 : vector<32xf32> to vector<1x32xf32>
    %div3A_28 = arith.constant 1.000000e+04 : f32
    %div3A_29 = vector.broadcast %div3A_28 : f32 to vector<1x32xf32>
    %div3A_30 = arith.divf %broadcast_in_dim3A_27, %div3A_29 : vector<1x32xf32>
    %sub3A_31 = vector.broadcast %div3A_23 : vector<1x32xf32> to vector<10000x32xf32>
    %sub3A_32 = arith.subf %add3A_19, %sub3A_31 : vector<10000x32xf32>
    %add3A_33 = arith.constant 9.99999974E-6 : f32
    %add3A_34 = vector.broadcast %add3A_33 : f32 to vector<1x32xf32>
    %add3A_35 = arith.addf %div3A_30, %add3A_34 : vector<1x32xf32>
    %rsqrt3A = math.rsqrt %add3A_35 : vector<1x32xf32>
    %mul3A_36 = vector.broadcast %rsqrt3A : vector<1x32xf32> to vector<10000x32xf32>
    %mul3A_37 = arith.mulf %sub3A_32, %mul3A_36 : vector<10000x32xf32>
    %slice3A_38 = vector.extract_strided_slice %broadcast_in_dim3A_6 {offsets = [0, 0], sizes = [1, 32], strides = [1, 1]} : vector<1x64xf32> to vector<1x32xf32>
    %mul3A_39 = vector.broadcast %slice3A_38 : vector<1x32xf32> to vector<10000x32xf32>
    %mul3A_40 = arith.mulf %mul3A_37, %mul3A_39 : vector<10000x32xf32>
    %slice3A_41 = vector.extract_strided_slice %broadcast_in_dim3A_9 {offsets = [0, 0], sizes = [1, 32], strides = [1, 1]} : vector<1x64xf32> to vector<1x32xf32>
    %add3A_42 = vector.broadcast %slice3A_41 : vector<1x32xf32> to vector<10000x32xf32>
    %add3A_43 = arith.addf %mul3A_40, %add3A_42 : vector<10000x32xf32>
    %swap3A = arith.constant 0 : index
    %swap3A_44 = arith.constant 0 : index
    %swap3A_45 = vector.load %arg6[%swap3A, %swap3A_44] : memref<10000x64xf32, #tpu.memory_space<vmem>>, vector<10000x32xf32>
    tpu.vector_store %arg6[%swap3A, %swap3A_44], %add3A_43 {strides = array<i32>} : memref<10000x64xf32, #tpu.memory_space<vmem>>, vector<10000x32xf32>,
    %dot_general3A = arith.constant dense<0.000000e+00> : vector<64x32xf32>
    %dot_general3A_46 = tpu.matmul %convert_element_type3A_14, %add3A_43, %dot_general3A {dimension_numbers = #tpu.dot_dimension_numbers<[1], [0], [0], [1], [0, 0, 1, 1], [], []>, transpose_lhs_hint = false} : vector<64x10000xf32>, vector<10000x32xf32>, vector<64x32xf32> -> vector<64x32xf32>
    %swap3A_47 = arith.constant 0 : index
    %swap3A_48 = arith.constant 0 : index
    %swap3A_49 = vector.load %arg7[%swap3A_47, %swap3A_48] : memref<64x64xf32, #tpu.memory_space<vmem>>, vector<64x32xf32>
    tpu.vector_store %arg7[%swap3A_47, %swap3A_48], %dot_general3A_46 {strides = array<i32>} : memref<64x64xf32, #tpu.memory_space<vmem>>, vector<64x32xf32>,
    %get3A_50 = arith.constant 10112 : index
    %get3A_51 = arith.constant 0 : index
    %get3A_52 = vector.load %arg0[%get3A_50, %get3A_51] : memref<20224x32xf32, #tpu.memory_space<vmem>>, vector<10000x32xf32>
    %mul3A_53 = vector.broadcast %get3A_1 : vector<10000x1xf32> to vector<10000x32xf32>
    %mul3A_54 = arith.mulf %mul3A_53, %get3A_52 : vector<10000x32xf32>
    %slice3A_55 = vector.extract_strided_slice %broadcast_in_dim3A {offsets = [0, 32], sizes = [1, 32], strides = [1, 1]} : vector<1x64xf32> to vector<1x32xf32>
    %add3A_56 = vector.broadcast %slice3A_55 : vector<1x32xf32> to vector<10000x32xf32>
    %add3A_57 = arith.addf %mul3A_54, %add3A_56 : vector<10000x32xf32>
    %reduce_sum3A_58 = arith.constant dense<0.000000e+00> : vector<32xf32>
    %reduce_sum3A_59 = vector.multi_reduction <add>, %add3A_57, %reduce_sum3A_58 [0] : vector<10000x32xf32> to vector<32xf32>
    %broadcast_in_dim3A_60 = vector.shape_cast %reduce_sum3A_59 : vector<32xf32> to vector<1x32xf32>
    %div3A_61 = arith.constant 1.000000e+04 : f32
    %div3A_62 = vector.broadcast %div3A_61 : f32 to vector<1x32xf32>
    %div3A_63 = arith.divf %broadcast_in_dim3A_60, %div3A_62 : vector<1x32xf32>
    %sub3A_64 = vector.broadcast %div3A_63 : vector<1x32xf32> to vector<10000x32xf32>
    %sub3A_65 = arith.subf %add3A_57, %sub3A_64 : vector<10000x32xf32>
    %integer_pow3A_66 = arith.mulf %sub3A_65, %sub3A_65 : vector<10000x32xf32>
    %reduce_sum3A_67 = arith.constant dense<0.000000e+00> : vector<32xf32>
    %reduce_sum3A_68 = vector.multi_reduction <add>, %integer_pow3A_66, %reduce_sum3A_67 [0] : vector<10000x32xf32> to vector<32xf32>
    %broadcast_in_dim3A_69 = vector.shape_cast %reduce_sum3A_68 : vector<32xf32> to vector<1x32xf32>
    %div3A_70 = arith.constant 1.000000e+04 : f32
    %div3A_71 = vector.broadcast %div3A_70 : f32 to vector<1x32xf32>
    %div3A_72 = arith.divf %broadcast_in_dim3A_69, %div3A_71 : vector<1x32xf32>
    %sub3A_73 = vector.broadcast %div3A_63 : vector<1x32xf32> to vector<10000x32xf32>
    %sub3A_74 = arith.subf %add3A_57, %sub3A_73 : vector<10000x32xf32>
    %add3A_75 = arith.constant 9.99999974E-6 : f32
    %add3A_76 = vector.broadcast %add3A_75 : f32 to vector<1x32xf32>
    %add3A_77 = arith.addf %div3A_72, %add3A_76 : vector<1x32xf32>
    %rsqrt3A_78 = math.rsqrt %add3A_77 : vector<1x32xf32>
    %mul3A_79 = vector.broadcast %rsqrt3A_78 : vector<1x32xf32> to vector<10000x32xf32>
    %mul3A_80 = arith.mulf %sub3A_74, %mul3A_79 : vector<10000x32xf32>
    %slice3A_81 = vector.extract_strided_slice %broadcast_in_dim3A_6 {offsets = [0, 32], sizes = [1, 32], strides = [1, 1]} : vector<1x64xf32> to vector<1x32xf32>
    %mul3A_82 = vector.broadcast %slice3A_81 : vector<1x32xf32> to vector<10000x32xf32>
    %mul3A_83 = arith.mulf %mul3A_80, %mul3A_82 : vector<10000x32xf32>
    %slice3A_84 = vector.extract_strided_slice %broadcast_in_dim3A_9 {offsets = [0, 32], sizes = [1, 32], strides = [1, 1]} : vector<1x64xf32> to vector<1x32xf32>
    %add3A_85 = vector.broadcast %slice3A_84 : vector<1x32xf32> to vector<10000x32xf32>
    %add3A_86 = arith.addf %mul3A_83, %add3A_85 : vector<10000x32xf32>
    %swap3A_87 = arith.constant 0 : index
    %swap3A_88 = arith.constant 32 : index
    %swap3A_89 = vector.load %arg6[%swap3A_87, %swap3A_88] : memref<10000x64xf32, #tpu.memory_space<vmem>>, vector<10000x32xf32>
    tpu.vector_store %arg6[%swap3A_87, %swap3A_88], %add3A_86 {strides = array<i32>} : memref<10000x64xf32, #tpu.memory_space<vmem>>, vector<10000x32xf32>,
    %dot_general3A_90 = arith.constant dense<0.000000e+00> : vector<64x32xf32>
    %dot_general3A_91 = tpu.matmul %convert_element_type3A_14, %add3A_86, %dot_general3A_90 {dimension_numbers = #tpu.dot_dimension_numbers<[1], [0], [0], [1], [0, 0, 1, 1], [], []>, transpose_lhs_hint = false} : vector<64x10000xf32>, vector<10000x32xf32>, vector<64x32xf32> -> vector<64x32xf32>
    %swap3A_92 = arith.constant 0 : index
    %swap3A_93 = arith.constant 32 : index
    %swap3A_94 = vector.load %arg7[%swap3A_92, %swap3A_93] : memref<64x64xf32, #tpu.memory_space<vmem>>, vector<64x32xf32>
    tpu.vector_store %arg7[%swap3A_92, %swap3A_93], %dot_general3A_91 {strides = array<i32>} : memref<64x64xf32, #tpu.memory_space<vmem>>, vector<64x32xf32>,
    return
  }
}

</mosaic_0001>

<sc_bundles>
// kernel: kernel.11.cloned.1.call-start
scs
__scs_entry_jumppad:
0x0: {  	(pc) =	sbr.rel $0x88, $3  }
0x1: {  	(tag) =	ssettag $0x0;
	lr =	simm.s32 $0x1  }
0x2: {  	[smem:$0x3F95] =	sst lr;
	_ =	strace $0xD0000000  }
0x3: {  	_ = 	snop  }
0x4: {  	_ = 	snop  }
0x5: {  	_ = 	snop  }
0x6: {  	_ = 	snop  }
0x7: {  	_ = 	snop  }
__scs_overlays_trampoline_lowered:
0x8: {  	[smem:$0x3FA4] =	sst s0  }
0x9: {  	[smem:$0x3FA5] =	sst s1  }
0xa: {  	[smem:$0x3FA6] =	sst s2  }
0xb: {  	[smem:$0x3FA7] =	sst s3  }
0xc: {  	[smem:$0x3FA8] =	sst s4  }
0xd: {  	[smem:$0x3FA9] =	sst s5  }
0xe: {  	[smem:$0x3FAA] =	sst s6  }
0xf: {  	[smem:$0x3FAB] =	sst s7  }
0x10: {  	[smem:$0x3FAC] =	sst s8  }
0x11: {  	[smem:$0x3FAD] =	sst s9;
	s0 =	simm.s32 @!p0 $0x0  }
0x12: {  	s1 =	sld [smem:$0x3F93];
	s0 =	simm.s32 @p0 $0x1  }
0x13: {  	[smem:$0x3FAE] =	sst s0;
	s0 =	simm.s32 @!p1 $0x0  }
0x14: {  	s2 =	sld [smem:$0x3F92];
	s0 =	simm.s32 @p1 $0x1  }
0x15: {  	[smem:$0x3FAF] =	sst s0;
	s0 =	simm.s32 @!p2 $0x0  }
0x16: {  	s3 =	sld [smem:$0x3FDB];
	s0 =	simm.s32 @p2 $0x1  }
0x17: {  	s4 =	simm.s32 $0x1BF5;
	[smem:$0x3FB1] =	sst s0  }
0x18: {  	s0 =	sld [smem:$0x3F94];
	_ =	swait.ge [sflag:s4], $0x0  }
0x19: {  	s7 =	sld [smem:$0x3F95]  }
0x1a: {  	s8 =	sadd.s32 $0xFFFFE003, lr  }
0x1b: {  	s9 =	sadd.s32 $0xFFFFFEF7, lr;
	s5 =	simm.s32 $0xFFFFFFFF;
	p2 =	slt.u32 s8, $0xFFFFF086  }
0x1c: {  	p1 =	slt.u32 s9, $0xF7A;
	s5 =	simm.s32 @!p2 $0x0  }
0x1d: {  	s5 =	simm.s32 @p1 $0x1;
	p0 =	seq.s32 s7, s2  }
0x1e: {  	s7 =	smul.u32 @!p0 $0xF7A, s2;
	p2 =	seq.s32 @!p0 s5, $0x0  }
0x1f: {  	s9 =	smul.u32 $0xF7A, s1;
	s8 =	simm.s32 @!p0 $0x1BF5;
	p2 =	por !p2, p0  }
0x20: {  	[sflag:s8] =	ssyncset.s32 @!p0 $0xFFFFF086;
	s6 =	sadd.s32 @!p0 s3, s7;
	s7 =	simm.s32 @!p0 $0x108  }
0x21: {  	s3 =	sadd.s32 s3, s9;
	s6 =	sadd.s32 @!p0 $0x88, s6;
	s7 =	simm.s32 @p2 $0x1082  }
0x22: {  	[simem:s7], [sflag:s8] =	dma.local @!p0 [hbm:s6], $0xF7A  }
0x23: {  	s9 =	sor.u32 $0xD0000000, s2;
	s6 =	simm.s32 $0x108;
	_ =	swait.ge @!p0 [sflag:s8], $0x0  }
0x24: {  	s3 =	sadd.s32 $0x88, s3;
	s6 =	simm.s32 @!p1 $0x1082;
	[sflag:s4] =	ssyncset.s32 $0xFFFFF086  }
0x25: {  	[simem:s6], [sflag:s4] =	dma.local [hbm:s3], $0xF7A  }
0x26: {  	[smem:$0x3F95] =	sst s1;
	(tag) =	ssettag s2;
	_ =	strace s9  }
0x27: {  	s1 =	sld [smem:$0x3FA5]  }
0x28: {  	s2 =	sld [smem:$0x3FA6]  }
0x29: {  	s4 =	sld [smem:$0x3FA8]  }
0x2a: {  	p0 =	seq.s32 s5, $0x0;
	s5 =	sld [smem:$0x3FA9]  }
0x2b: {  	s6 =	sld [smem:$0x3FAA]  }
0x2c: {  	s7 =	sld [smem:$0x3FAB]  }
0x2d: {  	s3 =	simm.s32 $0x108;
	s8 =	sld [smem:$0x3FAC]  }
0x2e: {  	s3 =	simm.s32 @!p0 $0x1082;
	s9 =	sld [smem:$0x3FAD]  }
0x2f: {  	lr =	sadd.s32 s0, s3;
	s0 =	sld [smem:$0x3FA4]  }
0x30: {  	s3 =	sld [smem:$0x3FA7]  }
0x31: {  	[smem:$0x3FB0] =	sst s10  }
0x32: {  	s10 =	sld [smem:$0x3FAE];
	_ =	sdelay $0x3  }
0x33: {  	p0 =	seq.s32 s10, $0x1;
	s10 =	sld [smem:$0x3FB0];
	_ =	sdelay $0x3  }
0x34: {  	[smem:$0x3FB0] =	sst s10  }
0x35: {  	s10 =	sld [smem:$0x3FAF];
	_ =	sdelay $0x3  }
0x36: {  	p1 =	seq.s32 s10, $0x1;
	s10 =	sld [smem:$0x3FB0];
	_ =	sdelay $0x3  }
0x37: {  	[smem:$0x3FB0] =	sst s10  }
0x38: {  	s10 =	sld [smem:$0x3FB1]  }
0x39: {  	_ = 	snop;
	(pc) =	sbr.ind lr, $3  }
0x3a: {  	_ = 	snop  }
0x3b: {  	_ = 	snop  }
0x3c: {  	p2 =	seq.s32 s10, $0x1;
	s10 =	sld [smem:$0x3FB0]  }
0x3d: {  	_ =	shalt  }
0x3e: {  	_ =	shalt  }
0x3f: {  	_ =	shalt  }
0x40: {  	_ =	shalt  }
0x41: {  	_ =	shalt  }
0x42: {  	_ =	shalt  }
0x43: {  	_ =	shalt  }
0x44: {  	_ =	shalt  }
0x45: {  	_ =	shalt  }
0x46: {  	_ =	shalt  }
0x47: {  	_ =	shalt  }
0x48: {  	_ =	shalt  }
0x49: {  	_ =	shalt  }
0x4a: {  	_ =	shalt  }
0x4b: {  	_ =	shalt  }
0x4c: {  	_ =	shalt  }
0x4d: {  	_ =	shalt  }
0x4e: {  	_ =	shalt  }
0x4f: {  	_ =	shalt  }
0x50: {  	_ =	shalt  }
0x51: {  	_ =	shalt  }
0x52: {  	_ =	shalt  }
0x53: {  	_ =	shalt  }
0x54: {  	_ =	shalt  }
0x55: {  	_ =	shalt  }
0x56: {  	_ =	shalt  }
0x57: {  	_ =	shalt  }
0x58: {  	_ =	shalt  }
0x59: {  	_ =	shalt  }
0x5a: {  	_ =	shalt  }
0x5b: {  	_ =	shalt  }
0x5c: {  	_ =	shalt  }
0x5d: {  	_ =	shalt  }
0x5e: {  	_ =	shalt  }
0x5f: {  	_ =	shalt  }
0x60: {  	_ =	shalt  }
0x61: {  	_ =	shalt  }
0x62: {  	_ =	shalt  }
0x63: {  	_ =	shalt  }
0x64: {  	_ =	shalt  }
0x65: {  	_ =	shalt  }
0x66: {  	_ =	shalt  }
0x67: {  	_ =	shalt  }
0x68: {  	_ =	shalt  }
0x69: {  	_ =	shalt  }
0x6a: {  	_ =	shalt  }
0x6b: {  	_ =	shalt  }
0x6c: {  	_ =	shalt  }
0x6d: {  	_ =	shalt  }
0x6e: {  	_ =	shalt  }
0x6f: {  	_ =	shalt  }
0x70: {  	_ =	shalt  }
0x71: {  	_ =	shalt  }
0x72: {  	_ =	shalt  }
0x73: {  	_ =	shalt  }
0x74: {  	_ =	shalt  }
0x75: {  	_ =	shalt  }
0x76: {  	_ =	shalt  }
0x77: {  	_ =	shalt  }
0x78: {  	_ =	shalt  }
0x79: {  	_ =	shalt  }
0x7a: {  	_ =	shalt  }
0x7b: {  	_ =	shalt  }
0x7c: {  	_ =	shalt  }
0x7d: {  	_ =	shalt  }
0x7e: {  	_ =	shalt  }
0x7f: {  	_ =	shalt  }
0x80: {  	_ =	shalt  }
0x81: {  	_ =	shalt  }
0x82: {  	_ =	shalt  }
0x83: {  	_ =	shalt  }
0x84: {  	_ =	shalt  }
0x85: {  	_ =	shalt  }
0x86: {  	_ =	shalt  }
0x87: {  	_ =	shalt  }
.Lfunc_end0:
.L_simem_size_0:
called_computation.1_lowered:
.L_overlay_start_0:
0x88: {  	s2 =	sld [smem:$0x3FD9]  }
0x89: {  	s3 =	sld [smem:$0x3FFE];
	_ =	sdelay $0x1  }
0x8a: {  	s1 =	srdreg.scid  }
0x8b: {  	s0 =	sand.u32 $0x1, s1  }
0x8c: {  	s14 =	sshll.u32 s0, $0xA;
	s2 =	sadd.s32 s3, s2  }
0x8d: {  	s2 =	sadd.s32 s2, s14  }
0x8e: {  	[smem:$0x3FBC] =	sst s2  }
0x8f: {  	_ = 	snop  }
0x90: {  	s2 =	sld [smem:$0x3FD0];
	_ =	sdelay $0x2  }
0x91: {  	s15 =	simm.s32 $0xA;
	s4 =	simm.s32 $0x10  }
0x92: {  	[smem:s4], [sflag:s15] =	dma.local [hbm:s2], $0x1  }
0x93: {  	_ =	swait.eq [sflag:s15], $0x1  }
0x94: {  	[sflag:s15] =	ssyncset.done $0x0  }
0x95: {  	[sflag:s15] =	ssyncadd.s32 $0xFFFFFFFF  }
0x96: {  	s16 =	sld [smem:$0x10];
	(tm) =	ssettm $0x1  }
0x97: {  	s17 =	sld [smem:$0x3FFB];
	_ =	sdelay $0x3  }
0x98: {  	_ =	strace s17  }
0x99: {  	s3 =	sld [smem:$0x3FFC];
	_ =	sdelay $0x3  }
0x9a: {  	_ =	strace s3  }
0x9b: {  	s3 =	sld [smem:$0x3FFD];
	_ =	sdelay $0x3  }
0x9c: {  	_ =	strace s3  }
0x9d: {  	_ =	strace $0x8FFFFFFF  }
0x9e: {  	s18 =	sld [smem:$0x3FDB];
	_ =	sdelay $0x1  }
0x9f: {  	s19 =	simm.s32 $_scs_section_size  }
0xa0: {  	s5 =	simm.s32 $_size__tile_overlayer_lowered;
	s6 =	simm.s32 $_tile_overlayer_lowered  }
0xa1: {  	s22 =	simm.s32 $0x1BFF;
	s21 =	sshll.u32 s6, $0x1;
	s3 =	sadd.s32 s19, s18  }
0xa2: {  	s7 =	simm.s32 $0x0;
	s20 =	sshll.u32 s5, $0x1;
	s5 =	sadd.s32 s21, s3  }
0xa3: {  	[timem:s7], [sflag:s22] =	dma.local [hbm:s5], s20  }
0xa4: {  	_ =	swait.ge [sflag:s22], s20  }
0xa5: {  	s4 =	ssub.s32 $0x0, s20;
	[sflag:s22] =	ssyncset.done $0x0  }
0xa6: {  	[sflag:s22] =	ssyncadd.s32 s4;
	_ =	sdelay $0x1  }
0xa7: {  	s23 =	simm.s32 $0x1B8B  }
0xa8: {  	_ =	swait.ge [sflag:s23], $0x1  }
0xa9: {  	[sflag:s23] =	ssyncset.done $0x0  }
0xaa: {  	s25 =	simm.s32 $0x1B8E;
	s24 =	sld [smem:$0x3FFE];
	[sflag:s23] =	ssyncadd.s32 $0xFFFFFFFF  }
0xab: {  	s26 =	simm.s32 $execute0_lowered;
	[smem:$0x3FD2] =	sst s25  }
0xac: {  	s5 =	sshll.u32 s26, $0x1;
	_ =	strace $0x80000049;
	[dreg:$0x1] =	wrdreg $0xFFFFFFFF  }
0xad: {  	s28 =	simm.s32 $_size_execute0_lowered;
	s3 =	sadd.s32 s3, s5;
	[dreg:$0x0] =	wrdreg $0x0  }
0xae: {  	s5 =	sshll.u32 s28, $0x1;
	[dreg:$0x2] =	wrdreg s3  }
0xaf: {  	[dreg:$0x3] =	wrdreg s5  }
0xb0: {  	[dreg:$0x4] =	wrdreg $0xC0  }
0xb1: {  	_ =	task [dreg:s7], $0x5FFFF  }
0xb2: {  	[dreg:$0x1] =	wrdreg $0xFFFFFFFF  }
0xb3: {  	[dreg:$0x0] =	wrdreg $0x60  }
0xb4: {  	[dreg:$0x2] =	wrdreg s16  }
0xb5: {  	[dreg:$0x3] =	wrdreg s24  }
0xb6: {  	[dreg:$0x4] =	wrdreg $0x140000  }
0xb7: {  	[dreg:$0x5] =	wrdreg $0x18F000  }
0xb8: {  	[dreg:$0x6] =	wrdreg $0x9  }
0xb9: {  	_ =	task.clear_ibuf [dreg:s7], $0x7FFFF;
	_ =	strace $0x90000049  }
0xba: {  	s29 =	simm.s32 $0x9;
	_ =	strace $0x8000004B  }
0xbb: {  	_ =	swait.ge [sflag:s29], $0x1  }
0xbc: {  	[sflag:s29] =	ssyncadd.s32 $0xFFFFFFFF  }
0xbd: {  	_ =	strace $0x9000004B  }
0xbe: {  	_ =	sfence  }
0xbf: {  	s30 =	sld [smem:$0x0];
	_ =	sdelay $0x2  }
0xc0: {  	s31 =	sshll.u32 s1, $0xD;
	s1 =	sshrl.u32 s1, $0x2  }
0xc1: {  	s3 =	sand.u32 $0x4000, s31;
	s1 =	sadd.s32 s1, s30  }
0xc2: {  	s0 =	sor.u32 s3, s0;
	s1 =	sshll.u32 s1, $0x11  }
0xc3: {  	s0 =	sor.u32 s1, s0  }
0xc4: {  	s0 =	sadd.s32 $0x8F2B, s0  }
0xc5: {  	[sflag:s0] =	ssyncadd.remote.s32 $0x1  }
0xc6: {  	_ =	sfence.sel $0xFFFF  }
0xc7: {  	[dreg:$0x0] =	wrdreg $0xFFFFFFFF;
	(pc) =	sbr.abs _section_cstart, $3  }
0xc8: {  	[dreg:$0x1] =	wrdreg $0xFFFFFFFF  }
0xc9: {  	_ =	task.clear_ibuf [dreg:s7], $0x2FFFF;
	_ =	strace $0x9FFFFFFF  }
0xca: {  	(tm) =	ssettm $0x7FFFFFFF  }
0xcb: {  	_ =	shalt  }
tec
execute0_lowered:
.L_overlay_start_1:
0x0: {  	(tag) =	ssettag $0x1  }
0x1: {  	s0 =	rddreg [dreg:$0x0]  }
0x2: {  	s1 =	rddreg [dreg:$0x1]  }
0x3: {  	s2 =	rddreg [dreg:$0x2];
	s4 =	srdreg.scid  }
0x4: {  	s3 =	rddreg [dreg:$0x3];
	s9 =	stileid.u32;
	s7 =	simm.s32 $0x0  }
0x5: {  	s23 =	simm.s32 $0x15;
	s15 =	simm.s32 $0x80;
	s29 =	simm.s32 $0x6  }
0x6: {  	s31 =	simm.s32 $0x7;
	s14 =	simm.s32 $0xD;
	s13 =	simm.s32 $0x10  }
0x7: {  	s12 =	simm.s32 $0x11;
	s10 =	simm.s32 $0x12;
	s16 =	simm.s32 $0x13  }
0x8: {  	s17 =	simm.s32 $0x14;
	s30 =	simm.s32 $0xC000;
	s6 =	smul.u32 $0x278, s9  }
0x9: {  	s4 =	sand.u32 $0x1, s4;
	[smem:$0x7FF] =	sst s7;
	s18 =	smul.u32 $0xA00, s9  }
0xa: {  	s8 =	smul.u32 $0x4F00, s9;
	s26 =	sshll.u32 s9, $0x6;
	s9 =	simm.s32 $0xC  }
0xb: {  	s7 =	simm.s32 $0xF;
	s5 =	smul.u32 $0x2780, s4;
	s4 =	ssub.s32 $0x2, s4  }
0xc: {  	_ =	strace $0x8000004A;
	s19 =	sadd.s32 s18, s1;
	s20 =	sshrl.u32 s4, $0x1  }
0xd: {  	s22 =	sadd.s32 s8, s2;
	s24 =	sadd.s32 s8, s3;
	s8 =	simm.s32 $0xB  }
0xe: {  	s18 =	simm.s32 $0xF000;
	s5 =	sadd.s32 s6, s5;
	s4 =	ssub.s32 s4, s20  }
0xf: {  	s21 =	sadd.s32 $0x11400, s19;
	s6 =	sadd.s32 $0x2400, s19;
	s28 =	sshrl.u32 s22, $0x3  }
0x10: {  	s20 =	simm.s32 $0x10000;
	s22 =	simm.s32 $0x11000;
	[dreg:$0x5] =	wrdreg s21  }
0x11: {  	s5 =	sshll.u32 s5, $0x2;
	[dreg:$0x6] =	wrdreg s6;
	s25 =	smax.u32 s4, $0x1  }
0x12: {  	s21 =	sor.u32 $0x1C15, s26;
	s6 =	simm.s32 $0xA;
	[dreg:$0xb] =	wrdreg s28  }
.Ltmp0:
0x13: {  	s4 =	simm.s32 $0xE;
	[dreg:$0x9] =	wrdreg s25;
	(pc) =	sbr.rel .LBB2_1-.Ltmp0, $4  }
0x14: {  	s1 =	sadd.s32 s5, s1;
	s0 =	sadd.s32 s0, s5;
	[dreg:$0xa] =	wrdreg s21  }
0x15: {  	s26 =	simm.s32 $0xA000;
	[dreg:$0x7] =	wrdreg s0;
	s1 =	sadd.s32 $0x1B400, s1  }
0x16: {  	s5 =	simm.s32 $0x9;
	s0 =	sshrl.u32 s24, $0x3;
	[dreg:$0x8] =	wrdreg s1  }
0x17: {  	[dreg:$0xc] =	wrdreg s0;
	s1 =	simm.s32 $0x8;
	s0 =	simm.s32 $0x0  }
.LBB2_3:
0x18: {  	_ =	swait.ge [sflag:s9], $0x1000  }
0x19: {  	[sflag:s9] =	ssyncset.done $0x0  }
0x1a: {  	[sflag:s9] =	ssyncadd.s32 $0xFFFFF000  }
0x1b: {  	_ =	swait.ge [sflag:s14], $0x1000  }
0x1c: {  	[sflag:s14] =	ssyncset.done $0x0  }
0x1d: {  	[sflag:s14] =	ssyncadd.s32 $0xFFFFF000  }
0x1e: {  	_ =	swait.ge [sflag:s4], $0x1000  }
0x1f: {  	[sflag:s4] =	ssyncset.done $0x0  }
0x20: {  	[sflag:s4] =	ssyncadd.s32 $0xFFFFF000  }
0x21: {  	_ =	swait.ge [sflag:s7], $0x1000  }
0x22: {  	[sflag:s7] =	ssyncset.done $0x0  }
0x23: {  	[sflag:s7] =	ssyncadd.s32 $0xFFFFF000  }
0x24: {  	_ =	swait.ge [sflag:s13], $0x1000  }
0x25: {  	[sflag:s13] =	ssyncset.done $0x0  }
0x26: {  	[sflag:s13] =	ssyncadd.s32 $0xFFFFF000  }
0x27: {  	_ =	swait.ge [sflag:s12], $0x1000  }
0x28: {  	[sflag:s12] =	ssyncset.done $0x0  }
0x29: {  	[sflag:s12] =	ssyncadd.s32 $0xFFFFF000  }
0x2a: {  	_ =	swait.ge [sflag:s10], $0x1000  }
0x2b: {  	[sflag:s10] =	ssyncset.done $0x0  }
0x2c: {  	[sflag:s10] =	ssyncadd.s32 $0xFFFFF000  }
0x2d: {  	_ =	swait.ge [sflag:s16], $0x1000  }
0x2e: {  	[sflag:s16] =	ssyncset.done $0x0  }
0x2f: {  	[sflag:s16] =	ssyncadd.s32 $0xFFFFF000  }
0x30: {  	_ =	swait.ge [sflag:s17], $0x1000  }
0x31: {  	[sflag:s17] =	ssyncset.done $0x0  }
0x32: {  	[sflag:s17] =	ssyncadd.s32 $0xFFFFF000  }
.LBB2_5:
0x33: {  	[bflag:$0x0] =	sbarrier.arrive $0xFFFF  }
0x34: {  	s19 =	rddreg [dreg:$0x8]  }
0x35: {  	s21 =	rddreg [dreg:$0xa]  }
0x36: {  	s23 =	simm.s32 $0x15;
	s28 =	rddreg [dreg:$0xb]  }
0x37: {  	[hbm:s19], [sflag:s21] =	dma.local [spmem:s28], $0x9E0  }
0x38: {  	_ =	swait.ge [sflag:s23], $0x9E0  }
0x39: {  	s0 =	rddreg [dreg:$0xd]  }
0x3a: {  	s25 =	rddreg [dreg:$0x9];
	s0 =	sadd.s32 $0x1, s0  }
0x3b: {  	p0 =	sne.s32 s0, s25  }
.Ltmp1:
0x3c: {  	_ = 	snop;
	(pc) =	sbr.rel @!p0 .LBB2_6-.Ltmp1, $3  }
0x3d: {  	_ =	sdelay $0x1  }
0x3e: {  	[sflag:s23] =	ssyncset.done $0x0  }
0x3f: {  	[sflag:s23] =	ssyncadd.s32 $0xFFFFF620  }
.LBB2_1:
0x40: {  	[dreg:$0xd] =	wrdreg s0  }
0x41: {  	s11 =	simm.s32 $0x0;
	s24 =	rddreg [dreg:$0x5]  }
0x42: {  	[tilespmem:s11], [sflag:$0x15] =	stream.linear.gather [hbm4b:s24+s11], $0x5000, $0x38;
	[tilespmem:$0x1DE00] =	vst v63  }
0x43: {  	_ =	swait.ge [sflag:s23], $0x5000  }
0x44: {  	[sflag:s23] =	ssyncset.done $0x0  }
0x45: {  	s19 =	simm.s32 $0x5000;
	s0 =	rddreg [dreg:$0x6];
	[sflag:s23] =	ssyncadd.s32 $0xFFFFB000  }
0x46: {  	[tilespmem:s19], [sflag:$0x15] =	stream.linear.gather [hbm4b:s0+s11], $0x5000, $0x38;
	[tilespmem:$0x1DE00] =	vst v63  }
0x47: {  	_ =	swait.ge [sflag:s23], $0x5000  }
0x48: {  	[sflag:s23] =	ssyncset.done $0x0  }
0x49: {  	s25 =	smov.u32 s21;
	s19 =	rddreg [dreg:$0x7];
	[sflag:s23] =	ssyncadd.s32 $0xFFFFB000  }
0x4a: {  	[spmem:s28], [sflag:s25] =	dma.local [hbm:s19], $0x9E0  }
0x4b: {  	_ =	swait.ge [sflag:s23], $0x9E0  }
0x4c: {  	[sflag:s23] =	ssyncset.done $0x0  }
0x4d: {  	s24 =	rddreg [dreg:$0xc];
	[sflag:s23] =	ssyncadd.s32 $0xFFFFF620  }
0x4e: {  	[spmem:s24], [sflag:s25] =	dma.local [hbm:s19], $0x9E0  }
0x4f: {  	_ =	swait.ge [sflag:s23], $0x9E0  }
0x50: {  	[sflag:s23] =	ssyncset.done $0x0  }
0x51: {  	[sflag:s23] =	ssyncadd.s32 $0xFFFFF620  }
0x52: {  	s0 =	simm.s32 $0xA000;
	[bflag:$0x0] =	sbarrier.arrive $0xFFFF  }
0x53: {  	[tilespmem:s0], [sflag:$0x1] =	stream.indirect.gather [spmem:s3], $0x20, s11, s15, $0xb8;
	[tilespmem:$0x1DE00] =	vst v63  }
0x54: {  	s25 =	simm.s32 $0xB000  }
0x55: {  	[tilespmem:s25], [sflag:$0x2] =	stream.indirect.gather [spmem:s3], $0x20, s15, s15, $0xb8;
	[tilespmem:$0x1DE00] =	vst v63  }
0x56: {  	s21 =	simm.s32 $0x100  }
0x57: {  	[tilespmem:s30], [sflag:$0x3] =	stream.indirect.gather [spmem:s3], $0x20, s21, s15, $0xb8;
	[tilespmem:$0x1DE00] =	vst v63  }
0x58: {  	s23 =	simm.s32 $0x180;
	s0 =	simm.s32 $0xD000  }
0x59: {  	[tilespmem:s0], [sflag:$0x4] =	stream.indirect.gather [spmem:s3], $0x20, s23, s15, $0xb8;
	[tilespmem:$0x1DE00] =	vst v63  }
0x5a: {  	s24 =	simm.s32 $0x200;
	s11 =	simm.s32 $0xE000  }
0x5b: {  	[tilespmem:s11], [sflag:$0x5] =	stream.indirect.gather [spmem:s3], $0x20, s24, s15, $0xb8;
	[tilespmem:$0x1DE00] =	vst v63  }
0x5c: {  	s21 =	simm.s32 $0x280  }
0x5d: {  	[tilespmem:s18], [sflag:$0x6] =	stream.indirect.gather [spmem:s3], $0x20, s21, s15, $0xb8;
	[tilespmem:$0x1DE00] =	vst v63  }
0x5e: {  	s23 =	simm.s32 $0x300  }
0x5f: {  	[tilespmem:s20], [sflag:$0x7] =	stream.indirect.gather [spmem:s3], $0x20, s23, s15, $0xb8;
	[tilespmem:$0x1DE00] =	vst v63  }
0x60: {  	s24 =	simm.s32 $0x380  }
0x61: {  	[tilespmem:s22], [sflag:$0x8] =	stream.indirect.gather [spmem:s3], $0x20, s24, s15, $0xb8;
	[tilespmem:$0x1DE00] =	vst v63  }
0x62: {  	s28 =	simm.s32 $0x12000;
	s21 =	simm.s32 $0x400  }
0x63: {  	[tilespmem:s28], [sflag:$0x9] =	stream.indirect.gather [spmem:s3], $0x20, s21, s15, $0xb8;
	[tilespmem:$0x1DE00] =	vst v63  }
0x64: {  	s19 =	simm.s32 $0x0;
	s23 =	simm.s32 $0x480;
	s24 =	simm.s32 $0x13000  }
0x65: {  	[tilespmem:s24], [sflag:$0xA] =	stream.indirect.gather [spmem:s3], $0x20, s23, s15, $0xb8;
	[tilespmem:$0x1DE00] =	vst v63  }
.LBB2_2:
0x66: {  	s23 =	simm.s32 $0x1  }
0x67: {  	_ =	swait.ge [sflag:s23], $0x1000  }
0x68: {  	s21 =	sshra.s32 s19, $0x2;
	[sflag:s23] =	ssyncset.done $0x0  }
0x69: {  	[sflag:s23] =	ssyncadd.s32 $0xFFFFF000;
	s23 =	sadd.s32 $0x5000, s21  }
0x6a: {  	[spmem:s2] =	stream.indirect.scatter.add.f32 [tilespmem:s26], [sflag:$0xB], $0x20, s23, s15, $0xb8;
	[tilespmem:$0x1DE00] =	vst v63  }
0x6b: {  	s23 =	simm.s32 $0x2  }
0x6c: {  	_ =	swait.ge [sflag:s23], $0x1000  }
0x6d: {  	[sflag:s23] =	ssyncset.done $0x0  }
0x6e: {  	[sflag:s23] =	ssyncadd.s32 $0xFFFFF000;
	s23 =	sadd.s32 $0x5080, s21  }
0x6f: {  	[spmem:s2] =	stream.indirect.scatter.add.f32 [tilespmem:s25], [sflag:$0xC], $0x20, s23, s15, $0xb8;
	[tilespmem:$0x1DE00] =	vst v63  }
0x70: {  	s23 =	simm.s32 $0x3  }
0x71: {  	_ =	swait.ge [sflag:s23], $0x1000  }
0x72: {  	[sflag:s23] =	ssyncset.done $0x0  }
0x73: {  	[sflag:s23] =	ssyncadd.s32 $0xFFFFF000;
	s23 =	sadd.s32 $0x5100, s21  }
0x74: {  	[spmem:s2] =	stream.indirect.scatter.add.f32 [tilespmem:s30], [sflag:$0xD], $0x20, s23, s15, $0xb8;
	[tilespmem:$0x1DE00] =	vst v63  }
0x75: {  	s23 =	simm.s32 $0x4  }
0x76: {  	_ =	swait.ge [sflag:s23], $0x1000  }
0x77: {  	[sflag:s23] =	ssyncset.done $0x0  }
0x78: {  	[sflag:s23] =	ssyncadd.s32 $0xFFFFF000;
	s23 =	sadd.s32 $0x5180, s21  }
0x79: {  	[spmem:s2] =	stream.indirect.scatter.add.f32 [tilespmem:s0], [sflag:$0xE], $0x20, s23, s15, $0xb8;
	[tilespmem:$0x1DE00] =	vst v63  }
0x7a: {  	s23 =	simm.s32 $0x5  }
0x7b: {  	_ =	swait.ge [sflag:s23], $0x1000  }
0x7c: {  	[sflag:s23] =	ssyncset.done $0x0  }
0x7d: {  	[sflag:s23] =	ssyncadd.s32 $0xFFFFF000;
	s23 =	sadd.s32 $0x5200, s21  }
0x7e: {  	[spmem:s2] =	stream.indirect.scatter.add.f32 [tilespmem:s11], [sflag:$0xF], $0x20, s23, s15, $0xb8;
	[tilespmem:$0x1DE00] =	vst v63  }
0x7f: {  	_ =	swait.ge [sflag:s29], $0x1000  }
0x80: {  	[sflag:s29] =	ssyncset.done $0x0  }
0x81: {  	s23 =	sadd.s32 $0x5280, s21;
	[sflag:s29] =	ssyncadd.s32 $0xFFFFF000  }
0x82: {  	[spmem:s2] =	stream.indirect.scatter.add.f32 [tilespmem:s18], [sflag:$0x10], $0x20, s23, s15, $0xb8;
	[tilespmem:$0x1DE00] =	vst v63  }
0x83: {  	_ =	swait.ge [sflag:s31], $0x1000  }
0x84: {  	[sflag:s31] =	ssyncset.done $0x0  }
0x85: {  	s23 =	sadd.s32 $0x5300, s21;
	[sflag:s31] =	ssyncadd.s32 $0xFFFFF000  }
0x86: {  	[spmem:s2] =	stream.indirect.scatter.add.f32 [tilespmem:s20], [sflag:$0x11], $0x20, s23, s15, $0xb8;
	[tilespmem:$0x1DE00] =	vst v63  }
0x87: {  	_ =	swait.ge [sflag:s1], $0x1000  }
0x88: {  	[sflag:s1] =	ssyncset.done $0x0  }
0x89: {  	s23 =	sadd.s32 $0x5380, s21;
	[sflag:s1] =	ssyncadd.s32 $0xFFFFF000  }
0x8a: {  	[spmem:s2] =	stream.indirect.scatter.add.f32 [tilespmem:s22], [sflag:$0x12], $0x20, s23, s15, $0xb8;
	[tilespmem:$0x1DE00] =	vst v63  }
0x8b: {  	_ =	swait.ge [sflag:s5], $0x1000  }
0x8c: {  	[sflag:s5] =	ssyncset.done $0x0  }
0x8d: {  	s23 =	sadd.s32 $0x5400, s21;
	[sflag:s5] =	ssyncadd.s32 $0xFFFFF000  }
0x8e: {  	[spmem:s2] =	stream.indirect.scatter.add.f32 [tilespmem:s28], [sflag:$0x13], $0x20, s23, s15, $0xb8;
	[tilespmem:$0x1DE00] =	vst v63  }
0x8f: {  	_ =	swait.ge [sflag:s6], $0x1000  }
0x90: {  	p0 =	sne.s32 s19, $0x12C00;
	[sflag:s6] =	ssyncset.done $0x0  }
.Ltmp2:
0x91: {  	s23 =	sadd.s32 $0x5480, s21;
	[sflag:s6] =	ssyncadd.s32 $0xFFFFF000;
	(pc) =	sbr.rel @!p0 .LBB2_3-.Ltmp2, $4  }
0x92: {  	[spmem:s2] =	stream.indirect.scatter.add.f32 [tilespmem:s24], [sflag:$0x14], $0x20, s23, s15, $0xb8;
	[tilespmem:$0x1DE00] =	vst v63  }
0x93: {  	_ =	swait.ge [sflag:s8], $0x1000  }
0x94: {  	[sflag:s8] =	ssyncset.done $0x0  }
0x95: {  	[sflag:s8] =	ssyncadd.s32 $0xFFFFF000  }
0x96: {  	s23 =	sadd.s32 $0x500, s21  }
0x97: {  	[tilespmem:s26], [sflag:$0x1] =	stream.indirect.gather [spmem:s3], $0x20, s23, s15, $0xb8;
	[tilespmem:$0x1DE00] =	vst v63  }
0x98: {  	_ =	swait.ge [sflag:s9], $0x1000  }
0x99: {  	[sflag:s9] =	ssyncset.done $0x0  }
0x9a: {  	s23 =	sadd.s32 $0x580, s21;
	[sflag:s9] =	ssyncadd.s32 $0xFFFFF000  }
0x9b: {  	[tilespmem:s25], [sflag:$0x2] =	stream.indirect.gather [spmem:s3], $0x20, s23, s15, $0xb8;
	[tilespmem:$0x1DE00] =	vst v63  }
0x9c: {  	_ =	swait.ge [sflag:s14], $0x1000  }
0x9d: {  	[sflag:s14] =	ssyncset.done $0x0  }
0x9e: {  	s23 =	sadd.s32 $0x600, s21;
	[sflag:s14] =	ssyncadd.s32 $0xFFFFF000  }
0x9f: {  	[tilespmem:s30], [sflag:$0x3] =	stream.indirect.gather [spmem:s3], $0x20, s23, s15, $0xb8;
	[tilespmem:$0x1DE00] =	vst v63  }
0xa0: {  	_ =	swait.ge [sflag:s4], $0x1000  }
0xa1: {  	[sflag:s4] =	ssyncset.done $0x0  }
0xa2: {  	s23 =	sadd.s32 $0x680, s21;
	[sflag:s4] =	ssyncadd.s32 $0xFFFFF000  }
0xa3: {  	[tilespmem:s0], [sflag:$0x4] =	stream.indirect.gather [spmem:s3], $0x20, s23, s15, $0xb8;
	[tilespmem:$0x1DE00] =	vst v63  }
0xa4: {  	_ =	swait.ge [sflag:s7], $0x1000  }
0xa5: {  	[sflag:s7] =	ssyncset.done $0x0  }
0xa6: {  	s23 =	sadd.s32 $0x700, s21;
	[sflag:s7] =	ssyncadd.s32 $0xFFFFF000  }
0xa7: {  	[tilespmem:s11], [sflag:$0x5] =	stream.indirect.gather [spmem:s3], $0x20, s23, s15, $0xb8;
	[tilespmem:$0x1DE00] =	vst v63  }
0xa8: {  	_ =	swait.ge [sflag:s13], $0x1000  }
0xa9: {  	[sflag:s13] =	ssyncset.done $0x0  }
0xaa: {  	s23 =	sadd.s32 $0x780, s21;
	[sflag:s13] =	ssyncadd.s32 $0xFFFFF000  }
0xab: {  	[tilespmem:s18], [sflag:$0x6] =	stream.indirect.gather [spmem:s3], $0x20, s23, s15, $0xb8;
	[tilespmem:$0x1DE00] =	vst v63  }
0xac: {  	_ =	swait.ge [sflag:s12], $0x1000  }
0xad: {  	[sflag:s12] =	ssyncset.done $0x0  }
0xae: {  	s23 =	sadd.s32 $0x800, s21;
	[sflag:s12] =	ssyncadd.s32 $0xFFFFF000  }
0xaf: {  	[tilespmem:s20], [sflag:$0x7] =	stream.indirect.gather [spmem:s3], $0x20, s23, s15, $0xb8;
	[tilespmem:$0x1DE00] =	vst v63  }
0xb0: {  	_ =	swait.ge [sflag:s10], $0x1000  }
0xb1: {  	[sflag:s10] =	ssyncset.done $0x0  }
0xb2: {  	s23 =	sadd.s32 $0x880, s21;
	[sflag:s10] =	ssyncadd.s32 $0xFFFFF000  }
0xb3: {  	[tilespmem:s22], [sflag:$0x8] =	stream.indirect.gather [spmem:s3], $0x20, s23, s15, $0xb8;
	[tilespmem:$0x1DE00] =	vst v63  }
0xb4: {  	_ =	swait.ge [sflag:s16], $0x1000  }
0xb5: {  	s19 =	sadd.s32 $0x1400, s19;
	[sflag:s16] =	ssyncset.done $0x0  }
0xb6: {  	p0 =	sne.s32 s19, $0x14000;
	s23 =	sadd.s32 $0x900, s21;
	[sflag:s16] =	ssyncadd.s32 $0xFFFFF000  }
0xb7: {  	[tilespmem:s28], [sflag:$0x9] =	stream.indirect.gather [spmem:s3], $0x20, s23, s15, $0xb8;
	[tilespmem:$0x1DE00] =	vst v63  }
.Ltmp3:
0xb8: {  	_ = 	snop;
	(pc) =	sbr.rel @p0 .LBB2_2-.Ltmp3, $4  }
.Ltmp4:
0xb9: {  	_ =	swait.ge [sflag:s17], $0x1000;
	(pc) =	sbr.rel @!p0 .LBB2_5-.Ltmp4, $4  }
0xba: {  	[sflag:s17] =	ssyncset.done $0x0  }
0xbb: {  	s24 =	simm.s32 $0x13000;
	s23 =	sadd.s32 $0x980, s21;
	[sflag:s17] =	ssyncadd.s32 $0xFFFFF000  }
0xbc: {  	[tilespmem:s24], [sflag:$0xA] =	stream.indirect.gather [spmem:s3], $0x20, s23, s15, $0xb8;
	[tilespmem:$0x1DE00] =	vst v63  }
0xbd: {  	_ = 	snop  }
.LBB2_6:
0xbe: {  	_ =	sfence.sel $0x180000  }
0xbf: {  	[bflag:$0x0] =	sbarrier.arrive $0xFFFF  }
0xc0: {  	_ =	strace $0x9000004A  }
0xc1: {  	s0 =	stileid.u32;
	[bflag:$0x2] =	sbarrier.arrive $0xFFFF  }
0xc2: {  	p0 =	sne.s32 s0, $0x0;
	s0 =	rddreg [dreg:$0x4]  }
0xc3: {  	s0 =	sadd.s32 @!p0 $0x100000, s0  }
0xc4: {  	[sflag:s0] =	ssyncadd.tile.s32 @!p0 $0x1;
	_ =	shalt  }
.Lfunc_end2:
_tile_overlayer_lowered:
.L_overlay_start_2:
0xc5: {  	(tag) =	ssettag $0x2  }
0xc6: {  	s0 =	rddreg [dreg:$0x0];
	s2 =	stileid.u32  }
0xc7: {  	s1 =	rddreg [dreg:$0x1];
	p0 =	sne.s32 s2, $0x0  }
0xc8: {  	s3 =	rddreg [dreg:$0x2];
	[bflag:$0x3] =	sbarrier.arrive $0xFFFF;
	s2 =	simm.s32 @!p0 $0x1C15  }
0xc9: {  	[timem:s3], [sflag:s2] =	dma.local @!p0 [hbm:s0], s1  }
0xca: {  	s0 =	simm.s32 @!p0 $0x15  }
0xcb: {  	_ =	swait.ge @!p0 [sflag:s0], s1  }
0xcc: {  	s1 =	ssub.s32 @!p0 $0x0, s1;
	[sflag:s0] =	ssyncset.done @!p0 $0x0  }
0xcd: {  	[sflag:s0] =	ssyncadd.s32 @!p0 s1  }
0xce: {  	[bflag:$0x3] =	sbarrier.arrive $0xFFFF  }
0xcf: {  	_ =	shalt  }

// kernel: kernel.14.cloned.1.call-start
scs
__scs_entry_jumppad:
0x0: {  	(pc) =	sbr.rel $0x88, $3  }
0x1: {  	(tag) =	ssettag $0x0;
	lr =	simm.s32 $0x1  }
0x2: {  	[smem:$0x3F95] =	sst lr;
	_ =	strace $0xD0000000  }
0x3: {  	_ = 	snop  }
0x4: {  	_ = 	snop  }
0x5: {  	_ = 	snop  }
0x6: {  	_ = 	snop  }
0x7: {  	_ = 	snop  }
__scs_overlays_trampoline_lowered:
0x8: {  	[smem:$0x3FA4] =	sst s0  }
0x9: {  	[smem:$0x3FA5] =	sst s1  }
0xa: {  	[smem:$0x3FA6] =	sst s2  }
0xb: {  	[smem:$0x3FA7] =	sst s3  }
0xc: {  	[smem:$0x3FA8] =	sst s4  }
0xd: {  	[smem:$0x3FA9] =	sst s5  }
0xe: {  	[smem:$0x3FAA] =	sst s6  }
0xf: {  	[smem:$0x3FAB] =	sst s7  }
0x10: {  	[smem:$0x3FAC] =	sst s8  }
0x11: {  	[smem:$0x3FAD] =	sst s9;
	s0 =	simm.s32 @!p0 $0x0  }
0x12: {  	s1 =	sld [smem:$0x3F93];
	s0 =	simm.s32 @p0 $0x1  }
0x13: {  	[smem:$0x3FAE] =	sst s0;
	s0 =	simm.s32 @!p1 $0x0  }
0x14: {  	s2 =	sld [smem:$0x3F92];
	s0 =	simm.s32 @p1 $0x1  }
0x15: {  	[smem:$0x3FAF] =	sst s0;
	s0 =	simm.s32 @!p2 $0x0  }
0x16: {  	s3 =	sld [smem:$0x3FDB];
	s0 =	simm.s32 @p2 $0x1  }
0x17: {  	s4 =	simm.s32 $0x1BF5;
	[smem:$0x3FB1] =	sst s0  }
0x18: {  	s0 =	sld [smem:$0x3F94];
	_ =	swait.ge [sflag:s4], $0x0  }
0x19: {  	s7 =	sld [smem:$0x3F95]  }
0x1a: {  	s8 =	sadd.s32 $0xFFFFE003, lr  }
0x1b: {  	s9 =	sadd.s32 $0xFFFFFEF7, lr;
	s5 =	simm.s32 $0xFFFFFFFF;
	p2 =	slt.u32 s8, $0xFFFFF086  }
0x1c: {  	p1 =	slt.u32 s9, $0xF7A;
	s5 =	simm.s32 @!p2 $0x0  }
0x1d: {  	s5 =	simm.s32 @p1 $0x1;
	p0 =	seq.s32 s7, s2  }
0x1e: {  	s7 =	smul.u32 @!p0 $0xF7A, s2;
	p2 =	seq.s32 @!p0 s5, $0x0  }
0x1f: {  	s9 =	smul.u32 $0xF7A, s1;
	s8 =	simm.s32 @!p0 $0x1BF5;
	p2 =	por !p2, p0  }
0x20: {  	[sflag:s8] =	ssyncset.s32 @!p0 $0xFFFFF086;
	s6 =	sadd.s32 @!p0 s3, s7;
	s7 =	simm.s32 @!p0 $0x108  }
0x21: {  	s3 =	sadd.s32 s3, s9;
	s6 =	sadd.s32 @!p0 $0x88, s6;
	s7 =	simm.s32 @p2 $0x1082  }
0x22: {  	[simem:s7], [sflag:s8] =	dma.local @!p0 [hbm:s6], $0xF7A  }
0x23: {  	s9 =	sor.u32 $0xD0000000, s2;
	s6 =	simm.s32 $0x108;
	_ =	swait.ge @!p0 [sflag:s8], $0x0  }
0x24: {  	s3 =	sadd.s32 $0x88, s3;
	s6 =	simm.s32 @!p1 $0x1082;
	[sflag:s4] =	ssyncset.s32 $0xFFFFF086  }
0x25: {  	[simem:s6], [sflag:s4] =	dma.local [hbm:s3], $0xF7A  }
0x26: {  	[smem:$0x3F95] =	sst s1;
	(tag) =	ssettag s2;
	_ =	strace s9  }
0x27: {  	s1 =	sld [smem:$0x3FA5]  }
0x28: {  	s2 =	sld [smem:$0x3FA6]  }
0x29: {  	s4 =	sld [smem:$0x3FA8]  }
0x2a: {  	p0 =	seq.s32 s5, $0x0;
	s5 =	sld [smem:$0x3FA9]  }
0x2b: {  	s6 =	sld [smem:$0x3FAA]  }
0x2c: {  	s7 =	sld [smem:$0x3FAB]  }
0x2d: {  	s3 =	simm.s32 $0x108;
	s8 =	sld [smem:$0x3FAC]  }
0x2e: {  	s3 =	simm.s32 @!p0 $0x1082;
	s9 =	sld [smem:$0x3FAD]  }
0x2f: {  	lr =	sadd.s32 s0, s3;
	s0 =	sld [smem:$0x3FA4]  }
0x30: {  	s3 =	sld [smem:$0x3FA7]  }
0x31: {  	[smem:$0x3FB0] =	sst s10  }
0x32: {  	s10 =	sld [smem:$0x3FAE];
	_ =	sdelay $0x3  }
0x33: {  	p0 =	seq.s32 s10, $0x1;
	s10 =	sld [smem:$0x3FB0];
	_ =	sdelay $0x3  }
0x34: {  	[smem:$0x3FB0] =	sst s10  }
0x35: {  	s10 =	sld [smem:$0x3FAF];
	_ =	sdelay $0x3  }
0x36: {  	p1 =	seq.s32 s10, $0x1;
	s10 =	sld [smem:$0x3FB0];
	_ =	sdelay $0x3  }
0x37: {  	[smem:$0x3FB0] =	sst s10  }
0x38: {  	s10 =	sld [smem:$0x3FB1]  }
0x39: {  	_ = 	snop;
	(pc) =	sbr.ind lr, $3  }
0x3a: {  	_ = 	snop  }
0x3b: {  	_ = 	snop  }
0x3c: {  	p2 =	seq.s32 s10, $0x1;
	s10 =	sld [smem:$0x3FB0]  }
0x3d: {  	_ =	shalt  }
0x3e: {  	_ =	shalt  }
0x3f: {  	_ =	shalt  }
0x40: {  	_ =	shalt  }
0x41: {  	_ =	shalt  }
0x42: {  	_ =	shalt  }
0x43: {  	_ =	shalt  }
0x44: {  	_ =	shalt  }
0x45: {  	_ =	shalt  }
0x46: {  	_ =	shalt  }
0x47: {  	_ =	shalt  }
0x48: {  	_ =	shalt  }
0x49: {  	_ =	shalt  }
0x4a: {  	_ =	shalt  }
0x4b: {  	_ =	shalt  }
0x4c: {  	_ =	shalt  }
0x4d: {  	_ =	shalt  }
0x4e: {  	_ =	shalt  }
0x4f: {  	_ =	shalt  }
0x50: {  	_ =	shalt  }
0x51: {  	_ =	shalt  }
0x52: {  	_ =	shalt  }
0x53: {  	_ =	shalt  }
0x54: {  	_ =	shalt  }
0x55: {  	_ =	shalt  }
0x56: {  	_ =	shalt  }
0x57: {  	_ =	shalt  }
0x58: {  	_ =	shalt  }
0x59: {  	_ =	shalt  }
0x5a: {  	_ =	shalt  }
0x5b: {  	_ =	shalt  }
0x5c: {  	_ =	shalt  }
0x5d: {  	_ =	shalt  }
0x5e: {  	_ =	shalt  }
0x5f: {  	_ =	shalt  }
0x60: {  	_ =	shalt  }
0x61: {  	_ =	shalt  }
0x62: {  	_ =	shalt  }
0x63: {  	_ =	shalt  }
0x64: {  	_ =	shalt  }
0x65: {  	_ =	shalt  }
0x66: {  	_ =	shalt  }
0x67: {  	_ =	shalt  }
0x68: {  	_ =	shalt  }
0x69: {  	_ =	shalt  }
0x6a: {  	_ =	shalt  }
0x6b: {  	_ =	shalt  }
0x6c: {  	_ =	shalt  }
0x6d: {  	_ =	shalt  }
0x6e: {  	_ =	shalt  }
0x6f: {  	_ =	shalt  }
0x70: {  	_ =	shalt  }
0x71: {  	_ =	shalt  }
0x72: {  	_ =	shalt  }
0x73: {  	_ =	shalt  }
0x74: {  	_ =	shalt  }
0x75: {  	_ =	shalt  }
0x76: {  	_ =	shalt  }
0x77: {  	_ =	shalt  }
0x78: {  	_ =	shalt  }
0x79: {  	_ =	shalt  }
0x7a: {  	_ =	shalt  }
0x7b: {  	_ =	shalt  }
0x7c: {  	_ =	shalt  }
0x7d: {  	_ =	shalt  }
0x7e: {  	_ =	shalt  }
0x7f: {  	_ =	shalt  }
0x80: {  	_ =	shalt  }
0x81: {  	_ =	shalt  }
0x82: {  	_ =	shalt  }
0x83: {  	_ =	shalt  }
0x84: {  	_ =	shalt  }
0x85: {  	_ =	shalt  }
0x86: {  	_ =	shalt  }
0x87: {  	_ =	shalt  }
.Lfunc_end0:
.L_simem_size_0:
called_computation.2_lowered:
.L_overlay_start_0:
0x88: {  	s2 =	sld [smem:$0x3FD9]  }
0x89: {  	s3 =	sld [smem:$0x3FFE];
	_ =	sdelay $0x1  }
0x8a: {  	s1 =	srdreg.scid  }
0x8b: {  	s0 =	sand.u32 $0x1, s1  }
0x8c: {  	s14 =	sshll.u32 s0, $0xA;
	s2 =	sadd.s32 s3, s2  }
0x8d: {  	s2 =	sadd.s32 s2, s14  }
0x8e: {  	[smem:$0x3FBC] =	sst s2  }
0x8f: {  	_ = 	snop  }
0x90: {  	s2 =	sld [smem:$0x3FD0];
	_ =	sdelay $0x2  }
0x91: {  	s15 =	simm.s32 $0xA;
	s4 =	simm.s32 $0x10  }
0x92: {  	[smem:s4], [sflag:s15] =	dma.local [hbm:s2], $0x1  }
0x93: {  	_ =	swait.eq [sflag:s15], $0x1  }
0x94: {  	[sflag:s15] =	ssyncset.done $0x0  }
0x95: {  	[sflag:s15] =	ssyncadd.s32 $0xFFFFFFFF  }
0x96: {  	s16 =	sld [smem:$0x10];
	(tm) =	ssettm $0x1  }
0x97: {  	s17 =	sld [smem:$0x3FFB];
	_ =	sdelay $0x3  }
0x98: {  	_ =	strace s17  }
0x99: {  	s3 =	sld [smem:$0x3FFC];
	_ =	sdelay $0x3  }
0x9a: {  	_ =	strace s3  }
0x9b: {  	s3 =	sld [smem:$0x3FFD];
	_ =	sdelay $0x3  }
0x9c: {  	_ =	strace s3  }
0x9d: {  	_ =	strace $0x8FFFFFFF  }
0x9e: {  	s18 =	sld [smem:$0x3FDB];
	_ =	sdelay $0x1  }
0x9f: {  	s19 =	simm.s32 $_scs_section_size  }
0xa0: {  	s5 =	simm.s32 $_size__tile_overlayer_lowered;
	s6 =	simm.s32 $_tile_overlayer_lowered  }
0xa1: {  	s22 =	simm.s32 $0x1BFF;
	s21 =	sshll.u32 s6, $0x1;
	s3 =	sadd.s32 s19, s18  }
0xa2: {  	s7 =	simm.s32 $0x0;
	s20 =	sshll.u32 s5, $0x1;
	s5 =	sadd.s32 s21, s3  }
0xa3: {  	[timem:s7], [sflag:s22] =	dma.local [hbm:s5], s20  }
0xa4: {  	_ =	swait.ge [sflag:s22], s20  }
0xa5: {  	s4 =	ssub.s32 $0x0, s20;
	[sflag:s22] =	ssyncset.done $0x0  }
0xa6: {  	[sflag:s22] =	ssyncadd.s32 s4;
	_ =	sdelay $0x1  }
0xa7: {  	s23 =	simm.s32 $0x1B8B  }
0xa8: {  	_ =	swait.ge [sflag:s23], $0x1  }
0xa9: {  	[sflag:s23] =	ssyncset.done $0x0  }
0xaa: {  	s25 =	simm.s32 $0x1B8E;
	s24 =	sld [smem:$0x3FFE];
	[sflag:s23] =	ssyncadd.s32 $0xFFFFFFFF  }
0xab: {  	s26 =	simm.s32 $execute0_lowered;
	[smem:$0x3FD2] =	sst s25  }
0xac: {  	s5 =	sshll.u32 s26, $0x1;
	_ =	strace $0x8000004C;
	[dreg:$0x1] =	wrdreg $0xFFFFFFFF  }
0xad: {  	s28 =	simm.s32 $_size_execute0_lowered;
	s3 =	sadd.s32 s3, s5;
	[dreg:$0x0] =	wrdreg $0x0  }
0xae: {  	s5 =	sshll.u32 s28, $0x1;
	[dreg:$0x2] =	wrdreg s3  }
0xaf: {  	[dreg:$0x3] =	wrdreg s5  }
0xb0: {  	[dreg:$0x4] =	wrdreg $0xC0  }
0xb1: {  	_ =	task [dreg:s7], $0x5FFFF  }
0xb2: {  	[dreg:$0x1] =	wrdreg $0xFFFFFFFF  }
0xb3: {  	[dreg:$0x0] =	wrdreg $0x60  }
0xb4: {  	[dreg:$0x2] =	wrdreg s16  }
0xb5: {  	[dreg:$0x3] =	wrdreg s24  }
0xb6: {  	[dreg:$0x4] =	wrdreg $0x140000  }
0xb7: {  	[dreg:$0x5] =	wrdreg $0x18F000  }
0xb8: {  	[dreg:$0x6] =	wrdreg $0x9  }
0xb9: {  	_ =	task.clear_ibuf [dreg:s7], $0x7FFFF;
	_ =	strace $0x9000004C  }
0xba: {  	s29 =	simm.s32 $0x9;
	_ =	strace $0x8000004E  }
0xbb: {  	_ =	swait.ge [sflag:s29], $0x1  }
0xbc: {  	[sflag:s29] =	ssyncadd.s32 $0xFFFFFFFF  }
0xbd: {  	_ =	strace $0x9000004E  }
0xbe: {  	_ =	sfence  }
0xbf: {  	s30 =	sld [smem:$0x0];
	_ =	sdelay $0x2  }
0xc0: {  	s31 =	sshll.u32 s1, $0xD;
	s1 =	sshrl.u32 s1, $0x2  }
0xc1: {  	s3 =	sand.u32 $0x4000, s31;
	s1 =	sadd.s32 s1, s30  }
0xc2: {  	s0 =	sor.u32 s3, s0;
	s1 =	sshll.u32 s1, $0x11  }
0xc3: {  	s0 =	sor.u32 s1, s0  }
0xc4: {  	s0 =	sadd.s32 $0x8F2B, s0  }
0xc5: {  	[sflag:s0] =	ssyncadd.remote.s32 $0x1  }
0xc6: {  	_ =	sfence.sel $0xFFFF  }
0xc7: {  	[dreg:$0x0] =	wrdreg $0xFFFFFFFF;
	(pc) =	sbr.abs _section_cstart, $3  }
0xc8: {  	[dreg:$0x1] =	wrdreg $0xFFFFFFFF  }
0xc9: {  	_ =	task.clear_ibuf [dreg:s7], $0x2FFFF;
	_ =	strace $0x9FFFFFFF  }
0xca: {  	(tm) =	ssettm $0x7FFFFFFF  }
0xcb: {  	_ =	shalt  }
tec
execute0_lowered:
.L_overlay_start_1:
0x0: {  	(tag) =	ssettag $0x1  }
0x1: {  	s0 =	rddreg [dreg:$0x0]  }
0x2: {  	s1 =	rddreg [dreg:$0x1]  }
0x3: {  	s2 =	rddreg [dreg:$0x2];
	s4 =	srdreg.scid  }
0x4: {  	s3 =	rddreg [dreg:$0x3];
	s9 =	stileid.u32;
	s7 =	simm.s32 $0x0  }
0x5: {  	s23 =	simm.s32 $0x15;
	s15 =	simm.s32 $0x80;
	s29 =	simm.s32 $0x6  }
0x6: {  	s31 =	simm.s32 $0x7;
	s14 =	simm.s32 $0xD;
	s13 =	simm.s32 $0x10  }
0x7: {  	s12 =	simm.s32 $0x11;
	s10 =	simm.s32 $0x12;
	s16 =	simm.s32 $0x13  }
0x8: {  	s17 =	simm.s32 $0x14;
	s30 =	simm.s32 $0xC000;
	s6 =	smul.u32 $0x278, s9  }
0x9: {  	s4 =	sand.u32 $0x1, s4;
	[smem:$0x7FF] =	sst s7;
	s18 =	smul.u32 $0xA00, s9  }
0xa: {  	s8 =	smul.u32 $0x4F00, s9;
	s26 =	sshll.u32 s9, $0x6;
	s9 =	simm.s32 $0xC  }
0xb: {  	s7 =	simm.s32 $0xF;
	s5 =	smul.u32 $0x2780, s4;
	s4 =	ssub.s32 $0x2, s4  }
0xc: {  	_ =	strace $0x8000004D;
	s19 =	sadd.s32 s18, s1;
	s20 =	sshrl.u32 s4, $0x1  }
0xd: {  	s22 =	sadd.s32 s8, s2;
	s24 =	sadd.s32 s8, s3;
	s8 =	simm.s32 $0xB  }
0xe: {  	s18 =	simm.s32 $0xF000;
	s5 =	sadd.s32 s6, s5;
	s4 =	ssub.s32 s4, s20  }
0xf: {  	s21 =	sadd.s32 $0x11400, s19;
	s6 =	sadd.s32 $0x2400, s19;
	s28 =	sshrl.u32 s22, $0x3  }
0x10: {  	s20 =	simm.s32 $0x10000;
	s22 =	simm.s32 $0x11000;
	[dreg:$0x5] =	wrdreg s21  }
0x11: {  	s5 =	sshll.u32 s5, $0x2;
	[dreg:$0x6] =	wrdreg s6;
	s25 =	smax.u32 s4, $0x1  }
0x12: {  	s21 =	sor.u32 $0x1C15, s26;
	s6 =	simm.s32 $0xA;
	[dreg:$0xb] =	wrdreg s28  }
.Ltmp0:
0x13: {  	s4 =	simm.s32 $0xE;
	[dreg:$0x9] =	wrdreg s25;
	(pc) =	sbr.rel .LBB2_1-.Ltmp0, $4  }
0x14: {  	s1 =	sadd.s32 s5, s1;
	s0 =	sadd.s32 s0, s5;
	[dreg:$0xa] =	wrdreg s21  }
0x15: {  	s26 =	simm.s32 $0xA000;
	[dreg:$0x7] =	wrdreg s0;
	s1 =	sadd.s32 $0x1B400, s1  }
0x16: {  	s5 =	simm.s32 $0x9;
	s0 =	sshrl.u32 s24, $0x3;
	[dreg:$0x8] =	wrdreg s1  }
0x17: {  	[dreg:$0xc] =	wrdreg s0;
	s1 =	simm.s32 $0x8;
	s0 =	simm.s32 $0x0  }
.LBB2_3:
0x18: {  	_ =	swait.ge [sflag:s9], $0x1000  }
0x19: {  	[sflag:s9] =	ssyncset.done $0x0  }
0x1a: {  	[sflag:s9] =	ssyncadd.s32 $0xFFFFF000  }
0x1b: {  	_ =	swait.ge [sflag:s14], $0x1000  }
0x1c: {  	[sflag:s14] =	ssyncset.done $0x0  }
0x1d: {  	[sflag:s14] =	ssyncadd.s32 $0xFFFFF000  }
0x1e: {  	_ =	swait.ge [sflag:s4], $0x1000  }
0x1f: {  	[sflag:s4] =	ssyncset.done $0x0  }
0x20: {  	[sflag:s4] =	ssyncadd.s32 $0xFFFFF000  }
0x21: {  	_ =	swait.ge [sflag:s7], $0x1000  }
0x22: {  	[sflag:s7] =	ssyncset.done $0x0  }
0x23: {  	[sflag:s7] =	ssyncadd.s32 $0xFFFFF000  }
0x24: {  	_ =	swait.ge [sflag:s13], $0x1000  }
0x25: {  	[sflag:s13] =	ssyncset.done $0x0  }
0x26: {  	[sflag:s13] =	ssyncadd.s32 $0xFFFFF000  }
0x27: {  	_ =	swait.ge [sflag:s12], $0x1000  }
0x28: {  	[sflag:s12] =	ssyncset.done $0x0  }
0x29: {  	[sflag:s12] =	ssyncadd.s32 $0xFFFFF000  }
0x2a: {  	_ =	swait.ge [sflag:s10], $0x1000  }
0x2b: {  	[sflag:s10] =	ssyncset.done $0x0  }
0x2c: {  	[sflag:s10] =	ssyncadd.s32 $0xFFFFF000  }
0x2d: {  	_ =	swait.ge [sflag:s16], $0x1000  }
0x2e: {  	[sflag:s16] =	ssyncset.done $0x0  }
0x2f: {  	[sflag:s16] =	ssyncadd.s32 $0xFFFFF000  }
0x30: {  	_ =	swait.ge [sflag:s17], $0x1000  }
0x31: {  	[sflag:s17] =	ssyncset.done $0x0  }
0x32: {  	[sflag:s17] =	ssyncadd.s32 $0xFFFFF000  }
.LBB2_5:
0x33: {  	[bflag:$0x0] =	sbarrier.arrive $0xFFFF  }
0x34: {  	s19 =	rddreg [dreg:$0x8]  }
0x35: {  	s21 =	rddreg [dreg:$0xa]  }
0x36: {  	s23 =	simm.s32 $0x15;
	s28 =	rddreg [dreg:$0xb]  }
0x37: {  	[hbm:s19], [sflag:s21] =	dma.local [spmem:s28], $0x9E0  }
0x38: {  	_ =	swait.ge [sflag:s23], $0x9E0  }
0x39: {  	s0 =	rddreg [dreg:$0xd]  }
0x3a: {  	s25 =	rddreg [dreg:$0x9];
	s0 =	sadd.s32 $0x1, s0  }
0x3b: {  	p0 =	sne.s32 s0, s25  }
.Ltmp1:
0x3c: {  	_ = 	snop;
	(pc) =	sbr.rel @!p0 .LBB2_6-.Ltmp1, $3  }
0x3d: {  	_ =	sdelay $0x1  }
0x3e: {  	[sflag:s23] =	ssyncset.done $0x0  }
0x3f: {  	[sflag:s23] =	ssyncadd.s32 $0xFFFFF620  }
.LBB2_1:
0x40: {  	[dreg:$0xd] =	wrdreg s0  }
0x41: {  	s11 =	simm.s32 $0x0;
	s24 =	rddreg [dreg:$0x5]  }
0x42: {  	[tilespmem:s11], [sflag:$0x15] =	stream.linear.gather [hbm4b:s24+s11], $0x5000, $0x38;
	[tilespmem:$0x1DE00] =	vst v63  }
0x43: {  	_ =	swait.ge [sflag:s23], $0x5000  }
0x44: {  	[sflag:s23] =	ssyncset.done $0x0  }
0x45: {  	s19 =	simm.s32 $0x5000;
	s0 =	rddreg [dreg:$0x6];
	[sflag:s23] =	ssyncadd.s32 $0xFFFFB000  }
0x46: {  	[tilespmem:s19], [sflag:$0x15] =	stream.linear.gather [hbm4b:s0+s11], $0x5000, $0x38;
	[tilespmem:$0x1DE00] =	vst v63  }
0x47: {  	_ =	swait.ge [sflag:s23], $0x5000  }
0x48: {  	[sflag:s23] =	ssyncset.done $0x0  }
0x49: {  	s25 =	smov.u32 s21;
	s19 =	rddreg [dreg:$0x7];
	[sflag:s23] =	ssyncadd.s32 $0xFFFFB000  }
0x4a: {  	[spmem:s28], [sflag:s25] =	dma.local [hbm:s19], $0x9E0  }
0x4b: {  	_ =	swait.ge [sflag:s23], $0x9E0  }
0x4c: {  	[sflag:s23] =	ssyncset.done $0x0  }
0x4d: {  	s24 =	rddreg [dreg:$0xc];
	[sflag:s23] =	ssyncadd.s32 $0xFFFFF620  }
0x4e: {  	[spmem:s24], [sflag:s25] =	dma.local [hbm:s19], $0x9E0  }
0x4f: {  	_ =	swait.ge [sflag:s23], $0x9E0  }
0x50: {  	[sflag:s23] =	ssyncset.done $0x0  }
0x51: {  	[sflag:s23] =	ssyncadd.s32 $0xFFFFF620  }
0x52: {  	s0 =	simm.s32 $0xA000;
	[bflag:$0x0] =	sbarrier.arrive $0xFFFF  }
0x53: {  	[tilespmem:s0], [sflag:$0x1] =	stream.indirect.gather [spmem:s3], $0x20, s11, s15, $0xb8;
	[tilespmem:$0x1DE00] =	vst v63  }
0x54: {  	s25 =	simm.s32 $0xB000  }
0x55: {  	[tilespmem:s25], [sflag:$0x2] =	stream.indirect.gather [spmem:s3], $0x20, s15, s15, $0xb8;
	[tilespmem:$0x1DE00] =	vst v63  }
0x56: {  	s21 =	simm.s32 $0x100  }
0x57: {  	[tilespmem:s30], [sflag:$0x3] =	stream.indirect.gather [spmem:s3], $0x20, s21, s15, $0xb8;
	[tilespmem:$0x1DE00] =	vst v63  }
0x58: {  	s23 =	simm.s32 $0x180;
	s0 =	simm.s32 $0xD000  }
0x59: {  	[tilespmem:s0], [sflag:$0x4] =	stream.indirect.gather [spmem:s3], $0x20, s23, s15, $0xb8;
	[tilespmem:$0x1DE00] =	vst v63  }
0x5a: {  	s24 =	simm.s32 $0x200;
	s11 =	simm.s32 $0xE000  }
0x5b: {  	[tilespmem:s11], [sflag:$0x5] =	stream.indirect.gather [spmem:s3], $0x20, s24, s15, $0xb8;
	[tilespmem:$0x1DE00] =	vst v63  }
0x5c: {  	s21 =	simm.s32 $0x280  }
0x5d: {  	[tilespmem:s18], [sflag:$0x6] =	stream.indirect.gather [spmem:s3], $0x20, s21, s15, $0xb8;
	[tilespmem:$0x1DE00] =	vst v63  }
0x5e: {  	s23 =	simm.s32 $0x300  }
0x5f: {  	[tilespmem:s20], [sflag:$0x7] =	stream.indirect.gather [spmem:s3], $0x20, s23, s15, $0xb8;
	[tilespmem:$0x1DE00] =	vst v63  }
0x60: {  	s24 =	simm.s32 $0x380  }
0x61: {  	[tilespmem:s22], [sflag:$0x8] =	stream.indirect.gather [spmem:s3], $0x20, s24, s15, $0xb8;
	[tilespmem:$0x1DE00] =	vst v63  }
0x62: {  	s28 =	simm.s32 $0x12000;
	s21 =	simm.s32 $0x400  }
0x63: {  	[tilespmem:s28], [sflag:$0x9] =	stream.indirect.gather [spmem:s3], $0x20, s21, s15, $0xb8;
	[tilespmem:$0x1DE00] =	vst v63  }
0x64: {  	s19 =	simm.s32 $0x0;
	s23 =	simm.s32 $0x480;
	s24 =	simm.s32 $0x13000  }
0x65: {  	[tilespmem:s24], [sflag:$0xA] =	stream.indirect.gather [spmem:s3], $0x20, s23, s15, $0xb8;
	[tilespmem:$0x1DE00] =	vst v63  }
.LBB2_2:
0x66: {  	s23 =	simm.s32 $0x1  }
0x67: {  	_ =	swait.ge [sflag:s23], $0x1000  }
0x68: {  	s21 =	sshra.s32 s19, $0x2;
	[sflag:s23] =	ssyncset.done $0x0  }
0x69: {  	[sflag:s23] =	ssyncadd.s32 $0xFFFFF000;
	s23 =	sadd.s32 $0x5000, s21  }
0x6a: {  	[spmem:s2] =	stream.indirect.scatter.add.f32 [tilespmem:s26], [sflag:$0xB], $0x20, s23, s15, $0xb8;
	[tilespmem:$0x1DE00] =	vst v63  }
0x6b: {  	s23 =	simm.s32 $0x2  }
0x6c: {  	_ =	swait.ge [sflag:s23], $0x1000  }
0x6d: {  	[sflag:s23] =	ssyncset.done $0x0  }
0x6e: {  	[sflag:s23] =	ssyncadd.s32 $0xFFFFF000;
	s23 =	sadd.s32 $0x5080, s21  }
0x6f: {  	[spmem:s2] =	stream.indirect.scatter.add.f32 [tilespmem:s25], [sflag:$0xC], $0x20, s23, s15, $0xb8;
	[tilespmem:$0x1DE00] =	vst v63  }
0x70: {  	s23 =	simm.s32 $0x3  }
0x71: {  	_ =	swait.ge [sflag:s23], $0x1000  }
0x72: {  	[sflag:s23] =	ssyncset.done $0x0  }
0x73: {  	[sflag:s23] =	ssyncadd.s32 $0xFFFFF000;
	s23 =	sadd.s32 $0x5100, s21  }
0x74: {  	[spmem:s2] =	stream.indirect.scatter.add.f32 [tilespmem:s30], [sflag:$0xD], $0x20, s23, s15, $0xb8;
	[tilespmem:$0x1DE00] =	vst v63  }
0x75: {  	s23 =	simm.s32 $0x4  }
0x76: {  	_ =	swait.ge [sflag:s23], $0x1000  }
0x77: {  	[sflag:s23] =	ssyncset.done $0x0  }
0x78: {  	[sflag:s23] =	ssyncadd.s32 $0xFFFFF000;
	s23 =	sadd.s32 $0x5180, s21  }
0x79: {  	[spmem:s2] =	stream.indirect.scatter.add.f32 [tilespmem:s0], [sflag:$0xE], $0x20, s23, s15, $0xb8;
	[tilespmem:$0x1DE00] =	vst v63  }
0x7a: {  	s23 =	simm.s32 $0x5  }
0x7b: {  	_ =	swait.ge [sflag:s23], $0x1000  }
0x7c: {  	[sflag:s23] =	ssyncset.done $0x0  }
0x7d: {  	[sflag:s23] =	ssyncadd.s32 $0xFFFFF000;
	s23 =	sadd.s32 $0x5200, s21  }
0x7e: {  	[spmem:s2] =	stream.indirect.scatter.add.f32 [tilespmem:s11], [sflag:$0xF], $0x20, s23, s15, $0xb8;
	[tilespmem:$0x1DE00] =	vst v63  }
0x7f: {  	_ =	swait.ge [sflag:s29], $0x1000  }
0x80: {  	[sflag:s29] =	ssyncset.done $0x0  }
0x81: {  	s23 =	sadd.s32 $0x5280, s21;
	[sflag:s29] =	ssyncadd.s32 $0xFFFFF000  }
0x82: {  	[spmem:s2] =	stream.indirect.scatter.add.f32 [tilespmem:s18], [sflag:$0x10], $0x20, s23, s15, $0xb8;
	[tilespmem:$0x1DE00] =	vst v63  }
0x83: {  	_ =	swait.ge [sflag:s31], $0x1000  }
0x84: {  	[sflag:s31] =	ssyncset.done $0x0  }
0x85: {  	s23 =	sadd.s32 $0x5300, s21;
	[sflag:s31] =	ssyncadd.s32 $0xFFFFF000  }
0x86: {  	[spmem:s2] =	stream.indirect.scatter.add.f32 [tilespmem:s20], [sflag:$0x11], $0x20, s23, s15, $0xb8;
	[tilespmem:$0x1DE00] =	vst v63  }
0x87: {  	_ =	swait.ge [sflag:s1], $0x1000  }
0x88: {  	[sflag:s1] =	ssyncset.done $0x0  }
0x89: {  	s23 =	sadd.s32 $0x5380, s21;
	[sflag:s1] =	ssyncadd.s32 $0xFFFFF000  }
0x8a: {  	[spmem:s2] =	stream.indirect.scatter.add.f32 [tilespmem:s22], [sflag:$0x12], $0x20, s23, s15, $0xb8;
	[tilespmem:$0x1DE00] =	vst v63  }
0x8b: {  	_ =	swait.ge [sflag:s5], $0x1000  }
0x8c: {  	[sflag:s5] =	ssyncset.done $0x0  }
0x8d: {  	s23 =	sadd.s32 $0x5400, s21;
	[sflag:s5] =	ssyncadd.s32 $0xFFFFF000  }
0x8e: {  	[spmem:s2] =	stream.indirect.scatter.add.f32 [tilespmem:s28], [sflag:$0x13], $0x20, s23, s15, $0xb8;
	[tilespmem:$0x1DE00] =	vst v63  }
0x8f: {  	_ =	swait.ge [sflag:s6], $0x1000  }
0x90: {  	p0 =	sne.s32 s19, $0x12C00;
	[sflag:s6] =	ssyncset.done $0x0  }
.Ltmp2:
0x91: {  	s23 =	sadd.s32 $0x5480, s21;
	[sflag:s6] =	ssyncadd.s32 $0xFFFFF000;
	(pc) =	sbr.rel @!p0 .LBB2_3-.Ltmp2, $4  }
0x92: {  	[spmem:s2] =	stream.indirect.scatter.add.f32 [tilespmem:s24], [sflag:$0x14], $0x20, s23, s15, $0xb8;
	[tilespmem:$0x1DE00] =	vst v63  }
0x93: {  	_ =	swait.ge [sflag:s8], $0x1000  }
0x94: {  	[sflag:s8] =	ssyncset.done $0x0  }
0x95: {  	[sflag:s8] =	ssyncadd.s32 $0xFFFFF000  }
0x96: {  	s23 =	sadd.s32 $0x500, s21  }
0x97: {  	[tilespmem:s26], [sflag:$0x1] =	stream.indirect.gather [spmem:s3], $0x20, s23, s15, $0xb8;
	[tilespmem:$0x1DE00] =	vst v63  }
0x98: {  	_ =	swait.ge [sflag:s9], $0x1000  }
0x99: {  	[sflag:s9] =	ssyncset.done $0x0  }
0x9a: {  	s23 =	sadd.s32 $0x580, s21;
	[sflag:s9] =	ssyncadd.s32 $0xFFFFF000  }
0x9b: {  	[tilespmem:s25], [sflag:$0x2] =	stream.indirect.gather [spmem:s3], $0x20, s23, s15, $0xb8;
	[tilespmem:$0x1DE00] =	vst v63  }
0x9c: {  	_ =	swait.ge [sflag:s14], $0x1000  }
0x9d: {  	[sflag:s14] =	ssyncset.done $0x0  }
0x9e: {  	s23 =	sadd.s32 $0x600, s21;
	[sflag:s14] =	ssyncadd.s32 $0xFFFFF000  }
0x9f: {  	[tilespmem:s30], [sflag:$0x3] =	stream.indirect.gather [spmem:s3], $0x20, s23, s15, $0xb8;
	[tilespmem:$0x1DE00] =	vst v63  }
0xa0: {  	_ =	swait.ge [sflag:s4], $0x1000  }
0xa1: {  	[sflag:s4] =	ssyncset.done $0x0  }
0xa2: {  	s23 =	sadd.s32 $0x680, s21;
	[sflag:s4] =	ssyncadd.s32 $0xFFFFF000  }
0xa3: {  	[tilespmem:s0], [sflag:$0x4] =	stream.indirect.gather [spmem:s3], $0x20, s23, s15, $0xb8;
	[tilespmem:$0x1DE00] =	vst v63  }
0xa4: {  	_ =	swait.ge [sflag:s7], $0x1000  }
0xa5: {  	[sflag:s7] =	ssyncset.done $0x0  }
0xa6: {  	s23 =	sadd.s32 $0x700, s21;
	[sflag:s7] =	ssyncadd.s32 $0xFFFFF000  }
0xa7: {  	[tilespmem:s11], [sflag:$0x5] =	stream.indirect.gather [spmem:s3], $0x20, s23, s15, $0xb8;
	[tilespmem:$0x1DE00] =	vst v63  }
0xa8: {  	_ =	swait.ge [sflag:s13], $0x1000  }
0xa9: {  	[sflag:s13] =	ssyncset.done $0x0  }
0xaa: {  	s23 =	sadd.s32 $0x780, s21;
	[sflag:s13] =	ssyncadd.s32 $0xFFFFF000  }
0xab: {  	[tilespmem:s18], [sflag:$0x6] =	stream.indirect.gather [spmem:s3], $0x20, s23, s15, $0xb8;
	[tilespmem:$0x1DE00] =	vst v63  }
0xac: {  	_ =	swait.ge [sflag:s12], $0x1000  }
0xad: {  	[sflag:s12] =	ssyncset.done $0x0  }
0xae: {  	s23 =	sadd.s32 $0x800, s21;
	[sflag:s12] =	ssyncadd.s32 $0xFFFFF000  }
0xaf: {  	[tilespmem:s20], [sflag:$0x7] =	stream.indirect.gather [spmem:s3], $0x20, s23, s15, $0xb8;
	[tilespmem:$0x1DE00] =	vst v63  }
0xb0: {  	_ =	swait.ge [sflag:s10], $0x1000  }
0xb1: {  	[sflag:s10] =	ssyncset.done $0x0  }
0xb2: {  	s23 =	sadd.s32 $0x880, s21;
	[sflag:s10] =	ssyncadd.s32 $0xFFFFF000  }
0xb3: {  	[tilespmem:s22], [sflag:$0x8] =	stream.indirect.gather [spmem:s3], $0x20, s23, s15, $0xb8;
	[tilespmem:$0x1DE00] =	vst v63  }
0xb4: {  	_ =	swait.ge [sflag:s16], $0x1000  }
0xb5: {  	s19 =	sadd.s32 $0x1400, s19;
	[sflag:s16] =	ssyncset.done $0x0  }
0xb6: {  	p0 =	sne.s32 s19, $0x14000;
	s23 =	sadd.s32 $0x900, s21;
	[sflag:s16] =	ssyncadd.s32 $0xFFFFF000  }
0xb7: {  	[tilespmem:s28], [sflag:$0x9] =	stream.indirect.gather [spmem:s3], $0x20, s23, s15, $0xb8;
	[tilespmem:$0x1DE00] =	vst v63  }
.Ltmp3:
0xb8: {  	_ = 	snop;
	(pc) =	sbr.rel @p0 .LBB2_2-.Ltmp3, $4  }
.Ltmp4:
0xb9: {  	_ =	swait.ge [sflag:s17], $0x1000;
	(pc) =	sbr.rel @!p0 .LBB2_5-.Ltmp4, $4  }
0xba: {  	[sflag:s17] =	ssyncset.done $0x0  }
0xbb: {  	s24 =	simm.s32 $0x13000;
	s23 =	sadd.s32 $0x980, s21;
	[sflag:s17] =	ssyncadd.s32 $0xFFFFF000  }
0xbc: {  	[tilespmem:s24], [sflag:$0xA] =	stream.indirect.gather [spmem:s3], $0x20, s23, s15, $0xb8;
	[tilespmem:$0x1DE00] =	vst v63  }
0xbd: {  	_ = 	snop  }
.LBB2_6:
0xbe: {  	_ =	sfence.sel $0x180000  }
0xbf: {  	[bflag:$0x0] =	sbarrier.arrive $0xFFFF  }
0xc0: {  	_ =	strace $0x9000004D  }
0xc1: {  	s0 =	stileid.u32;
	[bflag:$0x2] =	sbarrier.arrive $0xFFFF  }
0xc2: {  	p0 =	sne.s32 s0, $0x0;
	s0 =	rddreg [dreg:$0x4]  }
0xc3: {  	s0 =	sadd.s32 @!p0 $0x100000, s0  }
0xc4: {  	[sflag:s0] =	ssyncadd.tile.s32 @!p0 $0x1;
	_ =	shalt  }
.Lfunc_end2:
_tile_overlayer_lowered:
.L_overlay_start_2:
0xc5: {  	(tag) =	ssettag $0x2  }
0xc6: {  	s0 =	rddreg [dreg:$0x0];
	s2 =	stileid.u32  }
0xc7: {  	s1 =	rddreg [dreg:$0x1];
	p0 =	sne.s32 s2, $0x0  }
0xc8: {  	s3 =	rddreg [dreg:$0x2];
	[bflag:$0x3] =	sbarrier.arrive $0xFFFF;
	s2 =	simm.s32 @!p0 $0x1C15  }
0xc9: {  	[timem:s3], [sflag:s2] =	dma.local @!p0 [hbm:s0], s1  }
0xca: {  	s0 =	simm.s32 @!p0 $0x15  }
0xcb: {  	_ =	swait.ge @!p0 [sflag:s0], s1  }
0xcc: {  	s1 =	ssub.s32 @!p0 $0x0, s1;
	[sflag:s0] =	ssyncset.done @!p0 $0x0  }
0xcd: {  	[sflag:s0] =	ssyncadd.s32 @!p0 s1  }
0xce: {  	[bflag:$0x3] =	sbarrier.arrive $0xFFFF  }
0xcf: {  	_ =	shalt  }

// kernel: kernel.8.cloned.1.call-start
scs
__scs_entry_jumppad:
0x0: {  	(pc) =	sbr.rel $0x88, $3  }
0x1: {  	(tag) =	ssettag $0x0;
	lr =	simm.s32 $0x1  }
0x2: {  	[smem:$0x3F95] =	sst lr;
	_ =	strace $0xD0000000  }
0x3: {  	_ = 	snop  }
0x4: {  	_ = 	snop  }
0x5: {  	_ = 	snop  }
0x6: {  	_ = 	snop  }
0x7: {  	_ = 	snop  }
__scs_overlays_trampoline_lowered:
0x8: {  	[smem:$0x3FA4] =	sst s0  }
0x9: {  	[smem:$0x3FA5] =	sst s1  }
0xa: {  	[smem:$0x3FA6] =	sst s2  }
0xb: {  	[smem:$0x3FA7] =	sst s3  }
0xc: {  	[smem:$0x3FA8] =	sst s4  }
0xd: {  	[smem:$0x3FA9] =	sst s5  }
0xe: {  	[smem:$0x3FAA] =	sst s6  }
0xf: {  	[smem:$0x3FAB] =	sst s7  }
0x10: {  	[smem:$0x3FAC] =	sst s8  }
0x11: {  	[smem:$0x3FAD] =	sst s9;
	s0 =	simm.s32 @!p0 $0x0  }
0x12: {  	s1 =	sld [smem:$0x3F93];
	s0 =	simm.s32 @p0 $0x1  }
0x13: {  	[smem:$0x3FAE] =	sst s0;
	s0 =	simm.s32 @!p1 $0x0  }
0x14: {  	s2 =	sld [smem:$0x3F92];
	s0 =	simm.s32 @p1 $0x1  }
0x15: {  	[smem:$0x3FAF] =	sst s0;
	s0 =	simm.s32 @!p2 $0x0  }
0x16: {  	s3 =	sld [smem:$0x3FDB];
	s0 =	simm.s32 @p2 $0x1  }
0x17: {  	s4 =	simm.s32 $0x1BF5;
	[smem:$0x3FB1] =	sst s0  }
0x18: {  	s0 =	sld [smem:$0x3F94];
	_ =	swait.ge [sflag:s4], $0x0  }
0x19: {  	s7 =	sld [smem:$0x3F95]  }
0x1a: {  	s8 =	sadd.s32 $0xFFFFE003, lr  }
0x1b: {  	s9 =	sadd.s32 $0xFFFFFEF7, lr;
	s5 =	simm.s32 $0xFFFFFFFF;
	p2 =	slt.u32 s8, $0xFFFFF086  }
0x1c: {  	p1 =	slt.u32 s9, $0xF7A;
	s5 =	simm.s32 @!p2 $0x0  }
0x1d: {  	s5 =	simm.s32 @p1 $0x1;
	p0 =	seq.s32 s7, s2  }
0x1e: {  	s7 =	smul.u32 @!p0 $0xF7A, s2;
	p2 =	seq.s32 @!p0 s5, $0x0  }
0x1f: {  	s9 =	smul.u32 $0xF7A, s1;
	s8 =	simm.s32 @!p0 $0x1BF5;
	p2 =	por !p2, p0  }
0x20: {  	[sflag:s8] =	ssyncset.s32 @!p0 $0xFFFFF086;
	s6 =	sadd.s32 @!p0 s3, s7;
	s7 =	simm.s32 @!p0 $0x108  }
0x21: {  	s3 =	sadd.s32 s3, s9;
	s6 =	sadd.s32 @!p0 $0x88, s6;
	s7 =	simm.s32 @p2 $0x1082  }
0x22: {  	[simem:s7], [sflag:s8] =	dma.local @!p0 [hbm:s6], $0xF7A  }
0x23: {  	s9 =	sor.u32 $0xD0000000, s2;
	s6 =	simm.s32 $0x108;
	_ =	swait.ge @!p0 [sflag:s8], $0x0  }
0x24: {  	s3 =	sadd.s32 $0x88, s3;
	s6 =	simm.s32 @!p1 $0x1082;
	[sflag:s4] =	ssyncset.s32 $0xFFFFF086  }
0x25: {  	[simem:s6], [sflag:s4] =	dma.local [hbm:s3], $0xF7A  }
0x26: {  	[smem:$0x3F95] =	sst s1;
	(tag) =	ssettag s2;
	_ =	strace s9  }
0x27: {  	s1 =	sld [smem:$0x3FA5]  }
0x28: {  	s2 =	sld [smem:$0x3FA6]  }
0x29: {  	s4 =	sld [smem:$0x3FA8]  }
0x2a: {  	p0 =	seq.s32 s5, $0x0;
	s5 =	sld [smem:$0x3FA9]  }
0x2b: {  	s6 =	sld [smem:$0x3FAA]  }
0x2c: {  	s7 =	sld [smem:$0x3FAB]  }
0x2d: {  	s3 =	simm.s32 $0x108;
	s8 =	sld [smem:$0x3FAC]  }
0x2e: {  	s3 =	simm.s32 @!p0 $0x1082;
	s9 =	sld [smem:$0x3FAD]  }
0x2f: {  	lr =	sadd.s32 s0, s3;
	s0 =	sld [smem:$0x3FA4]  }
0x30: {  	s3 =	sld [smem:$0x3FA7]  }
0x31: {  	[smem:$0x3FB0] =	sst s10  }
0x32: {  	s10 =	sld [smem:$0x3FAE];
	_ =	sdelay $0x3  }
0x33: {  	p0 =	seq.s32 s10, $0x1;
	s10 =	sld [smem:$0x3FB0];
	_ =	sdelay $0x3  }
0x34: {  	[smem:$0x3FB0] =	sst s10  }
0x35: {  	s10 =	sld [smem:$0x3FAF];
	_ =	sdelay $0x3  }
0x36: {  	p1 =	seq.s32 s10, $0x1;
	s10 =	sld [smem:$0x3FB0];
	_ =	sdelay $0x3  }
0x37: {  	[smem:$0x3FB0] =	sst s10  }
0x38: {  	s10 =	sld [smem:$0x3FB1]  }
0x39: {  	_ = 	snop;
	(pc) =	sbr.ind lr, $3  }
0x3a: {  	_ = 	snop  }
0x3b: {  	_ = 	snop  }
0x3c: {  	p2 =	seq.s32 s10, $0x1;
	s10 =	sld [smem:$0x3FB0]  }
0x3d: {  	_ =	shalt  }
0x3e: {  	_ =	shalt  }
0x3f: {  	_ =	shalt  }
0x40: {  	_ =	shalt  }
0x41: {  	_ =	shalt  }
0x42: {  	_ =	shalt  }
0x43: {  	_ =	shalt  }
0x44: {  	_ =	shalt  }
0x45: {  	_ =	shalt  }
0x46: {  	_ =	shalt  }
0x47: {  	_ =	shalt  }
0x48: {  	_ =	shalt  }
0x49: {  	_ =	shalt  }
0x4a: {  	_ =	shalt  }
0x4b: {  	_ =	shalt  }
0x4c: {  	_ =	shalt  }
0x4d: {  	_ =	shalt  }
0x4e: {  	_ =	shalt  }
0x4f: {  	_ =	shalt  }
0x50: {  	_ =	shalt  }
0x51: {  	_ =	shalt  }
0x52: {  	_ =	shalt  }
0x53: {  	_ =	shalt  }
0x54: {  	_ =	shalt  }
0x55: {  	_ =	shalt  }
0x56: {  	_ =	shalt  }
0x57: {  	_ =	shalt  }
0x58: {  	_ =	shalt  }
0x59: {  	_ =	shalt  }
0x5a: {  	_ =	shalt  }
0x5b: {  	_ =	shalt  }
0x5c: {  	_ =	shalt  }
0x5d: {  	_ =	shalt  }
0x5e: {  	_ =	shalt  }
0x5f: {  	_ =	shalt  }
0x60: {  	_ =	shalt  }
0x61: {  	_ =	shalt  }
0x62: {  	_ =	shalt  }
0x63: {  	_ =	shalt  }
0x64: {  	_ =	shalt  }
0x65: {  	_ =	shalt  }
0x66: {  	_ =	shalt  }
0x67: {  	_ =	shalt  }
0x68: {  	_ =	shalt  }
0x69: {  	_ =	shalt  }
0x6a: {  	_ =	shalt  }
0x6b: {  	_ =	shalt  }
0x6c: {  	_ =	shalt  }
0x6d: {  	_ =	shalt  }
0x6e: {  	_ =	shalt  }
0x6f: {  	_ =	shalt  }
0x70: {  	_ =	shalt  }
0x71: {  	_ =	shalt  }
0x72: {  	_ =	shalt  }
0x73: {  	_ =	shalt  }
0x74: {  	_ =	shalt  }
0x75: {  	_ =	shalt  }
0x76: {  	_ =	shalt  }
0x77: {  	_ =	shalt  }
0x78: {  	_ =	shalt  }
0x79: {  	_ =	shalt  }
0x7a: {  	_ =	shalt  }
0x7b: {  	_ =	shalt  }
0x7c: {  	_ =	shalt  }
0x7d: {  	_ =	shalt  }
0x7e: {  	_ =	shalt  }
0x7f: {  	_ =	shalt  }
0x80: {  	_ =	shalt  }
0x81: {  	_ =	shalt  }
0x82: {  	_ =	shalt  }
0x83: {  	_ =	shalt  }
0x84: {  	_ =	shalt  }
0x85: {  	_ =	shalt  }
0x86: {  	_ =	shalt  }
0x87: {  	_ =	shalt  }
.Lfunc_end0:
.L_simem_size_0:
called_computation_lowered:
.L_overlay_start_0:
0x88: {  	s2 =	sld [smem:$0x3FD9]  }
0x89: {  	s3 =	sld [smem:$0x3FFE];
	_ =	sdelay $0x1  }
0x8a: {  	s1 =	srdreg.scid  }
0x8b: {  	s0 =	sand.u32 $0x1, s1  }
0x8c: {  	s14 =	sshll.u32 s0, $0xA;
	s2 =	sadd.s32 s3, s2  }
0x8d: {  	s2 =	sadd.s32 s2, s14  }
0x8e: {  	[smem:$0x3FBC] =	sst s2  }
0x8f: {  	_ = 	snop  }
0x90: {  	s2 =	sld [smem:$0x3FD0];
	_ =	sdelay $0x2  }
0x91: {  	s15 =	simm.s32 $0xA;
	s4 =	simm.s32 $0x10  }
0x92: {  	[smem:s4], [sflag:s15] =	dma.local [hbm:s2], $0x1  }
0x93: {  	_ =	swait.eq [sflag:s15], $0x1  }
0x94: {  	[sflag:s15] =	ssyncset.done $0x0  }
0x95: {  	s16 =	sld [smem:$0x10];
	[sflag:s15] =	ssyncadd.s32 $0xFFFFFFFF  }
0x96: {  	s17 =	sld [smem:$0x11];
	(tm) =	ssettm $0x1  }
0x97: {  	s18 =	sld [smem:$0x3FFB];
	_ =	sdelay $0x3  }
0x98: {  	_ =	strace s18  }
0x99: {  	s4 =	sld [smem:$0x3FFC];
	_ =	sdelay $0x3  }
0x9a: {  	_ =	strace s4  }
0x9b: {  	s4 =	sld [smem:$0x3FFD];
	_ =	sdelay $0x3  }
0x9c: {  	_ =	strace s4  }
0x9d: {  	_ =	strace $0x8FFFFFFF  }
0x9e: {  	s19 =	sld [smem:$0x3FDB];
	_ =	sdelay $0x1  }
0x9f: {  	s5 =	simm.s32 $_scs_section_size  }
0xa0: {  	s6 =	simm.s32 $_size__tile_overlayer_lowered;
	s7 =	simm.s32 $_tile_overlayer_lowered  }
0xa1: {  	s22 =	simm.s32 $0x1BFF;
	s21 =	sshll.u32 s7, $0x1;
	s4 =	sadd.s32 s5, s19  }
0xa2: {  	s8 =	simm.s32 $0x0;
	s20 =	sshll.u32 s6, $0x1;
	s6 =	sadd.s32 s21, s4  }
0xa3: {  	[timem:s8], [sflag:s22] =	dma.local [hbm:s6], s20  }
0xa4: {  	_ =	swait.ge [sflag:s22], s20  }
0xa5: {  	s5 =	ssub.s32 $0x0, s20;
	[sflag:s22] =	ssyncset.done $0x0  }
0xa6: {  	[sflag:s22] =	ssyncadd.s32 s5;
	_ =	sdelay $0x1  }
0xa7: {  	s23 =	simm.s32 $0x1B8B  }
0xa8: {  	_ =	swait.ge [sflag:s23], $0x1  }
0xa9: {  	[sflag:s23] =	ssyncset.done $0x0  }
0xaa: {  	s25 =	simm.s32 $0x1B8E;
	s24 =	sld [smem:$0x3FFE];
	[sflag:s23] =	ssyncadd.s32 $0xFFFFFFFF  }
0xab: {  	s26 =	simm.s32 $execute0_lowered;
	[smem:$0x3FD2] =	sst s25  }
0xac: {  	s6 =	sshll.u32 s26, $0x1;
	_ =	strace $0x80000046;
	[dreg:$0x1] =	wrdreg $0xFFFFFFFF  }
0xad: {  	s28 =	simm.s32 $_size_execute0_lowered;
	s4 =	sadd.s32 s4, s6;
	[dreg:$0x0] =	wrdreg $0x0  }
0xae: {  	s6 =	sshll.u32 s28, $0x1;
	[dreg:$0x2] =	wrdreg s4  }
0xaf: {  	[dreg:$0x3] =	wrdreg s6  }
0xb0: {  	[dreg:$0x4] =	wrdreg $0xC0  }
0xb1: {  	_ =	task [dreg:s8], $0x5FFFF  }
0xb2: {  	[dreg:$0x1] =	wrdreg $0xFFFFFFFF  }
0xb3: {  	[dreg:$0x0] =	wrdreg $0x60  }
0xb4: {  	[dreg:$0x2] =	wrdreg s24  }
0xb5: {  	[dreg:$0x3] =	wrdreg s17  }
0xb6: {  	[dreg:$0x4] =	wrdreg s16  }
0xb7: {  	[dreg:$0x5] =	wrdreg $0x30000  }
0xb8: {  	[dreg:$0x6] =	wrdreg $0x9  }
0xb9: {  	_ =	task.clear_ibuf [dreg:s8], $0x7FFFF;
	_ =	strace $0x90000046  }
0xba: {  	s29 =	simm.s32 $0x9;
	_ =	strace $0x80000048  }
0xbb: {  	_ =	swait.ge [sflag:s29], $0x1  }
0xbc: {  	[sflag:s29] =	ssyncadd.s32 $0xFFFFFFFF  }
0xbd: {  	_ =	strace $0x90000048  }
0xbe: {  	_ =	sfence  }
0xbf: {  	s30 =	sld [smem:$0x0];
	_ =	sdelay $0x2  }
0xc0: {  	s31 =	sshll.u32 s1, $0xD;
	s1 =	sshrl.u32 s1, $0x2  }
0xc1: {  	s3 =	sand.u32 $0x4000, s31;
	s1 =	sadd.s32 s1, s30  }
0xc2: {  	s0 =	sor.u32 s3, s0;
	s1 =	sshll.u32 s1, $0x11  }
0xc3: {  	s0 =	sor.u32 s1, s0  }
0xc4: {  	s0 =	sadd.s32 $0x8F2B, s0  }
0xc5: {  	[sflag:s0] =	ssyncadd.remote.s32 $0x1  }
0xc6: {  	_ =	sfence.sel $0xFFFF  }
0xc7: {  	[dreg:$0x0] =	wrdreg $0xFFFFFFFF;
	(pc) =	sbr.abs _section_cstart, $3  }
0xc8: {  	[dreg:$0x1] =	wrdreg $0xFFFFFFFF  }
0xc9: {  	_ =	task.clear_ibuf [dreg:s8], $0x2FFFF;
	_ =	strace $0x9FFFFFFF  }
0xca: {  	(tm) =	ssettm $0x7FFFFFFF  }
0xcb: {  	_ =	shalt  }
tec
execute0_lowered:
.L_overlay_start_1:
0x0: {  	(tag) =	ssettag $0x1  }
0x1: {  	s5 =	rddreg [dreg:$0x0]  }
0x2: {  	s1 =	rddreg [dreg:$0x1]  }
0x3: {  	s2 =	srdreg.scid;
	s7 =	rddreg [dreg:$0x2]  }
0x4: {  	s0 =	stileid.u32;
	s3 =	rddreg [dreg:$0x3];
	s4 =	simm.s32 $0x0  }
0x5: {  	s14 =	simm.s32 $0x1;
	s15 =	simm.s32 $0x2;
	s16 =	simm.s32 $0x3  }
0x6: {  	s17 =	simm.s32 $0x4;
	s18 =	simm.s32 $0x5;
	s19 =	simm.s32 $0x6  }
0x7: {  	s20 =	simm.s32 $0x7;
	s21 =	simm.s32 $0x8;
	s22 =	simm.s32 $0x9  }
0x8: {  	s23 =	simm.s32 $0xA;
	s24 =	simm.s32 $0x0;
	s6 =	sand.u32 $0x1, s2  }
0x9: {  	s28 =	sshll.u32 s0, $0x1;
	s2 =	rddreg [dreg:$0x4];
	s9 =	smul.u32 $0x2780, s0  }
0xa: {  	[smem:$0x7FF] =	sst s4;
	s10 =	smul.u32 $0x4F0, s0;
	s31 =	sshll.u32 s0, $0x6  }
0xb: {  	s8 =	sor.u32 s6, s28;
	s12 =	ssub.s32 $0x2, s6;
	s6 =	smul.u32 $0x4F00, s6  }
0xc: {  	_ =	strace $0x80000047;
	s8 =	smul.u32 $0x500, s8;
	s11 =	sshrl.u32 s9, $0x3  }
0xd: {  	s29 =	sshrl.u32 s12, $0x1;
	s13 =	sadd.s32 s9, s3;
	s9 =	simm.s32 $0xB  }
0xe: {  	s11 =	sadd.s32 s11, s5;
	s12 =	ssub.s32 s12, s29;
	s30 =	sadd.s32 s10, s6  }
0xf: {  	s10 =	sor.u32 $0x1C0B, s31;
	s8 =	sadd.s32 s8, s5;
	s6 =	sadd.s32 $0xC400, s11  }
0x10: {  	s7 =	sadd.s32 s7, s30;
	s11 =	sshrl.u32 s13, $0x3;
	s13 =	simm.s32 $0x80  }
0x11: {  	s5 =	sadd.s32 $0x2400, s8;
	s8 =	smax.u32 s12, $0x1;
	s12 =	simm.s32 $0x2800  }
.LBB2_1:
0x12: {  	[tilespmem:s4], [sflag:$0xB] =	stream.linear.gather [hbm4b:s5+s4], $0x2800, $0x38;
	[tilespmem:$0x5780] =	vst v63  }
0x13: {  	_ =	swait.ge [sflag:s9], $0x2800  }
0x14: {  	[sflag:s9] =	ssyncset.done $0x0  }
0x15: {  	[sflag:s9] =	ssyncadd.s32 $0xFFFFD800  }
0x16: {  	[spmem:s11], [sflag:s10] =	dma.local [hbm:s6], $0x4F0  }
0x17: {  	_ =	swait.ge [sflag:s9], $0x4F0  }
0x18: {  	[sflag:s9] =	ssyncset.done $0x0  }
0x19: {  	[sflag:s9] =	ssyncadd.s32 $0xFFFFFB10  }
0x1a: {  	[tilespmem:s12], [sflag:$0xB] =	stream.linear.gather [hbm4b:s1+s4], $0x800, $0x38;
	[tilespmem:$0x5780] =	vst v63  }
0x1b: {  	_ =	swait.ge [sflag:s9], $0x800  }
0x1c: {  	[sflag:s9] =	ssyncset.done $0x0  }
0x1d: {  	[sflag:s9] =	ssyncadd.s32 $0xFFFFF800  }
0x1e: {  	s25 =	simm.s32 $0x0;
	[bflag:$0x0] =	sbarrier.arrive $0xFFFF  }
0x1f: {  	[spmem:s3] =	stream.indirect.scatter.add.f32 [tilespmem:s12], [sflag:$0x1], $0x10, s25, s13, $0xb8;
	[tilespmem:$0x5780] =	vst v63  }
0x20: {  	s31 =	simm.s32 $0x80  }
0x21: {  	[spmem:s3] =	stream.indirect.scatter.add.f32 [tilespmem:s12], [sflag:$0x2], $0x10, s31, s13, $0xb8;
	[tilespmem:$0x5780] =	vst v63  }
0x22: {  	s26 =	simm.s32 $0x100  }
0x23: {  	[spmem:s3] =	stream.indirect.scatter.add.f32 [tilespmem:s12], [sflag:$0x3], $0x10, s26, s13, $0xb8;
	[tilespmem:$0x5780] =	vst v63  }
0x24: {  	s29 =	simm.s32 $0x180  }
0x25: {  	[spmem:s3] =	stream.indirect.scatter.add.f32 [tilespmem:s12], [sflag:$0x4], $0x10, s29, s13, $0xb8;
	[tilespmem:$0x5780] =	vst v63  }
0x26: {  	s30 =	simm.s32 $0x200  }
0x27: {  	[spmem:s3] =	stream.indirect.scatter.add.f32 [tilespmem:s12], [sflag:$0x5], $0x10, s30, s13, $0xb8;
	[tilespmem:$0x5780] =	vst v63  }
0x28: {  	s31 =	simm.s32 $0x280  }
0x29: {  	[spmem:s3] =	stream.indirect.scatter.add.f32 [tilespmem:s12], [sflag:$0x6], $0x10, s31, s13, $0xb8;
	[tilespmem:$0x5780] =	vst v63  }
0x2a: {  	s26 =	simm.s32 $0x300  }
0x2b: {  	[spmem:s3] =	stream.indirect.scatter.add.f32 [tilespmem:s12], [sflag:$0x7], $0x10, s26, s13, $0xb8;
	[tilespmem:$0x5780] =	vst v63  }
0x2c: {  	s29 =	simm.s32 $0x380  }
0x2d: {  	[spmem:s3] =	stream.indirect.scatter.add.f32 [tilespmem:s12], [sflag:$0x8], $0x10, s29, s13, $0xb8;
	[tilespmem:$0x5780] =	vst v63  }
0x2e: {  	s30 =	simm.s32 $0x400  }
0x2f: {  	[spmem:s3] =	stream.indirect.scatter.add.f32 [tilespmem:s12], [sflag:$0x9], $0x10, s30, s13, $0xb8;
	[tilespmem:$0x5780] =	vst v63  }
0x30: {  	s31 =	simm.s32 $0x480  }
0x31: {  	[spmem:s3] =	stream.indirect.scatter.add.f32 [tilespmem:s12], [sflag:$0xA], $0x10, s31, s13, $0xb8;
	[tilespmem:$0x5780] =	vst v63  }
0x32: {  	_ =	swait.ge [sflag:s14], $0x800  }
0x33: {  	[sflag:s14] =	ssyncset.done $0x0  }
0x34: {  	[sflag:s14] =	ssyncadd.s32 $0xFFFFF800  }
0x35: {  	_ =	swait.ge [sflag:s15], $0x800  }
0x36: {  	[sflag:s15] =	ssyncset.done $0x0  }
0x37: {  	[sflag:s15] =	ssyncadd.s32 $0xFFFFF800  }
0x38: {  	_ =	swait.ge [sflag:s16], $0x800  }
0x39: {  	[sflag:s16] =	ssyncset.done $0x0  }
0x3a: {  	[sflag:s16] =	ssyncadd.s32 $0xFFFFF800  }
0x3b: {  	_ =	swait.ge [sflag:s17], $0x800  }
0x3c: {  	[sflag:s17] =	ssyncset.done $0x0  }
0x3d: {  	[sflag:s17] =	ssyncadd.s32 $0xFFFFF800  }
0x3e: {  	_ =	swait.ge [sflag:s18], $0x800  }
0x3f: {  	[sflag:s18] =	ssyncset.done $0x0  }
0x40: {  	[sflag:s18] =	ssyncadd.s32 $0xFFFFF800  }
0x41: {  	_ =	swait.ge [sflag:s19], $0x800  }
0x42: {  	[sflag:s19] =	ssyncset.done $0x0  }
0x43: {  	[sflag:s19] =	ssyncadd.s32 $0xFFFFF800  }
0x44: {  	_ =	swait.ge [sflag:s20], $0x800  }
0x45: {  	[sflag:s20] =	ssyncset.done $0x0  }
0x46: {  	[sflag:s20] =	ssyncadd.s32 $0xFFFFF800  }
0x47: {  	_ =	swait.ge [sflag:s21], $0x800  }
0x48: {  	[sflag:s21] =	ssyncset.done $0x0  }
0x49: {  	[sflag:s21] =	ssyncadd.s32 $0xFFFFF800  }
0x4a: {  	_ =	swait.ge [sflag:s22], $0x800  }
0x4b: {  	[sflag:s22] =	ssyncset.done $0x0  }
0x4c: {  	[sflag:s22] =	ssyncadd.s32 $0xFFFFF800  }
0x4d: {  	_ =	swait.ge [sflag:s23], $0x800  }
0x4e: {  	s28 =	simm.s32 $0x2800;
	s25 =	simm.s32 $0x1400;
	[sflag:s23] =	ssyncset.done $0x0  }
.LBB2_2:
0x4f: {  	s29 =	sshra.s32 s25, $0x2  }
0x50: {  	[sflag:s23] =	ssyncadd.s32 $0xFFFFF800;
	s25 =	smov.u32 s28;
	s26 =	sadd.s32 $0x1400, s28  }
0x51: {  	[spmem:s3] =	stream.indirect.scatter.add.f32 [tilespmem:s12], [sflag:$0x1], $0x10, s29, s13, $0xb8;
	[tilespmem:$0x5780] =	vst v63  }
0x52: {  	p0 =	sne.s32 s28, $0x8C00;
	s28 =	sadd.s32 $0x80, s29  }
0x53: {  	[spmem:s3] =	stream.indirect.scatter.add.f32 [tilespmem:s12], [sflag:$0x2], $0x10, s28, s13, $0xb8;
	[tilespmem:$0x5780] =	vst v63  }
0x54: {  	s28 =	sadd.s32 $0x100, s29  }
0x55: {  	[spmem:s3] =	stream.indirect.scatter.add.f32 [tilespmem:s12], [sflag:$0x3], $0x10, s28, s13, $0xb8;
	[tilespmem:$0x5780] =	vst v63  }
0x56: {  	s28 =	sadd.s32 $0x180, s29  }
0x57: {  	[spmem:s3] =	stream.indirect.scatter.add.f32 [tilespmem:s12], [sflag:$0x4], $0x10, s28, s13, $0xb8;
	[tilespmem:$0x5780] =	vst v63  }
0x58: {  	s28 =	sadd.s32 $0x200, s29  }
0x59: {  	[spmem:s3] =	stream.indirect.scatter.add.f32 [tilespmem:s12], [sflag:$0x5], $0x10, s28, s13, $0xb8;
	[tilespmem:$0x5780] =	vst v63  }
0x5a: {  	s28 =	sadd.s32 $0x280, s29  }
0x5b: {  	[spmem:s3] =	stream.indirect.scatter.add.f32 [tilespmem:s12], [sflag:$0x6], $0x10, s28, s13, $0xb8;
	[tilespmem:$0x5780] =	vst v63  }
0x5c: {  	s28 =	sadd.s32 $0x300, s29  }
0x5d: {  	[spmem:s3] =	stream.indirect.scatter.add.f32 [tilespmem:s12], [sflag:$0x7], $0x10, s28, s13, $0xb8;
	[tilespmem:$0x5780] =	vst v63  }
0x5e: {  	s28 =	sadd.s32 $0x380, s29  }
0x5f: {  	[spmem:s3] =	stream.indirect.scatter.add.f32 [tilespmem:s12], [sflag:$0x8], $0x10, s28, s13, $0xb8;
	[tilespmem:$0x5780] =	vst v63  }
0x60: {  	s28 =	sadd.s32 $0x400, s29  }
0x61: {  	[spmem:s3] =	stream.indirect.scatter.add.f32 [tilespmem:s12], [sflag:$0x9], $0x10, s28, s13, $0xb8;
	[tilespmem:$0x5780] =	vst v63  }
0x62: {  	s28 =	sadd.s32 $0x480, s29  }
0x63: {  	[spmem:s3] =	stream.indirect.scatter.add.f32 [tilespmem:s12], [sflag:$0xA], $0x10, s28, s13, $0xb8;
	[tilespmem:$0x5780] =	vst v63  }
0x64: {  	_ =	swait.ge [sflag:s14], $0x800  }
0x65: {  	[sflag:s14] =	ssyncset.done $0x0  }
0x66: {  	[sflag:s14] =	ssyncadd.s32 $0xFFFFF800  }
0x67: {  	_ =	swait.ge [sflag:s15], $0x800  }
0x68: {  	[sflag:s15] =	ssyncset.done $0x0  }
0x69: {  	[sflag:s15] =	ssyncadd.s32 $0xFFFFF800  }
0x6a: {  	_ =	swait.ge [sflag:s16], $0x800  }
0x6b: {  	[sflag:s16] =	ssyncset.done $0x0  }
0x6c: {  	[sflag:s16] =	ssyncadd.s32 $0xFFFFF800  }
0x6d: {  	_ =	swait.ge [sflag:s17], $0x800  }
0x6e: {  	[sflag:s17] =	ssyncset.done $0x0  }
0x6f: {  	[sflag:s17] =	ssyncadd.s32 $0xFFFFF800  }
0x70: {  	_ =	swait.ge [sflag:s18], $0x800  }
0x71: {  	[sflag:s18] =	ssyncset.done $0x0  }
0x72: {  	[sflag:s18] =	ssyncadd.s32 $0xFFFFF800  }
0x73: {  	_ =	swait.ge [sflag:s19], $0x800  }
0x74: {  	[sflag:s19] =	ssyncset.done $0x0  }
0x75: {  	[sflag:s19] =	ssyncadd.s32 $0xFFFFF800  }
0x76: {  	_ =	swait.ge [sflag:s20], $0x800  }
0x77: {  	[sflag:s20] =	ssyncset.done $0x0  }
0x78: {  	[sflag:s20] =	ssyncadd.s32 $0xFFFFF800  }
0x79: {  	_ =	swait.ge [sflag:s21], $0x800  }
0x7a: {  	[sflag:s21] =	ssyncset.done $0x0  }
0x7b: {  	[sflag:s21] =	ssyncadd.s32 $0xFFFFF800  }
.Ltmp0:
0x7c: {  	_ =	swait.ge [sflag:s22], $0x800;
	(pc) =	sbr.rel @p0 .LBB2_2-.Ltmp0, $4  }
0x7d: {  	[sflag:s22] =	ssyncset.done $0x0  }
0x7e: {  	[sflag:s22] =	ssyncadd.s32 $0xFFFFF800  }
0x7f: {  	_ =	swait.ge [sflag:s23], $0x800  }
0x80: {  	s28 =	smov.u32 s26;
	[sflag:s23] =	ssyncset.done $0x0  }
0x81: {  	s25 =	sshra.s32 s25, $0x2;
	[sflag:s23] =	ssyncadd.s32 $0xFFFFF800  }
0x82: {  	[spmem:s3] =	stream.indirect.scatter.add.f32 [tilespmem:s12], [sflag:$0x1], $0x10, s25, s13, $0xb8;
	[tilespmem:$0x5780] =	vst v63  }
0x83: {  	s26 =	sadd.s32 $0x80, s25  }
0x84: {  	[spmem:s3] =	stream.indirect.scatter.add.f32 [tilespmem:s12], [sflag:$0x2], $0x10, s26, s13, $0xb8;
	[tilespmem:$0x5780] =	vst v63  }
0x85: {  	s29 =	sadd.s32 $0x100, s25  }
0x86: {  	[spmem:s3] =	stream.indirect.scatter.add.f32 [tilespmem:s12], [sflag:$0x3], $0x10, s29, s13, $0xb8;
	[tilespmem:$0x5780] =	vst v63  }
0x87: {  	s30 =	sadd.s32 $0x180, s25  }
0x88: {  	[spmem:s3] =	stream.indirect.scatter.add.f32 [tilespmem:s12], [sflag:$0x4], $0x10, s30, s13, $0xb8;
	[tilespmem:$0x5780] =	vst v63  }
0x89: {  	s31 =	sadd.s32 $0x200, s25  }
0x8a: {  	[spmem:s3] =	stream.indirect.scatter.add.f32 [tilespmem:s12], [sflag:$0x5], $0x10, s31, s13, $0xb8;
	[tilespmem:$0x5780] =	vst v63  }
0x8b: {  	s28 =	sadd.s32 $0x280, s25  }
0x8c: {  	[spmem:s3] =	stream.indirect.scatter.add.f32 [tilespmem:s12], [sflag:$0x6], $0x10, s28, s13, $0xb8;
	[tilespmem:$0x5780] =	vst v63  }
0x8d: {  	s29 =	sadd.s32 $0x300, s25  }
0x8e: {  	[spmem:s3] =	stream.indirect.scatter.add.f32 [tilespmem:s12], [sflag:$0x7], $0x10, s29, s13, $0xb8;
	[tilespmem:$0x5780] =	vst v63  }
0x8f: {  	s30 =	sadd.s32 $0x380, s25  }
0x90: {  	[spmem:s3] =	stream.indirect.scatter.add.f32 [tilespmem:s12], [sflag:$0x8], $0x10, s30, s13, $0xb8;
	[tilespmem:$0x5780] =	vst v63  }
0x91: {  	s31 =	sadd.s32 $0x400, s25  }
0x92: {  	[spmem:s3] =	stream.indirect.scatter.add.f32 [tilespmem:s12], [sflag:$0x9], $0x10, s31, s13, $0xb8;
	[tilespmem:$0x5780] =	vst v63  }
0x93: {  	s25 =	sadd.s32 $0x480, s25  }
0x94: {  	[spmem:s3] =	stream.indirect.scatter.add.f32 [tilespmem:s12], [sflag:$0xA], $0x10, s25, s13, $0xb8;
	[tilespmem:$0x5780] =	vst v63  }
0x95: {  	_ =	swait.ge [sflag:s14], $0x800  }
0x96: {  	[sflag:s14] =	ssyncset.done $0x0  }
0x97: {  	[sflag:s14] =	ssyncadd.s32 $0xFFFFF800  }
0x98: {  	_ =	swait.ge [sflag:s15], $0x800  }
0x99: {  	[sflag:s15] =	ssyncset.done $0x0  }
0x9a: {  	[sflag:s15] =	ssyncadd.s32 $0xFFFFF800  }
0x9b: {  	_ =	swait.ge [sflag:s16], $0x800  }
0x9c: {  	[sflag:s16] =	ssyncset.done $0x0  }
0x9d: {  	[sflag:s16] =	ssyncadd.s32 $0xFFFFF800  }
0x9e: {  	_ =	swait.ge [sflag:s17], $0x800  }
0x9f: {  	[sflag:s17] =	ssyncset.done $0x0  }
0xa0: {  	[sflag:s17] =	ssyncadd.s32 $0xFFFFF800  }
0xa1: {  	_ =	swait.ge [sflag:s18], $0x800  }
0xa2: {  	[sflag:s18] =	ssyncset.done $0x0  }
0xa3: {  	[sflag:s18] =	ssyncadd.s32 $0xFFFFF800  }
0xa4: {  	_ =	swait.ge [sflag:s19], $0x800  }
0xa5: {  	[sflag:s19] =	ssyncset.done $0x0  }
0xa6: {  	[sflag:s19] =	ssyncadd.s32 $0xFFFFF800  }
0xa7: {  	_ =	swait.ge [sflag:s20], $0x800  }
0xa8: {  	[sflag:s20] =	ssyncset.done $0x0  }
0xa9: {  	[sflag:s20] =	ssyncadd.s32 $0xFFFFF800  }
0xaa: {  	_ =	swait.ge [sflag:s21], $0x800  }
0xab: {  	[sflag:s21] =	ssyncset.done $0x0  }
0xac: {  	[sflag:s21] =	ssyncadd.s32 $0xFFFFF800  }
0xad: {  	_ =	swait.ge [sflag:s22], $0x800  }
0xae: {  	[sflag:s22] =	ssyncset.done $0x0  }
0xaf: {  	[sflag:s22] =	ssyncadd.s32 $0xFFFFF800  }
0xb0: {  	_ =	swait.ge [sflag:s23], $0x800  }
0xb1: {  	s24 =	sadd.s32 $0x1, s24;
	[sflag:s23] =	ssyncset.done $0x0  }
0xb2: {  	p0 =	sne.s32 s24, s8;
	[sflag:s23] =	ssyncadd.s32 $0xFFFFF800  }
.Ltmp1:
0xb3: {  	[bflag:$0x0] =	sbarrier.arrive $0xFFFF;
	(pc) =	sbr.rel @p0 .LBB2_1-.Ltmp1, $4  }
0xb4: {  	[hbm:s7], [sflag:s10] =	dma.local [spmem:s11], $0x4F0  }
0xb5: {  	_ =	swait.ge [sflag:s9], $0x4F0  }
0xb6: {  	[sflag:s9] =	ssyncset.done $0x0  }
0xb7: {  	[sflag:s9] =	ssyncadd.s32 $0xFFFFFB10  }
0xb8: {  	_ =	sfence.sel $0x180000  }
0xb9: {  	[bflag:$0x0] =	sbarrier.arrive $0xFFFF  }
0xba: {  	p0 =	sne.s32 s0, $0x0;
	_ =	strace $0x90000047  }
0xbb: {  	s0 =	sadd.s32 @!p0 $0x100000, s2;
	[bflag:$0x2] =	sbarrier.arrive $0xFFFF  }
0xbc: {  	[sflag:s0] =	ssyncadd.tile.s32 @!p0 $0x1;
	_ =	shalt  }
.Lfunc_end2:
_tile_overlayer_lowered:
.L_overlay_start_2:
0xbd: {  	(tag) =	ssettag $0x2  }
0xbe: {  	s0 =	rddreg [dreg:$0x0];
	s2 =	stileid.u32  }
0xbf: {  	s1 =	rddreg [dreg:$0x1];
	p0 =	sne.s32 s2, $0x0  }
0xc0: {  	s3 =	rddreg [dreg:$0x2];
	[bflag:$0x3] =	sbarrier.arrive $0xFFFF;
	s2 =	simm.s32 @!p0 $0x1C0B  }
0xc1: {  	[timem:s3], [sflag:s2] =	dma.local @!p0 [hbm:s0], s1  }
0xc2: {  	s0 =	simm.s32 @!p0 $0xB  }
0xc3: {  	_ =	swait.ge @!p0 [sflag:s0], s1  }
0xc4: {  	s1 =	ssub.s32 @!p0 $0x0, s1;
	[sflag:s0] =	ssyncset.done @!p0 $0x0  }
0xc5: {  	[sflag:s0] =	ssyncadd.s32 @!p0 s1  }
0xc6: {  	[bflag:$0x3] =	sbarrier.arrive $0xFFFF  }
0xc7: {  	_ =	shalt  }

</sc_bundles>
